<compile_context>
chip_gen: v7x
topology: tpu7x:2x2x1
jax: 0.10.2.dev20260603
libtpu: 0.0.44.dev20260713+nightly
codegen_flags: <defaults>
</compile_context>

<pallas_src>
import functools

import jax
import jax.numpy as jnp
from jax import lax
from jax.experimental import pallas as pl
from jax.experimental.pallas import tpu as pltpu
from jax.experimental.pallas import tpu_sc as plsc

N = 100000
D = 128
L = 16
S = 1024

SCAT = 128
NFULL = N // SCAT
NTILES = 32
GROUPS_PER_TILE = 25
NGROUPS = NTILES * GROUPS_PER_TILE
NBUF = 6
AHEAD = 4
TRASH = S
SROWS = 1152
ZROWS = SROWS // 16
SEGS_PER_TILE = S // NTILES


def _segsum_body(x_hbm, ids_hbm, idsp_hbm, sums_out, cnt_out,
                 xbuf, idx0, idx1, idx2, idx3, idx4, idx5,
                 pidxbuf, probebuf, psem,
                 rsem0, rsem1, rsem2, rsem3, rsem4, rsem5,
                 ssem0, ssem1, ssem2, ssem3, ssem4, ssem5,
                 cntbuf, spm_sum):
    idxbufs = (idx0, idx1, idx2, idx3, idx4, idx5)
    rsems = (rsem0, rsem1, rsem2, rsem3, rsem4, rsem5)
    ssems = (ssem0, ssem1, ssem2, ssem3, ssem4, ssem5)
    c = lax.axis_index("c")
    s = lax.axis_index("s")
    wid = c * 16 + s

    zv = jnp.zeros((16,), jnp.float32)

    def zrow(r, carry):
        for j in range(D // 16):
            xbuf[0, r, pl.ds(j * 16, 16)] = zv
        return carry

    lax.fori_loop(0, ZROWS, zrow, 0)
    pltpu.sync_copy(xbuf.at[0, pl.ds(0, ZROWS)],
                    spm_sum.at[pl.ds(s * ZROWS, ZROWS)])
    plsc.subcore_barrier()

    base = wid * SEGS_PER_TILE
    t0 = base + lax.broadcasted_iota(jnp.int32, (16,), 0)
    t1 = t0 + 16
    targets = (t0, t0 + 1, t1, t1 + 1)
    lo = [jnp.zeros((16,), jnp.int32) for _ in range(4)]
    hi = [jnp.full((16,), N, jnp.int32) for _ in range(4)]

    def probe_start(lo, hi):
        mids = [(l + h) >> 1 for l, h in zip(lo, hi)]
        for k in range(4):
            pidxbuf[pl.ds(16 * k, 16)] = jnp.minimum(mids[k], N - 1)
        return mids, pltpu.async_copy(ids_hbm.at[pidxbuf], probebuf, psem)

    def probe_finish(lo, hi, mids, desc):
        desc.wait()
        nlo, nhi = [], []
        for k in range(4):
            val = probebuf[pl.ds(16 * k, 16)]
            pred = val < targets[k]
            nlo.append(jnp.where(pred, mids[k] + 1, lo[k]))
            nhi.append(jnp.where(pred, hi[k], mids[k]))
        return nlo, nhi

    rdescs = {}
    sdescs = {}

    def issue_group(i):
        slot = i % NBUF
        g = wid * GROUPS_PER_TILE + i
        off = pl.multiple_of(jnp.minimum(g * SCAT, N - SCAT), 8)
        dx = pltpu.async_copy(x_hbm.at[pl.ds(off, SCAT)], xbuf.at[slot],
                              rsems[slot])
        di = pltpu.async_copy(idsp_hbm.at[pl.ds(g * SCAT, SCAT)],
                              idxbufs[slot], rsems[slot])
        rdescs[i] = (dx, di)

    for i in range(min(AHEAD, GROUPS_PER_TILE)):
        issue_group(i)

    for i in range(GROUPS_PER_TILE):
        slot = i % NBUF
        if 1 <= i <= 17:
            lo, hi = probe_finish(lo, hi, mids, pdesc)
        if i < 17:
            mids, pdesc = probe_start(lo, hi)
        if i + AHEAD - NBUF >= 0:
            sdescs[i + AHEAD - NBUF].wait()
        if i + AHEAD < GROUPS_PER_TILE:
            issue_group(i + AHEAD)
        dx, di = rdescs[i]
        dx.wait()
        di.wait()
        sdescs[i] = pltpu.async_copy(xbuf.at[slot],
                                     spm_sum.at[idxbufs[slot]],
                                     ssems[slot], add=True)
    for i in range(max(0, GROUPS_PER_TILE - (NBUF - AHEAD)),
                   GROUPS_PER_TILE):
        sdescs[i].wait()

    lo = [jnp.minimum(l, N) for l in lo]
    cntbuf[pl.ds(0, 16)] = (lo[1] - lo[0]).astype(jnp.float32)
    cntbuf[pl.ds(16, 16)] = (lo[3] - lo[2]).astype(jnp.float32)
    pltpu.sync_copy(cntbuf, cnt_out.at[pl.ds(base, SEGS_PER_TILE)])

    plsc.subcore_barrier()

    pltpu.sync_copy(spm_sum.at[pl.ds(s * 64, 64)],
                    sums_out.at[c, pl.ds(s * 64, 64)])


_segsum = functools.partial(
    pl.kernel,
    out_type=(
        jax.ShapeDtypeStruct((2, S, D), jnp.float32),
        jax.ShapeDtypeStruct((S,), jnp.float32),
    ),
    mesh=plsc.VectorSubcoreMesh(core_axis_name="c", subcore_axis_name="s"),
    scratch_types=[
        pltpu.VMEM((NBUF, SCAT, D), jnp.float32),
    ] + [pltpu.VMEM((SCAT,), jnp.int32)] * NBUF
    + [
        pltpu.VMEM((64,), jnp.int32),
        pltpu.VMEM((64,), jnp.int32),
        pltpu.SemaphoreType.DMA,
    ] + [pltpu.SemaphoreType.DMA] * NBUF
    + [pltpu.SemaphoreType.DMA] * NBUF
    + [
        pltpu.VMEM((SEGS_PER_TILE,), jnp.float32),
        pltpu.VMEM_SHARED((SROWS, D), jnp.float32),
    ],
)(_segsum_body)


def _finalize_body(sums_ref, cnt_ref, w_ref, b_ref, out_ref):
    seg = sums_ref[0] + sums_ref[1]
    cnt = cnt_ref[...]
    m = lax.dot_general(seg, w_ref[...], (((1,), (1,)), ((), ())),
                        preferred_element_type=jnp.float32)
    mean = m / jnp.maximum(cnt, 1.0) + b_ref[...]
    mean = jnp.where(cnt > 0.0, mean, 0.0)
    z = mean - jnp.max(mean, axis=1, keepdims=True)
    out_ref[...] = z - jnp.log(jnp.sum(jnp.exp(z), axis=1, keepdims=True))


def _finalize(sums, cnt, w, b2d):
    return pl.pallas_call(
        _finalize_body,
        out_shape=jax.ShapeDtypeStruct((S, L), jnp.float32),
    )(sums, cnt, w, b2d)


def kernel(node_embedding_matrix, W, b, batch_train_x_index):
    ids32 = batch_train_x_index.astype(jnp.int32)
    nfloor = NFULL * SCAT
    idsp = jnp.concatenate([
        ids32[:nfloor],
        jnp.full((SCAT - (N - nfloor),), TRASH, jnp.int32),
        ids32[nfloor:],
        jnp.full((NGROUPS * SCAT - N - (SCAT - (N - nfloor)),), TRASH,
                 jnp.int32),
    ])
    sums, cnt = _segsum(node_embedding_matrix, ids32, idsp)
    return _finalize(sums, cnt.reshape(S, 1), W, b.reshape(1, L))

# --- scband reference (transcript-rebuilt; emitter-appended) ---
"""Pipeline reference for scband-downstream-task-82995948028600 (READ-ONLY COPY).

The authoritative reference and input builder live on the scoring server;
editing this copy changes nothing except your own understanding.
"""

import jax, jax.numpy as jnp
import numpy as np

NUM_SEGMENTS = 1024


def setup_inputs(seed: int = 0) -> dict:
    key = jax.random.key(seed)
    k1, k2, k3, k4 = jax.random.split(key, 4)
    N = 100000
    D = 128
    L = 16
    node_embedding_matrix = jax.random.normal(k1, (N, D), dtype=jnp.float32)
    batch_train_x_index = jnp.sort(jax.random.randint(k2, (N,), 0, NUM_SEGMENTS, dtype=jnp.int64))
    # Linear layer params (torch.nn.Linear(D, L)): W [L, D], b [L]
    W = jax.random.normal(k3, (L, D), dtype=jnp.float32) * (1.0 / np.sqrt(D))
    b = jax.random.normal(k4, (L,), dtype=jnp.float32) * 0.01
    return {"node_embedding_matrix": node_embedding_matrix,
            "W": W,
            "b": b,
            "batch_train_x_index": batch_train_x_index}


def reference(node_embedding_matrix, W, b, batch_train_x_index):
    # mlp: logits = x @ W.T + b
    logits = node_embedding_matrix @ W.T + b
    # node_embedding_mean_to_graph_embedding: segment mean of node logits per graph id
    seg_sum = jax.ops.segment_sum(logits, batch_train_x_index, num_segments=NUM_SEGMENTS)
    seg_cnt = jax.ops.segment_sum(jnp.ones((logits.shape[0],), dtype=jnp.float32),
                                  batch_train_x_index, num_segments=NUM_SEGMENTS)
    batch_graph_embedding = seg_sum / jnp.clip(seg_cnt, 1.0, None)[:, None]
    # mode == 'train' -> log_softmax over labels
    predict_y = jax.nn.log_softmax(batch_graph_embedding, axis=1)
    return predict_y

if __name__ == "__main__":
    import jax
    _d = setup_inputs()
    print(jax.jit(kernel)(*tuple(_d.values())))

</pallas_src>

<mosaic_0001>
#map = affine_map<(d0, d1) -> (0, 0)>
#map1 = affine_map<(d0, d1) -> (0)>
#map2 = affine_map<(d0, d1) -> (0, 0, 0)>
module attributes {stable_mosaic.version = 14 : i64} {
  func.func @_segsum_body(%arg0: i32, %arg1: i32, %arg2: memref<100000x128xf32, #tpu.memory_space<hbm>>, %arg3: memref<100000xi32, #tpu.memory_space<hbm>>, %arg4: memref<102400xi32, #tpu.memory_space<hbm>>, %arg5: memref<2x1024x128xf32, #tpu.memory_space<hbm>>, %arg6: memref<1024xf32, #tpu.memory_space<hbm>>, %arg7: memref<6x128x128xf32, #tpu.memory_space<vmem>>, %arg8: memref<128xi32, #tpu.memory_space<vmem>>, %arg9: memref<128xi32, #tpu.memory_space<vmem>>, %arg10: memref<128xi32, #tpu.memory_space<vmem>>, %arg11: memref<128xi32, #tpu.memory_space<vmem>>, %arg12: memref<128xi32, #tpu.memory_space<vmem>>, %arg13: memref<128xi32, #tpu.memory_space<vmem>>, %arg14: memref<64xi32, #tpu.memory_space<vmem>>, %arg15: memref<64xi32, #tpu.memory_space<vmem>>, %arg16: memref<!tpu.dma_semaphore, #tpu.memory_space<semaphore_mem>>, %arg17: memref<!tpu.dma_semaphore, #tpu.memory_space<semaphore_mem>>, %arg18: memref<!tpu.dma_semaphore, #tpu.memory_space<semaphore_mem>>, %arg19: memref<!tpu.dma_semaphore, #tpu.memory_space<semaphore_mem>>, %arg20: memref<!tpu.dma_semaphore, #tpu.memory_space<semaphore_mem>>, %arg21: memref<!tpu.dma_semaphore, #tpu.memory_space<semaphore_mem>>, %arg22: memref<!tpu.dma_semaphore, #tpu.memory_space<semaphore_mem>>, %arg23: memref<!tpu.dma_semaphore, #tpu.memory_space<semaphore_mem>>, %arg24: memref<!tpu.dma_semaphore, #tpu.memory_space<semaphore_mem>>, %arg25: memref<!tpu.dma_semaphore, #tpu.memory_space<semaphore_mem>>, %arg26: memref<!tpu.dma_semaphore, #tpu.memory_space<semaphore_mem>>, %arg27: memref<!tpu.dma_semaphore, #tpu.memory_space<semaphore_mem>>, %arg28: memref<!tpu.dma_semaphore, #tpu.memory_space<semaphore_mem>>, %arg29: memref<32xf32, #tpu.memory_space<vmem>>, %arg30: memref<1152x128xf32, #tpu.memory_space<vmem_shared>>) attributes {dimension_semantics = [#tpu.dimension_semantics<core_parallel>, #tpu.dimension_semantics<subcore_parallel>], iteration_bounds = array<i64: 2, 16>, scalar_prefetch = 0 : i64, scratch_operands = 24 : i64, tpu.core_type = #tpu.core_type<sc_vector_subcore>, window_params = [{transform_indices = #map}, {transform_indices = #map1}, {transform_indices = #map1}, {transform_indices = #map2}, {transform_indices = #map1}]} {
    %mul3A = arith.constant 16 : i32
    %mul3A_0 = arith.muli %arg0, %mul3A : i32
    %add3A = arith.addi %mul3A_0, %arg1 : i32
    %broadcast_in_dim3A = arith.constant 0.000000e+00 : f32
    %broadcast_in_dim3A_1 = vector.broadcast %broadcast_in_dim3A : f32 to vector<16xf32>
    %scan3A = arith.constant 0 : i32
    %scan3A_2 = arith.constant 0 : i32
    %scan3A_3 = arith.constant 72 : i32
    %scan3A_4 = arith.addi %scan3A_2, %scan3A_3 : i32
    %scan3A_5 = arith.constant 1 : i32
    scf.for %scan3A_2909 = %scan3A_2 to %scan3A_4 step %scan3A_5  : i32 {
      %swap3A_2910 = arith.constant 0 : i32
      %swap3A_2911 = arith.index_cast %swap3A_2910 : i32 to index
      %swap3A_2912 = arith.index_cast %scan3A_2909 : i32 to index
      %swap3A_2913 = arith.constant 0 : index
      %swap3A_2914 = tpu.vector_load %arg7[%swap3A_2911, %swap3A_2912, %swap3A_2913] {strides = array<i32>} : memref<6x128x128xf32, #tpu.memory_space<vmem>>, vector<1x1x16xf32>,
      %swap3A_2915 = vector.shape_cast %swap3A_2914 : vector<1x1x16xf32> to vector<16xf32>
      %swap3A_2916 = vector.shape_cast %broadcast_in_dim3A_1 : vector<16xf32> to vector<1x1x16xf32>
      tpu.vector_store %arg7[%swap3A_2911, %swap3A_2912, %swap3A_2913], %swap3A_2916 {strides = array<i32>} : memref<6x128x128xf32, #tpu.memory_space<vmem>>, vector<1x1x16xf32>,
      %swap3A_2917 = arith.constant 0 : i32
      %swap3A_2918 = arith.index_cast %swap3A_2917 : i32 to index
      %swap3A_2919 = arith.index_cast %scan3A_2909 : i32 to index
      %swap3A_2920 = arith.constant 16 : index
      %swap3A_2921 = tpu.vector_load %arg7[%swap3A_2918, %swap3A_2919, %swap3A_2920] {strides = array<i32>} : memref<6x128x128xf32, #tpu.memory_space<vmem>>, vector<1x1x16xf32>,
      %swap3A_2922 = vector.shape_cast %swap3A_2921 : vector<1x1x16xf32> to vector<16xf32>
      %swap3A_2923 = vector.shape_cast %broadcast_in_dim3A_1 : vector<16xf32> to vector<1x1x16xf32>
      tpu.vector_store %arg7[%swap3A_2918, %swap3A_2919, %swap3A_2920], %swap3A_2923 {strides = array<i32>} : memref<6x128x128xf32, #tpu.memory_space<vmem>>, vector<1x1x16xf32>,
      %swap3A_2924 = arith.constant 0 : i32
      %swap3A_2925 = arith.index_cast %swap3A_2924 : i32 to index
      %swap3A_2926 = arith.index_cast %scan3A_2909 : i32 to index
      %swap3A_2927 = arith.constant 32 : index
      %swap3A_2928 = tpu.vector_load %arg7[%swap3A_2925, %swap3A_2926, %swap3A_2927] {strides = array<i32>} : memref<6x128x128xf32, #tpu.memory_space<vmem>>, vector<1x1x16xf32>,
      %swap3A_2929 = vector.shape_cast %swap3A_2928 : vector<1x1x16xf32> to vector<16xf32>
      %swap3A_2930 = vector.shape_cast %broadcast_in_dim3A_1 : vector<16xf32> to vector<1x1x16xf32>
      tpu.vector_store %arg7[%swap3A_2925, %swap3A_2926, %swap3A_2927], %swap3A_2930 {strides = array<i32>} : memref<6x128x128xf32, #tpu.memory_space<vmem>>, vector<1x1x16xf32>,
      %swap3A_2931 = arith.constant 0 : i32
      %swap3A_2932 = arith.index_cast %swap3A_2931 : i32 to index
      %swap3A_2933 = arith.index_cast %scan3A_2909 : i32 to index
      %swap3A_2934 = arith.constant 48 : index
      %swap3A_2935 = tpu.vector_load %arg7[%swap3A_2932, %swap3A_2933, %swap3A_2934] {strides = array<i32>} : memref<6x128x128xf32, #tpu.memory_space<vmem>>, vector<1x1x16xf32>,
      %swap3A_2936 = vector.shape_cast %swap3A_2935 : vector<1x1x16xf32> to vector<16xf32>
      %swap3A_2937 = vector.shape_cast %broadcast_in_dim3A_1 : vector<16xf32> to vector<1x1x16xf32>
      tpu.vector_store %arg7[%swap3A_2932, %swap3A_2933, %swap3A_2934], %swap3A_2937 {strides = array<i32>} : memref<6x128x128xf32, #tpu.memory_space<vmem>>, vector<1x1x16xf32>,
      %swap3A_2938 = arith.constant 0 : i32
      %swap3A_2939 = arith.index_cast %swap3A_2938 : i32 to index
      %swap3A_2940 = arith.index_cast %scan3A_2909 : i32 to index
      %swap3A_2941 = arith.constant 64 : index
      %swap3A_2942 = tpu.vector_load %arg7[%swap3A_2939, %swap3A_2940, %swap3A_2941] {strides = array<i32>} : memref<6x128x128xf32, #tpu.memory_space<vmem>>, vector<1x1x16xf32>,
      %swap3A_2943 = vector.shape_cast %swap3A_2942 : vector<1x1x16xf32> to vector<16xf32>
      %swap3A_2944 = vector.shape_cast %broadcast_in_dim3A_1 : vector<16xf32> to vector<1x1x16xf32>
      tpu.vector_store %arg7[%swap3A_2939, %swap3A_2940, %swap3A_2941], %swap3A_2944 {strides = array<i32>} : memref<6x128x128xf32, #tpu.memory_space<vmem>>, vector<1x1x16xf32>,
      %swap3A_2945 = arith.constant 0 : i32
      %swap3A_2946 = arith.index_cast %swap3A_2945 : i32 to index
      %swap3A_2947 = arith.index_cast %scan3A_2909 : i32 to index
      %swap3A_2948 = arith.constant 80 : index
      %swap3A_2949 = tpu.vector_load %arg7[%swap3A_2946, %swap3A_2947, %swap3A_2948] {strides = array<i32>} : memref<6x128x128xf32, #tpu.memory_space<vmem>>, vector<1x1x16xf32>,
      %swap3A_2950 = vector.shape_cast %swap3A_2949 : vector<1x1x16xf32> to vector<16xf32>
      %swap3A_2951 = vector.shape_cast %broadcast_in_dim3A_1 : vector<16xf32> to vector<1x1x16xf32>
      tpu.vector_store %arg7[%swap3A_2946, %swap3A_2947, %swap3A_2948], %swap3A_2951 {strides = array<i32>} : memref<6x128x128xf32, #tpu.memory_space<vmem>>, vector<1x1x16xf32>,
      %swap3A_2952 = arith.constant 0 : i32
      %swap3A_2953 = arith.index_cast %swap3A_2952 : i32 to index
      %swap3A_2954 = arith.index_cast %scan3A_2909 : i32 to index
      %swap3A_2955 = arith.constant 96 : index
      %swap3A_2956 = tpu.vector_load %arg7[%swap3A_2953, %swap3A_2954, %swap3A_2955] {strides = array<i32>} : memref<6x128x128xf32, #tpu.memory_space<vmem>>, vector<1x1x16xf32>,
      %swap3A_2957 = vector.shape_cast %swap3A_2956 : vector<1x1x16xf32> to vector<16xf32>
      %swap3A_2958 = vector.shape_cast %broadcast_in_dim3A_1 : vector<16xf32> to vector<1x1x16xf32>
      tpu.vector_store %arg7[%swap3A_2953, %swap3A_2954, %swap3A_2955], %swap3A_2958 {strides = array<i32>} : memref<6x128x128xf32, #tpu.memory_space<vmem>>, vector<1x1x16xf32>,
      %swap3A_2959 = arith.constant 0 : i32
      %swap3A_2960 = arith.index_cast %swap3A_2959 : i32 to index
      %swap3A_2961 = arith.index_cast %scan3A_2909 : i32 to index
      %swap3A_2962 = arith.constant 112 : index
      %swap3A_2963 = tpu.vector_load %arg7[%swap3A_2960, %swap3A_2961, %swap3A_2962] {strides = array<i32>} : memref<6x128x128xf32, #tpu.memory_space<vmem>>, vector<1x1x16xf32>,
      %swap3A_2964 = vector.shape_cast %swap3A_2963 : vector<1x1x16xf32> to vector<16xf32>
      %swap3A_2965 = vector.shape_cast %broadcast_in_dim3A_1 : vector<16xf32> to vector<1x1x16xf32>
      tpu.vector_store %arg7[%swap3A_2960, %swap3A_2961, %swap3A_2962], %swap3A_2965 {strides = array<i32>} : memref<6x128x128xf32, #tpu.memory_space<vmem>>, vector<1x1x16xf32>,
    }
    %scan3A_6 = arith.constant 72 : i32
    %mul3A_7 = arith.constant 72 : i32
    %mul3A_8 = arith.muli %arg1, %mul3A_7 : i32
    %run_scoped3A = arith.constant 0 : i32
    "tpu.region"() ({
      %run_scoped3A_2909 = tpu.sem_alloc : memref<!tpu.dma_semaphore, #tpu.memory_space<semaphore_mem>>
      %dma_start3A_2910 = arith.constant 0 : i32
      %dma_start3A_2911 = arith.constant 0 : i32
      %dma_start3A_2912 = tpu.memref_slice %arg7[%run_scoped3A, %dma_start3A_2910, %dma_start3A_2911] : memref<6x128x128xf32, #tpu.memory_space<vmem>> -> memref<1x72x128xf32, #tpu.memory_space<vmem>>
      %dma_start3A_2913 = tpu.memref_squeeze %dma_start3A_2912 : memref<1x72x128xf32, #tpu.memory_space<vmem>> -> memref<72x128xf32, #tpu.memory_space<vmem>>
      %dma_start3A_2914 = arith.constant 0 : i32
      %dma_start3A_2915 = tpu.memref_slice %arg30[%mul3A_8, %dma_start3A_2914] : memref<1152x128xf32, #tpu.memory_space<vmem_shared>> -> memref<72x128xf32, #tpu.memory_space<vmem_shared>>
      %dma_start3A_2916 = arith.constant 0 : i32
      %dma_start3A_2917 = tpu.memref_slice %arg30[%mul3A_8, %dma_start3A_2916] : memref<1152x128xf32, #tpu.memory_space<vmem_shared>> -> memref<72x128xf32, #tpu.memory_space<vmem_shared>>
      %dma_start3A_2918 = arith.constant 0 : i32
      %dma_start3A_2919 = arith.constant 0 : i32
      %dma_start3A_2920 = tpu.memref_slice %arg7[%run_scoped3A, %dma_start3A_2918, %dma_start3A_2919] : memref<6x128x128xf32, #tpu.memory_space<vmem>> -> memref<1x72x128xf32, #tpu.memory_space<vmem>>
      %dma_start3A_2921 = tpu.memref_squeeze %dma_start3A_2920 : memref<1x72x128xf32, #tpu.memory_space<vmem>> -> memref<72x128xf32, #tpu.memory_space<vmem>>
      tpu.enqueue_dma source(%dma_start3A_2921 : memref<72x128xf32, #tpu.memory_space<vmem>>) target(%dma_start3A_2917 : memref<72x128xf32, #tpu.memory_space<vmem_shared>>) target_semaphore(%run_scoped3A_2909 : memref<!tpu.dma_semaphore, #tpu.memory_space<semaphore_mem>>)
      %dma_wait3A_2922 = arith.constant 0 : i32
      %dma_wait3A_2923 = arith.constant 0 : i32
      %dma_wait3A_2924 = tpu.memref_slice %arg7[%run_scoped3A, %dma_wait3A_2922, %dma_wait3A_2923] : memref<6x128x128xf32, #tpu.memory_space<vmem>> -> memref<1x72x128xf32, #tpu.memory_space<vmem>>
      %dma_wait3A_2925 = tpu.memref_squeeze %dma_wait3A_2924 : memref<1x72x128xf32, #tpu.memory_space<vmem>> -> memref<72x128xf32, #tpu.memory_space<vmem>>
      %dma_wait3A_2926 = arith.constant 0 : i32
      %dma_wait3A_2927 = tpu.memref_slice %arg30[%mul3A_8, %dma_wait3A_2926] : memref<1152x128xf32, #tpu.memory_space<vmem_shared>> -> memref<72x128xf32, #tpu.memory_space<vmem_shared>>
      %dma_wait3A_2928 = arith.constant 0 : i32
      %dma_wait3A_2929 = tpu.memref_slice %arg30[%mul3A_8, %dma_wait3A_2928] : memref<1152x128xf32, #tpu.memory_space<vmem_shared>> -> memref<72x128xf32, #tpu.memory_space<vmem_shared>>
      %dma_wait3A_2930 = arith.constant 0 : i32
      %dma_wait3A_2931 = arith.constant 0 : i32
      %dma_wait3A_2932 = tpu.memref_slice %arg7[%run_scoped3A, %dma_wait3A_2930, %dma_wait3A_2931] : memref<6x128x128xf32, #tpu.memory_space<vmem>> -> memref<1x72x128xf32, #tpu.memory_space<vmem>>
      %dma_wait3A_2933 = tpu.memref_squeeze %dma_wait3A_2932 : memref<1x72x128xf32, #tpu.memory_space<vmem>> -> memref<72x128xf32, #tpu.memory_space<vmem>>
      tpu.wait_dma2 semaphore(%run_scoped3A_2909 : memref<!tpu.dma_semaphore, #tpu.memory_space<semaphore_mem>>) src(%dma_wait3A_2933 : memref<72x128xf32, #tpu.memory_space<vmem>>) dst(%dma_wait3A_2929 : memref<72x128xf32, #tpu.memory_space<vmem_shared>>)
      tpu.yield
    }) : () -> ()
    %barrier3A = arith.constant 0 : index
    tpu.barrier barrier_id(%barrier3A)
    %mul3A_9 = arith.constant 32 : i32
    %mul3A_10 = arith.muli %add3A, %mul3A_9 : i32
    %iota3A = tpu.iota {dimensions = array<i32: 0>} : vector<16xi32>
    %add3A_11 = vector.broadcast %mul3A_10 : i32 to vector<16xi32>
    %add3A_12 = arith.addi %add3A_11, %iota3A : vector<16xi32>
    %add3A_13 = arith.constant 16 : i32
    %add3A_14 = vector.broadcast %add3A_13 : i32 to vector<16xi32>
    %add3A_15 = arith.addi %add3A_12, %add3A_14 : vector<16xi32>
    %add3A_16 = arith.constant 1 : i32
    %add3A_17 = vector.broadcast %add3A_16 : i32 to vector<16xi32>
    %add3A_18 = arith.addi %add3A_12, %add3A_17 : vector<16xi32>
    %add3A_19 = arith.constant 1 : i32
    %add3A_20 = vector.broadcast %add3A_19 : i32 to vector<16xi32>
    %add3A_21 = arith.addi %add3A_15, %add3A_20 : vector<16xi32>
    %broadcast_in_dim3A_22 = arith.constant 0 : i32
    %broadcast_in_dim3A_23 = vector.broadcast %broadcast_in_dim3A_22 : i32 to vector<16xi32>
    %broadcast_in_dim3A_24 = arith.constant 0 : i32
    %broadcast_in_dim3A_25 = vector.broadcast %broadcast_in_dim3A_24 : i32 to vector<16xi32>
    %broadcast_in_dim3A_26 = arith.constant 0 : i32
    %broadcast_in_dim3A_27 = vector.broadcast %broadcast_in_dim3A_26 : i32 to vector<16xi32>
    %broadcast_in_dim3A_28 = arith.constant 0 : i32
    %broadcast_in_dim3A_29 = vector.broadcast %broadcast_in_dim3A_28 : i32 to vector<16xi32>
    %broadcast_in_dim3A_30 = arith.constant 100000 : i32
    %broadcast_in_dim3A_31 = vector.broadcast %broadcast_in_dim3A_30 : i32 to vector<16xi32>
    %broadcast_in_dim3A_32 = arith.constant 100000 : i32
    %broadcast_in_dim3A_33 = vector.broadcast %broadcast_in_dim3A_32 : i32 to vector<16xi32>
    %broadcast_in_dim3A_34 = arith.constant 100000 : i32
    %broadcast_in_dim3A_35 = vector.broadcast %broadcast_in_dim3A_34 : i32 to vector<16xi32>
    %broadcast_in_dim3A_36 = arith.constant 100000 : i32
    %broadcast_in_dim3A_37 = vector.broadcast %broadcast_in_dim3A_36 : i32 to vector<16xi32>
    %mul3A_38 = arith.constant 25 : i32
    %mul3A_39 = arith.muli %add3A, %mul3A_38 : i32
    %add3A_40 = arith.constant 0 : i32
    %add3A_41 = arith.addi %mul3A_39, %add3A_40 : i32
    %mul3A_42 = arith.constant 128 : i32
    %mul3A_43 = arith.muli %add3A_41, %mul3A_42 : i32
    %min3A = arith.constant 99872 : i32
    %min3A_44 = arith.minsi %mul3A_43, %min3A : i32
    %multiple_of3A = tpu.assume_multiple %min3A_44, 8 : i32
    %dma_start3A = arith.constant 0 : i32
    %dma_start3A_45 = arith.constant 0 : i32
    %dma_start3A_46 = arith.constant 0 : i32
    %dma_start3A_47 = tpu.memref_slice %arg7[%dma_start3A, %dma_start3A_45, %dma_start3A_46] : memref<6x128x128xf32, #tpu.memory_space<vmem>> -> memref<1x128x128xf32, #tpu.memory_space<vmem>>
    %dma_start3A_48 = tpu.memref_squeeze %dma_start3A_47 : memref<1x128x128xf32, #tpu.memory_space<vmem>> -> memref<128x128xf32, #tpu.memory_space<vmem>>
    %dma_start3A_49 = arith.constant 0 : i32
    %dma_start3A_50 = tpu.memref_slice %arg2[%multiple_of3A, %dma_start3A_49] : memref<100000x128xf32, #tpu.memory_space<hbm>> -> memref<128x128xf32, #tpu.memory_space<hbm>>
    %dma_start3A_51 = arith.constant 0 : i32
    %dma_start3A_52 = arith.constant 0 : i32
    %dma_start3A_53 = tpu.memref_slice %arg7[%dma_start3A, %dma_start3A_51, %dma_start3A_52] : memref<6x128x128xf32, #tpu.memory_space<vmem>> -> memref<1x128x128xf32, #tpu.memory_space<vmem>>
    %dma_start3A_54 = tpu.memref_squeeze %dma_start3A_53 : memref<1x128x128xf32, #tpu.memory_space<vmem>> -> memref<128x128xf32, #tpu.memory_space<vmem>>
    %dma_start3A_55 = arith.constant 0 : i32
    %dma_start3A_56 = tpu.memref_slice %arg2[%multiple_of3A, %dma_start3A_55] : memref<100000x128xf32, #tpu.memory_space<hbm>> -> memref<128x128xf32, #tpu.memory_space<hbm>>
    tpu.enqueue_dma source(%dma_start3A_56 : memref<128x128xf32, #tpu.memory_space<hbm>>) target(%dma_start3A_54 : memref<128x128xf32, #tpu.memory_space<vmem>>) target_semaphore(%arg17 : memref<!tpu.dma_semaphore, #tpu.memory_space<semaphore_mem>>)
    %mul3A_57 = arith.constant 128 : i32
    %mul3A_58 = arith.muli %add3A_41, %mul3A_57 : i32
    %dma_start3A_59 = tpu.memref_slice %arg4[%mul3A_58] : memref<102400xi32, #tpu.memory_space<hbm>> -> memref<128xi32, #tpu.memory_space<hbm>>
    %dma_start3A_60 = tpu.memref_slice %arg4[%mul3A_58] : memref<102400xi32, #tpu.memory_space<hbm>> -> memref<128xi32, #tpu.memory_space<hbm>>
    tpu.enqueue_dma source(%dma_start3A_60 : memref<128xi32, #tpu.memory_space<hbm>>) target(%arg8 : memref<128xi32, #tpu.memory_space<vmem>>) target_semaphore(%arg17 : memref<!tpu.dma_semaphore, #tpu.memory_space<semaphore_mem>>)
    %mul3A_61 = arith.constant 25 : i32
    %mul3A_62 = arith.muli %add3A, %mul3A_61 : i32
    %add3A_63 = arith.constant 1 : i32
    %add3A_64 = arith.addi %mul3A_62, %add3A_63 : i32
    %mul3A_65 = arith.constant 128 : i32
    %mul3A_66 = arith.muli %add3A_64, %mul3A_65 : i32
    %min3A_67 = arith.constant 99872 : i32
    %min3A_68 = arith.minsi %mul3A_66, %min3A_67 : i32
    %multiple_of3A_69 = tpu.assume_multiple %min3A_68, 8 : i32
    %dma_start3A_70 = arith.constant 1 : i32
    %dma_start3A_71 = arith.constant 0 : i32
    %dma_start3A_72 = arith.constant 0 : i32
    %dma_start3A_73 = tpu.memref_slice %arg7[%dma_start3A_70, %dma_start3A_71, %dma_start3A_72] : memref<6x128x128xf32, #tpu.memory_space<vmem>> -> memref<1x128x128xf32, #tpu.memory_space<vmem>>
    %dma_start3A_74 = tpu.memref_squeeze %dma_start3A_73 : memref<1x128x128xf32, #tpu.memory_space<vmem>> -> memref<128x128xf32, #tpu.memory_space<vmem>>
    %dma_start3A_75 = arith.constant 0 : i32
    %dma_start3A_76 = tpu.memref_slice %arg2[%multiple_of3A_69, %dma_start3A_75] : memref<100000x128xf32, #tpu.memory_space<hbm>> -> memref<128x128xf32, #tpu.memory_space<hbm>>
    %dma_start3A_77 = arith.constant 0 : i32
    %dma_start3A_78 = arith.constant 0 : i32
    %dma_start3A_79 = tpu.memref_slice %arg7[%dma_start3A_70, %dma_start3A_77, %dma_start3A_78] : memref<6x128x128xf32, #tpu.memory_space<vmem>> -> memref<1x128x128xf32, #tpu.memory_space<vmem>>
    %dma_start3A_80 = tpu.memref_squeeze %dma_start3A_79 : memref<1x128x128xf32, #tpu.memory_space<vmem>> -> memref<128x128xf32, #tpu.memory_space<vmem>>
    %dma_start3A_81 = arith.constant 0 : i32
    %dma_start3A_82 = tpu.memref_slice %arg2[%multiple_of3A_69, %dma_start3A_81] : memref<100000x128xf32, #tpu.memory_space<hbm>> -> memref<128x128xf32, #tpu.memory_space<hbm>>
    tpu.enqueue_dma source(%dma_start3A_82 : memref<128x128xf32, #tpu.memory_space<hbm>>) target(%dma_start3A_80 : memref<128x128xf32, #tpu.memory_space<vmem>>) target_semaphore(%arg18 : memref<!tpu.dma_semaphore, #tpu.memory_space<semaphore_mem>>)
    %mul3A_83 = arith.constant 128 : i32
    %mul3A_84 = arith.muli %add3A_64, %mul3A_83 : i32
    %dma_start3A_85 = tpu.memref_slice %arg4[%mul3A_84] : memref<102400xi32, #tpu.memory_space<hbm>> -> memref<128xi32, #tpu.memory_space<hbm>>
    %dma_start3A_86 = tpu.memref_slice %arg4[%mul3A_84] : memref<102400xi32, #tpu.memory_space<hbm>> -> memref<128xi32, #tpu.memory_space<hbm>>
    tpu.enqueue_dma source(%dma_start3A_86 : memref<128xi32, #tpu.memory_space<hbm>>) target(%arg9 : memref<128xi32, #tpu.memory_space<vmem>>) target_semaphore(%arg18 : memref<!tpu.dma_semaphore, #tpu.memory_space<semaphore_mem>>)
    %mul3A_87 = arith.constant 25 : i32
    %mul3A_88 = arith.muli %add3A, %mul3A_87 : i32
    %add3A_89 = arith.constant 2 : i32
    %add3A_90 = arith.addi %mul3A_88, %add3A_89 : i32
    %mul3A_91 = arith.constant 128 : i32
    %mul3A_92 = arith.muli %add3A_90, %mul3A_91 : i32
    %min3A_93 = arith.constant 99872 : i32
    %min3A_94 = arith.minsi %mul3A_92, %min3A_93 : i32
    %multiple_of3A_95 = tpu.assume_multiple %min3A_94, 8 : i32
    %dma_start3A_96 = arith.constant 2 : i32
    %dma_start3A_97 = arith.constant 0 : i32
    %dma_start3A_98 = arith.constant 0 : i32
    %dma_start3A_99 = tpu.memref_slice %arg7[%dma_start3A_96, %dma_start3A_97, %dma_start3A_98] : memref<6x128x128xf32, #tpu.memory_space<vmem>> -> memref<1x128x128xf32, #tpu.memory_space<vmem>>
    %dma_start3A_100 = tpu.memref_squeeze %dma_start3A_99 : memref<1x128x128xf32, #tpu.memory_space<vmem>> -> memref<128x128xf32, #tpu.memory_space<vmem>>
    %dma_start3A_101 = arith.constant 0 : i32
    %dma_start3A_102 = tpu.memref_slice %arg2[%multiple_of3A_95, %dma_start3A_101] : memref<100000x128xf32, #tpu.memory_space<hbm>> -> memref<128x128xf32, #tpu.memory_space<hbm>>
    %dma_start3A_103 = arith.constant 0 : i32
    %dma_start3A_104 = arith.constant 0 : i32
    %dma_start3A_105 = tpu.memref_slice %arg7[%dma_start3A_96, %dma_start3A_103, %dma_start3A_104] : memref<6x128x128xf32, #tpu.memory_space<vmem>> -> memref<1x128x128xf32, #tpu.memory_space<vmem>>
    %dma_start3A_106 = tpu.memref_squeeze %dma_start3A_105 : memref<1x128x128xf32, #tpu.memory_space<vmem>> -> memref<128x128xf32, #tpu.memory_space<vmem>>
    %dma_start3A_107 = arith.constant 0 : i32
    %dma_start3A_108 = tpu.memref_slice %arg2[%multiple_of3A_95, %dma_start3A_107] : memref<100000x128xf32, #tpu.memory_space<hbm>> -> memref<128x128xf32, #tpu.memory_space<hbm>>
    tpu.enqueue_dma source(%dma_start3A_108 : memref<128x128xf32, #tpu.memory_space<hbm>>) target(%dma_start3A_106 : memref<128x128xf32, #tpu.memory_space<vmem>>) target_semaphore(%arg19 : memref<!tpu.dma_semaphore, #tpu.memory_space<semaphore_mem>>)
    %mul3A_109 = arith.constant 128 : i32
    %mul3A_110 = arith.muli %add3A_90, %mul3A_109 : i32
    %dma_start3A_111 = tpu.memref_slice %arg4[%mul3A_110] : memref<102400xi32, #tpu.memory_space<hbm>> -> memref<128xi32, #tpu.memory_space<hbm>>
    %dma_start3A_112 = tpu.memref_slice %arg4[%mul3A_110] : memref<102400xi32, #tpu.memory_space<hbm>> -> memref<128xi32, #tpu.memory_space<hbm>>
    tpu.enqueue_dma source(%dma_start3A_112 : memref<128xi32, #tpu.memory_space<hbm>>) target(%arg10 : memref<128xi32, #tpu.memory_space<vmem>>) target_semaphore(%arg19 : memref<!tpu.dma_semaphore, #tpu.memory_space<semaphore_mem>>)
    %mul3A_113 = arith.constant 25 : i32
    %mul3A_114 = arith.muli %add3A, %mul3A_113 : i32
    %add3A_115 = arith.constant 3 : i32
    %add3A_116 = arith.addi %mul3A_114, %add3A_115 : i32
    %mul3A_117 = arith.constant 128 : i32
    %mul3A_118 = arith.muli %add3A_116, %mul3A_117 : i32
    %min3A_119 = arith.constant 99872 : i32
    %min3A_120 = arith.minsi %mul3A_118, %min3A_119 : i32
    %multiple_of3A_121 = tpu.assume_multiple %min3A_120, 8 : i32
    %dma_start3A_122 = arith.constant 3 : i32
    %dma_start3A_123 = arith.constant 0 : i32
    %dma_start3A_124 = arith.constant 0 : i32
    %dma_start3A_125 = tpu.memref_slice %arg7[%dma_start3A_122, %dma_start3A_123, %dma_start3A_124] : memref<6x128x128xf32, #tpu.memory_space<vmem>> -> memref<1x128x128xf32, #tpu.memory_space<vmem>>
    %dma_start3A_126 = tpu.memref_squeeze %dma_start3A_125 : memref<1x128x128xf32, #tpu.memory_space<vmem>> -> memref<128x128xf32, #tpu.memory_space<vmem>>
    %dma_start3A_127 = arith.constant 0 : i32
    %dma_start3A_128 = tpu.memref_slice %arg2[%multiple_of3A_121, %dma_start3A_127] : memref<100000x128xf32, #tpu.memory_space<hbm>> -> memref<128x128xf32, #tpu.memory_space<hbm>>
    %dma_start3A_129 = arith.constant 0 : i32
    %dma_start3A_130 = arith.constant 0 : i32
    %dma_start3A_131 = tpu.memref_slice %arg7[%dma_start3A_122, %dma_start3A_129, %dma_start3A_130] : memref<6x128x128xf32, #tpu.memory_space<vmem>> -> memref<1x128x128xf32, #tpu.memory_space<vmem>>
    %dma_start3A_132 = tpu.memref_squeeze %dma_start3A_131 : memref<1x128x128xf32, #tpu.memory_space<vmem>> -> memref<128x128xf32, #tpu.memory_space<vmem>>
    %dma_start3A_133 = arith.constant 0 : i32
    %dma_start3A_134 = tpu.memref_slice %arg2[%multiple_of3A_121, %dma_start3A_133] : memref<100000x128xf32, #tpu.memory_space<hbm>> -> memref<128x128xf32, #tpu.memory_space<hbm>>
    tpu.enqueue_dma source(%dma_start3A_134 : memref<128x128xf32, #tpu.memory_space<hbm>>) target(%dma_start3A_132 : memref<128x128xf32, #tpu.memory_space<vmem>>) target_semaphore(%arg20 : memref<!tpu.dma_semaphore, #tpu.memory_space<semaphore_mem>>)
    %mul3A_135 = arith.constant 128 : i32
    %mul3A_136 = arith.muli %add3A_116, %mul3A_135 : i32
    %dma_start3A_137 = tpu.memref_slice %arg4[%mul3A_136] : memref<102400xi32, #tpu.memory_space<hbm>> -> memref<128xi32, #tpu.memory_space<hbm>>
    %dma_start3A_138 = tpu.memref_slice %arg4[%mul3A_136] : memref<102400xi32, #tpu.memory_space<hbm>> -> memref<128xi32, #tpu.memory_space<hbm>>
    tpu.enqueue_dma source(%dma_start3A_138 : memref<128xi32, #tpu.memory_space<hbm>>) target(%arg11 : memref<128xi32, #tpu.memory_space<vmem>>) target_semaphore(%arg20 : memref<!tpu.dma_semaphore, #tpu.memory_space<semaphore_mem>>)
    %add3A_139 = arith.addi %broadcast_in_dim3A_23, %broadcast_in_dim3A_31 : vector<16xi32>
    %shift_right_arithmetic3A = arith.constant 1 : i32
    %shift_right_arithmetic3A_140 = vector.broadcast %shift_right_arithmetic3A : i32 to vector<16xi32>
    %shift_right_arithmetic3A_141 = arith.shrsi %add3A_139, %shift_right_arithmetic3A_140 : vector<16xi32>
    %add3A_142 = arith.addi %broadcast_in_dim3A_25, %broadcast_in_dim3A_33 : vector<16xi32>
    %shift_right_arithmetic3A_143 = arith.constant 1 : i32
    %shift_right_arithmetic3A_144 = vector.broadcast %shift_right_arithmetic3A_143 : i32 to vector<16xi32>
    %shift_right_arithmetic3A_145 = arith.shrsi %add3A_142, %shift_right_arithmetic3A_144 : vector<16xi32>
    %add3A_146 = arith.addi %broadcast_in_dim3A_27, %broadcast_in_dim3A_35 : vector<16xi32>
    %shift_right_arithmetic3A_147 = arith.constant 1 : i32
    %shift_right_arithmetic3A_148 = vector.broadcast %shift_right_arithmetic3A_147 : i32 to vector<16xi32>
    %shift_right_arithmetic3A_149 = arith.shrsi %add3A_146, %shift_right_arithmetic3A_148 : vector<16xi32>
    %add3A_150 = arith.addi %broadcast_in_dim3A_29, %broadcast_in_dim3A_37 : vector<16xi32>
    %shift_right_arithmetic3A_151 = arith.constant 1 : i32
    %shift_right_arithmetic3A_152 = vector.broadcast %shift_right_arithmetic3A_151 : i32 to vector<16xi32>
    %shift_right_arithmetic3A_153 = arith.shrsi %add3A_150, %shift_right_arithmetic3A_152 : vector<16xi32>
    %min3A_154 = arith.constant 99999 : i32
    %min3A_155 = vector.broadcast %min3A_154 : i32 to vector<16xi32>
    %min3A_156 = arith.minsi %shift_right_arithmetic3A_141, %min3A_155 : vector<16xi32>
    %swap3A = arith.constant 0 : index
    %swap3A_157 = tpu.vector_load %arg14[%swap3A] {strides = array<i32>} : memref<64xi32, #tpu.memory_space<vmem>>, vector<16xi32>,
    %swap3A_158 = vector.shape_cast %swap3A_157 : vector<16xi32> to vector<16xi32>
    %swap3A_159 = vector.shape_cast %min3A_156 : vector<16xi32> to vector<16xi32>
    tpu.vector_store %arg14[%swap3A], %swap3A_159 {strides = array<i32>} : memref<64xi32, #tpu.memory_space<vmem>>, vector<16xi32>,
    %min3A_160 = arith.constant 99999 : i32
    %min3A_161 = vector.broadcast %min3A_160 : i32 to vector<16xi32>
    %min3A_162 = arith.minsi %shift_right_arithmetic3A_145, %min3A_161 : vector<16xi32>
    %swap3A_163 = arith.constant 16 : index
    %swap3A_164 = tpu.vector_load %arg14[%swap3A_163] {strides = array<i32>} : memref<64xi32, #tpu.memory_space<vmem>>, vector<16xi32>,
    %swap3A_165 = vector.shape_cast %swap3A_164 : vector<16xi32> to vector<16xi32>
    %swap3A_166 = vector.shape_cast %min3A_162 : vector<16xi32> to vector<16xi32>
    tpu.vector_store %arg14[%swap3A_163], %swap3A_166 {strides = array<i32>} : memref<64xi32, #tpu.memory_space<vmem>>, vector<16xi32>,
    %min3A_167 = arith.constant 99999 : i32
    %min3A_168 = vector.broadcast %min3A_167 : i32 to vector<16xi32>
    %min3A_169 = arith.minsi %shift_right_arithmetic3A_149, %min3A_168 : vector<16xi32>
    %swap3A_170 = arith.constant 32 : index
    %swap3A_171 = tpu.vector_load %arg14[%swap3A_170] {strides = array<i32>} : memref<64xi32, #tpu.memory_space<vmem>>, vector<16xi32>,
    %swap3A_172 = vector.shape_cast %swap3A_171 : vector<16xi32> to vector<16xi32>
    %swap3A_173 = vector.shape_cast %min3A_169 : vector<16xi32> to vector<16xi32>
    tpu.vector_store %arg14[%swap3A_170], %swap3A_173 {strides = array<i32>} : memref<64xi32, #tpu.memory_space<vmem>>, vector<16xi32>,
    %min3A_174 = arith.constant 99999 : i32
    %min3A_175 = vector.broadcast %min3A_174 : i32 to vector<16xi32>
    %min3A_176 = arith.minsi %shift_right_arithmetic3A_153, %min3A_175 : vector<16xi32>
    %swap3A_177 = arith.constant 48 : index
    %swap3A_178 = tpu.vector_load %arg14[%swap3A_177] {strides = array<i32>} : memref<64xi32, #tpu.memory_space<vmem>>, vector<16xi32>,
    %swap3A_179 = vector.shape_cast %swap3A_178 : vector<16xi32> to vector<16xi32>
    %swap3A_180 = vector.shape_cast %min3A_176 : vector<16xi32> to vector<16xi32>
    tpu.vector_store %arg14[%swap3A_177], %swap3A_180 {strides = array<i32>} : memref<64xi32, #tpu.memory_space<vmem>>, vector<16xi32>,
    %dma_start3A_181 = arith.constant 0 : i32
    %dma_start3A_182 = tpu.memref_slice %arg3[%dma_start3A_181] : memref<100000xi32, #tpu.memory_space<hbm>> -> memref<100000xi32, #tpu.memory_space<hbm>>
    tpu.enqueue_indirect_dma source(%dma_start3A_182 : memref<100000xi32, #tpu.memory_space<hbm>>) target(%arg15 : memref<64xi32, #tpu.memory_space<vmem>>) offsets(%arg14 : memref<64xi32, #tpu.memory_space<vmem>>) semaphore(%arg16 : memref<!tpu.dma_semaphore, #tpu.memory_space<semaphore_mem>>)
    %mul3A_183 = arith.constant 25 : i32
    %mul3A_184 = arith.muli %add3A, %mul3A_183 : i32
    %add3A_185 = arith.constant 4 : i32
    %add3A_186 = arith.addi %mul3A_184, %add3A_185 : i32
    %mul3A_187 = arith.constant 128 : i32
    %mul3A_188 = arith.muli %add3A_186, %mul3A_187 : i32
    %min3A_189 = arith.constant 99872 : i32
    %min3A_190 = arith.minsi %mul3A_188, %min3A_189 : i32
    %multiple_of3A_191 = tpu.assume_multiple %min3A_190, 8 : i32
    %dma_start3A_192 = arith.constant 4 : i32
    %dma_start3A_193 = arith.constant 0 : i32
    %dma_start3A_194 = arith.constant 0 : i32
    %dma_start3A_195 = tpu.memref_slice %arg7[%dma_start3A_192, %dma_start3A_193, %dma_start3A_194] : memref<6x128x128xf32, #tpu.memory_space<vmem>> -> memref<1x128x128xf32, #tpu.memory_space<vmem>>
    %dma_start3A_196 = tpu.memref_squeeze %dma_start3A_195 : memref<1x128x128xf32, #tpu.memory_space<vmem>> -> memref<128x128xf32, #tpu.memory_space<vmem>>
    %dma_start3A_197 = arith.constant 0 : i32
    %dma_start3A_198 = tpu.memref_slice %arg2[%multiple_of3A_191, %dma_start3A_197] : memref<100000x128xf32, #tpu.memory_space<hbm>> -> memref<128x128xf32, #tpu.memory_space<hbm>>
    %dma_start3A_199 = arith.constant 0 : i32
    %dma_start3A_200 = arith.constant 0 : i32
    %dma_start3A_201 = tpu.memref_slice %arg7[%dma_start3A_192, %dma_start3A_199, %dma_start3A_200] : memref<6x128x128xf32, #tpu.memory_space<vmem>> -> memref<1x128x128xf32, #tpu.memory_space<vmem>>
    %dma_start3A_202 = tpu.memref_squeeze %dma_start3A_201 : memref<1x128x128xf32, #tpu.memory_space<vmem>> -> memref<128x128xf32, #tpu.memory_space<vmem>>
    %dma_start3A_203 = arith.constant 0 : i32
    %dma_start3A_204 = tpu.memref_slice %arg2[%multiple_of3A_191, %dma_start3A_203] : memref<100000x128xf32, #tpu.memory_space<hbm>> -> memref<128x128xf32, #tpu.memory_space<hbm>>
    tpu.enqueue_dma source(%dma_start3A_204 : memref<128x128xf32, #tpu.memory_space<hbm>>) target(%dma_start3A_202 : memref<128x128xf32, #tpu.memory_space<vmem>>) target_semaphore(%arg21 : memref<!tpu.dma_semaphore, #tpu.memory_space<semaphore_mem>>)
    %mul3A_205 = arith.constant 128 : i32
    %mul3A_206 = arith.muli %add3A_186, %mul3A_205 : i32
    %dma_start3A_207 = tpu.memref_slice %arg4[%mul3A_206] : memref<102400xi32, #tpu.memory_space<hbm>> -> memref<128xi32, #tpu.memory_space<hbm>>
    %dma_start3A_208 = tpu.memref_slice %arg4[%mul3A_206] : memref<102400xi32, #tpu.memory_space<hbm>> -> memref<128xi32, #tpu.memory_space<hbm>>
    tpu.enqueue_dma source(%dma_start3A_208 : memref<128xi32, #tpu.memory_space<hbm>>) target(%arg12 : memref<128xi32, #tpu.memory_space<vmem>>) target_semaphore(%arg21 : memref<!tpu.dma_semaphore, #tpu.memory_space<semaphore_mem>>)
    %dma_wait3A = arith.constant 0 : i32
    %dma_wait3A_209 = arith.constant 0 : i32
    %dma_wait3A_210 = arith.constant 0 : i32
    %dma_wait3A_211 = tpu.memref_slice %arg7[%dma_wait3A, %dma_wait3A_209, %dma_wait3A_210] : memref<6x128x128xf32, #tpu.memory_space<vmem>> -> memref<1x128x128xf32, #tpu.memory_space<vmem>>
    %dma_wait3A_212 = tpu.memref_squeeze %dma_wait3A_211 : memref<1x128x128xf32, #tpu.memory_space<vmem>> -> memref<128x128xf32, #tpu.memory_space<vmem>>
    %dma_wait3A_213 = arith.constant 0 : i32
    %dma_wait3A_214 = tpu.memref_slice %arg2[%multiple_of3A, %dma_wait3A_213] : memref<100000x128xf32, #tpu.memory_space<hbm>> -> memref<128x128xf32, #tpu.memory_space<hbm>>
    %dma_wait3A_215 = arith.constant 0 : i32
    %dma_wait3A_216 = arith.constant 0 : i32
    %dma_wait3A_217 = tpu.memref_slice %arg7[%dma_wait3A, %dma_wait3A_215, %dma_wait3A_216] : memref<6x128x128xf32, #tpu.memory_space<vmem>> -> memref<1x128x128xf32, #tpu.memory_space<vmem>>
    %dma_wait3A_218 = tpu.memref_squeeze %dma_wait3A_217 : memref<1x128x128xf32, #tpu.memory_space<vmem>> -> memref<128x128xf32, #tpu.memory_space<vmem>>
    %dma_wait3A_219 = arith.constant 0 : i32
    %dma_wait3A_220 = tpu.memref_slice %arg2[%multiple_of3A, %dma_wait3A_219] : memref<100000x128xf32, #tpu.memory_space<hbm>> -> memref<128x128xf32, #tpu.memory_space<hbm>>
    tpu.wait_dma2 semaphore(%arg17 : memref<!tpu.dma_semaphore, #tpu.memory_space<semaphore_mem>>) src(%dma_wait3A_220 : memref<128x128xf32, #tpu.memory_space<hbm>>) dst(%dma_wait3A_218 : memref<128x128xf32, #tpu.memory_space<vmem>>)
    %dma_wait3A_221 = tpu.memref_slice %arg4[%mul3A_58] : memref<102400xi32, #tpu.memory_space<hbm>> -> memref<128xi32, #tpu.memory_space<hbm>>
    %dma_wait3A_222 = tpu.memref_slice %arg4[%mul3A_58] : memref<102400xi32, #tpu.memory_space<hbm>> -> memref<128xi32, #tpu.memory_space<hbm>>
    tpu.wait_dma2 semaphore(%arg17 : memref<!tpu.dma_semaphore, #tpu.memory_space<semaphore_mem>>) src(%dma_wait3A_222 : memref<128xi32, #tpu.memory_space<hbm>>) dst(%arg8 : memref<128xi32, #tpu.memory_space<vmem>>)
    %dma_start3A_223 = arith.constant 0 : i32
    %dma_start3A_224 = arith.constant 0 : i32
    %dma_start3A_225 = arith.constant 0 : i32
    %dma_start3A_226 = tpu.memref_slice %arg7[%dma_start3A_223, %dma_start3A_224, %dma_start3A_225] : memref<6x128x128xf32, #tpu.memory_space<vmem>> -> memref<1x128x128xf32, #tpu.memory_space<vmem>>
    %dma_start3A_227 = tpu.memref_squeeze %dma_start3A_226 : memref<1x128x128xf32, #tpu.memory_space<vmem>> -> memref<128x128xf32, #tpu.memory_space<vmem>>
    %dma_start3A_228 = arith.constant 0 : i32
    %dma_start3A_229 = arith.constant 0 : i32
    %dma_start3A_230 = tpu.memref_slice %arg30[%dma_start3A_228, %dma_start3A_229] : memref<1152x128xf32, #tpu.memory_space<vmem_shared>> -> memref<1152x128xf32, #tpu.memory_space<vmem_shared>>
    tpu.enqueue_indirect_dma source(%dma_start3A_227 : memref<128x128xf32, #tpu.memory_space<vmem>>) target(%dma_start3A_230 : memref<1152x128xf32, #tpu.memory_space<vmem_shared>>) offsets(%arg8 : memref<128xi32, #tpu.memory_space<vmem>>) semaphore(%arg23 : memref<!tpu.dma_semaphore, #tpu.memory_space<semaphore_mem>>) {add = true}
    %dma_wait3A_231 = arith.constant 0 : i32
    %dma_wait3A_232 = tpu.memref_slice %arg3[%dma_wait3A_231] : memref<100000xi32, #tpu.memory_space<hbm>> -> memref<100000xi32, #tpu.memory_space<hbm>>
    tpu.wait_indirect_dma semaphore(%arg16 : memref<!tpu.dma_semaphore, #tpu.memory_space<semaphore_mem>>) src(%dma_wait3A_232 : memref<100000xi32, #tpu.memory_space<hbm>>) dst(%arg15 : memref<64xi32, #tpu.memory_space<vmem>>)
    %get3A = arith.constant 0 : index
    %get3A_233 = tpu.vector_load %arg15[%get3A] {strides = array<i32>} : memref<64xi32, #tpu.memory_space<vmem>>, vector<16xi32>,
    %get3A_234 = vector.shape_cast %get3A_233 : vector<16xi32> to vector<16xi32>
    %lt3A = arith.cmpi slt, %get3A_234, %add3A_12 : vector<16xi32>
    %add3A_235 = arith.constant 1 : i32
    %add3A_236 = vector.broadcast %add3A_235 : i32 to vector<16xi32>
    %add3A_237 = arith.addi %shift_right_arithmetic3A_141, %add3A_236 : vector<16xi32>
    %select_n3A = arith.select %lt3A, %add3A_237, %broadcast_in_dim3A_23 : vector<16xi1>, vector<16xi32>
    %select_n3A_238 = arith.select %lt3A, %broadcast_in_dim3A_31, %shift_right_arithmetic3A_141 : vector<16xi1>, vector<16xi32>
    %get3A_239 = arith.constant 16 : index
    %get3A_240 = tpu.vector_load %arg15[%get3A_239] {strides = array<i32>} : memref<64xi32, #tpu.memory_space<vmem>>, vector<16xi32>,
    %get3A_241 = vector.shape_cast %get3A_240 : vector<16xi32> to vector<16xi32>
    %lt3A_242 = arith.cmpi slt, %get3A_241, %add3A_18 : vector<16xi32>
    %add3A_243 = arith.constant 1 : i32
    %add3A_244 = vector.broadcast %add3A_243 : i32 to vector<16xi32>
    %add3A_245 = arith.addi %shift_right_arithmetic3A_145, %add3A_244 : vector<16xi32>
    %select_n3A_246 = arith.select %lt3A_242, %add3A_245, %broadcast_in_dim3A_25 : vector<16xi1>, vector<16xi32>
    %select_n3A_247 = arith.select %lt3A_242, %broadcast_in_dim3A_33, %shift_right_arithmetic3A_145 : vector<16xi1>, vector<16xi32>
    %get3A_248 = arith.constant 32 : index
    %get3A_249 = tpu.vector_load %arg15[%get3A_248] {strides = array<i32>} : memref<64xi32, #tpu.memory_space<vmem>>, vector<16xi32>,
    %get3A_250 = vector.shape_cast %get3A_249 : vector<16xi32> to vector<16xi32>
    %lt3A_251 = arith.cmpi slt, %get3A_250, %add3A_15 : vector<16xi32>
    %add3A_252 = arith.constant 1 : i32
    %add3A_253 = vector.broadcast %add3A_252 : i32 to vector<16xi32>
    %add3A_254 = arith.addi %shift_right_arithmetic3A_149, %add3A_253 : vector<16xi32>
    %select_n3A_255 = arith.select %lt3A_251, %add3A_254, %broadcast_in_dim3A_27 : vector<16xi1>, vector<16xi32>
    %select_n3A_256 = arith.select %lt3A_251, %broadcast_in_dim3A_35, %shift_right_arithmetic3A_149 : vector<16xi1>, vector<16xi32>
    %get3A_257 = arith.constant 48 : index
    %get3A_258 = tpu.vector_load %arg15[%get3A_257] {strides = array<i32>} : memref<64xi32, #tpu.memory_space<vmem>>, vector<16xi32>,
    %get3A_259 = vector.shape_cast %get3A_258 : vector<16xi32> to vector<16xi32>
    %lt3A_260 = arith.cmpi slt, %get3A_259, %add3A_21 : vector<16xi32>
    %add3A_261 = arith.constant 1 : i32
    %add3A_262 = vector.broadcast %add3A_261 : i32 to vector<16xi32>
    %add3A_263 = arith.addi %shift_right_arithmetic3A_153, %add3A_262 : vector<16xi32>
    %select_n3A_264 = arith.select %lt3A_260, %add3A_263, %broadcast_in_dim3A_29 : vector<16xi1>, vector<16xi32>
    %select_n3A_265 = arith.select %lt3A_260, %broadcast_in_dim3A_37, %shift_right_arithmetic3A_153 : vector<16xi1>, vector<16xi32>
    %add3A_266 = arith.addi %select_n3A, %select_n3A_238 : vector<16xi32>
    %shift_right_arithmetic3A_267 = arith.constant 1 : i32
    %shift_right_arithmetic3A_268 = vector.broadcast %shift_right_arithmetic3A_267 : i32 to vector<16xi32>
    %shift_right_arithmetic3A_269 = arith.shrsi %add3A_266, %shift_right_arithmetic3A_268 : vector<16xi32>
    %add3A_270 = arith.addi %select_n3A_246, %select_n3A_247 : vector<16xi32>
    %shift_right_arithmetic3A_271 = arith.constant 1 : i32
    %shift_right_arithmetic3A_272 = vector.broadcast %shift_right_arithmetic3A_271 : i32 to vector<16xi32>
    %shift_right_arithmetic3A_273 = arith.shrsi %add3A_270, %shift_right_arithmetic3A_272 : vector<16xi32>
    %add3A_274 = arith.addi %select_n3A_255, %select_n3A_256 : vector<16xi32>
    %shift_right_arithmetic3A_275 = arith.constant 1 : i32
    %shift_right_arithmetic3A_276 = vector.broadcast %shift_right_arithmetic3A_275 : i32 to vector<16xi32>
    %shift_right_arithmetic3A_277 = arith.shrsi %add3A_274, %shift_right_arithmetic3A_276 : vector<16xi32>
    %add3A_278 = arith.addi %select_n3A_264, %select_n3A_265 : vector<16xi32>
    %shift_right_arithmetic3A_279 = arith.constant 1 : i32
    %shift_right_arithmetic3A_280 = vector.broadcast %shift_right_arithmetic3A_279 : i32 to vector<16xi32>
    %shift_right_arithmetic3A_281 = arith.shrsi %add3A_278, %shift_right_arithmetic3A_280 : vector<16xi32>
    %min3A_282 = arith.constant 99999 : i32
    %min3A_283 = vector.broadcast %min3A_282 : i32 to vector<16xi32>
    %min3A_284 = arith.minsi %shift_right_arithmetic3A_269, %min3A_283 : vector<16xi32>
    %swap3A_285 = arith.constant 0 : index
    %swap3A_286 = tpu.vector_load %arg14[%swap3A_285] {strides = array<i32>} : memref<64xi32, #tpu.memory_space<vmem>>, vector<16xi32>,
    %swap3A_287 = vector.shape_cast %swap3A_286 : vector<16xi32> to vector<16xi32>
    %swap3A_288 = vector.shape_cast %min3A_284 : vector<16xi32> to vector<16xi32>
    tpu.vector_store %arg14[%swap3A_285], %swap3A_288 {strides = array<i32>} : memref<64xi32, #tpu.memory_space<vmem>>, vector<16xi32>,
    %min3A_289 = arith.constant 99999 : i32
    %min3A_290 = vector.broadcast %min3A_289 : i32 to vector<16xi32>
    %min3A_291 = arith.minsi %shift_right_arithmetic3A_273, %min3A_290 : vector<16xi32>
    %swap3A_292 = arith.constant 16 : index
    %swap3A_293 = tpu.vector_load %arg14[%swap3A_292] {strides = array<i32>} : memref<64xi32, #tpu.memory_space<vmem>>, vector<16xi32>,
    %swap3A_294 = vector.shape_cast %swap3A_293 : vector<16xi32> to vector<16xi32>
    %swap3A_295 = vector.shape_cast %min3A_291 : vector<16xi32> to vector<16xi32>
    tpu.vector_store %arg14[%swap3A_292], %swap3A_295 {strides = array<i32>} : memref<64xi32, #tpu.memory_space<vmem>>, vector<16xi32>,
    %min3A_296 = arith.constant 99999 : i32
    %min3A_297 = vector.broadcast %min3A_296 : i32 to vector<16xi32>
    %min3A_298 = arith.minsi %shift_right_arithmetic3A_277, %min3A_297 : vector<16xi32>
    %swap3A_299 = arith.constant 32 : index
    %swap3A_300 = tpu.vector_load %arg14[%swap3A_299] {strides = array<i32>} : memref<64xi32, #tpu.memory_space<vmem>>, vector<16xi32>,
    %swap3A_301 = vector.shape_cast %swap3A_300 : vector<16xi32> to vector<16xi32>
    %swap3A_302 = vector.shape_cast %min3A_298 : vector<16xi32> to vector<16xi32>
    tpu.vector_store %arg14[%swap3A_299], %swap3A_302 {strides = array<i32>} : memref<64xi32, #tpu.memory_space<vmem>>, vector<16xi32>,
    %min3A_303 = arith.constant 99999 : i32
    %min3A_304 = vector.broadcast %min3A_303 : i32 to vector<16xi32>
    %min3A_305 = arith.minsi %shift_right_arithmetic3A_281, %min3A_304 : vector<16xi32>
    %swap3A_306 = arith.constant 48 : index
    %swap3A_307 = tpu.vector_load %arg14[%swap3A_306] {strides = array<i32>} : memref<64xi32, #tpu.memory_space<vmem>>, vector<16xi32>,
    %swap3A_308 = vector.shape_cast %swap3A_307 : vector<16xi32> to vector<16xi32>
    %swap3A_309 = vector.shape_cast %min3A_305 : vector<16xi32> to vector<16xi32>
    tpu.vector_store %arg14[%swap3A_306], %swap3A_309 {strides = array<i32>} : memref<64xi32, #tpu.memory_space<vmem>>, vector<16xi32>,
    %dma_start3A_310 = arith.constant 0 : i32
    %dma_start3A_311 = tpu.memref_slice %arg3[%dma_start3A_310] : memref<100000xi32, #tpu.memory_space<hbm>> -> memref<100000xi32, #tpu.memory_space<hbm>>
    tpu.enqueue_indirect_dma source(%dma_start3A_311 : memref<100000xi32, #tpu.memory_space<hbm>>) target(%arg15 : memref<64xi32, #tpu.memory_space<vmem>>) offsets(%arg14 : memref<64xi32, #tpu.memory_space<vmem>>) semaphore(%arg16 : memref<!tpu.dma_semaphore, #tpu.memory_space<semaphore_mem>>)
    %mul3A_312 = arith.constant 25 : i32
    %mul3A_313 = arith.muli %add3A, %mul3A_312 : i32
    %add3A_314 = arith.constant 5 : i32
    %add3A_315 = arith.addi %mul3A_313, %add3A_314 : i32
    %mul3A_316 = arith.constant 128 : i32
    %mul3A_317 = arith.muli %add3A_315, %mul3A_316 : i32
    %min3A_318 = arith.constant 99872 : i32
    %min3A_319 = arith.minsi %mul3A_317, %min3A_318 : i32
    %multiple_of3A_320 = tpu.assume_multiple %min3A_319, 8 : i32
    %dma_start3A_321 = arith.constant 5 : i32
    %dma_start3A_322 = arith.constant 0 : i32
    %dma_start3A_323 = arith.constant 0 : i32
    %dma_start3A_324 = tpu.memref_slice %arg7[%dma_start3A_321, %dma_start3A_322, %dma_start3A_323] : memref<6x128x128xf32, #tpu.memory_space<vmem>> -> memref<1x128x128xf32, #tpu.memory_space<vmem>>
    %dma_start3A_325 = tpu.memref_squeeze %dma_start3A_324 : memref<1x128x128xf32, #tpu.memory_space<vmem>> -> memref<128x128xf32, #tpu.memory_space<vmem>>
    %dma_start3A_326 = arith.constant 0 : i32
    %dma_start3A_327 = tpu.memref_slice %arg2[%multiple_of3A_320, %dma_start3A_326] : memref<100000x128xf32, #tpu.memory_space<hbm>> -> memref<128x128xf32, #tpu.memory_space<hbm>>
    %dma_start3A_328 = arith.constant 0 : i32
    %dma_start3A_329 = arith.constant 0 : i32
    %dma_start3A_330 = tpu.memref_slice %arg7[%dma_start3A_321, %dma_start3A_328, %dma_start3A_329] : memref<6x128x128xf32, #tpu.memory_space<vmem>> -> memref<1x128x128xf32, #tpu.memory_space<vmem>>
    %dma_start3A_331 = tpu.memref_squeeze %dma_start3A_330 : memref<1x128x128xf32, #tpu.memory_space<vmem>> -> memref<128x128xf32, #tpu.memory_space<vmem>>
    %dma_start3A_332 = arith.constant 0 : i32
    %dma_start3A_333 = tpu.memref_slice %arg2[%multiple_of3A_320, %dma_start3A_332] : memref<100000x128xf32, #tpu.memory_space<hbm>> -> memref<128x128xf32, #tpu.memory_space<hbm>>
    tpu.enqueue_dma source(%dma_start3A_333 : memref<128x128xf32, #tpu.memory_space<hbm>>) target(%dma_start3A_331 : memref<128x128xf32, #tpu.memory_space<vmem>>) target_semaphore(%arg22 : memref<!tpu.dma_semaphore, #tpu.memory_space<semaphore_mem>>)
    %mul3A_334 = arith.constant 128 : i32
    %mul3A_335 = arith.muli %add3A_315, %mul3A_334 : i32
    %dma_start3A_336 = tpu.memref_slice %arg4[%mul3A_335] : memref<102400xi32, #tpu.memory_space<hbm>> -> memref<128xi32, #tpu.memory_space<hbm>>
    %dma_start3A_337 = tpu.memref_slice %arg4[%mul3A_335] : memref<102400xi32, #tpu.memory_space<hbm>> -> memref<128xi32, #tpu.memory_space<hbm>>
    tpu.enqueue_dma source(%dma_start3A_337 : memref<128xi32, #tpu.memory_space<hbm>>) target(%arg13 : memref<128xi32, #tpu.memory_space<vmem>>) target_semaphore(%arg22 : memref<!tpu.dma_semaphore, #tpu.memory_space<semaphore_mem>>)
    %dma_wait3A_338 = arith.constant 1 : i32
    %dma_wait3A_339 = arith.constant 0 : i32
    %dma_wait3A_340 = arith.constant 0 : i32
    %dma_wait3A_341 = tpu.memref_slice %arg7[%dma_wait3A_338, %dma_wait3A_339, %dma_wait3A_340] : memref<6x128x128xf32, #tpu.memory_space<vmem>> -> memref<1x128x128xf32, #tpu.memory_space<vmem>>
    %dma_wait3A_342 = tpu.memref_squeeze %dma_wait3A_341 : memref<1x128x128xf32, #tpu.memory_space<vmem>> -> memref<128x128xf32, #tpu.memory_space<vmem>>
    %dma_wait3A_343 = arith.constant 0 : i32
    %dma_wait3A_344 = tpu.memref_slice %arg2[%multiple_of3A_69, %dma_wait3A_343] : memref<100000x128xf32, #tpu.memory_space<hbm>> -> memref<128x128xf32, #tpu.memory_space<hbm>>
    %dma_wait3A_345 = arith.constant 0 : i32
    %dma_wait3A_346 = arith.constant 0 : i32
    %dma_wait3A_347 = tpu.memref_slice %arg7[%dma_wait3A_338, %dma_wait3A_345, %dma_wait3A_346] : memref<6x128x128xf32, #tpu.memory_space<vmem>> -> memref<1x128x128xf32, #tpu.memory_space<vmem>>
    %dma_wait3A_348 = tpu.memref_squeeze %dma_wait3A_347 : memref<1x128x128xf32, #tpu.memory_space<vmem>> -> memref<128x128xf32, #tpu.memory_space<vmem>>
    %dma_wait3A_349 = arith.constant 0 : i32
    %dma_wait3A_350 = tpu.memref_slice %arg2[%multiple_of3A_69, %dma_wait3A_349] : memref<100000x128xf32, #tpu.memory_space<hbm>> -> memref<128x128xf32, #tpu.memory_space<hbm>>
    tpu.wait_dma2 semaphore(%arg18 : memref<!tpu.dma_semaphore, #tpu.memory_space<semaphore_mem>>) src(%dma_wait3A_350 : memref<128x128xf32, #tpu.memory_space<hbm>>) dst(%dma_wait3A_348 : memref<128x128xf32, #tpu.memory_space<vmem>>)
    %dma_wait3A_351 = tpu.memref_slice %arg4[%mul3A_84] : memref<102400xi32, #tpu.memory_space<hbm>> -> memref<128xi32, #tpu.memory_space<hbm>>
    %dma_wait3A_352 = tpu.memref_slice %arg4[%mul3A_84] : memref<102400xi32, #tpu.memory_space<hbm>> -> memref<128xi32, #tpu.memory_space<hbm>>
    tpu.wait_dma2 semaphore(%arg18 : memref<!tpu.dma_semaphore, #tpu.memory_space<semaphore_mem>>) src(%dma_wait3A_352 : memref<128xi32, #tpu.memory_space<hbm>>) dst(%arg9 : memref<128xi32, #tpu.memory_space<vmem>>)
    %dma_start3A_353 = arith.constant 1 : i32
    %dma_start3A_354 = arith.constant 0 : i32
    %dma_start3A_355 = arith.constant 0 : i32
    %dma_start3A_356 = tpu.memref_slice %arg7[%dma_start3A_353, %dma_start3A_354, %dma_start3A_355] : memref<6x128x128xf32, #tpu.memory_space<vmem>> -> memref<1x128x128xf32, #tpu.memory_space<vmem>>
    %dma_start3A_357 = tpu.memref_squeeze %dma_start3A_356 : memref<1x128x128xf32, #tpu.memory_space<vmem>> -> memref<128x128xf32, #tpu.memory_space<vmem>>
    %dma_start3A_358 = arith.constant 0 : i32
    %dma_start3A_359 = arith.constant 0 : i32
    %dma_start3A_360 = tpu.memref_slice %arg30[%dma_start3A_358, %dma_start3A_359] : memref<1152x128xf32, #tpu.memory_space<vmem_shared>> -> memref<1152x128xf32, #tpu.memory_space<vmem_shared>>
    tpu.enqueue_indirect_dma source(%dma_start3A_357 : memref<128x128xf32, #tpu.memory_space<vmem>>) target(%dma_start3A_360 : memref<1152x128xf32, #tpu.memory_space<vmem_shared>>) offsets(%arg9 : memref<128xi32, #tpu.memory_space<vmem>>) semaphore(%arg24 : memref<!tpu.dma_semaphore, #tpu.memory_space<semaphore_mem>>) {add = true}
    %dma_wait3A_361 = arith.constant 0 : i32
    %dma_wait3A_362 = tpu.memref_slice %arg3[%dma_wait3A_361] : memref<100000xi32, #tpu.memory_space<hbm>> -> memref<100000xi32, #tpu.memory_space<hbm>>
    tpu.wait_indirect_dma semaphore(%arg16 : memref<!tpu.dma_semaphore, #tpu.memory_space<semaphore_mem>>) src(%dma_wait3A_362 : memref<100000xi32, #tpu.memory_space<hbm>>) dst(%arg15 : memref<64xi32, #tpu.memory_space<vmem>>)
    %get3A_363 = arith.constant 0 : index
    %get3A_364 = tpu.vector_load %arg15[%get3A_363] {strides = array<i32>} : memref<64xi32, #tpu.memory_space<vmem>>, vector<16xi32>,
    %get3A_365 = vector.shape_cast %get3A_364 : vector<16xi32> to vector<16xi32>
    %lt3A_366 = arith.cmpi slt, %get3A_365, %add3A_12 : vector<16xi32>
    %add3A_367 = arith.constant 1 : i32
    %add3A_368 = vector.broadcast %add3A_367 : i32 to vector<16xi32>
    %add3A_369 = arith.addi %shift_right_arithmetic3A_269, %add3A_368 : vector<16xi32>
    %select_n3A_370 = arith.select %lt3A_366, %add3A_369, %select_n3A : vector<16xi1>, vector<16xi32>
    %select_n3A_371 = arith.select %lt3A_366, %select_n3A_238, %shift_right_arithmetic3A_269 : vector<16xi1>, vector<16xi32>
    %get3A_372 = arith.constant 16 : index
    %get3A_373 = tpu.vector_load %arg15[%get3A_372] {strides = array<i32>} : memref<64xi32, #tpu.memory_space<vmem>>, vector<16xi32>,
    %get3A_374 = vector.shape_cast %get3A_373 : vector<16xi32> to vector<16xi32>
    %lt3A_375 = arith.cmpi slt, %get3A_374, %add3A_18 : vector<16xi32>
    %add3A_376 = arith.constant 1 : i32
    %add3A_377 = vector.broadcast %add3A_376 : i32 to vector<16xi32>
    %add3A_378 = arith.addi %shift_right_arithmetic3A_273, %add3A_377 : vector<16xi32>
    %select_n3A_379 = arith.select %lt3A_375, %add3A_378, %select_n3A_246 : vector<16xi1>, vector<16xi32>
    %select_n3A_380 = arith.select %lt3A_375, %select_n3A_247, %shift_right_arithmetic3A_273 : vector<16xi1>, vector<16xi32>
    %get3A_381 = arith.constant 32 : index
    %get3A_382 = tpu.vector_load %arg15[%get3A_381] {strides = array<i32>} : memref<64xi32, #tpu.memory_space<vmem>>, vector<16xi32>,
    %get3A_383 = vector.shape_cast %get3A_382 : vector<16xi32> to vector<16xi32>
    %lt3A_384 = arith.cmpi slt, %get3A_383, %add3A_15 : vector<16xi32>
    %add3A_385 = arith.constant 1 : i32
    %add3A_386 = vector.broadcast %add3A_385 : i32 to vector<16xi32>
    %add3A_387 = arith.addi %shift_right_arithmetic3A_277, %add3A_386 : vector<16xi32>
    %select_n3A_388 = arith.select %lt3A_384, %add3A_387, %select_n3A_255 : vector<16xi1>, vector<16xi32>
    %select_n3A_389 = arith.select %lt3A_384, %select_n3A_256, %shift_right_arithmetic3A_277 : vector<16xi1>, vector<16xi32>
    %get3A_390 = arith.constant 48 : index
    %get3A_391 = tpu.vector_load %arg15[%get3A_390] {strides = array<i32>} : memref<64xi32, #tpu.memory_space<vmem>>, vector<16xi32>,
    %get3A_392 = vector.shape_cast %get3A_391 : vector<16xi32> to vector<16xi32>
    %lt3A_393 = arith.cmpi slt, %get3A_392, %add3A_21 : vector<16xi32>
    %add3A_394 = arith.constant 1 : i32
    %add3A_395 = vector.broadcast %add3A_394 : i32 to vector<16xi32>
    %add3A_396 = arith.addi %shift_right_arithmetic3A_281, %add3A_395 : vector<16xi32>
    %select_n3A_397 = arith.select %lt3A_393, %add3A_396, %select_n3A_264 : vector<16xi1>, vector<16xi32>
    %select_n3A_398 = arith.select %lt3A_393, %select_n3A_265, %shift_right_arithmetic3A_281 : vector<16xi1>, vector<16xi32>
    %add3A_399 = arith.addi %select_n3A_370, %select_n3A_371 : vector<16xi32>
    %shift_right_arithmetic3A_400 = arith.constant 1 : i32
    %shift_right_arithmetic3A_401 = vector.broadcast %shift_right_arithmetic3A_400 : i32 to vector<16xi32>
    %shift_right_arithmetic3A_402 = arith.shrsi %add3A_399, %shift_right_arithmetic3A_401 : vector<16xi32>
    %add3A_403 = arith.addi %select_n3A_379, %select_n3A_380 : vector<16xi32>
    %shift_right_arithmetic3A_404 = arith.constant 1 : i32
    %shift_right_arithmetic3A_405 = vector.broadcast %shift_right_arithmetic3A_404 : i32 to vector<16xi32>
    %shift_right_arithmetic3A_406 = arith.shrsi %add3A_403, %shift_right_arithmetic3A_405 : vector<16xi32>
    %add3A_407 = arith.addi %select_n3A_388, %select_n3A_389 : vector<16xi32>
    %shift_right_arithmetic3A_408 = arith.constant 1 : i32
    %shift_right_arithmetic3A_409 = vector.broadcast %shift_right_arithmetic3A_408 : i32 to vector<16xi32>
    %shift_right_arithmetic3A_410 = arith.shrsi %add3A_407, %shift_right_arithmetic3A_409 : vector<16xi32>
    %add3A_411 = arith.addi %select_n3A_397, %select_n3A_398 : vector<16xi32>
    %shift_right_arithmetic3A_412 = arith.constant 1 : i32
    %shift_right_arithmetic3A_413 = vector.broadcast %shift_right_arithmetic3A_412 : i32 to vector<16xi32>
    %shift_right_arithmetic3A_414 = arith.shrsi %add3A_411, %shift_right_arithmetic3A_413 : vector<16xi32>
    %min3A_415 = arith.constant 99999 : i32
    %min3A_416 = vector.broadcast %min3A_415 : i32 to vector<16xi32>
    %min3A_417 = arith.minsi %shift_right_arithmetic3A_402, %min3A_416 : vector<16xi32>
    %swap3A_418 = arith.constant 0 : index
    %swap3A_419 = tpu.vector_load %arg14[%swap3A_418] {strides = array<i32>} : memref<64xi32, #tpu.memory_space<vmem>>, vector<16xi32>,
    %swap3A_420 = vector.shape_cast %swap3A_419 : vector<16xi32> to vector<16xi32>
    %swap3A_421 = vector.shape_cast %min3A_417 : vector<16xi32> to vector<16xi32>
    tpu.vector_store %arg14[%swap3A_418], %swap3A_421 {strides = array<i32>} : memref<64xi32, #tpu.memory_space<vmem>>, vector<16xi32>,
    %min3A_422 = arith.constant 99999 : i32
    %min3A_423 = vector.broadcast %min3A_422 : i32 to vector<16xi32>
    %min3A_424 = arith.minsi %shift_right_arithmetic3A_406, %min3A_423 : vector<16xi32>
    %swap3A_425 = arith.constant 16 : index
    %swap3A_426 = tpu.vector_load %arg14[%swap3A_425] {strides = array<i32>} : memref<64xi32, #tpu.memory_space<vmem>>, vector<16xi32>,
    %swap3A_427 = vector.shape_cast %swap3A_426 : vector<16xi32> to vector<16xi32>
    %swap3A_428 = vector.shape_cast %min3A_424 : vector<16xi32> to vector<16xi32>
    tpu.vector_store %arg14[%swap3A_425], %swap3A_428 {strides = array<i32>} : memref<64xi32, #tpu.memory_space<vmem>>, vector<16xi32>,
    %min3A_429 = arith.constant 99999 : i32
    %min3A_430 = vector.broadcast %min3A_429 : i32 to vector<16xi32>
    %min3A_431 = arith.minsi %shift_right_arithmetic3A_410, %min3A_430 : vector<16xi32>
    %swap3A_432 = arith.constant 32 : index
    %swap3A_433 = tpu.vector_load %arg14[%swap3A_432] {strides = array<i32>} : memref<64xi32, #tpu.memory_space<vmem>>, vector<16xi32>,
    %swap3A_434 = vector.shape_cast %swap3A_433 : vector<16xi32> to vector<16xi32>
    %swap3A_435 = vector.shape_cast %min3A_431 : vector<16xi32> to vector<16xi32>
    tpu.vector_store %arg14[%swap3A_432], %swap3A_435 {strides = array<i32>} : memref<64xi32, #tpu.memory_space<vmem>>, vector<16xi32>,
    %min3A_436 = arith.constant 99999 : i32
    %min3A_437 = vector.broadcast %min3A_436 : i32 to vector<16xi32>
    %min3A_438 = arith.minsi %shift_right_arithmetic3A_414, %min3A_437 : vector<16xi32>
    %swap3A_439 = arith.constant 48 : index
    %swap3A_440 = tpu.vector_load %arg14[%swap3A_439] {strides = array<i32>} : memref<64xi32, #tpu.memory_space<vmem>>, vector<16xi32>,
    %swap3A_441 = vector.shape_cast %swap3A_440 : vector<16xi32> to vector<16xi32>
    %swap3A_442 = vector.shape_cast %min3A_438 : vector<16xi32> to vector<16xi32>
    tpu.vector_store %arg14[%swap3A_439], %swap3A_442 {strides = array<i32>} : memref<64xi32, #tpu.memory_space<vmem>>, vector<16xi32>,
    %dma_start3A_443 = arith.constant 0 : i32
    %dma_start3A_444 = tpu.memref_slice %arg3[%dma_start3A_443] : memref<100000xi32, #tpu.memory_space<hbm>> -> memref<100000xi32, #tpu.memory_space<hbm>>
    tpu.enqueue_indirect_dma source(%dma_start3A_444 : memref<100000xi32, #tpu.memory_space<hbm>>) target(%arg15 : memref<64xi32, #tpu.memory_space<vmem>>) offsets(%arg14 : memref<64xi32, #tpu.memory_space<vmem>>) semaphore(%arg16 : memref<!tpu.dma_semaphore, #tpu.memory_space<semaphore_mem>>)
    %dma_wait3A_445 = arith.constant 0 : i32
    %dma_wait3A_446 = arith.constant 0 : i32
    %dma_wait3A_447 = arith.constant 0 : i32
    %dma_wait3A_448 = tpu.memref_slice %arg7[%dma_wait3A_445, %dma_wait3A_446, %dma_wait3A_447] : memref<6x128x128xf32, #tpu.memory_space<vmem>> -> memref<1x128x128xf32, #tpu.memory_space<vmem>>
    %dma_wait3A_449 = tpu.memref_squeeze %dma_wait3A_448 : memref<1x128x128xf32, #tpu.memory_space<vmem>> -> memref<128x128xf32, #tpu.memory_space<vmem>>
    %dma_wait3A_450 = arith.constant 0 : i32
    %dma_wait3A_451 = arith.constant 0 : i32
    %dma_wait3A_452 = tpu.memref_slice %arg30[%dma_wait3A_450, %dma_wait3A_451] : memref<1152x128xf32, #tpu.memory_space<vmem_shared>> -> memref<1152x128xf32, #tpu.memory_space<vmem_shared>>
    tpu.wait_indirect_dma semaphore(%arg23 : memref<!tpu.dma_semaphore, #tpu.memory_space<semaphore_mem>>) src(%dma_wait3A_449 : memref<128x128xf32, #tpu.memory_space<vmem>>) dst(%dma_wait3A_452 : memref<1152x128xf32, #tpu.memory_space<vmem_shared>>)
    %mul3A_453 = arith.constant 25 : i32
    %mul3A_454 = arith.muli %add3A, %mul3A_453 : i32
    %add3A_455 = arith.constant 6 : i32
    %add3A_456 = arith.addi %mul3A_454, %add3A_455 : i32
    %mul3A_457 = arith.constant 128 : i32
    %mul3A_458 = arith.muli %add3A_456, %mul3A_457 : i32
    %min3A_459 = arith.constant 99872 : i32
    %min3A_460 = arith.minsi %mul3A_458, %min3A_459 : i32
    %multiple_of3A_461 = tpu.assume_multiple %min3A_460, 8 : i32
    %dma_start3A_462 = arith.constant 0 : i32
    %dma_start3A_463 = arith.constant 0 : i32
    %dma_start3A_464 = arith.constant 0 : i32
    %dma_start3A_465 = tpu.memref_slice %arg7[%dma_start3A_462, %dma_start3A_463, %dma_start3A_464] : memref<6x128x128xf32, #tpu.memory_space<vmem>> -> memref<1x128x128xf32, #tpu.memory_space<vmem>>
    %dma_start3A_466 = tpu.memref_squeeze %dma_start3A_465 : memref<1x128x128xf32, #tpu.memory_space<vmem>> -> memref<128x128xf32, #tpu.memory_space<vmem>>
    %dma_start3A_467 = arith.constant 0 : i32
    %dma_start3A_468 = tpu.memref_slice %arg2[%multiple_of3A_461, %dma_start3A_467] : memref<100000x128xf32, #tpu.memory_space<hbm>> -> memref<128x128xf32, #tpu.memory_space<hbm>>
    %dma_start3A_469 = arith.constant 0 : i32
    %dma_start3A_470 = arith.constant 0 : i32
    %dma_start3A_471 = tpu.memref_slice %arg7[%dma_start3A_462, %dma_start3A_469, %dma_start3A_470] : memref<6x128x128xf32, #tpu.memory_space<vmem>> -> memref<1x128x128xf32, #tpu.memory_space<vmem>>
    %dma_start3A_472 = tpu.memref_squeeze %dma_start3A_471 : memref<1x128x128xf32, #tpu.memory_space<vmem>> -> memref<128x128xf32, #tpu.memory_space<vmem>>
    %dma_start3A_473 = arith.constant 0 : i32
    %dma_start3A_474 = tpu.memref_slice %arg2[%multiple_of3A_461, %dma_start3A_473] : memref<100000x128xf32, #tpu.memory_space<hbm>> -> memref<128x128xf32, #tpu.memory_space<hbm>>
    tpu.enqueue_dma source(%dma_start3A_474 : memref<128x128xf32, #tpu.memory_space<hbm>>) target(%dma_start3A_472 : memref<128x128xf32, #tpu.memory_space<vmem>>) target_semaphore(%arg17 : memref<!tpu.dma_semaphore, #tpu.memory_space<semaphore_mem>>)
    %mul3A_475 = arith.constant 128 : i32
    %mul3A_476 = arith.muli %add3A_456, %mul3A_475 : i32
    %dma_start3A_477 = tpu.memref_slice %arg4[%mul3A_476] : memref<102400xi32, #tpu.memory_space<hbm>> -> memref<128xi32, #tpu.memory_space<hbm>>
    %dma_start3A_478 = tpu.memref_slice %arg4[%mul3A_476] : memref<102400xi32, #tpu.memory_space<hbm>> -> memref<128xi32, #tpu.memory_space<hbm>>
    tpu.enqueue_dma source(%dma_start3A_478 : memref<128xi32, #tpu.memory_space<hbm>>) target(%arg8 : memref<128xi32, #tpu.memory_space<vmem>>) target_semaphore(%arg17 : memref<!tpu.dma_semaphore, #tpu.memory_space<semaphore_mem>>)
    %dma_wait3A_479 = arith.constant 2 : i32
    %dma_wait3A_480 = arith.constant 0 : i32
    %dma_wait3A_481 = arith.constant 0 : i32
    %dma_wait3A_482 = tpu.memref_slice %arg7[%dma_wait3A_479, %dma_wait3A_480, %dma_wait3A_481] : memref<6x128x128xf32, #tpu.memory_space<vmem>> -> memref<1x128x128xf32, #tpu.memory_space<vmem>>
    %dma_wait3A_483 = tpu.memref_squeeze %dma_wait3A_482 : memref<1x128x128xf32, #tpu.memory_space<vmem>> -> memref<128x128xf32, #tpu.memory_space<vmem>>
    %dma_wait3A_484 = arith.constant 0 : i32
    %dma_wait3A_485 = tpu.memref_slice %arg2[%multiple_of3A_95, %dma_wait3A_484] : memref<100000x128xf32, #tpu.memory_space<hbm>> -> memref<128x128xf32, #tpu.memory_space<hbm>>
    %dma_wait3A_486 = arith.constant 0 : i32
    %dma_wait3A_487 = arith.constant 0 : i32
    %dma_wait3A_488 = tpu.memref_slice %arg7[%dma_wait3A_479, %dma_wait3A_486, %dma_wait3A_487] : memref<6x128x128xf32, #tpu.memory_space<vmem>> -> memref<1x128x128xf32, #tpu.memory_space<vmem>>
    %dma_wait3A_489 = tpu.memref_squeeze %dma_wait3A_488 : memref<1x128x128xf32, #tpu.memory_space<vmem>> -> memref<128x128xf32, #tpu.memory_space<vmem>>
    %dma_wait3A_490 = arith.constant 0 : i32
    %dma_wait3A_491 = tpu.memref_slice %arg2[%multiple_of3A_95, %dma_wait3A_490] : memref<100000x128xf32, #tpu.memory_space<hbm>> -> memref<128x128xf32, #tpu.memory_space<hbm>>
    tpu.wait_dma2 semaphore(%arg19 : memref<!tpu.dma_semaphore, #tpu.memory_space<semaphore_mem>>) src(%dma_wait3A_491 : memref<128x128xf32, #tpu.memory_space<hbm>>) dst(%dma_wait3A_489 : memref<128x128xf32, #tpu.memory_space<vmem>>)
    %dma_wait3A_492 = tpu.memref_slice %arg4[%mul3A_110] : memref<102400xi32, #tpu.memory_space<hbm>> -> memref<128xi32, #tpu.memory_space<hbm>>
    %dma_wait3A_493 = tpu.memref_slice %arg4[%mul3A_110] : memref<102400xi32, #tpu.memory_space<hbm>> -> memref<128xi32, #tpu.memory_space<hbm>>
    tpu.wait_dma2 semaphore(%arg19 : memref<!tpu.dma_semaphore, #tpu.memory_space<semaphore_mem>>) src(%dma_wait3A_493 : memref<128xi32, #tpu.memory_space<hbm>>) dst(%arg10 : memref<128xi32, #tpu.memory_space<vmem>>)
    %dma_start3A_494 = arith.constant 2 : i32
    %dma_start3A_495 = arith.constant 0 : i32
    %dma_start3A_496 = arith.constant 0 : i32
    %dma_start3A_497 = tpu.memref_slice %arg7[%dma_start3A_494, %dma_start3A_495, %dma_start3A_496] : memref<6x128x128xf32, #tpu.memory_space<vmem>> -> memref<1x128x128xf32, #tpu.memory_space<vmem>>
    %dma_start3A_498 = tpu.memref_squeeze %dma_start3A_497 : memref<1x128x128xf32, #tpu.memory_space<vmem>> -> memref<128x128xf32, #tpu.memory_space<vmem>>
    %dma_start3A_499 = arith.constant 0 : i32
    %dma_start3A_500 = arith.constant 0 : i32
    %dma_start3A_501 = tpu.memref_slice %arg30[%dma_start3A_499, %dma_start3A_500] : memref<1152x128xf32, #tpu.memory_space<vmem_shared>> -> memref<1152x128xf32, #tpu.memory_space<vmem_shared>>
    tpu.enqueue_indirect_dma source(%dma_start3A_498 : memref<128x128xf32, #tpu.memory_space<vmem>>) target(%dma_start3A_501 : memref<1152x128xf32, #tpu.memory_space<vmem_shared>>) offsets(%arg10 : memref<128xi32, #tpu.memory_space<vmem>>) semaphore(%arg25 : memref<!tpu.dma_semaphore, #tpu.memory_space<semaphore_mem>>) {add = true}
    %dma_wait3A_502 = arith.constant 0 : i32
    %dma_wait3A_503 = tpu.memref_slice %arg3[%dma_wait3A_502] : memref<100000xi32, #tpu.memory_space<hbm>> -> memref<100000xi32, #tpu.memory_space<hbm>>
    tpu.wait_indirect_dma semaphore(%arg16 : memref<!tpu.dma_semaphore, #tpu.memory_space<semaphore_mem>>) src(%dma_wait3A_503 : memref<100000xi32, #tpu.memory_space<hbm>>) dst(%arg15 : memref<64xi32, #tpu.memory_space<vmem>>)
    %get3A_504 = arith.constant 0 : index
    %get3A_505 = tpu.vector_load %arg15[%get3A_504] {strides = array<i32>} : memref<64xi32, #tpu.memory_space<vmem>>, vector<16xi32>,
    %get3A_506 = vector.shape_cast %get3A_505 : vector<16xi32> to vector<16xi32>
    %lt3A_507 = arith.cmpi slt, %get3A_506, %add3A_12 : vector<16xi32>
    %add3A_508 = arith.constant 1 : i32
    %add3A_509 = vector.broadcast %add3A_508 : i32 to vector<16xi32>
    %add3A_510 = arith.addi %shift_right_arithmetic3A_402, %add3A_509 : vector<16xi32>
    %select_n3A_511 = arith.select %lt3A_507, %add3A_510, %select_n3A_370 : vector<16xi1>, vector<16xi32>
    %select_n3A_512 = arith.select %lt3A_507, %select_n3A_371, %shift_right_arithmetic3A_402 : vector<16xi1>, vector<16xi32>
    %get3A_513 = arith.constant 16 : index
    %get3A_514 = tpu.vector_load %arg15[%get3A_513] {strides = array<i32>} : memref<64xi32, #tpu.memory_space<vmem>>, vector<16xi32>,
    %get3A_515 = vector.shape_cast %get3A_514 : vector<16xi32> to vector<16xi32>
    %lt3A_516 = arith.cmpi slt, %get3A_515, %add3A_18 : vector<16xi32>
    %add3A_517 = arith.constant 1 : i32
    %add3A_518 = vector.broadcast %add3A_517 : i32 to vector<16xi32>
    %add3A_519 = arith.addi %shift_right_arithmetic3A_406, %add3A_518 : vector<16xi32>
    %select_n3A_520 = arith.select %lt3A_516, %add3A_519, %select_n3A_379 : vector<16xi1>, vector<16xi32>
    %select_n3A_521 = arith.select %lt3A_516, %select_n3A_380, %shift_right_arithmetic3A_406 : vector<16xi1>, vector<16xi32>
    %get3A_522 = arith.constant 32 : index
    %get3A_523 = tpu.vector_load %arg15[%get3A_522] {strides = array<i32>} : memref<64xi32, #tpu.memory_space<vmem>>, vector<16xi32>,
    %get3A_524 = vector.shape_cast %get3A_523 : vector<16xi32> to vector<16xi32>
    %lt3A_525 = arith.cmpi slt, %get3A_524, %add3A_15 : vector<16xi32>
    %add3A_526 = arith.constant 1 : i32
    %add3A_527 = vector.broadcast %add3A_526 : i32 to vector<16xi32>
    %add3A_528 = arith.addi %shift_right_arithmetic3A_410, %add3A_527 : vector<16xi32>
    %select_n3A_529 = arith.select %lt3A_525, %add3A_528, %select_n3A_388 : vector<16xi1>, vector<16xi32>
    %select_n3A_530 = arith.select %lt3A_525, %select_n3A_389, %shift_right_arithmetic3A_410 : vector<16xi1>, vector<16xi32>
    %get3A_531 = arith.constant 48 : index
    %get3A_532 = tpu.vector_load %arg15[%get3A_531] {strides = array<i32>} : memref<64xi32, #tpu.memory_space<vmem>>, vector<16xi32>,
    %get3A_533 = vector.shape_cast %get3A_532 : vector<16xi32> to vector<16xi32>
    %lt3A_534 = arith.cmpi slt, %get3A_533, %add3A_21 : vector<16xi32>
    %add3A_535 = arith.constant 1 : i32
    %add3A_536 = vector.broadcast %add3A_535 : i32 to vector<16xi32>
    %add3A_537 = arith.addi %shift_right_arithmetic3A_414, %add3A_536 : vector<16xi32>
    %select_n3A_538 = arith.select %lt3A_534, %add3A_537, %select_n3A_397 : vector<16xi1>, vector<16xi32>
    %select_n3A_539 = arith.select %lt3A_534, %select_n3A_398, %shift_right_arithmetic3A_414 : vector<16xi1>, vector<16xi32>
    %add3A_540 = arith.addi %select_n3A_511, %select_n3A_512 : vector<16xi32>
    %shift_right_arithmetic3A_541 = arith.constant 1 : i32
    %shift_right_arithmetic3A_542 = vector.broadcast %shift_right_arithmetic3A_541 : i32 to vector<16xi32>
    %shift_right_arithmetic3A_543 = arith.shrsi %add3A_540, %shift_right_arithmetic3A_542 : vector<16xi32>
    %add3A_544 = arith.addi %select_n3A_520, %select_n3A_521 : vector<16xi32>
    %shift_right_arithmetic3A_545 = arith.constant 1 : i32
    %shift_right_arithmetic3A_546 = vector.broadcast %shift_right_arithmetic3A_545 : i32 to vector<16xi32>
    %shift_right_arithmetic3A_547 = arith.shrsi %add3A_544, %shift_right_arithmetic3A_546 : vector<16xi32>
    %add3A_548 = arith.addi %select_n3A_529, %select_n3A_530 : vector<16xi32>
    %shift_right_arithmetic3A_549 = arith.constant 1 : i32
    %shift_right_arithmetic3A_550 = vector.broadcast %shift_right_arithmetic3A_549 : i32 to vector<16xi32>
    %shift_right_arithmetic3A_551 = arith.shrsi %add3A_548, %shift_right_arithmetic3A_550 : vector<16xi32>
    %add3A_552 = arith.addi %select_n3A_538, %select_n3A_539 : vector<16xi32>
    %shift_right_arithmetic3A_553 = arith.constant 1 : i32
    %shift_right_arithmetic3A_554 = vector.broadcast %shift_right_arithmetic3A_553 : i32 to vector<16xi32>
    %shift_right_arithmetic3A_555 = arith.shrsi %add3A_552, %shift_right_arithmetic3A_554 : vector<16xi32>
    %min3A_556 = arith.constant 99999 : i32
    %min3A_557 = vector.broadcast %min3A_556 : i32 to vector<16xi32>
    %min3A_558 = arith.minsi %shift_right_arithmetic3A_543, %min3A_557 : vector<16xi32>
    %swap3A_559 = arith.constant 0 : index
    %swap3A_560 = tpu.vector_load %arg14[%swap3A_559] {strides = array<i32>} : memref<64xi32, #tpu.memory_space<vmem>>, vector<16xi32>,
    %swap3A_561 = vector.shape_cast %swap3A_560 : vector<16xi32> to vector<16xi32>
    %swap3A_562 = vector.shape_cast %min3A_558 : vector<16xi32> to vector<16xi32>
    tpu.vector_store %arg14[%swap3A_559], %swap3A_562 {strides = array<i32>} : memref<64xi32, #tpu.memory_space<vmem>>, vector<16xi32>,
    %min3A_563 = arith.constant 99999 : i32
    %min3A_564 = vector.broadcast %min3A_563 : i32 to vector<16xi32>
    %min3A_565 = arith.minsi %shift_right_arithmetic3A_547, %min3A_564 : vector<16xi32>
    %swap3A_566 = arith.constant 16 : index
    %swap3A_567 = tpu.vector_load %arg14[%swap3A_566] {strides = array<i32>} : memref<64xi32, #tpu.memory_space<vmem>>, vector<16xi32>,
    %swap3A_568 = vector.shape_cast %swap3A_567 : vector<16xi32> to vector<16xi32>
    %swap3A_569 = vector.shape_cast %min3A_565 : vector<16xi32> to vector<16xi32>
    tpu.vector_store %arg14[%swap3A_566], %swap3A_569 {strides = array<i32>} : memref<64xi32, #tpu.memory_space<vmem>>, vector<16xi32>,
    %min3A_570 = arith.constant 99999 : i32
    %min3A_571 = vector.broadcast %min3A_570 : i32 to vector<16xi32>
    %min3A_572 = arith.minsi %shift_right_arithmetic3A_551, %min3A_571 : vector<16xi32>
    %swap3A_573 = arith.constant 32 : index
    %swap3A_574 = tpu.vector_load %arg14[%swap3A_573] {strides = array<i32>} : memref<64xi32, #tpu.memory_space<vmem>>, vector<16xi32>,
    %swap3A_575 = vector.shape_cast %swap3A_574 : vector<16xi32> to vector<16xi32>
    %swap3A_576 = vector.shape_cast %min3A_572 : vector<16xi32> to vector<16xi32>
    tpu.vector_store %arg14[%swap3A_573], %swap3A_576 {strides = array<i32>} : memref<64xi32, #tpu.memory_space<vmem>>, vector<16xi32>,
    %min3A_577 = arith.constant 99999 : i32
    %min3A_578 = vector.broadcast %min3A_577 : i32 to vector<16xi32>
    %min3A_579 = arith.minsi %shift_right_arithmetic3A_555, %min3A_578 : vector<16xi32>
    %swap3A_580 = arith.constant 48 : index
    %swap3A_581 = tpu.vector_load %arg14[%swap3A_580] {strides = array<i32>} : memref<64xi32, #tpu.memory_space<vmem>>, vector<16xi32>,
    %swap3A_582 = vector.shape_cast %swap3A_581 : vector<16xi32> to vector<16xi32>
    %swap3A_583 = vector.shape_cast %min3A_579 : vector<16xi32> to vector<16xi32>
    tpu.vector_store %arg14[%swap3A_580], %swap3A_583 {strides = array<i32>} : memref<64xi32, #tpu.memory_space<vmem>>, vector<16xi32>,
    %dma_start3A_584 = arith.constant 0 : i32
    %dma_start3A_585 = tpu.memref_slice %arg3[%dma_start3A_584] : memref<100000xi32, #tpu.memory_space<hbm>> -> memref<100000xi32, #tpu.memory_space<hbm>>
    tpu.enqueue_indirect_dma source(%dma_start3A_585 : memref<100000xi32, #tpu.memory_space<hbm>>) target(%arg15 : memref<64xi32, #tpu.memory_space<vmem>>) offsets(%arg14 : memref<64xi32, #tpu.memory_space<vmem>>) semaphore(%arg16 : memref<!tpu.dma_semaphore, #tpu.memory_space<semaphore_mem>>)
    %dma_wait3A_586 = arith.constant 1 : i32
    %dma_wait3A_587 = arith.constant 0 : i32
    %dma_wait3A_588 = arith.constant 0 : i32
    %dma_wait3A_589 = tpu.memref_slice %arg7[%dma_wait3A_586, %dma_wait3A_587, %dma_wait3A_588] : memref<6x128x128xf32, #tpu.memory_space<vmem>> -> memref<1x128x128xf32, #tpu.memory_space<vmem>>
    %dma_wait3A_590 = tpu.memref_squeeze %dma_wait3A_589 : memref<1x128x128xf32, #tpu.memory_space<vmem>> -> memref<128x128xf32, #tpu.memory_space<vmem>>
    %dma_wait3A_591 = arith.constant 0 : i32
    %dma_wait3A_592 = arith.constant 0 : i32
    %dma_wait3A_593 = tpu.memref_slice %arg30[%dma_wait3A_591, %dma_wait3A_592] : memref<1152x128xf32, #tpu.memory_space<vmem_shared>> -> memref<1152x128xf32, #tpu.memory_space<vmem_shared>>
    tpu.wait_indirect_dma semaphore(%arg24 : memref<!tpu.dma_semaphore, #tpu.memory_space<semaphore_mem>>) src(%dma_wait3A_590 : memref<128x128xf32, #tpu.memory_space<vmem>>) dst(%dma_wait3A_593 : memref<1152x128xf32, #tpu.memory_space<vmem_shared>>)
    %mul3A_594 = arith.constant 25 : i32
    %mul3A_595 = arith.muli %add3A, %mul3A_594 : i32
    %add3A_596 = arith.constant 7 : i32
    %add3A_597 = arith.addi %mul3A_595, %add3A_596 : i32
    %mul3A_598 = arith.constant 128 : i32
    %mul3A_599 = arith.muli %add3A_597, %mul3A_598 : i32
    %min3A_600 = arith.constant 99872 : i32
    %min3A_601 = arith.minsi %mul3A_599, %min3A_600 : i32
    %multiple_of3A_602 = tpu.assume_multiple %min3A_601, 8 : i32
    %dma_start3A_603 = arith.constant 1 : i32
    %dma_start3A_604 = arith.constant 0 : i32
    %dma_start3A_605 = arith.constant 0 : i32
    %dma_start3A_606 = tpu.memref_slice %arg7[%dma_start3A_603, %dma_start3A_604, %dma_start3A_605] : memref<6x128x128xf32, #tpu.memory_space<vmem>> -> memref<1x128x128xf32, #tpu.memory_space<vmem>>
    %dma_start3A_607 = tpu.memref_squeeze %dma_start3A_606 : memref<1x128x128xf32, #tpu.memory_space<vmem>> -> memref<128x128xf32, #tpu.memory_space<vmem>>
    %dma_start3A_608 = arith.constant 0 : i32
    %dma_start3A_609 = tpu.memref_slice %arg2[%multiple_of3A_602, %dma_start3A_608] : memref<100000x128xf32, #tpu.memory_space<hbm>> -> memref<128x128xf32, #tpu.memory_space<hbm>>
    %dma_start3A_610 = arith.constant 0 : i32
    %dma_start3A_611 = arith.constant 0 : i32
    %dma_start3A_612 = tpu.memref_slice %arg7[%dma_start3A_603, %dma_start3A_610, %dma_start3A_611] : memref<6x128x128xf32, #tpu.memory_space<vmem>> -> memref<1x128x128xf32, #tpu.memory_space<vmem>>
    %dma_start3A_613 = tpu.memref_squeeze %dma_start3A_612 : memref<1x128x128xf32, #tpu.memory_space<vmem>> -> memref<128x128xf32, #tpu.memory_space<vmem>>
    %dma_start3A_614 = arith.constant 0 : i32
    %dma_start3A_615 = tpu.memref_slice %arg2[%multiple_of3A_602, %dma_start3A_614] : memref<100000x128xf32, #tpu.memory_space<hbm>> -> memref<128x128xf32, #tpu.memory_space<hbm>>
    tpu.enqueue_dma source(%dma_start3A_615 : memref<128x128xf32, #tpu.memory_space<hbm>>) target(%dma_start3A_613 : memref<128x128xf32, #tpu.memory_space<vmem>>) target_semaphore(%arg18 : memref<!tpu.dma_semaphore, #tpu.memory_space<semaphore_mem>>)
    %mul3A_616 = arith.constant 128 : i32
    %mul3A_617 = arith.muli %add3A_597, %mul3A_616 : i32
    %dma_start3A_618 = tpu.memref_slice %arg4[%mul3A_617] : memref<102400xi32, #tpu.memory_space<hbm>> -> memref<128xi32, #tpu.memory_space<hbm>>
    %dma_start3A_619 = tpu.memref_slice %arg4[%mul3A_617] : memref<102400xi32, #tpu.memory_space<hbm>> -> memref<128xi32, #tpu.memory_space<hbm>>
    tpu.enqueue_dma source(%dma_start3A_619 : memref<128xi32, #tpu.memory_space<hbm>>) target(%arg9 : memref<128xi32, #tpu.memory_space<vmem>>) target_semaphore(%arg18 : memref<!tpu.dma_semaphore, #tpu.memory_space<semaphore_mem>>)
    %dma_wait3A_620 = arith.constant 3 : i32
    %dma_wait3A_621 = arith.constant 0 : i32
    %dma_wait3A_622 = arith.constant 0 : i32
    %dma_wait3A_623 = tpu.memref_slice %arg7[%dma_wait3A_620, %dma_wait3A_621, %dma_wait3A_622] : memref<6x128x128xf32, #tpu.memory_space<vmem>> -> memref<1x128x128xf32, #tpu.memory_space<vmem>>
    %dma_wait3A_624 = tpu.memref_squeeze %dma_wait3A_623 : memref<1x128x128xf32, #tpu.memory_space<vmem>> -> memref<128x128xf32, #tpu.memory_space<vmem>>
    %dma_wait3A_625 = arith.constant 0 : i32
    %dma_wait3A_626 = tpu.memref_slice %arg2[%multiple_of3A_121, %dma_wait3A_625] : memref<100000x128xf32, #tpu.memory_space<hbm>> -> memref<128x128xf32, #tpu.memory_space<hbm>>
    %dma_wait3A_627 = arith.constant 0 : i32
    %dma_wait3A_628 = arith.constant 0 : i32
    %dma_wait3A_629 = tpu.memref_slice %arg7[%dma_wait3A_620, %dma_wait3A_627, %dma_wait3A_628] : memref<6x128x128xf32, #tpu.memory_space<vmem>> -> memref<1x128x128xf32, #tpu.memory_space<vmem>>
    %dma_wait3A_630 = tpu.memref_squeeze %dma_wait3A_629 : memref<1x128x128xf32, #tpu.memory_space<vmem>> -> memref<128x128xf32, #tpu.memory_space<vmem>>
    %dma_wait3A_631 = arith.constant 0 : i32
    %dma_wait3A_632 = tpu.memref_slice %arg2[%multiple_of3A_121, %dma_wait3A_631] : memref<100000x128xf32, #tpu.memory_space<hbm>> -> memref<128x128xf32, #tpu.memory_space<hbm>>
    tpu.wait_dma2 semaphore(%arg20 : memref<!tpu.dma_semaphore, #tpu.memory_space<semaphore_mem>>) src(%dma_wait3A_632 : memref<128x128xf32, #tpu.memory_space<hbm>>) dst(%dma_wait3A_630 : memref<128x128xf32, #tpu.memory_space<vmem>>)
    %dma_wait3A_633 = tpu.memref_slice %arg4[%mul3A_136] : memref<102400xi32, #tpu.memory_space<hbm>> -> memref<128xi32, #tpu.memory_space<hbm>>
    %dma_wait3A_634 = tpu.memref_slice %arg4[%mul3A_136] : memref<102400xi32, #tpu.memory_space<hbm>> -> memref<128xi32, #tpu.memory_space<hbm>>
    tpu.wait_dma2 semaphore(%arg20 : memref<!tpu.dma_semaphore, #tpu.memory_space<semaphore_mem>>) src(%dma_wait3A_634 : memref<128xi32, #tpu.memory_space<hbm>>) dst(%arg11 : memref<128xi32, #tpu.memory_space<vmem>>)
    %dma_start3A_635 = arith.constant 3 : i32
    %dma_start3A_636 = arith.constant 0 : i32
    %dma_start3A_637 = arith.constant 0 : i32
    %dma_start3A_638 = tpu.memref_slice %arg7[%dma_start3A_635, %dma_start3A_636, %dma_start3A_637] : memref<6x128x128xf32, #tpu.memory_space<vmem>> -> memref<1x128x128xf32, #tpu.memory_space<vmem>>
    %dma_start3A_639 = tpu.memref_squeeze %dma_start3A_638 : memref<1x128x128xf32, #tpu.memory_space<vmem>> -> memref<128x128xf32, #tpu.memory_space<vmem>>
    %dma_start3A_640 = arith.constant 0 : i32
    %dma_start3A_641 = arith.constant 0 : i32
    %dma_start3A_642 = tpu.memref_slice %arg30[%dma_start3A_640, %dma_start3A_641] : memref<1152x128xf32, #tpu.memory_space<vmem_shared>> -> memref<1152x128xf32, #tpu.memory_space<vmem_shared>>
    tpu.enqueue_indirect_dma source(%dma_start3A_639 : memref<128x128xf32, #tpu.memory_space<vmem>>) target(%dma_start3A_642 : memref<1152x128xf32, #tpu.memory_space<vmem_shared>>) offsets(%arg11 : memref<128xi32, #tpu.memory_space<vmem>>) semaphore(%arg26 : memref<!tpu.dma_semaphore, #tpu.memory_space<semaphore_mem>>) {add = true}
    %dma_wait3A_643 = arith.constant 0 : i32
    %dma_wait3A_644 = tpu.memref_slice %arg3[%dma_wait3A_643] : memref<100000xi32, #tpu.memory_space<hbm>> -> memref<100000xi32, #tpu.memory_space<hbm>>
    tpu.wait_indirect_dma semaphore(%arg16 : memref<!tpu.dma_semaphore, #tpu.memory_space<semaphore_mem>>) src(%dma_wait3A_644 : memref<100000xi32, #tpu.memory_space<hbm>>) dst(%arg15 : memref<64xi32, #tpu.memory_space<vmem>>)
    %get3A_645 = arith.constant 0 : index
    %get3A_646 = tpu.vector_load %arg15[%get3A_645] {strides = array<i32>} : memref<64xi32, #tpu.memory_space<vmem>>, vector<16xi32>,
    %get3A_647 = vector.shape_cast %get3A_646 : vector<16xi32> to vector<16xi32>
    %lt3A_648 = arith.cmpi slt, %get3A_647, %add3A_12 : vector<16xi32>
    %add3A_649 = arith.constant 1 : i32
    %add3A_650 = vector.broadcast %add3A_649 : i32 to vector<16xi32>
    %add3A_651 = arith.addi %shift_right_arithmetic3A_543, %add3A_650 : vector<16xi32>
    %select_n3A_652 = arith.select %lt3A_648, %add3A_651, %select_n3A_511 : vector<16xi1>, vector<16xi32>
    %select_n3A_653 = arith.select %lt3A_648, %select_n3A_512, %shift_right_arithmetic3A_543 : vector<16xi1>, vector<16xi32>
    %get3A_654 = arith.constant 16 : index
    %get3A_655 = tpu.vector_load %arg15[%get3A_654] {strides = array<i32>} : memref<64xi32, #tpu.memory_space<vmem>>, vector<16xi32>,
    %get3A_656 = vector.shape_cast %get3A_655 : vector<16xi32> to vector<16xi32>
    %lt3A_657 = arith.cmpi slt, %get3A_656, %add3A_18 : vector<16xi32>
    %add3A_658 = arith.constant 1 : i32
    %add3A_659 = vector.broadcast %add3A_658 : i32 to vector<16xi32>
    %add3A_660 = arith.addi %shift_right_arithmetic3A_547, %add3A_659 : vector<16xi32>
    %select_n3A_661 = arith.select %lt3A_657, %add3A_660, %select_n3A_520 : vector<16xi1>, vector<16xi32>
    %select_n3A_662 = arith.select %lt3A_657, %select_n3A_521, %shift_right_arithmetic3A_547 : vector<16xi1>, vector<16xi32>
    %get3A_663 = arith.constant 32 : index
    %get3A_664 = tpu.vector_load %arg15[%get3A_663] {strides = array<i32>} : memref<64xi32, #tpu.memory_space<vmem>>, vector<16xi32>,
    %get3A_665 = vector.shape_cast %get3A_664 : vector<16xi32> to vector<16xi32>
    %lt3A_666 = arith.cmpi slt, %get3A_665, %add3A_15 : vector<16xi32>
    %add3A_667 = arith.constant 1 : i32
    %add3A_668 = vector.broadcast %add3A_667 : i32 to vector<16xi32>
    %add3A_669 = arith.addi %shift_right_arithmetic3A_551, %add3A_668 : vector<16xi32>
    %select_n3A_670 = arith.select %lt3A_666, %add3A_669, %select_n3A_529 : vector<16xi1>, vector<16xi32>
    %select_n3A_671 = arith.select %lt3A_666, %select_n3A_530, %shift_right_arithmetic3A_551 : vector<16xi1>, vector<16xi32>
    %get3A_672 = arith.constant 48 : index
    %get3A_673 = tpu.vector_load %arg15[%get3A_672] {strides = array<i32>} : memref<64xi32, #tpu.memory_space<vmem>>, vector<16xi32>,
    %get3A_674 = vector.shape_cast %get3A_673 : vector<16xi32> to vector<16xi32>
    %lt3A_675 = arith.cmpi slt, %get3A_674, %add3A_21 : vector<16xi32>
    %add3A_676 = arith.constant 1 : i32
    %add3A_677 = vector.broadcast %add3A_676 : i32 to vector<16xi32>
    %add3A_678 = arith.addi %shift_right_arithmetic3A_555, %add3A_677 : vector<16xi32>
    %select_n3A_679 = arith.select %lt3A_675, %add3A_678, %select_n3A_538 : vector<16xi1>, vector<16xi32>
    %select_n3A_680 = arith.select %lt3A_675, %select_n3A_539, %shift_right_arithmetic3A_555 : vector<16xi1>, vector<16xi32>
    %add3A_681 = arith.addi %select_n3A_652, %select_n3A_653 : vector<16xi32>
    %shift_right_arithmetic3A_682 = arith.constant 1 : i32
    %shift_right_arithmetic3A_683 = vector.broadcast %shift_right_arithmetic3A_682 : i32 to vector<16xi32>
    %shift_right_arithmetic3A_684 = arith.shrsi %add3A_681, %shift_right_arithmetic3A_683 : vector<16xi32>
    %add3A_685 = arith.addi %select_n3A_661, %select_n3A_662 : vector<16xi32>
    %shift_right_arithmetic3A_686 = arith.constant 1 : i32
    %shift_right_arithmetic3A_687 = vector.broadcast %shift_right_arithmetic3A_686 : i32 to vector<16xi32>
    %shift_right_arithmetic3A_688 = arith.shrsi %add3A_685, %shift_right_arithmetic3A_687 : vector<16xi32>
    %add3A_689 = arith.addi %select_n3A_670, %select_n3A_671 : vector<16xi32>
    %shift_right_arithmetic3A_690 = arith.constant 1 : i32
    %shift_right_arithmetic3A_691 = vector.broadcast %shift_right_arithmetic3A_690 : i32 to vector<16xi32>
    %shift_right_arithmetic3A_692 = arith.shrsi %add3A_689, %shift_right_arithmetic3A_691 : vector<16xi32>
    %add3A_693 = arith.addi %select_n3A_679, %select_n3A_680 : vector<16xi32>
    %shift_right_arithmetic3A_694 = arith.constant 1 : i32
    %shift_right_arithmetic3A_695 = vector.broadcast %shift_right_arithmetic3A_694 : i32 to vector<16xi32>
    %shift_right_arithmetic3A_696 = arith.shrsi %add3A_693, %shift_right_arithmetic3A_695 : vector<16xi32>
    %min3A_697 = arith.constant 99999 : i32
    %min3A_698 = vector.broadcast %min3A_697 : i32 to vector<16xi32>
    %min3A_699 = arith.minsi %shift_right_arithmetic3A_684, %min3A_698 : vector<16xi32>
    %swap3A_700 = arith.constant 0 : index
    %swap3A_701 = tpu.vector_load %arg14[%swap3A_700] {strides = array<i32>} : memref<64xi32, #tpu.memory_space<vmem>>, vector<16xi32>,
    %swap3A_702 = vector.shape_cast %swap3A_701 : vector<16xi32> to vector<16xi32>
    %swap3A_703 = vector.shape_cast %min3A_699 : vector<16xi32> to vector<16xi32>
    tpu.vector_store %arg14[%swap3A_700], %swap3A_703 {strides = array<i32>} : memref<64xi32, #tpu.memory_space<vmem>>, vector<16xi32>,
    %min3A_704 = arith.constant 99999 : i32
    %min3A_705 = vector.broadcast %min3A_704 : i32 to vector<16xi32>
    %min3A_706 = arith.minsi %shift_right_arithmetic3A_688, %min3A_705 : vector<16xi32>
    %swap3A_707 = arith.constant 16 : index
    %swap3A_708 = tpu.vector_load %arg14[%swap3A_707] {strides = array<i32>} : memref<64xi32, #tpu.memory_space<vmem>>, vector<16xi32>,
    %swap3A_709 = vector.shape_cast %swap3A_708 : vector<16xi32> to vector<16xi32>
    %swap3A_710 = vector.shape_cast %min3A_706 : vector<16xi32> to vector<16xi32>
    tpu.vector_store %arg14[%swap3A_707], %swap3A_710 {strides = array<i32>} : memref<64xi32, #tpu.memory_space<vmem>>, vector<16xi32>,
    %min3A_711 = arith.constant 99999 : i32
    %min3A_712 = vector.broadcast %min3A_711 : i32 to vector<16xi32>
    %min3A_713 = arith.minsi %shift_right_arithmetic3A_692, %min3A_712 : vector<16xi32>
    %swap3A_714 = arith.constant 32 : index
    %swap3A_715 = tpu.vector_load %arg14[%swap3A_714] {strides = array<i32>} : memref<64xi32, #tpu.memory_space<vmem>>, vector<16xi32>,
    %swap3A_716 = vector.shape_cast %swap3A_715 : vector<16xi32> to vector<16xi32>
    %swap3A_717 = vector.shape_cast %min3A_713 : vector<16xi32> to vector<16xi32>
    tpu.vector_store %arg14[%swap3A_714], %swap3A_717 {strides = array<i32>} : memref<64xi32, #tpu.memory_space<vmem>>, vector<16xi32>,
    %min3A_718 = arith.constant 99999 : i32
    %min3A_719 = vector.broadcast %min3A_718 : i32 to vector<16xi32>
    %min3A_720 = arith.minsi %shift_right_arithmetic3A_696, %min3A_719 : vector<16xi32>
    %swap3A_721 = arith.constant 48 : index
    %swap3A_722 = tpu.vector_load %arg14[%swap3A_721] {strides = array<i32>} : memref<64xi32, #tpu.memory_space<vmem>>, vector<16xi32>,
    %swap3A_723 = vector.shape_cast %swap3A_722 : vector<16xi32> to vector<16xi32>
    %swap3A_724 = vector.shape_cast %min3A_720 : vector<16xi32> to vector<16xi32>
    tpu.vector_store %arg14[%swap3A_721], %swap3A_724 {strides = array<i32>} : memref<64xi32, #tpu.memory_space<vmem>>, vector<16xi32>,
    %dma_start3A_725 = arith.constant 0 : i32
    %dma_start3A_726 = tpu.memref_slice %arg3[%dma_start3A_725] : memref<100000xi32, #tpu.memory_space<hbm>> -> memref<100000xi32, #tpu.memory_space<hbm>>
    tpu.enqueue_indirect_dma source(%dma_start3A_726 : memref<100000xi32, #tpu.memory_space<hbm>>) target(%arg15 : memref<64xi32, #tpu.memory_space<vmem>>) offsets(%arg14 : memref<64xi32, #tpu.memory_space<vmem>>) semaphore(%arg16 : memref<!tpu.dma_semaphore, #tpu.memory_space<semaphore_mem>>)
    %dma_wait3A_727 = arith.constant 2 : i32
    %dma_wait3A_728 = arith.constant 0 : i32
    %dma_wait3A_729 = arith.constant 0 : i32
    %dma_wait3A_730 = tpu.memref_slice %arg7[%dma_wait3A_727, %dma_wait3A_728, %dma_wait3A_729] : memref<6x128x128xf32, #tpu.memory_space<vmem>> -> memref<1x128x128xf32, #tpu.memory_space<vmem>>
    %dma_wait3A_731 = tpu.memref_squeeze %dma_wait3A_730 : memref<1x128x128xf32, #tpu.memory_space<vmem>> -> memref<128x128xf32, #tpu.memory_space<vmem>>
    %dma_wait3A_732 = arith.constant 0 : i32
    %dma_wait3A_733 = arith.constant 0 : i32
    %dma_wait3A_734 = tpu.memref_slice %arg30[%dma_wait3A_732, %dma_wait3A_733] : memref<1152x128xf32, #tpu.memory_space<vmem_shared>> -> memref<1152x128xf32, #tpu.memory_space<vmem_shared>>
    tpu.wait_indirect_dma semaphore(%arg25 : memref<!tpu.dma_semaphore, #tpu.memory_space<semaphore_mem>>) src(%dma_wait3A_731 : memref<128x128xf32, #tpu.memory_space<vmem>>) dst(%dma_wait3A_734 : memref<1152x128xf32, #tpu.memory_space<vmem_shared>>)
    %mul3A_735 = arith.constant 25 : i32
    %mul3A_736 = arith.muli %add3A, %mul3A_735 : i32
    %add3A_737 = arith.constant 8 : i32
    %add3A_738 = arith.addi %mul3A_736, %add3A_737 : i32
    %mul3A_739 = arith.constant 128 : i32
    %mul3A_740 = arith.muli %add3A_738, %mul3A_739 : i32
    %min3A_741 = arith.constant 99872 : i32
    %min3A_742 = arith.minsi %mul3A_740, %min3A_741 : i32
    %multiple_of3A_743 = tpu.assume_multiple %min3A_742, 8 : i32
    %dma_start3A_744 = arith.constant 2 : i32
    %dma_start3A_745 = arith.constant 0 : i32
    %dma_start3A_746 = arith.constant 0 : i32
    %dma_start3A_747 = tpu.memref_slice %arg7[%dma_start3A_744, %dma_start3A_745, %dma_start3A_746] : memref<6x128x128xf32, #tpu.memory_space<vmem>> -> memref<1x128x128xf32, #tpu.memory_space<vmem>>
    %dma_start3A_748 = tpu.memref_squeeze %dma_start3A_747 : memref<1x128x128xf32, #tpu.memory_space<vmem>> -> memref<128x128xf32, #tpu.memory_space<vmem>>
    %dma_start3A_749 = arith.constant 0 : i32
    %dma_start3A_750 = tpu.memref_slice %arg2[%multiple_of3A_743, %dma_start3A_749] : memref<100000x128xf32, #tpu.memory_space<hbm>> -> memref<128x128xf32, #tpu.memory_space<hbm>>
    %dma_start3A_751 = arith.constant 0 : i32
    %dma_start3A_752 = arith.constant 0 : i32
    %dma_start3A_753 = tpu.memref_slice %arg7[%dma_start3A_744, %dma_start3A_751, %dma_start3A_752] : memref<6x128x128xf32, #tpu.memory_space<vmem>> -> memref<1x128x128xf32, #tpu.memory_space<vmem>>
    %dma_start3A_754 = tpu.memref_squeeze %dma_start3A_753 : memref<1x128x128xf32, #tpu.memory_space<vmem>> -> memref<128x128xf32, #tpu.memory_space<vmem>>
    %dma_start3A_755 = arith.constant 0 : i32
    %dma_start3A_756 = tpu.memref_slice %arg2[%multiple_of3A_743, %dma_start3A_755] : memref<100000x128xf32, #tpu.memory_space<hbm>> -> memref<128x128xf32, #tpu.memory_space<hbm>>
    tpu.enqueue_dma source(%dma_start3A_756 : memref<128x128xf32, #tpu.memory_space<hbm>>) target(%dma_start3A_754 : memref<128x128xf32, #tpu.memory_space<vmem>>) target_semaphore(%arg19 : memref<!tpu.dma_semaphore, #tpu.memory_space<semaphore_mem>>)
    %mul3A_757 = arith.constant 128 : i32
    %mul3A_758 = arith.muli %add3A_738, %mul3A_757 : i32
    %dma_start3A_759 = tpu.memref_slice %arg4[%mul3A_758] : memref<102400xi32, #tpu.memory_space<hbm>> -> memref<128xi32, #tpu.memory_space<hbm>>
    %dma_start3A_760 = tpu.memref_slice %arg4[%mul3A_758] : memref<102400xi32, #tpu.memory_space<hbm>> -> memref<128xi32, #tpu.memory_space<hbm>>
    tpu.enqueue_dma source(%dma_start3A_760 : memref<128xi32, #tpu.memory_space<hbm>>) target(%arg10 : memref<128xi32, #tpu.memory_space<vmem>>) target_semaphore(%arg19 : memref<!tpu.dma_semaphore, #tpu.memory_space<semaphore_mem>>)
    %dma_wait3A_761 = arith.constant 4 : i32
    %dma_wait3A_762 = arith.constant 0 : i32
    %dma_wait3A_763 = arith.constant 0 : i32
    %dma_wait3A_764 = tpu.memref_slice %arg7[%dma_wait3A_761, %dma_wait3A_762, %dma_wait3A_763] : memref<6x128x128xf32, #tpu.memory_space<vmem>> -> memref<1x128x128xf32, #tpu.memory_space<vmem>>
    %dma_wait3A_765 = tpu.memref_squeeze %dma_wait3A_764 : memref<1x128x128xf32, #tpu.memory_space<vmem>> -> memref<128x128xf32, #tpu.memory_space<vmem>>
    %dma_wait3A_766 = arith.constant 0 : i32
    %dma_wait3A_767 = tpu.memref_slice %arg2[%multiple_of3A_191, %dma_wait3A_766] : memref<100000x128xf32, #tpu.memory_space<hbm>> -> memref<128x128xf32, #tpu.memory_space<hbm>>
    %dma_wait3A_768 = arith.constant 0 : i32
    %dma_wait3A_769 = arith.constant 0 : i32
    %dma_wait3A_770 = tpu.memref_slice %arg7[%dma_wait3A_761, %dma_wait3A_768, %dma_wait3A_769] : memref<6x128x128xf32, #tpu.memory_space<vmem>> -> memref<1x128x128xf32, #tpu.memory_space<vmem>>
    %dma_wait3A_771 = tpu.memref_squeeze %dma_wait3A_770 : memref<1x128x128xf32, #tpu.memory_space<vmem>> -> memref<128x128xf32, #tpu.memory_space<vmem>>
    %dma_wait3A_772 = arith.constant 0 : i32
    %dma_wait3A_773 = tpu.memref_slice %arg2[%multiple_of3A_191, %dma_wait3A_772] : memref<100000x128xf32, #tpu.memory_space<hbm>> -> memref<128x128xf32, #tpu.memory_space<hbm>>
    tpu.wait_dma2 semaphore(%arg21 : memref<!tpu.dma_semaphore, #tpu.memory_space<semaphore_mem>>) src(%dma_wait3A_773 : memref<128x128xf32, #tpu.memory_space<hbm>>) dst(%dma_wait3A_771 : memref<128x128xf32, #tpu.memory_space<vmem>>)
    %dma_wait3A_774 = tpu.memref_slice %arg4[%mul3A_206] : memref<102400xi32, #tpu.memory_space<hbm>> -> memref<128xi32, #tpu.memory_space<hbm>>
    %dma_wait3A_775 = tpu.memref_slice %arg4[%mul3A_206] : memref<102400xi32, #tpu.memory_space<hbm>> -> memref<128xi32, #tpu.memory_space<hbm>>
    tpu.wait_dma2 semaphore(%arg21 : memref<!tpu.dma_semaphore, #tpu.memory_space<semaphore_mem>>) src(%dma_wait3A_775 : memref<128xi32, #tpu.memory_space<hbm>>) dst(%arg12 : memref<128xi32, #tpu.memory_space<vmem>>)
    %dma_start3A_776 = arith.constant 4 : i32
    %dma_start3A_777 = arith.constant 0 : i32
    %dma_start3A_778 = arith.constant 0 : i32
    %dma_start3A_779 = tpu.memref_slice %arg7[%dma_start3A_776, %dma_start3A_777, %dma_start3A_778] : memref<6x128x128xf32, #tpu.memory_space<vmem>> -> memref<1x128x128xf32, #tpu.memory_space<vmem>>
    %dma_start3A_780 = tpu.memref_squeeze %dma_start3A_779 : memref<1x128x128xf32, #tpu.memory_space<vmem>> -> memref<128x128xf32, #tpu.memory_space<vmem>>
    %dma_start3A_781 = arith.constant 0 : i32
    %dma_start3A_782 = arith.constant 0 : i32
    %dma_start3A_783 = tpu.memref_slice %arg30[%dma_start3A_781, %dma_start3A_782] : memref<1152x128xf32, #tpu.memory_space<vmem_shared>> -> memref<1152x128xf32, #tpu.memory_space<vmem_shared>>
    tpu.enqueue_indirect_dma source(%dma_start3A_780 : memref<128x128xf32, #tpu.memory_space<vmem>>) target(%dma_start3A_783 : memref<1152x128xf32, #tpu.memory_space<vmem_shared>>) offsets(%arg12 : memref<128xi32, #tpu.memory_space<vmem>>) semaphore(%arg27 : memref<!tpu.dma_semaphore, #tpu.memory_space<semaphore_mem>>) {add = true}
    %dma_wait3A_784 = arith.constant 0 : i32
    %dma_wait3A_785 = tpu.memref_slice %arg3[%dma_wait3A_784] : memref<100000xi32, #tpu.memory_space<hbm>> -> memref<100000xi32, #tpu.memory_space<hbm>>
    tpu.wait_indirect_dma semaphore(%arg16 : memref<!tpu.dma_semaphore, #tpu.memory_space<semaphore_mem>>) src(%dma_wait3A_785 : memref<100000xi32, #tpu.memory_space<hbm>>) dst(%arg15 : memref<64xi32, #tpu.memory_space<vmem>>)
    %get3A_786 = arith.constant 0 : index
    %get3A_787 = tpu.vector_load %arg15[%get3A_786] {strides = array<i32>} : memref<64xi32, #tpu.memory_space<vmem>>, vector<16xi32>,
    %get3A_788 = vector.shape_cast %get3A_787 : vector<16xi32> to vector<16xi32>
    %lt3A_789 = arith.cmpi slt, %get3A_788, %add3A_12 : vector<16xi32>
    %add3A_790 = arith.constant 1 : i32
    %add3A_791 = vector.broadcast %add3A_790 : i32 to vector<16xi32>
    %add3A_792 = arith.addi %shift_right_arithmetic3A_684, %add3A_791 : vector<16xi32>
    %select_n3A_793 = arith.select %lt3A_789, %add3A_792, %select_n3A_652 : vector<16xi1>, vector<16xi32>
    %select_n3A_794 = arith.select %lt3A_789, %select_n3A_653, %shift_right_arithmetic3A_684 : vector<16xi1>, vector<16xi32>
    %get3A_795 = arith.constant 16 : index
    %get3A_796 = tpu.vector_load %arg15[%get3A_795] {strides = array<i32>} : memref<64xi32, #tpu.memory_space<vmem>>, vector<16xi32>,
    %get3A_797 = vector.shape_cast %get3A_796 : vector<16xi32> to vector<16xi32>
    %lt3A_798 = arith.cmpi slt, %get3A_797, %add3A_18 : vector<16xi32>
    %add3A_799 = arith.constant 1 : i32
    %add3A_800 = vector.broadcast %add3A_799 : i32 to vector<16xi32>
    %add3A_801 = arith.addi %shift_right_arithmetic3A_688, %add3A_800 : vector<16xi32>
    %select_n3A_802 = arith.select %lt3A_798, %add3A_801, %select_n3A_661 : vector<16xi1>, vector<16xi32>
    %select_n3A_803 = arith.select %lt3A_798, %select_n3A_662, %shift_right_arithmetic3A_688 : vector<16xi1>, vector<16xi32>
    %get3A_804 = arith.constant 32 : index
    %get3A_805 = tpu.vector_load %arg15[%get3A_804] {strides = array<i32>} : memref<64xi32, #tpu.memory_space<vmem>>, vector<16xi32>,
    %get3A_806 = vector.shape_cast %get3A_805 : vector<16xi32> to vector<16xi32>
    %lt3A_807 = arith.cmpi slt, %get3A_806, %add3A_15 : vector<16xi32>
    %add3A_808 = arith.constant 1 : i32
    %add3A_809 = vector.broadcast %add3A_808 : i32 to vector<16xi32>
    %add3A_810 = arith.addi %shift_right_arithmetic3A_692, %add3A_809 : vector<16xi32>
    %select_n3A_811 = arith.select %lt3A_807, %add3A_810, %select_n3A_670 : vector<16xi1>, vector<16xi32>
    %select_n3A_812 = arith.select %lt3A_807, %select_n3A_671, %shift_right_arithmetic3A_692 : vector<16xi1>, vector<16xi32>
    %get3A_813 = arith.constant 48 : index
    %get3A_814 = tpu.vector_load %arg15[%get3A_813] {strides = array<i32>} : memref<64xi32, #tpu.memory_space<vmem>>, vector<16xi32>,
    %get3A_815 = vector.shape_cast %get3A_814 : vector<16xi32> to vector<16xi32>
    %lt3A_816 = arith.cmpi slt, %get3A_815, %add3A_21 : vector<16xi32>
    %add3A_817 = arith.constant 1 : i32
    %add3A_818 = vector.broadcast %add3A_817 : i32 to vector<16xi32>
    %add3A_819 = arith.addi %shift_right_arithmetic3A_696, %add3A_818 : vector<16xi32>
    %select_n3A_820 = arith.select %lt3A_816, %add3A_819, %select_n3A_679 : vector<16xi1>, vector<16xi32>
    %select_n3A_821 = arith.select %lt3A_816, %select_n3A_680, %shift_right_arithmetic3A_696 : vector<16xi1>, vector<16xi32>
    %add3A_822 = arith.addi %select_n3A_793, %select_n3A_794 : vector<16xi32>
    %shift_right_arithmetic3A_823 = arith.constant 1 : i32
    %shift_right_arithmetic3A_824 = vector.broadcast %shift_right_arithmetic3A_823 : i32 to vector<16xi32>
    %shift_right_arithmetic3A_825 = arith.shrsi %add3A_822, %shift_right_arithmetic3A_824 : vector<16xi32>
    %add3A_826 = arith.addi %select_n3A_802, %select_n3A_803 : vector<16xi32>
    %shift_right_arithmetic3A_827 = arith.constant 1 : i32
    %shift_right_arithmetic3A_828 = vector.broadcast %shift_right_arithmetic3A_827 : i32 to vector<16xi32>
    %shift_right_arithmetic3A_829 = arith.shrsi %add3A_826, %shift_right_arithmetic3A_828 : vector<16xi32>
    %add3A_830 = arith.addi %select_n3A_811, %select_n3A_812 : vector<16xi32>
    %shift_right_arithmetic3A_831 = arith.constant 1 : i32
    %shift_right_arithmetic3A_832 = vector.broadcast %shift_right_arithmetic3A_831 : i32 to vector<16xi32>
    %shift_right_arithmetic3A_833 = arith.shrsi %add3A_830, %shift_right_arithmetic3A_832 : vector<16xi32>
    %add3A_834 = arith.addi %select_n3A_820, %select_n3A_821 : vector<16xi32>
    %shift_right_arithmetic3A_835 = arith.constant 1 : i32
    %shift_right_arithmetic3A_836 = vector.broadcast %shift_right_arithmetic3A_835 : i32 to vector<16xi32>
    %shift_right_arithmetic3A_837 = arith.shrsi %add3A_834, %shift_right_arithmetic3A_836 : vector<16xi32>
    %min3A_838 = arith.constant 99999 : i32
    %min3A_839 = vector.broadcast %min3A_838 : i32 to vector<16xi32>
    %min3A_840 = arith.minsi %shift_right_arithmetic3A_825, %min3A_839 : vector<16xi32>
    %swap3A_841 = arith.constant 0 : index
    %swap3A_842 = tpu.vector_load %arg14[%swap3A_841] {strides = array<i32>} : memref<64xi32, #tpu.memory_space<vmem>>, vector<16xi32>,
    %swap3A_843 = vector.shape_cast %swap3A_842 : vector<16xi32> to vector<16xi32>
    %swap3A_844 = vector.shape_cast %min3A_840 : vector<16xi32> to vector<16xi32>
    tpu.vector_store %arg14[%swap3A_841], %swap3A_844 {strides = array<i32>} : memref<64xi32, #tpu.memory_space<vmem>>, vector<16xi32>,
    %min3A_845 = arith.constant 99999 : i32
    %min3A_846 = vector.broadcast %min3A_845 : i32 to vector<16xi32>
    %min3A_847 = arith.minsi %shift_right_arithmetic3A_829, %min3A_846 : vector<16xi32>
    %swap3A_848 = arith.constant 16 : index
    %swap3A_849 = tpu.vector_load %arg14[%swap3A_848] {strides = array<i32>} : memref<64xi32, #tpu.memory_space<vmem>>, vector<16xi32>,
    %swap3A_850 = vector.shape_cast %swap3A_849 : vector<16xi32> to vector<16xi32>
    %swap3A_851 = vector.shape_cast %min3A_847 : vector<16xi32> to vector<16xi32>
    tpu.vector_store %arg14[%swap3A_848], %swap3A_851 {strides = array<i32>} : memref<64xi32, #tpu.memory_space<vmem>>, vector<16xi32>,
    %min3A_852 = arith.constant 99999 : i32
    %min3A_853 = vector.broadcast %min3A_852 : i32 to vector<16xi32>
    %min3A_854 = arith.minsi %shift_right_arithmetic3A_833, %min3A_853 : vector<16xi32>
    %swap3A_855 = arith.constant 32 : index
    %swap3A_856 = tpu.vector_load %arg14[%swap3A_855] {strides = array<i32>} : memref<64xi32, #tpu.memory_space<vmem>>, vector<16xi32>,
    %swap3A_857 = vector.shape_cast %swap3A_856 : vector<16xi32> to vector<16xi32>
    %swap3A_858 = vector.shape_cast %min3A_854 : vector<16xi32> to vector<16xi32>
    tpu.vector_store %arg14[%swap3A_855], %swap3A_858 {strides = array<i32>} : memref<64xi32, #tpu.memory_space<vmem>>, vector<16xi32>,
    %min3A_859 = arith.constant 99999 : i32
    %min3A_860 = vector.broadcast %min3A_859 : i32 to vector<16xi32>
    %min3A_861 = arith.minsi %shift_right_arithmetic3A_837, %min3A_860 : vector<16xi32>
    %swap3A_862 = arith.constant 48 : index
    %swap3A_863 = tpu.vector_load %arg14[%swap3A_862] {strides = array<i32>} : memref<64xi32, #tpu.memory_space<vmem>>, vector<16xi32>,
    %swap3A_864 = vector.shape_cast %swap3A_863 : vector<16xi32> to vector<16xi32>
    %swap3A_865 = vector.shape_cast %min3A_861 : vector<16xi32> to vector<16xi32>
    tpu.vector_store %arg14[%swap3A_862], %swap3A_865 {strides = array<i32>} : memref<64xi32, #tpu.memory_space<vmem>>, vector<16xi32>,
    %dma_start3A_866 = arith.constant 0 : i32
    %dma_start3A_867 = tpu.memref_slice %arg3[%dma_start3A_866] : memref<100000xi32, #tpu.memory_space<hbm>> -> memref<100000xi32, #tpu.memory_space<hbm>>
    tpu.enqueue_indirect_dma source(%dma_start3A_867 : memref<100000xi32, #tpu.memory_space<hbm>>) target(%arg15 : memref<64xi32, #tpu.memory_space<vmem>>) offsets(%arg14 : memref<64xi32, #tpu.memory_space<vmem>>) semaphore(%arg16 : memref<!tpu.dma_semaphore, #tpu.memory_space<semaphore_mem>>)
    %dma_wait3A_868 = arith.constant 3 : i32
    %dma_wait3A_869 = arith.constant 0 : i32
    %dma_wait3A_870 = arith.constant 0 : i32
    %dma_wait3A_871 = tpu.memref_slice %arg7[%dma_wait3A_868, %dma_wait3A_869, %dma_wait3A_870] : memref<6x128x128xf32, #tpu.memory_space<vmem>> -> memref<1x128x128xf32, #tpu.memory_space<vmem>>
    %dma_wait3A_872 = tpu.memref_squeeze %dma_wait3A_871 : memref<1x128x128xf32, #tpu.memory_space<vmem>> -> memref<128x128xf32, #tpu.memory_space<vmem>>
    %dma_wait3A_873 = arith.constant 0 : i32
    %dma_wait3A_874 = arith.constant 0 : i32
    %dma_wait3A_875 = tpu.memref_slice %arg30[%dma_wait3A_873, %dma_wait3A_874] : memref<1152x128xf32, #tpu.memory_space<vmem_shared>> -> memref<1152x128xf32, #tpu.memory_space<vmem_shared>>
    tpu.wait_indirect_dma semaphore(%arg26 : memref<!tpu.dma_semaphore, #tpu.memory_space<semaphore_mem>>) src(%dma_wait3A_872 : memref<128x128xf32, #tpu.memory_space<vmem>>) dst(%dma_wait3A_875 : memref<1152x128xf32, #tpu.memory_space<vmem_shared>>)
    %mul3A_876 = arith.constant 25 : i32
    %mul3A_877 = arith.muli %add3A, %mul3A_876 : i32
    %add3A_878 = arith.constant 9 : i32
    %add3A_879 = arith.addi %mul3A_877, %add3A_878 : i32
    %mul3A_880 = arith.constant 128 : i32
    %mul3A_881 = arith.muli %add3A_879, %mul3A_880 : i32
    %min3A_882 = arith.constant 99872 : i32
    %min3A_883 = arith.minsi %mul3A_881, %min3A_882 : i32
    %multiple_of3A_884 = tpu.assume_multiple %min3A_883, 8 : i32
    %dma_start3A_885 = arith.constant 3 : i32
    %dma_start3A_886 = arith.constant 0 : i32
    %dma_start3A_887 = arith.constant 0 : i32
    %dma_start3A_888 = tpu.memref_slice %arg7[%dma_start3A_885, %dma_start3A_886, %dma_start3A_887] : memref<6x128x128xf32, #tpu.memory_space<vmem>> -> memref<1x128x128xf32, #tpu.memory_space<vmem>>
    %dma_start3A_889 = tpu.memref_squeeze %dma_start3A_888 : memref<1x128x128xf32, #tpu.memory_space<vmem>> -> memref<128x128xf32, #tpu.memory_space<vmem>>
    %dma_start3A_890 = arith.constant 0 : i32
    %dma_start3A_891 = tpu.memref_slice %arg2[%multiple_of3A_884, %dma_start3A_890] : memref<100000x128xf32, #tpu.memory_space<hbm>> -> memref<128x128xf32, #tpu.memory_space<hbm>>
    %dma_start3A_892 = arith.constant 0 : i32
    %dma_start3A_893 = arith.constant 0 : i32
    %dma_start3A_894 = tpu.memref_slice %arg7[%dma_start3A_885, %dma_start3A_892, %dma_start3A_893] : memref<6x128x128xf32, #tpu.memory_space<vmem>> -> memref<1x128x128xf32, #tpu.memory_space<vmem>>
    %dma_start3A_895 = tpu.memref_squeeze %dma_start3A_894 : memref<1x128x128xf32, #tpu.memory_space<vmem>> -> memref<128x128xf32, #tpu.memory_space<vmem>>
    %dma_start3A_896 = arith.constant 0 : i32
    %dma_start3A_897 = tpu.memref_slice %arg2[%multiple_of3A_884, %dma_start3A_896] : memref<100000x128xf32, #tpu.memory_space<hbm>> -> memref<128x128xf32, #tpu.memory_space<hbm>>
    tpu.enqueue_dma source(%dma_start3A_897 : memref<128x128xf32, #tpu.memory_space<hbm>>) target(%dma_start3A_895 : memref<128x128xf32, #tpu.memory_space<vmem>>) target_semaphore(%arg20 : memref<!tpu.dma_semaphore, #tpu.memory_space<semaphore_mem>>)
    %mul3A_898 = arith.constant 128 : i32
    %mul3A_899 = arith.muli %add3A_879, %mul3A_898 : i32
    %dma_start3A_900 = tpu.memref_slice %arg4[%mul3A_899] : memref<102400xi32, #tpu.memory_space<hbm>> -> memref<128xi32, #tpu.memory_space<hbm>>
    %dma_start3A_901 = tpu.memref_slice %arg4[%mul3A_899] : memref<102400xi32, #tpu.memory_space<hbm>> -> memref<128xi32, #tpu.memory_space<hbm>>
    tpu.enqueue_dma source(%dma_start3A_901 : memref<128xi32, #tpu.memory_space<hbm>>) target(%arg11 : memref<128xi32, #tpu.memory_space<vmem>>) target_semaphore(%arg20 : memref<!tpu.dma_semaphore, #tpu.memory_space<semaphore_mem>>)
    %dma_wait3A_902 = arith.constant 5 : i32
    %dma_wait3A_903 = arith.constant 0 : i32
    %dma_wait3A_904 = arith.constant 0 : i32
    %dma_wait3A_905 = tpu.memref_slice %arg7[%dma_wait3A_902, %dma_wait3A_903, %dma_wait3A_904] : memref<6x128x128xf32, #tpu.memory_space<vmem>> -> memref<1x128x128xf32, #tpu.memory_space<vmem>>
    %dma_wait3A_906 = tpu.memref_squeeze %dma_wait3A_905 : memref<1x128x128xf32, #tpu.memory_space<vmem>> -> memref<128x128xf32, #tpu.memory_space<vmem>>
    %dma_wait3A_907 = arith.constant 0 : i32
    %dma_wait3A_908 = tpu.memref_slice %arg2[%multiple_of3A_320, %dma_wait3A_907] : memref<100000x128xf32, #tpu.memory_space<hbm>> -> memref<128x128xf32, #tpu.memory_space<hbm>>
    %dma_wait3A_909 = arith.constant 0 : i32
    %dma_wait3A_910 = arith.constant 0 : i32
    %dma_wait3A_911 = tpu.memref_slice %arg7[%dma_wait3A_902, %dma_wait3A_909, %dma_wait3A_910] : memref<6x128x128xf32, #tpu.memory_space<vmem>> -> memref<1x128x128xf32, #tpu.memory_space<vmem>>
    %dma_wait3A_912 = tpu.memref_squeeze %dma_wait3A_911 : memref<1x128x128xf32, #tpu.memory_space<vmem>> -> memref<128x128xf32, #tpu.memory_space<vmem>>
    %dma_wait3A_913 = arith.constant 0 : i32
    %dma_wait3A_914 = tpu.memref_slice %arg2[%multiple_of3A_320, %dma_wait3A_913] : memref<100000x128xf32, #tpu.memory_space<hbm>> -> memref<128x128xf32, #tpu.memory_space<hbm>>
    tpu.wait_dma2 semaphore(%arg22 : memref<!tpu.dma_semaphore, #tpu.memory_space<semaphore_mem>>) src(%dma_wait3A_914 : memref<128x128xf32, #tpu.memory_space<hbm>>) dst(%dma_wait3A_912 : memref<128x128xf32, #tpu.memory_space<vmem>>)
    %dma_wait3A_915 = tpu.memref_slice %arg4[%mul3A_335] : memref<102400xi32, #tpu.memory_space<hbm>> -> memref<128xi32, #tpu.memory_space<hbm>>
    %dma_wait3A_916 = tpu.memref_slice %arg4[%mul3A_335] : memref<102400xi32, #tpu.memory_space<hbm>> -> memref<128xi32, #tpu.memory_space<hbm>>
    tpu.wait_dma2 semaphore(%arg22 : memref<!tpu.dma_semaphore, #tpu.memory_space<semaphore_mem>>) src(%dma_wait3A_916 : memref<128xi32, #tpu.memory_space<hbm>>) dst(%arg13 : memref<128xi32, #tpu.memory_space<vmem>>)
    %dma_start3A_917 = arith.constant 5 : i32
    %dma_start3A_918 = arith.constant 0 : i32
    %dma_start3A_919 = arith.constant 0 : i32
    %dma_start3A_920 = tpu.memref_slice %arg7[%dma_start3A_917, %dma_start3A_918, %dma_start3A_919] : memref<6x128x128xf32, #tpu.memory_space<vmem>> -> memref<1x128x128xf32, #tpu.memory_space<vmem>>
    %dma_start3A_921 = tpu.memref_squeeze %dma_start3A_920 : memref<1x128x128xf32, #tpu.memory_space<vmem>> -> memref<128x128xf32, #tpu.memory_space<vmem>>
    %dma_start3A_922 = arith.constant 0 : i32
    %dma_start3A_923 = arith.constant 0 : i32
    %dma_start3A_924 = tpu.memref_slice %arg30[%dma_start3A_922, %dma_start3A_923] : memref<1152x128xf32, #tpu.memory_space<vmem_shared>> -> memref<1152x128xf32, #tpu.memory_space<vmem_shared>>
    tpu.enqueue_indirect_dma source(%dma_start3A_921 : memref<128x128xf32, #tpu.memory_space<vmem>>) target(%dma_start3A_924 : memref<1152x128xf32, #tpu.memory_space<vmem_shared>>) offsets(%arg13 : memref<128xi32, #tpu.memory_space<vmem>>) semaphore(%arg28 : memref<!tpu.dma_semaphore, #tpu.memory_space<semaphore_mem>>) {add = true}
    %dma_wait3A_925 = arith.constant 0 : i32
    %dma_wait3A_926 = tpu.memref_slice %arg3[%dma_wait3A_925] : memref<100000xi32, #tpu.memory_space<hbm>> -> memref<100000xi32, #tpu.memory_space<hbm>>
    tpu.wait_indirect_dma semaphore(%arg16 : memref<!tpu.dma_semaphore, #tpu.memory_space<semaphore_mem>>) src(%dma_wait3A_926 : memref<100000xi32, #tpu.memory_space<hbm>>) dst(%arg15 : memref<64xi32, #tpu.memory_space<vmem>>)
    %get3A_927 = arith.constant 0 : index
    %get3A_928 = tpu.vector_load %arg15[%get3A_927] {strides = array<i32>} : memref<64xi32, #tpu.memory_space<vmem>>, vector<16xi32>,
    %get3A_929 = vector.shape_cast %get3A_928 : vector<16xi32> to vector<16xi32>
    %lt3A_930 = arith.cmpi slt, %get3A_929, %add3A_12 : vector<16xi32>
    %add3A_931 = arith.constant 1 : i32
    %add3A_932 = vector.broadcast %add3A_931 : i32 to vector<16xi32>
    %add3A_933 = arith.addi %shift_right_arithmetic3A_825, %add3A_932 : vector<16xi32>
    %select_n3A_934 = arith.select %lt3A_930, %add3A_933, %select_n3A_793 : vector<16xi1>, vector<16xi32>
    %select_n3A_935 = arith.select %lt3A_930, %select_n3A_794, %shift_right_arithmetic3A_825 : vector<16xi1>, vector<16xi32>
    %get3A_936 = arith.constant 16 : index
    %get3A_937 = tpu.vector_load %arg15[%get3A_936] {strides = array<i32>} : memref<64xi32, #tpu.memory_space<vmem>>, vector<16xi32>,
    %get3A_938 = vector.shape_cast %get3A_937 : vector<16xi32> to vector<16xi32>
    %lt3A_939 = arith.cmpi slt, %get3A_938, %add3A_18 : vector<16xi32>
    %add3A_940 = arith.constant 1 : i32
    %add3A_941 = vector.broadcast %add3A_940 : i32 to vector<16xi32>
    %add3A_942 = arith.addi %shift_right_arithmetic3A_829, %add3A_941 : vector<16xi32>
    %select_n3A_943 = arith.select %lt3A_939, %add3A_942, %select_n3A_802 : vector<16xi1>, vector<16xi32>
    %select_n3A_944 = arith.select %lt3A_939, %select_n3A_803, %shift_right_arithmetic3A_829 : vector<16xi1>, vector<16xi32>
    %get3A_945 = arith.constant 32 : index
    %get3A_946 = tpu.vector_load %arg15[%get3A_945] {strides = array<i32>} : memref<64xi32, #tpu.memory_space<vmem>>, vector<16xi32>,
    %get3A_947 = vector.shape_cast %get3A_946 : vector<16xi32> to vector<16xi32>
    %lt3A_948 = arith.cmpi slt, %get3A_947, %add3A_15 : vector<16xi32>
    %add3A_949 = arith.constant 1 : i32
    %add3A_950 = vector.broadcast %add3A_949 : i32 to vector<16xi32>
    %add3A_951 = arith.addi %shift_right_arithmetic3A_833, %add3A_950 : vector<16xi32>
    %select_n3A_952 = arith.select %lt3A_948, %add3A_951, %select_n3A_811 : vector<16xi1>, vector<16xi32>
    %select_n3A_953 = arith.select %lt3A_948, %select_n3A_812, %shift_right_arithmetic3A_833 : vector<16xi1>, vector<16xi32>
    %get3A_954 = arith.constant 48 : index
    %get3A_955 = tpu.vector_load %arg15[%get3A_954] {strides = array<i32>} : memref<64xi32, #tpu.memory_space<vmem>>, vector<16xi32>,
    %get3A_956 = vector.shape_cast %get3A_955 : vector<16xi32> to vector<16xi32>
    %lt3A_957 = arith.cmpi slt, %get3A_956, %add3A_21 : vector<16xi32>
    %add3A_958 = arith.constant 1 : i32
    %add3A_959 = vector.broadcast %add3A_958 : i32 to vector<16xi32>
    %add3A_960 = arith.addi %shift_right_arithmetic3A_837, %add3A_959 : vector<16xi32>
    %select_n3A_961 = arith.select %lt3A_957, %add3A_960, %select_n3A_820 : vector<16xi1>, vector<16xi32>
    %select_n3A_962 = arith.select %lt3A_957, %select_n3A_821, %shift_right_arithmetic3A_837 : vector<16xi1>, vector<16xi32>
    %add3A_963 = arith.addi %select_n3A_934, %select_n3A_935 : vector<16xi32>
    %shift_right_arithmetic3A_964 = arith.constant 1 : i32
    %shift_right_arithmetic3A_965 = vector.broadcast %shift_right_arithmetic3A_964 : i32 to vector<16xi32>
    %shift_right_arithmetic3A_966 = arith.shrsi %add3A_963, %shift_right_arithmetic3A_965 : vector<16xi32>
    %add3A_967 = arith.addi %select_n3A_943, %select_n3A_944 : vector<16xi32>
    %shift_right_arithmetic3A_968 = arith.constant 1 : i32
    %shift_right_arithmetic3A_969 = vector.broadcast %shift_right_arithmetic3A_968 : i32 to vector<16xi32>
    %shift_right_arithmetic3A_970 = arith.shrsi %add3A_967, %shift_right_arithmetic3A_969 : vector<16xi32>
    %add3A_971 = arith.addi %select_n3A_952, %select_n3A_953 : vector<16xi32>
    %shift_right_arithmetic3A_972 = arith.constant 1 : i32
    %shift_right_arithmetic3A_973 = vector.broadcast %shift_right_arithmetic3A_972 : i32 to vector<16xi32>
    %shift_right_arithmetic3A_974 = arith.shrsi %add3A_971, %shift_right_arithmetic3A_973 : vector<16xi32>
    %add3A_975 = arith.addi %select_n3A_961, %select_n3A_962 : vector<16xi32>
    %shift_right_arithmetic3A_976 = arith.constant 1 : i32
    %shift_right_arithmetic3A_977 = vector.broadcast %shift_right_arithmetic3A_976 : i32 to vector<16xi32>
    %shift_right_arithmetic3A_978 = arith.shrsi %add3A_975, %shift_right_arithmetic3A_977 : vector<16xi32>
    %min3A_979 = arith.constant 99999 : i32
    %min3A_980 = vector.broadcast %min3A_979 : i32 to vector<16xi32>
    %min3A_981 = arith.minsi %shift_right_arithmetic3A_966, %min3A_980 : vector<16xi32>
    %swap3A_982 = arith.constant 0 : index
    %swap3A_983 = tpu.vector_load %arg14[%swap3A_982] {strides = array<i32>} : memref<64xi32, #tpu.memory_space<vmem>>, vector<16xi32>,
    %swap3A_984 = vector.shape_cast %swap3A_983 : vector<16xi32> to vector<16xi32>
    %swap3A_985 = vector.shape_cast %min3A_981 : vector<16xi32> to vector<16xi32>
    tpu.vector_store %arg14[%swap3A_982], %swap3A_985 {strides = array<i32>} : memref<64xi32, #tpu.memory_space<vmem>>, vector<16xi32>,
    %min3A_986 = arith.constant 99999 : i32
    %min3A_987 = vector.broadcast %min3A_986 : i32 to vector<16xi32>
    %min3A_988 = arith.minsi %shift_right_arithmetic3A_970, %min3A_987 : vector<16xi32>
    %swap3A_989 = arith.constant 16 : index
    %swap3A_990 = tpu.vector_load %arg14[%swap3A_989] {strides = array<i32>} : memref<64xi32, #tpu.memory_space<vmem>>, vector<16xi32>,
    %swap3A_991 = vector.shape_cast %swap3A_990 : vector<16xi32> to vector<16xi32>
    %swap3A_992 = vector.shape_cast %min3A_988 : vector<16xi32> to vector<16xi32>
    tpu.vector_store %arg14[%swap3A_989], %swap3A_992 {strides = array<i32>} : memref<64xi32, #tpu.memory_space<vmem>>, vector<16xi32>,
    %min3A_993 = arith.constant 99999 : i32
    %min3A_994 = vector.broadcast %min3A_993 : i32 to vector<16xi32>
    %min3A_995 = arith.minsi %shift_right_arithmetic3A_974, %min3A_994 : vector<16xi32>
    %swap3A_996 = arith.constant 32 : index
    %swap3A_997 = tpu.vector_load %arg14[%swap3A_996] {strides = array<i32>} : memref<64xi32, #tpu.memory_space<vmem>>, vector<16xi32>,
    %swap3A_998 = vector.shape_cast %swap3A_997 : vector<16xi32> to vector<16xi32>
    %swap3A_999 = vector.shape_cast %min3A_995 : vector<16xi32> to vector<16xi32>
    tpu.vector_store %arg14[%swap3A_996], %swap3A_999 {strides = array<i32>} : memref<64xi32, #tpu.memory_space<vmem>>, vector<16xi32>,
    %min3A_1000 = arith.constant 99999 : i32
    %min3A_1001 = vector.broadcast %min3A_1000 : i32 to vector<16xi32>
    %min3A_1002 = arith.minsi %shift_right_arithmetic3A_978, %min3A_1001 : vector<16xi32>
    %swap3A_1003 = arith.constant 48 : index
    %swap3A_1004 = tpu.vector_load %arg14[%swap3A_1003] {strides = array<i32>} : memref<64xi32, #tpu.memory_space<vmem>>, vector<16xi32>,
    %swap3A_1005 = vector.shape_cast %swap3A_1004 : vector<16xi32> to vector<16xi32>
    %swap3A_1006 = vector.shape_cast %min3A_1002 : vector<16xi32> to vector<16xi32>
    tpu.vector_store %arg14[%swap3A_1003], %swap3A_1006 {strides = array<i32>} : memref<64xi32, #tpu.memory_space<vmem>>, vector<16xi32>,
    %dma_start3A_1007 = arith.constant 0 : i32
    %dma_start3A_1008 = tpu.memref_slice %arg3[%dma_start3A_1007] : memref<100000xi32, #tpu.memory_space<hbm>> -> memref<100000xi32, #tpu.memory_space<hbm>>
    tpu.enqueue_indirect_dma source(%dma_start3A_1008 : memref<100000xi32, #tpu.memory_space<hbm>>) target(%arg15 : memref<64xi32, #tpu.memory_space<vmem>>) offsets(%arg14 : memref<64xi32, #tpu.memory_space<vmem>>) semaphore(%arg16 : memref<!tpu.dma_semaphore, #tpu.memory_space<semaphore_mem>>)
    %dma_wait3A_1009 = arith.constant 4 : i32
    %dma_wait3A_1010 = arith.constant 0 : i32
    %dma_wait3A_1011 = arith.constant 0 : i32
    %dma_wait3A_1012 = tpu.memref_slice %arg7[%dma_wait3A_1009, %dma_wait3A_1010, %dma_wait3A_1011] : memref<6x128x128xf32, #tpu.memory_space<vmem>> -> memref<1x128x128xf32, #tpu.memory_space<vmem>>
    %dma_wait3A_1013 = tpu.memref_squeeze %dma_wait3A_1012 : memref<1x128x128xf32, #tpu.memory_space<vmem>> -> memref<128x128xf32, #tpu.memory_space<vmem>>
    %dma_wait3A_1014 = arith.constant 0 : i32
    %dma_wait3A_1015 = arith.constant 0 : i32
    %dma_wait3A_1016 = tpu.memref_slice %arg30[%dma_wait3A_1014, %dma_wait3A_1015] : memref<1152x128xf32, #tpu.memory_space<vmem_shared>> -> memref<1152x128xf32, #tpu.memory_space<vmem_shared>>
    tpu.wait_indirect_dma semaphore(%arg27 : memref<!tpu.dma_semaphore, #tpu.memory_space<semaphore_mem>>) src(%dma_wait3A_1013 : memref<128x128xf32, #tpu.memory_space<vmem>>) dst(%dma_wait3A_1016 : memref<1152x128xf32, #tpu.memory_space<vmem_shared>>)
    %mul3A_1017 = arith.constant 25 : i32
    %mul3A_1018 = arith.muli %add3A, %mul3A_1017 : i32
    %add3A_1019 = arith.constant 10 : i32
    %add3A_1020 = arith.addi %mul3A_1018, %add3A_1019 : i32
    %mul3A_1021 = arith.constant 128 : i32
    %mul3A_1022 = arith.muli %add3A_1020, %mul3A_1021 : i32
    %min3A_1023 = arith.constant 99872 : i32
    %min3A_1024 = arith.minsi %mul3A_1022, %min3A_1023 : i32
    %multiple_of3A_1025 = tpu.assume_multiple %min3A_1024, 8 : i32
    %dma_start3A_1026 = arith.constant 4 : i32
    %dma_start3A_1027 = arith.constant 0 : i32
    %dma_start3A_1028 = arith.constant 0 : i32
    %dma_start3A_1029 = tpu.memref_slice %arg7[%dma_start3A_1026, %dma_start3A_1027, %dma_start3A_1028] : memref<6x128x128xf32, #tpu.memory_space<vmem>> -> memref<1x128x128xf32, #tpu.memory_space<vmem>>
    %dma_start3A_1030 = tpu.memref_squeeze %dma_start3A_1029 : memref<1x128x128xf32, #tpu.memory_space<vmem>> -> memref<128x128xf32, #tpu.memory_space<vmem>>
    %dma_start3A_1031 = arith.constant 0 : i32
    %dma_start3A_1032 = tpu.memref_slice %arg2[%multiple_of3A_1025, %dma_start3A_1031] : memref<100000x128xf32, #tpu.memory_space<hbm>> -> memref<128x128xf32, #tpu.memory_space<hbm>>
    %dma_start3A_1033 = arith.constant 0 : i32
    %dma_start3A_1034 = arith.constant 0 : i32
    %dma_start3A_1035 = tpu.memref_slice %arg7[%dma_start3A_1026, %dma_start3A_1033, %dma_start3A_1034] : memref<6x128x128xf32, #tpu.memory_space<vmem>> -> memref<1x128x128xf32, #tpu.memory_space<vmem>>
    %dma_start3A_1036 = tpu.memref_squeeze %dma_start3A_1035 : memref<1x128x128xf32, #tpu.memory_space<vmem>> -> memref<128x128xf32, #tpu.memory_space<vmem>>
    %dma_start3A_1037 = arith.constant 0 : i32
    %dma_start3A_1038 = tpu.memref_slice %arg2[%multiple_of3A_1025, %dma_start3A_1037] : memref<100000x128xf32, #tpu.memory_space<hbm>> -> memref<128x128xf32, #tpu.memory_space<hbm>>
    tpu.enqueue_dma source(%dma_start3A_1038 : memref<128x128xf32, #tpu.memory_space<hbm>>) target(%dma_start3A_1036 : memref<128x128xf32, #tpu.memory_space<vmem>>) target_semaphore(%arg21 : memref<!tpu.dma_semaphore, #tpu.memory_space<semaphore_mem>>)
    %mul3A_1039 = arith.constant 128 : i32
    %mul3A_1040 = arith.muli %add3A_1020, %mul3A_1039 : i32
    %dma_start3A_1041 = tpu.memref_slice %arg4[%mul3A_1040] : memref<102400xi32, #tpu.memory_space<hbm>> -> memref<128xi32, #tpu.memory_space<hbm>>
    %dma_start3A_1042 = tpu.memref_slice %arg4[%mul3A_1040] : memref<102400xi32, #tpu.memory_space<hbm>> -> memref<128xi32, #tpu.memory_space<hbm>>
    tpu.enqueue_dma source(%dma_start3A_1042 : memref<128xi32, #tpu.memory_space<hbm>>) target(%arg12 : memref<128xi32, #tpu.memory_space<vmem>>) target_semaphore(%arg21 : memref<!tpu.dma_semaphore, #tpu.memory_space<semaphore_mem>>)
    %dma_wait3A_1043 = arith.constant 0 : i32
    %dma_wait3A_1044 = arith.constant 0 : i32
    %dma_wait3A_1045 = arith.constant 0 : i32
    %dma_wait3A_1046 = tpu.memref_slice %arg7[%dma_wait3A_1043, %dma_wait3A_1044, %dma_wait3A_1045] : memref<6x128x128xf32, #tpu.memory_space<vmem>> -> memref<1x128x128xf32, #tpu.memory_space<vmem>>
    %dma_wait3A_1047 = tpu.memref_squeeze %dma_wait3A_1046 : memref<1x128x128xf32, #tpu.memory_space<vmem>> -> memref<128x128xf32, #tpu.memory_space<vmem>>
    %dma_wait3A_1048 = arith.constant 0 : i32
    %dma_wait3A_1049 = tpu.memref_slice %arg2[%multiple_of3A_461, %dma_wait3A_1048] : memref<100000x128xf32, #tpu.memory_space<hbm>> -> memref<128x128xf32, #tpu.memory_space<hbm>>
    %dma_wait3A_1050 = arith.constant 0 : i32
    %dma_wait3A_1051 = arith.constant 0 : i32
    %dma_wait3A_1052 = tpu.memref_slice %arg7[%dma_wait3A_1043, %dma_wait3A_1050, %dma_wait3A_1051] : memref<6x128x128xf32, #tpu.memory_space<vmem>> -> memref<1x128x128xf32, #tpu.memory_space<vmem>>
    %dma_wait3A_1053 = tpu.memref_squeeze %dma_wait3A_1052 : memref<1x128x128xf32, #tpu.memory_space<vmem>> -> memref<128x128xf32, #tpu.memory_space<vmem>>
    %dma_wait3A_1054 = arith.constant 0 : i32
    %dma_wait3A_1055 = tpu.memref_slice %arg2[%multiple_of3A_461, %dma_wait3A_1054] : memref<100000x128xf32, #tpu.memory_space<hbm>> -> memref<128x128xf32, #tpu.memory_space<hbm>>
    tpu.wait_dma2 semaphore(%arg17 : memref<!tpu.dma_semaphore, #tpu.memory_space<semaphore_mem>>) src(%dma_wait3A_1055 : memref<128x128xf32, #tpu.memory_space<hbm>>) dst(%dma_wait3A_1053 : memref<128x128xf32, #tpu.memory_space<vmem>>)
    %dma_wait3A_1056 = tpu.memref_slice %arg4[%mul3A_476] : memref<102400xi32, #tpu.memory_space<hbm>> -> memref<128xi32, #tpu.memory_space<hbm>>
    %dma_wait3A_1057 = tpu.memref_slice %arg4[%mul3A_476] : memref<102400xi32, #tpu.memory_space<hbm>> -> memref<128xi32, #tpu.memory_space<hbm>>
    tpu.wait_dma2 semaphore(%arg17 : memref<!tpu.dma_semaphore, #tpu.memory_space<semaphore_mem>>) src(%dma_wait3A_1057 : memref<128xi32, #tpu.memory_space<hbm>>) dst(%arg8 : memref<128xi32, #tpu.memory_space<vmem>>)
    %dma_start3A_1058 = arith.constant 0 : i32
    %dma_start3A_1059 = arith.constant 0 : i32
    %dma_start3A_1060 = arith.constant 0 : i32
    %dma_start3A_1061 = tpu.memref_slice %arg7[%dma_start3A_1058, %dma_start3A_1059, %dma_start3A_1060] : memref<6x128x128xf32, #tpu.memory_space<vmem>> -> memref<1x128x128xf32, #tpu.memory_space<vmem>>
    %dma_start3A_1062 = tpu.memref_squeeze %dma_start3A_1061 : memref<1x128x128xf32, #tpu.memory_space<vmem>> -> memref<128x128xf32, #tpu.memory_space<vmem>>
    %dma_start3A_1063 = arith.constant 0 : i32
    %dma_start3A_1064 = arith.constant 0 : i32
    %dma_start3A_1065 = tpu.memref_slice %arg30[%dma_start3A_1063, %dma_start3A_1064] : memref<1152x128xf32, #tpu.memory_space<vmem_shared>> -> memref<1152x128xf32, #tpu.memory_space<vmem_shared>>
    tpu.enqueue_indirect_dma source(%dma_start3A_1062 : memref<128x128xf32, #tpu.memory_space<vmem>>) target(%dma_start3A_1065 : memref<1152x128xf32, #tpu.memory_space<vmem_shared>>) offsets(%arg8 : memref<128xi32, #tpu.memory_space<vmem>>) semaphore(%arg23 : memref<!tpu.dma_semaphore, #tpu.memory_space<semaphore_mem>>) {add = true}
    %dma_wait3A_1066 = arith.constant 0 : i32
    %dma_wait3A_1067 = tpu.memref_slice %arg3[%dma_wait3A_1066] : memref<100000xi32, #tpu.memory_space<hbm>> -> memref<100000xi32, #tpu.memory_space<hbm>>
    tpu.wait_indirect_dma semaphore(%arg16 : memref<!tpu.dma_semaphore, #tpu.memory_space<semaphore_mem>>) src(%dma_wait3A_1067 : memref<100000xi32, #tpu.memory_space<hbm>>) dst(%arg15 : memref<64xi32, #tpu.memory_space<vmem>>)
    %get3A_1068 = arith.constant 0 : index
    %get3A_1069 = tpu.vector_load %arg15[%get3A_1068] {strides = array<i32>} : memref<64xi32, #tpu.memory_space<vmem>>, vector<16xi32>,
    %get3A_1070 = vector.shape_cast %get3A_1069 : vector<16xi32> to vector<16xi32>
    %lt3A_1071 = arith.cmpi slt, %get3A_1070, %add3A_12 : vector<16xi32>
    %add3A_1072 = arith.constant 1 : i32
    %add3A_1073 = vector.broadcast %add3A_1072 : i32 to vector<16xi32>
    %add3A_1074 = arith.addi %shift_right_arithmetic3A_966, %add3A_1073 : vector<16xi32>
    %select_n3A_1075 = arith.select %lt3A_1071, %add3A_1074, %select_n3A_934 : vector<16xi1>, vector<16xi32>
    %select_n3A_1076 = arith.select %lt3A_1071, %select_n3A_935, %shift_right_arithmetic3A_966 : vector<16xi1>, vector<16xi32>
    %get3A_1077 = arith.constant 16 : index
    %get3A_1078 = tpu.vector_load %arg15[%get3A_1077] {strides = array<i32>} : memref<64xi32, #tpu.memory_space<vmem>>, vector<16xi32>,
    %get3A_1079 = vector.shape_cast %get3A_1078 : vector<16xi32> to vector<16xi32>
    %lt3A_1080 = arith.cmpi slt, %get3A_1079, %add3A_18 : vector<16xi32>
    %add3A_1081 = arith.constant 1 : i32
    %add3A_1082 = vector.broadcast %add3A_1081 : i32 to vector<16xi32>
    %add3A_1083 = arith.addi %shift_right_arithmetic3A_970, %add3A_1082 : vector<16xi32>
    %select_n3A_1084 = arith.select %lt3A_1080, %add3A_1083, %select_n3A_943 : vector<16xi1>, vector<16xi32>
    %select_n3A_1085 = arith.select %lt3A_1080, %select_n3A_944, %shift_right_arithmetic3A_970 : vector<16xi1>, vector<16xi32>
    %get3A_1086 = arith.constant 32 : index
    %get3A_1087 = tpu.vector_load %arg15[%get3A_1086] {strides = array<i32>} : memref<64xi32, #tpu.memory_space<vmem>>, vector<16xi32>,
    %get3A_1088 = vector.shape_cast %get3A_1087 : vector<16xi32> to vector<16xi32>
    %lt3A_1089 = arith.cmpi slt, %get3A_1088, %add3A_15 : vector<16xi32>
    %add3A_1090 = arith.constant 1 : i32
    %add3A_1091 = vector.broadcast %add3A_1090 : i32 to vector<16xi32>
    %add3A_1092 = arith.addi %shift_right_arithmetic3A_974, %add3A_1091 : vector<16xi32>
    %select_n3A_1093 = arith.select %lt3A_1089, %add3A_1092, %select_n3A_952 : vector<16xi1>, vector<16xi32>
    %select_n3A_1094 = arith.select %lt3A_1089, %select_n3A_953, %shift_right_arithmetic3A_974 : vector<16xi1>, vector<16xi32>
    %get3A_1095 = arith.constant 48 : index
    %get3A_1096 = tpu.vector_load %arg15[%get3A_1095] {strides = array<i32>} : memref<64xi32, #tpu.memory_space<vmem>>, vector<16xi32>,
    %get3A_1097 = vector.shape_cast %get3A_1096 : vector<16xi32> to vector<16xi32>
    %lt3A_1098 = arith.cmpi slt, %get3A_1097, %add3A_21 : vector<16xi32>
    %add3A_1099 = arith.constant 1 : i32
    %add3A_1100 = vector.broadcast %add3A_1099 : i32 to vector<16xi32>
    %add3A_1101 = arith.addi %shift_right_arithmetic3A_978, %add3A_1100 : vector<16xi32>
    %select_n3A_1102 = arith.select %lt3A_1098, %add3A_1101, %select_n3A_961 : vector<16xi1>, vector<16xi32>
    %select_n3A_1103 = arith.select %lt3A_1098, %select_n3A_962, %shift_right_arithmetic3A_978 : vector<16xi1>, vector<16xi32>
    %add3A_1104 = arith.addi %select_n3A_1075, %select_n3A_1076 : vector<16xi32>
    %shift_right_arithmetic3A_1105 = arith.constant 1 : i32
    %shift_right_arithmetic3A_1106 = vector.broadcast %shift_right_arithmetic3A_1105 : i32 to vector<16xi32>
    %shift_right_arithmetic3A_1107 = arith.shrsi %add3A_1104, %shift_right_arithmetic3A_1106 : vector<16xi32>
    %add3A_1108 = arith.addi %select_n3A_1084, %select_n3A_1085 : vector<16xi32>
    %shift_right_arithmetic3A_1109 = arith.constant 1 : i32
    %shift_right_arithmetic3A_1110 = vector.broadcast %shift_right_arithmetic3A_1109 : i32 to vector<16xi32>
    %shift_right_arithmetic3A_1111 = arith.shrsi %add3A_1108, %shift_right_arithmetic3A_1110 : vector<16xi32>
    %add3A_1112 = arith.addi %select_n3A_1093, %select_n3A_1094 : vector<16xi32>
    %shift_right_arithmetic3A_1113 = arith.constant 1 : i32
    %shift_right_arithmetic3A_1114 = vector.broadcast %shift_right_arithmetic3A_1113 : i32 to vector<16xi32>
    %shift_right_arithmetic3A_1115 = arith.shrsi %add3A_1112, %shift_right_arithmetic3A_1114 : vector<16xi32>
    %add3A_1116 = arith.addi %select_n3A_1102, %select_n3A_1103 : vector<16xi32>
    %shift_right_arithmetic3A_1117 = arith.constant 1 : i32
    %shift_right_arithmetic3A_1118 = vector.broadcast %shift_right_arithmetic3A_1117 : i32 to vector<16xi32>
    %shift_right_arithmetic3A_1119 = arith.shrsi %add3A_1116, %shift_right_arithmetic3A_1118 : vector<16xi32>
    %min3A_1120 = arith.constant 99999 : i32
    %min3A_1121 = vector.broadcast %min3A_1120 : i32 to vector<16xi32>
    %min3A_1122 = arith.minsi %shift_right_arithmetic3A_1107, %min3A_1121 : vector<16xi32>
    %swap3A_1123 = arith.constant 0 : index
    %swap3A_1124 = tpu.vector_load %arg14[%swap3A_1123] {strides = array<i32>} : memref<64xi32, #tpu.memory_space<vmem>>, vector<16xi32>,
    %swap3A_1125 = vector.shape_cast %swap3A_1124 : vector<16xi32> to vector<16xi32>
    %swap3A_1126 = vector.shape_cast %min3A_1122 : vector<16xi32> to vector<16xi32>
    tpu.vector_store %arg14[%swap3A_1123], %swap3A_1126 {strides = array<i32>} : memref<64xi32, #tpu.memory_space<vmem>>, vector<16xi32>,
    %min3A_1127 = arith.constant 99999 : i32
    %min3A_1128 = vector.broadcast %min3A_1127 : i32 to vector<16xi32>
    %min3A_1129 = arith.minsi %shift_right_arithmetic3A_1111, %min3A_1128 : vector<16xi32>
    %swap3A_1130 = arith.constant 16 : index
    %swap3A_1131 = tpu.vector_load %arg14[%swap3A_1130] {strides = array<i32>} : memref<64xi32, #tpu.memory_space<vmem>>, vector<16xi32>,
    %swap3A_1132 = vector.shape_cast %swap3A_1131 : vector<16xi32> to vector<16xi32>
    %swap3A_1133 = vector.shape_cast %min3A_1129 : vector<16xi32> to vector<16xi32>
    tpu.vector_store %arg14[%swap3A_1130], %swap3A_1133 {strides = array<i32>} : memref<64xi32, #tpu.memory_space<vmem>>, vector<16xi32>,
    %min3A_1134 = arith.constant 99999 : i32
    %min3A_1135 = vector.broadcast %min3A_1134 : i32 to vector<16xi32>
    %min3A_1136 = arith.minsi %shift_right_arithmetic3A_1115, %min3A_1135 : vector<16xi32>
    %swap3A_1137 = arith.constant 32 : index
    %swap3A_1138 = tpu.vector_load %arg14[%swap3A_1137] {strides = array<i32>} : memref<64xi32, #tpu.memory_space<vmem>>, vector<16xi32>,
    %swap3A_1139 = vector.shape_cast %swap3A_1138 : vector<16xi32> to vector<16xi32>
    %swap3A_1140 = vector.shape_cast %min3A_1136 : vector<16xi32> to vector<16xi32>
    tpu.vector_store %arg14[%swap3A_1137], %swap3A_1140 {strides = array<i32>} : memref<64xi32, #tpu.memory_space<vmem>>, vector<16xi32>,
    %min3A_1141 = arith.constant 99999 : i32
    %min3A_1142 = vector.broadcast %min3A_1141 : i32 to vector<16xi32>
    %min3A_1143 = arith.minsi %shift_right_arithmetic3A_1119, %min3A_1142 : vector<16xi32>
    %swap3A_1144 = arith.constant 48 : index
    %swap3A_1145 = tpu.vector_load %arg14[%swap3A_1144] {strides = array<i32>} : memref<64xi32, #tpu.memory_space<vmem>>, vector<16xi32>,
    %swap3A_1146 = vector.shape_cast %swap3A_1145 : vector<16xi32> to vector<16xi32>
    %swap3A_1147 = vector.shape_cast %min3A_1143 : vector<16xi32> to vector<16xi32>
    tpu.vector_store %arg14[%swap3A_1144], %swap3A_1147 {strides = array<i32>} : memref<64xi32, #tpu.memory_space<vmem>>, vector<16xi32>,
    %dma_start3A_1148 = arith.constant 0 : i32
    %dma_start3A_1149 = tpu.memref_slice %arg3[%dma_start3A_1148] : memref<100000xi32, #tpu.memory_space<hbm>> -> memref<100000xi32, #tpu.memory_space<hbm>>
    tpu.enqueue_indirect_dma source(%dma_start3A_1149 : memref<100000xi32, #tpu.memory_space<hbm>>) target(%arg15 : memref<64xi32, #tpu.memory_space<vmem>>) offsets(%arg14 : memref<64xi32, #tpu.memory_space<vmem>>) semaphore(%arg16 : memref<!tpu.dma_semaphore, #tpu.memory_space<semaphore_mem>>)
    %dma_wait3A_1150 = arith.constant 5 : i32
    %dma_wait3A_1151 = arith.constant 0 : i32
    %dma_wait3A_1152 = arith.constant 0 : i32
    %dma_wait3A_1153 = tpu.memref_slice %arg7[%dma_wait3A_1150, %dma_wait3A_1151, %dma_wait3A_1152] : memref<6x128x128xf32, #tpu.memory_space<vmem>> -> memref<1x128x128xf32, #tpu.memory_space<vmem>>
    %dma_wait3A_1154 = tpu.memref_squeeze %dma_wait3A_1153 : memref<1x128x128xf32, #tpu.memory_space<vmem>> -> memref<128x128xf32, #tpu.memory_space<vmem>>
    %dma_wait3A_1155 = arith.constant 0 : i32
    %dma_wait3A_1156 = arith.constant 0 : i32
    %dma_wait3A_1157 = tpu.memref_slice %arg30[%dma_wait3A_1155, %dma_wait3A_1156] : memref<1152x128xf32, #tpu.memory_space<vmem_shared>> -> memref<1152x128xf32, #tpu.memory_space<vmem_shared>>
    tpu.wait_indirect_dma semaphore(%arg28 : memref<!tpu.dma_semaphore, #tpu.memory_space<semaphore_mem>>) src(%dma_wait3A_1154 : memref<128x128xf32, #tpu.memory_space<vmem>>) dst(%dma_wait3A_1157 : memref<1152x128xf32, #tpu.memory_space<vmem_shared>>)
    %mul3A_1158 = arith.constant 25 : i32
    %mul3A_1159 = arith.muli %add3A, %mul3A_1158 : i32
    %add3A_1160 = arith.constant 11 : i32
    %add3A_1161 = arith.addi %mul3A_1159, %add3A_1160 : i32
    %mul3A_1162 = arith.constant 128 : i32
    %mul3A_1163 = arith.muli %add3A_1161, %mul3A_1162 : i32
    %min3A_1164 = arith.constant 99872 : i32
    %min3A_1165 = arith.minsi %mul3A_1163, %min3A_1164 : i32
    %multiple_of3A_1166 = tpu.assume_multiple %min3A_1165, 8 : i32
    %dma_start3A_1167 = arith.constant 5 : i32
    %dma_start3A_1168 = arith.constant 0 : i32
    %dma_start3A_1169 = arith.constant 0 : i32
    %dma_start3A_1170 = tpu.memref_slice %arg7[%dma_start3A_1167, %dma_start3A_1168, %dma_start3A_1169] : memref<6x128x128xf32, #tpu.memory_space<vmem>> -> memref<1x128x128xf32, #tpu.memory_space<vmem>>
    %dma_start3A_1171 = tpu.memref_squeeze %dma_start3A_1170 : memref<1x128x128xf32, #tpu.memory_space<vmem>> -> memref<128x128xf32, #tpu.memory_space<vmem>>
    %dma_start3A_1172 = arith.constant 0 : i32
    %dma_start3A_1173 = tpu.memref_slice %arg2[%multiple_of3A_1166, %dma_start3A_1172] : memref<100000x128xf32, #tpu.memory_space<hbm>> -> memref<128x128xf32, #tpu.memory_space<hbm>>
    %dma_start3A_1174 = arith.constant 0 : i32
    %dma_start3A_1175 = arith.constant 0 : i32
    %dma_start3A_1176 = tpu.memref_slice %arg7[%dma_start3A_1167, %dma_start3A_1174, %dma_start3A_1175] : memref<6x128x128xf32, #tpu.memory_space<vmem>> -> memref<1x128x128xf32, #tpu.memory_space<vmem>>
    %dma_start3A_1177 = tpu.memref_squeeze %dma_start3A_1176 : memref<1x128x128xf32, #tpu.memory_space<vmem>> -> memref<128x128xf32, #tpu.memory_space<vmem>>
    %dma_start3A_1178 = arith.constant 0 : i32
    %dma_start3A_1179 = tpu.memref_slice %arg2[%multiple_of3A_1166, %dma_start3A_1178] : memref<100000x128xf32, #tpu.memory_space<hbm>> -> memref<128x128xf32, #tpu.memory_space<hbm>>
    tpu.enqueue_dma source(%dma_start3A_1179 : memref<128x128xf32, #tpu.memory_space<hbm>>) target(%dma_start3A_1177 : memref<128x128xf32, #tpu.memory_space<vmem>>) target_semaphore(%arg22 : memref<!tpu.dma_semaphore, #tpu.memory_space<semaphore_mem>>)
    %mul3A_1180 = arith.constant 128 : i32
    %mul3A_1181 = arith.muli %add3A_1161, %mul3A_1180 : i32
    %dma_start3A_1182 = tpu.memref_slice %arg4[%mul3A_1181] : memref<102400xi32, #tpu.memory_space<hbm>> -> memref<128xi32, #tpu.memory_space<hbm>>
    %dma_start3A_1183 = tpu.memref_slice %arg4[%mul3A_1181] : memref<102400xi32, #tpu.memory_space<hbm>> -> memref<128xi32, #tpu.memory_space<hbm>>
    tpu.enqueue_dma source(%dma_start3A_1183 : memref<128xi32, #tpu.memory_space<hbm>>) target(%arg13 : memref<128xi32, #tpu.memory_space<vmem>>) target_semaphore(%arg22 : memref<!tpu.dma_semaphore, #tpu.memory_space<semaphore_mem>>)
    %dma_wait3A_1184 = arith.constant 1 : i32
    %dma_wait3A_1185 = arith.constant 0 : i32
    %dma_wait3A_1186 = arith.constant 0 : i32
    %dma_wait3A_1187 = tpu.memref_slice %arg7[%dma_wait3A_1184, %dma_wait3A_1185, %dma_wait3A_1186] : memref<6x128x128xf32, #tpu.memory_space<vmem>> -> memref<1x128x128xf32, #tpu.memory_space<vmem>>
    %dma_wait3A_1188 = tpu.memref_squeeze %dma_wait3A_1187 : memref<1x128x128xf32, #tpu.memory_space<vmem>> -> memref<128x128xf32, #tpu.memory_space<vmem>>
    %dma_wait3A_1189 = arith.constant 0 : i32
    %dma_wait3A_1190 = tpu.memref_slice %arg2[%multiple_of3A_602, %dma_wait3A_1189] : memref<100000x128xf32, #tpu.memory_space<hbm>> -> memref<128x128xf32, #tpu.memory_space<hbm>>
    %dma_wait3A_1191 = arith.constant 0 : i32
    %dma_wait3A_1192 = arith.constant 0 : i32
    %dma_wait3A_1193 = tpu.memref_slice %arg7[%dma_wait3A_1184, %dma_wait3A_1191, %dma_wait3A_1192] : memref<6x128x128xf32, #tpu.memory_space<vmem>> -> memref<1x128x128xf32, #tpu.memory_space<vmem>>
    %dma_wait3A_1194 = tpu.memref_squeeze %dma_wait3A_1193 : memref<1x128x128xf32, #tpu.memory_space<vmem>> -> memref<128x128xf32, #tpu.memory_space<vmem>>
    %dma_wait3A_1195 = arith.constant 0 : i32
    %dma_wait3A_1196 = tpu.memref_slice %arg2[%multiple_of3A_602, %dma_wait3A_1195] : memref<100000x128xf32, #tpu.memory_space<hbm>> -> memref<128x128xf32, #tpu.memory_space<hbm>>
    tpu.wait_dma2 semaphore(%arg18 : memref<!tpu.dma_semaphore, #tpu.memory_space<semaphore_mem>>) src(%dma_wait3A_1196 : memref<128x128xf32, #tpu.memory_space<hbm>>) dst(%dma_wait3A_1194 : memref<128x128xf32, #tpu.memory_space<vmem>>)
    %dma_wait3A_1197 = tpu.memref_slice %arg4[%mul3A_617] : memref<102400xi32, #tpu.memory_space<hbm>> -> memref<128xi32, #tpu.memory_space<hbm>>
    %dma_wait3A_1198 = tpu.memref_slice %arg4[%mul3A_617] : memref<102400xi32, #tpu.memory_space<hbm>> -> memref<128xi32, #tpu.memory_space<hbm>>
    tpu.wait_dma2 semaphore(%arg18 : memref<!tpu.dma_semaphore, #tpu.memory_space<semaphore_mem>>) src(%dma_wait3A_1198 : memref<128xi32, #tpu.memory_space<hbm>>) dst(%arg9 : memref<128xi32, #tpu.memory_space<vmem>>)
    %dma_start3A_1199 = arith.constant 1 : i32
    %dma_start3A_1200 = arith.constant 0 : i32
    %dma_start3A_1201 = arith.constant 0 : i32
    %dma_start3A_1202 = tpu.memref_slice %arg7[%dma_start3A_1199, %dma_start3A_1200, %dma_start3A_1201] : memref<6x128x128xf32, #tpu.memory_space<vmem>> -> memref<1x128x128xf32, #tpu.memory_space<vmem>>
    %dma_start3A_1203 = tpu.memref_squeeze %dma_start3A_1202 : memref<1x128x128xf32, #tpu.memory_space<vmem>> -> memref<128x128xf32, #tpu.memory_space<vmem>>
    %dma_start3A_1204 = arith.constant 0 : i32
    %dma_start3A_1205 = arith.constant 0 : i32
    %dma_start3A_1206 = tpu.memref_slice %arg30[%dma_start3A_1204, %dma_start3A_1205] : memref<1152x128xf32, #tpu.memory_space<vmem_shared>> -> memref<1152x128xf32, #tpu.memory_space<vmem_shared>>
    tpu.enqueue_indirect_dma source(%dma_start3A_1203 : memref<128x128xf32, #tpu.memory_space<vmem>>) target(%dma_start3A_1206 : memref<1152x128xf32, #tpu.memory_space<vmem_shared>>) offsets(%arg9 : memref<128xi32, #tpu.memory_space<vmem>>) semaphore(%arg24 : memref<!tpu.dma_semaphore, #tpu.memory_space<semaphore_mem>>) {add = true}
    %dma_wait3A_1207 = arith.constant 0 : i32
    %dma_wait3A_1208 = tpu.memref_slice %arg3[%dma_wait3A_1207] : memref<100000xi32, #tpu.memory_space<hbm>> -> memref<100000xi32, #tpu.memory_space<hbm>>
    tpu.wait_indirect_dma semaphore(%arg16 : memref<!tpu.dma_semaphore, #tpu.memory_space<semaphore_mem>>) src(%dma_wait3A_1208 : memref<100000xi32, #tpu.memory_space<hbm>>) dst(%arg15 : memref<64xi32, #tpu.memory_space<vmem>>)
    %get3A_1209 = arith.constant 0 : index
    %get3A_1210 = tpu.vector_load %arg15[%get3A_1209] {strides = array<i32>} : memref<64xi32, #tpu.memory_space<vmem>>, vector<16xi32>,
    %get3A_1211 = vector.shape_cast %get3A_1210 : vector<16xi32> to vector<16xi32>
    %lt3A_1212 = arith.cmpi slt, %get3A_1211, %add3A_12 : vector<16xi32>
    %add3A_1213 = arith.constant 1 : i32
    %add3A_1214 = vector.broadcast %add3A_1213 : i32 to vector<16xi32>
    %add3A_1215 = arith.addi %shift_right_arithmetic3A_1107, %add3A_1214 : vector<16xi32>
    %select_n3A_1216 = arith.select %lt3A_1212, %add3A_1215, %select_n3A_1075 : vector<16xi1>, vector<16xi32>
    %select_n3A_1217 = arith.select %lt3A_1212, %select_n3A_1076, %shift_right_arithmetic3A_1107 : vector<16xi1>, vector<16xi32>
    %get3A_1218 = arith.constant 16 : index
    %get3A_1219 = tpu.vector_load %arg15[%get3A_1218] {strides = array<i32>} : memref<64xi32, #tpu.memory_space<vmem>>, vector<16xi32>,
    %get3A_1220 = vector.shape_cast %get3A_1219 : vector<16xi32> to vector<16xi32>
    %lt3A_1221 = arith.cmpi slt, %get3A_1220, %add3A_18 : vector<16xi32>
    %add3A_1222 = arith.constant 1 : i32
    %add3A_1223 = vector.broadcast %add3A_1222 : i32 to vector<16xi32>
    %add3A_1224 = arith.addi %shift_right_arithmetic3A_1111, %add3A_1223 : vector<16xi32>
    %select_n3A_1225 = arith.select %lt3A_1221, %add3A_1224, %select_n3A_1084 : vector<16xi1>, vector<16xi32>
    %select_n3A_1226 = arith.select %lt3A_1221, %select_n3A_1085, %shift_right_arithmetic3A_1111 : vector<16xi1>, vector<16xi32>
    %get3A_1227 = arith.constant 32 : index
    %get3A_1228 = tpu.vector_load %arg15[%get3A_1227] {strides = array<i32>} : memref<64xi32, #tpu.memory_space<vmem>>, vector<16xi32>,
    %get3A_1229 = vector.shape_cast %get3A_1228 : vector<16xi32> to vector<16xi32>
    %lt3A_1230 = arith.cmpi slt, %get3A_1229, %add3A_15 : vector<16xi32>
    %add3A_1231 = arith.constant 1 : i32
    %add3A_1232 = vector.broadcast %add3A_1231 : i32 to vector<16xi32>
    %add3A_1233 = arith.addi %shift_right_arithmetic3A_1115, %add3A_1232 : vector<16xi32>
    %select_n3A_1234 = arith.select %lt3A_1230, %add3A_1233, %select_n3A_1093 : vector<16xi1>, vector<16xi32>
    %select_n3A_1235 = arith.select %lt3A_1230, %select_n3A_1094, %shift_right_arithmetic3A_1115 : vector<16xi1>, vector<16xi32>
    %get3A_1236 = arith.constant 48 : index
    %get3A_1237 = tpu.vector_load %arg15[%get3A_1236] {strides = array<i32>} : memref<64xi32, #tpu.memory_space<vmem>>, vector<16xi32>,
    %get3A_1238 = vector.shape_cast %get3A_1237 : vector<16xi32> to vector<16xi32>
    %lt3A_1239 = arith.cmpi slt, %get3A_1238, %add3A_21 : vector<16xi32>
    %add3A_1240 = arith.constant 1 : i32
    %add3A_1241 = vector.broadcast %add3A_1240 : i32 to vector<16xi32>
    %add3A_1242 = arith.addi %shift_right_arithmetic3A_1119, %add3A_1241 : vector<16xi32>
    %select_n3A_1243 = arith.select %lt3A_1239, %add3A_1242, %select_n3A_1102 : vector<16xi1>, vector<16xi32>
    %select_n3A_1244 = arith.select %lt3A_1239, %select_n3A_1103, %shift_right_arithmetic3A_1119 : vector<16xi1>, vector<16xi32>
    %add3A_1245 = arith.addi %select_n3A_1216, %select_n3A_1217 : vector<16xi32>
    %shift_right_arithmetic3A_1246 = arith.constant 1 : i32
    %shift_right_arithmetic3A_1247 = vector.broadcast %shift_right_arithmetic3A_1246 : i32 to vector<16xi32>
    %shift_right_arithmetic3A_1248 = arith.shrsi %add3A_1245, %shift_right_arithmetic3A_1247 : vector<16xi32>
    %add3A_1249 = arith.addi %select_n3A_1225, %select_n3A_1226 : vector<16xi32>
    %shift_right_arithmetic3A_1250 = arith.constant 1 : i32
    %shift_right_arithmetic3A_1251 = vector.broadcast %shift_right_arithmetic3A_1250 : i32 to vector<16xi32>
    %shift_right_arithmetic3A_1252 = arith.shrsi %add3A_1249, %shift_right_arithmetic3A_1251 : vector<16xi32>
    %add3A_1253 = arith.addi %select_n3A_1234, %select_n3A_1235 : vector<16xi32>
    %shift_right_arithmetic3A_1254 = arith.constant 1 : i32
    %shift_right_arithmetic3A_1255 = vector.broadcast %shift_right_arithmetic3A_1254 : i32 to vector<16xi32>
    %shift_right_arithmetic3A_1256 = arith.shrsi %add3A_1253, %shift_right_arithmetic3A_1255 : vector<16xi32>
    %add3A_1257 = arith.addi %select_n3A_1243, %select_n3A_1244 : vector<16xi32>
    %shift_right_arithmetic3A_1258 = arith.constant 1 : i32
    %shift_right_arithmetic3A_1259 = vector.broadcast %shift_right_arithmetic3A_1258 : i32 to vector<16xi32>
    %shift_right_arithmetic3A_1260 = arith.shrsi %add3A_1257, %shift_right_arithmetic3A_1259 : vector<16xi32>
    %min3A_1261 = arith.constant 99999 : i32
    %min3A_1262 = vector.broadcast %min3A_1261 : i32 to vector<16xi32>
    %min3A_1263 = arith.minsi %shift_right_arithmetic3A_1248, %min3A_1262 : vector<16xi32>
    %swap3A_1264 = arith.constant 0 : index
    %swap3A_1265 = tpu.vector_load %arg14[%swap3A_1264] {strides = array<i32>} : memref<64xi32, #tpu.memory_space<vmem>>, vector<16xi32>,
    %swap3A_1266 = vector.shape_cast %swap3A_1265 : vector<16xi32> to vector<16xi32>
    %swap3A_1267 = vector.shape_cast %min3A_1263 : vector<16xi32> to vector<16xi32>
    tpu.vector_store %arg14[%swap3A_1264], %swap3A_1267 {strides = array<i32>} : memref<64xi32, #tpu.memory_space<vmem>>, vector<16xi32>,
    %min3A_1268 = arith.constant 99999 : i32
    %min3A_1269 = vector.broadcast %min3A_1268 : i32 to vector<16xi32>
    %min3A_1270 = arith.minsi %shift_right_arithmetic3A_1252, %min3A_1269 : vector<16xi32>
    %swap3A_1271 = arith.constant 16 : index
    %swap3A_1272 = tpu.vector_load %arg14[%swap3A_1271] {strides = array<i32>} : memref<64xi32, #tpu.memory_space<vmem>>, vector<16xi32>,
    %swap3A_1273 = vector.shape_cast %swap3A_1272 : vector<16xi32> to vector<16xi32>
    %swap3A_1274 = vector.shape_cast %min3A_1270 : vector<16xi32> to vector<16xi32>
    tpu.vector_store %arg14[%swap3A_1271], %swap3A_1274 {strides = array<i32>} : memref<64xi32, #tpu.memory_space<vmem>>, vector<16xi32>,
    %min3A_1275 = arith.constant 99999 : i32
    %min3A_1276 = vector.broadcast %min3A_1275 : i32 to vector<16xi32>
    %min3A_1277 = arith.minsi %shift_right_arithmetic3A_1256, %min3A_1276 : vector<16xi32>
    %swap3A_1278 = arith.constant 32 : index
    %swap3A_1279 = tpu.vector_load %arg14[%swap3A_1278] {strides = array<i32>} : memref<64xi32, #tpu.memory_space<vmem>>, vector<16xi32>,
    %swap3A_1280 = vector.shape_cast %swap3A_1279 : vector<16xi32> to vector<16xi32>
    %swap3A_1281 = vector.shape_cast %min3A_1277 : vector<16xi32> to vector<16xi32>
    tpu.vector_store %arg14[%swap3A_1278], %swap3A_1281 {strides = array<i32>} : memref<64xi32, #tpu.memory_space<vmem>>, vector<16xi32>,
    %min3A_1282 = arith.constant 99999 : i32
    %min3A_1283 = vector.broadcast %min3A_1282 : i32 to vector<16xi32>
    %min3A_1284 = arith.minsi %shift_right_arithmetic3A_1260, %min3A_1283 : vector<16xi32>
    %swap3A_1285 = arith.constant 48 : index
    %swap3A_1286 = tpu.vector_load %arg14[%swap3A_1285] {strides = array<i32>} : memref<64xi32, #tpu.memory_space<vmem>>, vector<16xi32>,
    %swap3A_1287 = vector.shape_cast %swap3A_1286 : vector<16xi32> to vector<16xi32>
    %swap3A_1288 = vector.shape_cast %min3A_1284 : vector<16xi32> to vector<16xi32>
    tpu.vector_store %arg14[%swap3A_1285], %swap3A_1288 {strides = array<i32>} : memref<64xi32, #tpu.memory_space<vmem>>, vector<16xi32>,
    %dma_start3A_1289 = arith.constant 0 : i32
    %dma_start3A_1290 = tpu.memref_slice %arg3[%dma_start3A_1289] : memref<100000xi32, #tpu.memory_space<hbm>> -> memref<100000xi32, #tpu.memory_space<hbm>>
    tpu.enqueue_indirect_dma source(%dma_start3A_1290 : memref<100000xi32, #tpu.memory_space<hbm>>) target(%arg15 : memref<64xi32, #tpu.memory_space<vmem>>) offsets(%arg14 : memref<64xi32, #tpu.memory_space<vmem>>) semaphore(%arg16 : memref<!tpu.dma_semaphore, #tpu.memory_space<semaphore_mem>>)
    %dma_wait3A_1291 = arith.constant 0 : i32
    %dma_wait3A_1292 = arith.constant 0 : i32
    %dma_wait3A_1293 = arith.constant 0 : i32
    %dma_wait3A_1294 = tpu.memref_slice %arg7[%dma_wait3A_1291, %dma_wait3A_1292, %dma_wait3A_1293] : memref<6x128x128xf32, #tpu.memory_space<vmem>> -> memref<1x128x128xf32, #tpu.memory_space<vmem>>
    %dma_wait3A_1295 = tpu.memref_squeeze %dma_wait3A_1294 : memref<1x128x128xf32, #tpu.memory_space<vmem>> -> memref<128x128xf32, #tpu.memory_space<vmem>>
    %dma_wait3A_1296 = arith.constant 0 : i32
    %dma_wait3A_1297 = arith.constant 0 : i32
    %dma_wait3A_1298 = tpu.memref_slice %arg30[%dma_wait3A_1296, %dma_wait3A_1297] : memref<1152x128xf32, #tpu.memory_space<vmem_shared>> -> memref<1152x128xf32, #tpu.memory_space<vmem_shared>>
    tpu.wait_indirect_dma semaphore(%arg23 : memref<!tpu.dma_semaphore, #tpu.memory_space<semaphore_mem>>) src(%dma_wait3A_1295 : memref<128x128xf32, #tpu.memory_space<vmem>>) dst(%dma_wait3A_1298 : memref<1152x128xf32, #tpu.memory_space<vmem_shared>>)
    %mul3A_1299 = arith.constant 25 : i32
    %mul3A_1300 = arith.muli %add3A, %mul3A_1299 : i32
    %add3A_1301 = arith.constant 12 : i32
    %add3A_1302 = arith.addi %mul3A_1300, %add3A_1301 : i32
    %mul3A_1303 = arith.constant 128 : i32
    %mul3A_1304 = arith.muli %add3A_1302, %mul3A_1303 : i32
    %min3A_1305 = arith.constant 99872 : i32
    %min3A_1306 = arith.minsi %mul3A_1304, %min3A_1305 : i32
    %multiple_of3A_1307 = tpu.assume_multiple %min3A_1306, 8 : i32
    %dma_start3A_1308 = arith.constant 0 : i32
    %dma_start3A_1309 = arith.constant 0 : i32
    %dma_start3A_1310 = arith.constant 0 : i32
    %dma_start3A_1311 = tpu.memref_slice %arg7[%dma_start3A_1308, %dma_start3A_1309, %dma_start3A_1310] : memref<6x128x128xf32, #tpu.memory_space<vmem>> -> memref<1x128x128xf32, #tpu.memory_space<vmem>>
    %dma_start3A_1312 = tpu.memref_squeeze %dma_start3A_1311 : memref<1x128x128xf32, #tpu.memory_space<vmem>> -> memref<128x128xf32, #tpu.memory_space<vmem>>
    %dma_start3A_1313 = arith.constant 0 : i32
    %dma_start3A_1314 = tpu.memref_slice %arg2[%multiple_of3A_1307, %dma_start3A_1313] : memref<100000x128xf32, #tpu.memory_space<hbm>> -> memref<128x128xf32, #tpu.memory_space<hbm>>
    %dma_start3A_1315 = arith.constant 0 : i32
    %dma_start3A_1316 = arith.constant 0 : i32
    %dma_start3A_1317 = tpu.memref_slice %arg7[%dma_start3A_1308, %dma_start3A_1315, %dma_start3A_1316] : memref<6x128x128xf32, #tpu.memory_space<vmem>> -> memref<1x128x128xf32, #tpu.memory_space<vmem>>
    %dma_start3A_1318 = tpu.memref_squeeze %dma_start3A_1317 : memref<1x128x128xf32, #tpu.memory_space<vmem>> -> memref<128x128xf32, #tpu.memory_space<vmem>>
    %dma_start3A_1319 = arith.constant 0 : i32
    %dma_start3A_1320 = tpu.memref_slice %arg2[%multiple_of3A_1307, %dma_start3A_1319] : memref<100000x128xf32, #tpu.memory_space<hbm>> -> memref<128x128xf32, #tpu.memory_space<hbm>>
    tpu.enqueue_dma source(%dma_start3A_1320 : memref<128x128xf32, #tpu.memory_space<hbm>>) target(%dma_start3A_1318 : memref<128x128xf32, #tpu.memory_space<vmem>>) target_semaphore(%arg17 : memref<!tpu.dma_semaphore, #tpu.memory_space<semaphore_mem>>)
    %mul3A_1321 = arith.constant 128 : i32
    %mul3A_1322 = arith.muli %add3A_1302, %mul3A_1321 : i32
    %dma_start3A_1323 = tpu.memref_slice %arg4[%mul3A_1322] : memref<102400xi32, #tpu.memory_space<hbm>> -> memref<128xi32, #tpu.memory_space<hbm>>
    %dma_start3A_1324 = tpu.memref_slice %arg4[%mul3A_1322] : memref<102400xi32, #tpu.memory_space<hbm>> -> memref<128xi32, #tpu.memory_space<hbm>>
    tpu.enqueue_dma source(%dma_start3A_1324 : memref<128xi32, #tpu.memory_space<hbm>>) target(%arg8 : memref<128xi32, #tpu.memory_space<vmem>>) target_semaphore(%arg17 : memref<!tpu.dma_semaphore, #tpu.memory_space<semaphore_mem>>)
    %dma_wait3A_1325 = arith.constant 2 : i32
    %dma_wait3A_1326 = arith.constant 0 : i32
    %dma_wait3A_1327 = arith.constant 0 : i32
    %dma_wait3A_1328 = tpu.memref_slice %arg7[%dma_wait3A_1325, %dma_wait3A_1326, %dma_wait3A_1327] : memref<6x128x128xf32, #tpu.memory_space<vmem>> -> memref<1x128x128xf32, #tpu.memory_space<vmem>>
    %dma_wait3A_1329 = tpu.memref_squeeze %dma_wait3A_1328 : memref<1x128x128xf32, #tpu.memory_space<vmem>> -> memref<128x128xf32, #tpu.memory_space<vmem>>
    %dma_wait3A_1330 = arith.constant 0 : i32
    %dma_wait3A_1331 = tpu.memref_slice %arg2[%multiple_of3A_743, %dma_wait3A_1330] : memref<100000x128xf32, #tpu.memory_space<hbm>> -> memref<128x128xf32, #tpu.memory_space<hbm>>
    %dma_wait3A_1332 = arith.constant 0 : i32
    %dma_wait3A_1333 = arith.constant 0 : i32
    %dma_wait3A_1334 = tpu.memref_slice %arg7[%dma_wait3A_1325, %dma_wait3A_1332, %dma_wait3A_1333] : memref<6x128x128xf32, #tpu.memory_space<vmem>> -> memref<1x128x128xf32, #tpu.memory_space<vmem>>
    %dma_wait3A_1335 = tpu.memref_squeeze %dma_wait3A_1334 : memref<1x128x128xf32, #tpu.memory_space<vmem>> -> memref<128x128xf32, #tpu.memory_space<vmem>>
    %dma_wait3A_1336 = arith.constant 0 : i32
    %dma_wait3A_1337 = tpu.memref_slice %arg2[%multiple_of3A_743, %dma_wait3A_1336] : memref<100000x128xf32, #tpu.memory_space<hbm>> -> memref<128x128xf32, #tpu.memory_space<hbm>>
    tpu.wait_dma2 semaphore(%arg19 : memref<!tpu.dma_semaphore, #tpu.memory_space<semaphore_mem>>) src(%dma_wait3A_1337 : memref<128x128xf32, #tpu.memory_space<hbm>>) dst(%dma_wait3A_1335 : memref<128x128xf32, #tpu.memory_space<vmem>>)
    %dma_wait3A_1338 = tpu.memref_slice %arg4[%mul3A_758] : memref<102400xi32, #tpu.memory_space<hbm>> -> memref<128xi32, #tpu.memory_space<hbm>>
    %dma_wait3A_1339 = tpu.memref_slice %arg4[%mul3A_758] : memref<102400xi32, #tpu.memory_space<hbm>> -> memref<128xi32, #tpu.memory_space<hbm>>
    tpu.wait_dma2 semaphore(%arg19 : memref<!tpu.dma_semaphore, #tpu.memory_space<semaphore_mem>>) src(%dma_wait3A_1339 : memref<128xi32, #tpu.memory_space<hbm>>) dst(%arg10 : memref<128xi32, #tpu.memory_space<vmem>>)
    %dma_start3A_1340 = arith.constant 2 : i32
    %dma_start3A_1341 = arith.constant 0 : i32
    %dma_start3A_1342 = arith.constant 0 : i32
    %dma_start3A_1343 = tpu.memref_slice %arg7[%dma_start3A_1340, %dma_start3A_1341, %dma_start3A_1342] : memref<6x128x128xf32, #tpu.memory_space<vmem>> -> memref<1x128x128xf32, #tpu.memory_space<vmem>>
    %dma_start3A_1344 = tpu.memref_squeeze %dma_start3A_1343 : memref<1x128x128xf32, #tpu.memory_space<vmem>> -> memref<128x128xf32, #tpu.memory_space<vmem>>
    %dma_start3A_1345 = arith.constant 0 : i32
    %dma_start3A_1346 = arith.constant 0 : i32
    %dma_start3A_1347 = tpu.memref_slice %arg30[%dma_start3A_1345, %dma_start3A_1346] : memref<1152x128xf32, #tpu.memory_space<vmem_shared>> -> memref<1152x128xf32, #tpu.memory_space<vmem_shared>>
    tpu.enqueue_indirect_dma source(%dma_start3A_1344 : memref<128x128xf32, #tpu.memory_space<vmem>>) target(%dma_start3A_1347 : memref<1152x128xf32, #tpu.memory_space<vmem_shared>>) offsets(%arg10 : memref<128xi32, #tpu.memory_space<vmem>>) semaphore(%arg25 : memref<!tpu.dma_semaphore, #tpu.memory_space<semaphore_mem>>) {add = true}
    %dma_wait3A_1348 = arith.constant 0 : i32
    %dma_wait3A_1349 = tpu.memref_slice %arg3[%dma_wait3A_1348] : memref<100000xi32, #tpu.memory_space<hbm>> -> memref<100000xi32, #tpu.memory_space<hbm>>
    tpu.wait_indirect_dma semaphore(%arg16 : memref<!tpu.dma_semaphore, #tpu.memory_space<semaphore_mem>>) src(%dma_wait3A_1349 : memref<100000xi32, #tpu.memory_space<hbm>>) dst(%arg15 : memref<64xi32, #tpu.memory_space<vmem>>)
    %get3A_1350 = arith.constant 0 : index
    %get3A_1351 = tpu.vector_load %arg15[%get3A_1350] {strides = array<i32>} : memref<64xi32, #tpu.memory_space<vmem>>, vector<16xi32>,
    %get3A_1352 = vector.shape_cast %get3A_1351 : vector<16xi32> to vector<16xi32>
    %lt3A_1353 = arith.cmpi slt, %get3A_1352, %add3A_12 : vector<16xi32>
    %add3A_1354 = arith.constant 1 : i32
    %add3A_1355 = vector.broadcast %add3A_1354 : i32 to vector<16xi32>
    %add3A_1356 = arith.addi %shift_right_arithmetic3A_1248, %add3A_1355 : vector<16xi32>
    %select_n3A_1357 = arith.select %lt3A_1353, %add3A_1356, %select_n3A_1216 : vector<16xi1>, vector<16xi32>
    %select_n3A_1358 = arith.select %lt3A_1353, %select_n3A_1217, %shift_right_arithmetic3A_1248 : vector<16xi1>, vector<16xi32>
    %get3A_1359 = arith.constant 16 : index
    %get3A_1360 = tpu.vector_load %arg15[%get3A_1359] {strides = array<i32>} : memref<64xi32, #tpu.memory_space<vmem>>, vector<16xi32>,
    %get3A_1361 = vector.shape_cast %get3A_1360 : vector<16xi32> to vector<16xi32>
    %lt3A_1362 = arith.cmpi slt, %get3A_1361, %add3A_18 : vector<16xi32>
    %add3A_1363 = arith.constant 1 : i32
    %add3A_1364 = vector.broadcast %add3A_1363 : i32 to vector<16xi32>
    %add3A_1365 = arith.addi %shift_right_arithmetic3A_1252, %add3A_1364 : vector<16xi32>
    %select_n3A_1366 = arith.select %lt3A_1362, %add3A_1365, %select_n3A_1225 : vector<16xi1>, vector<16xi32>
    %select_n3A_1367 = arith.select %lt3A_1362, %select_n3A_1226, %shift_right_arithmetic3A_1252 : vector<16xi1>, vector<16xi32>
    %get3A_1368 = arith.constant 32 : index
    %get3A_1369 = tpu.vector_load %arg15[%get3A_1368] {strides = array<i32>} : memref<64xi32, #tpu.memory_space<vmem>>, vector<16xi32>,
    %get3A_1370 = vector.shape_cast %get3A_1369 : vector<16xi32> to vector<16xi32>
    %lt3A_1371 = arith.cmpi slt, %get3A_1370, %add3A_15 : vector<16xi32>
    %add3A_1372 = arith.constant 1 : i32
    %add3A_1373 = vector.broadcast %add3A_1372 : i32 to vector<16xi32>
    %add3A_1374 = arith.addi %shift_right_arithmetic3A_1256, %add3A_1373 : vector<16xi32>
    %select_n3A_1375 = arith.select %lt3A_1371, %add3A_1374, %select_n3A_1234 : vector<16xi1>, vector<16xi32>
    %select_n3A_1376 = arith.select %lt3A_1371, %select_n3A_1235, %shift_right_arithmetic3A_1256 : vector<16xi1>, vector<16xi32>
    %get3A_1377 = arith.constant 48 : index
    %get3A_1378 = tpu.vector_load %arg15[%get3A_1377] {strides = array<i32>} : memref<64xi32, #tpu.memory_space<vmem>>, vector<16xi32>,
    %get3A_1379 = vector.shape_cast %get3A_1378 : vector<16xi32> to vector<16xi32>
    %lt3A_1380 = arith.cmpi slt, %get3A_1379, %add3A_21 : vector<16xi32>
    %add3A_1381 = arith.constant 1 : i32
    %add3A_1382 = vector.broadcast %add3A_1381 : i32 to vector<16xi32>
    %add3A_1383 = arith.addi %shift_right_arithmetic3A_1260, %add3A_1382 : vector<16xi32>
    %select_n3A_1384 = arith.select %lt3A_1380, %add3A_1383, %select_n3A_1243 : vector<16xi1>, vector<16xi32>
    %select_n3A_1385 = arith.select %lt3A_1380, %select_n3A_1244, %shift_right_arithmetic3A_1260 : vector<16xi1>, vector<16xi32>
    %add3A_1386 = arith.addi %select_n3A_1357, %select_n3A_1358 : vector<16xi32>
    %shift_right_arithmetic3A_1387 = arith.constant 1 : i32
    %shift_right_arithmetic3A_1388 = vector.broadcast %shift_right_arithmetic3A_1387 : i32 to vector<16xi32>
    %shift_right_arithmetic3A_1389 = arith.shrsi %add3A_1386, %shift_right_arithmetic3A_1388 : vector<16xi32>
    %add3A_1390 = arith.addi %select_n3A_1366, %select_n3A_1367 : vector<16xi32>
    %shift_right_arithmetic3A_1391 = arith.constant 1 : i32
    %shift_right_arithmetic3A_1392 = vector.broadcast %shift_right_arithmetic3A_1391 : i32 to vector<16xi32>
    %shift_right_arithmetic3A_1393 = arith.shrsi %add3A_1390, %shift_right_arithmetic3A_1392 : vector<16xi32>
    %add3A_1394 = arith.addi %select_n3A_1375, %select_n3A_1376 : vector<16xi32>
    %shift_right_arithmetic3A_1395 = arith.constant 1 : i32
    %shift_right_arithmetic3A_1396 = vector.broadcast %shift_right_arithmetic3A_1395 : i32 to vector<16xi32>
    %shift_right_arithmetic3A_1397 = arith.shrsi %add3A_1394, %shift_right_arithmetic3A_1396 : vector<16xi32>
    %add3A_1398 = arith.addi %select_n3A_1384, %select_n3A_1385 : vector<16xi32>
    %shift_right_arithmetic3A_1399 = arith.constant 1 : i32
    %shift_right_arithmetic3A_1400 = vector.broadcast %shift_right_arithmetic3A_1399 : i32 to vector<16xi32>
    %shift_right_arithmetic3A_1401 = arith.shrsi %add3A_1398, %shift_right_arithmetic3A_1400 : vector<16xi32>
    %min3A_1402 = arith.constant 99999 : i32
    %min3A_1403 = vector.broadcast %min3A_1402 : i32 to vector<16xi32>
    %min3A_1404 = arith.minsi %shift_right_arithmetic3A_1389, %min3A_1403 : vector<16xi32>
    %swap3A_1405 = arith.constant 0 : index
    %swap3A_1406 = tpu.vector_load %arg14[%swap3A_1405] {strides = array<i32>} : memref<64xi32, #tpu.memory_space<vmem>>, vector<16xi32>,
    %swap3A_1407 = vector.shape_cast %swap3A_1406 : vector<16xi32> to vector<16xi32>
    %swap3A_1408 = vector.shape_cast %min3A_1404 : vector<16xi32> to vector<16xi32>
    tpu.vector_store %arg14[%swap3A_1405], %swap3A_1408 {strides = array<i32>} : memref<64xi32, #tpu.memory_space<vmem>>, vector<16xi32>,
    %min3A_1409 = arith.constant 99999 : i32
    %min3A_1410 = vector.broadcast %min3A_1409 : i32 to vector<16xi32>
    %min3A_1411 = arith.minsi %shift_right_arithmetic3A_1393, %min3A_1410 : vector<16xi32>
    %swap3A_1412 = arith.constant 16 : index
    %swap3A_1413 = tpu.vector_load %arg14[%swap3A_1412] {strides = array<i32>} : memref<64xi32, #tpu.memory_space<vmem>>, vector<16xi32>,
    %swap3A_1414 = vector.shape_cast %swap3A_1413 : vector<16xi32> to vector<16xi32>
    %swap3A_1415 = vector.shape_cast %min3A_1411 : vector<16xi32> to vector<16xi32>
    tpu.vector_store %arg14[%swap3A_1412], %swap3A_1415 {strides = array<i32>} : memref<64xi32, #tpu.memory_space<vmem>>, vector<16xi32>,
    %min3A_1416 = arith.constant 99999 : i32
    %min3A_1417 = vector.broadcast %min3A_1416 : i32 to vector<16xi32>
    %min3A_1418 = arith.minsi %shift_right_arithmetic3A_1397, %min3A_1417 : vector<16xi32>
    %swap3A_1419 = arith.constant 32 : index
    %swap3A_1420 = tpu.vector_load %arg14[%swap3A_1419] {strides = array<i32>} : memref<64xi32, #tpu.memory_space<vmem>>, vector<16xi32>,
    %swap3A_1421 = vector.shape_cast %swap3A_1420 : vector<16xi32> to vector<16xi32>
    %swap3A_1422 = vector.shape_cast %min3A_1418 : vector<16xi32> to vector<16xi32>
    tpu.vector_store %arg14[%swap3A_1419], %swap3A_1422 {strides = array<i32>} : memref<64xi32, #tpu.memory_space<vmem>>, vector<16xi32>,
    %min3A_1423 = arith.constant 99999 : i32
    %min3A_1424 = vector.broadcast %min3A_1423 : i32 to vector<16xi32>
    %min3A_1425 = arith.minsi %shift_right_arithmetic3A_1401, %min3A_1424 : vector<16xi32>
    %swap3A_1426 = arith.constant 48 : index
    %swap3A_1427 = tpu.vector_load %arg14[%swap3A_1426] {strides = array<i32>} : memref<64xi32, #tpu.memory_space<vmem>>, vector<16xi32>,
    %swap3A_1428 = vector.shape_cast %swap3A_1427 : vector<16xi32> to vector<16xi32>
    %swap3A_1429 = vector.shape_cast %min3A_1425 : vector<16xi32> to vector<16xi32>
    tpu.vector_store %arg14[%swap3A_1426], %swap3A_1429 {strides = array<i32>} : memref<64xi32, #tpu.memory_space<vmem>>, vector<16xi32>,
    %dma_start3A_1430 = arith.constant 0 : i32
    %dma_start3A_1431 = tpu.memref_slice %arg3[%dma_start3A_1430] : memref<100000xi32, #tpu.memory_space<hbm>> -> memref<100000xi32, #tpu.memory_space<hbm>>
    tpu.enqueue_indirect_dma source(%dma_start3A_1431 : memref<100000xi32, #tpu.memory_space<hbm>>) target(%arg15 : memref<64xi32, #tpu.memory_space<vmem>>) offsets(%arg14 : memref<64xi32, #tpu.memory_space<vmem>>) semaphore(%arg16 : memref<!tpu.dma_semaphore, #tpu.memory_space<semaphore_mem>>)
    %dma_wait3A_1432 = arith.constant 1 : i32
    %dma_wait3A_1433 = arith.constant 0 : i32
    %dma_wait3A_1434 = arith.constant 0 : i32
    %dma_wait3A_1435 = tpu.memref_slice %arg7[%dma_wait3A_1432, %dma_wait3A_1433, %dma_wait3A_1434] : memref<6x128x128xf32, #tpu.memory_space<vmem>> -> memref<1x128x128xf32, #tpu.memory_space<vmem>>
    %dma_wait3A_1436 = tpu.memref_squeeze %dma_wait3A_1435 : memref<1x128x128xf32, #tpu.memory_space<vmem>> -> memref<128x128xf32, #tpu.memory_space<vmem>>
    %dma_wait3A_1437 = arith.constant 0 : i32
    %dma_wait3A_1438 = arith.constant 0 : i32
    %dma_wait3A_1439 = tpu.memref_slice %arg30[%dma_wait3A_1437, %dma_wait3A_1438] : memref<1152x128xf32, #tpu.memory_space<vmem_shared>> -> memref<1152x128xf32, #tpu.memory_space<vmem_shared>>
    tpu.wait_indirect_dma semaphore(%arg24 : memref<!tpu.dma_semaphore, #tpu.memory_space<semaphore_mem>>) src(%dma_wait3A_1436 : memref<128x128xf32, #tpu.memory_space<vmem>>) dst(%dma_wait3A_1439 : memref<1152x128xf32, #tpu.memory_space<vmem_shared>>)
    %mul3A_1440 = arith.constant 25 : i32
    %mul3A_1441 = arith.muli %add3A, %mul3A_1440 : i32
    %add3A_1442 = arith.constant 13 : i32
    %add3A_1443 = arith.addi %mul3A_1441, %add3A_1442 : i32
    %mul3A_1444 = arith.constant 128 : i32
    %mul3A_1445 = arith.muli %add3A_1443, %mul3A_1444 : i32
    %min3A_1446 = arith.constant 99872 : i32
    %min3A_1447 = arith.minsi %mul3A_1445, %min3A_1446 : i32
    %multiple_of3A_1448 = tpu.assume_multiple %min3A_1447, 8 : i32
    %dma_start3A_1449 = arith.constant 1 : i32
    %dma_start3A_1450 = arith.constant 0 : i32
    %dma_start3A_1451 = arith.constant 0 : i32
    %dma_start3A_1452 = tpu.memref_slice %arg7[%dma_start3A_1449, %dma_start3A_1450, %dma_start3A_1451] : memref<6x128x128xf32, #tpu.memory_space<vmem>> -> memref<1x128x128xf32, #tpu.memory_space<vmem>>
    %dma_start3A_1453 = tpu.memref_squeeze %dma_start3A_1452 : memref<1x128x128xf32, #tpu.memory_space<vmem>> -> memref<128x128xf32, #tpu.memory_space<vmem>>
    %dma_start3A_1454 = arith.constant 0 : i32
    %dma_start3A_1455 = tpu.memref_slice %arg2[%multiple_of3A_1448, %dma_start3A_1454] : memref<100000x128xf32, #tpu.memory_space<hbm>> -> memref<128x128xf32, #tpu.memory_space<hbm>>
    %dma_start3A_1456 = arith.constant 0 : i32
    %dma_start3A_1457 = arith.constant 0 : i32
    %dma_start3A_1458 = tpu.memref_slice %arg7[%dma_start3A_1449, %dma_start3A_1456, %dma_start3A_1457] : memref<6x128x128xf32, #tpu.memory_space<vmem>> -> memref<1x128x128xf32, #tpu.memory_space<vmem>>
    %dma_start3A_1459 = tpu.memref_squeeze %dma_start3A_1458 : memref<1x128x128xf32, #tpu.memory_space<vmem>> -> memref<128x128xf32, #tpu.memory_space<vmem>>
    %dma_start3A_1460 = arith.constant 0 : i32
    %dma_start3A_1461 = tpu.memref_slice %arg2[%multiple_of3A_1448, %dma_start3A_1460] : memref<100000x128xf32, #tpu.memory_space<hbm>> -> memref<128x128xf32, #tpu.memory_space<hbm>>
    tpu.enqueue_dma source(%dma_start3A_1461 : memref<128x128xf32, #tpu.memory_space<hbm>>) target(%dma_start3A_1459 : memref<128x128xf32, #tpu.memory_space<vmem>>) target_semaphore(%arg18 : memref<!tpu.dma_semaphore, #tpu.memory_space<semaphore_mem>>)
    %mul3A_1462 = arith.constant 128 : i32
    %mul3A_1463 = arith.muli %add3A_1443, %mul3A_1462 : i32
    %dma_start3A_1464 = tpu.memref_slice %arg4[%mul3A_1463] : memref<102400xi32, #tpu.memory_space<hbm>> -> memref<128xi32, #tpu.memory_space<hbm>>
    %dma_start3A_1465 = tpu.memref_slice %arg4[%mul3A_1463] : memref<102400xi32, #tpu.memory_space<hbm>> -> memref<128xi32, #tpu.memory_space<hbm>>
    tpu.enqueue_dma source(%dma_start3A_1465 : memref<128xi32, #tpu.memory_space<hbm>>) target(%arg9 : memref<128xi32, #tpu.memory_space<vmem>>) target_semaphore(%arg18 : memref<!tpu.dma_semaphore, #tpu.memory_space<semaphore_mem>>)
    %dma_wait3A_1466 = arith.constant 3 : i32
    %dma_wait3A_1467 = arith.constant 0 : i32
    %dma_wait3A_1468 = arith.constant 0 : i32
    %dma_wait3A_1469 = tpu.memref_slice %arg7[%dma_wait3A_1466, %dma_wait3A_1467, %dma_wait3A_1468] : memref<6x128x128xf32, #tpu.memory_space<vmem>> -> memref<1x128x128xf32, #tpu.memory_space<vmem>>
    %dma_wait3A_1470 = tpu.memref_squeeze %dma_wait3A_1469 : memref<1x128x128xf32, #tpu.memory_space<vmem>> -> memref<128x128xf32, #tpu.memory_space<vmem>>
    %dma_wait3A_1471 = arith.constant 0 : i32
    %dma_wait3A_1472 = tpu.memref_slice %arg2[%multiple_of3A_884, %dma_wait3A_1471] : memref<100000x128xf32, #tpu.memory_space<hbm>> -> memref<128x128xf32, #tpu.memory_space<hbm>>
    %dma_wait3A_1473 = arith.constant 0 : i32
    %dma_wait3A_1474 = arith.constant 0 : i32
    %dma_wait3A_1475 = tpu.memref_slice %arg7[%dma_wait3A_1466, %dma_wait3A_1473, %dma_wait3A_1474] : memref<6x128x128xf32, #tpu.memory_space<vmem>> -> memref<1x128x128xf32, #tpu.memory_space<vmem>>
    %dma_wait3A_1476 = tpu.memref_squeeze %dma_wait3A_1475 : memref<1x128x128xf32, #tpu.memory_space<vmem>> -> memref<128x128xf32, #tpu.memory_space<vmem>>
    %dma_wait3A_1477 = arith.constant 0 : i32
    %dma_wait3A_1478 = tpu.memref_slice %arg2[%multiple_of3A_884, %dma_wait3A_1477] : memref<100000x128xf32, #tpu.memory_space<hbm>> -> memref<128x128xf32, #tpu.memory_space<hbm>>
    tpu.wait_dma2 semaphore(%arg20 : memref<!tpu.dma_semaphore, #tpu.memory_space<semaphore_mem>>) src(%dma_wait3A_1478 : memref<128x128xf32, #tpu.memory_space<hbm>>) dst(%dma_wait3A_1476 : memref<128x128xf32, #tpu.memory_space<vmem>>)
    %dma_wait3A_1479 = tpu.memref_slice %arg4[%mul3A_899] : memref<102400xi32, #tpu.memory_space<hbm>> -> memref<128xi32, #tpu.memory_space<hbm>>
    %dma_wait3A_1480 = tpu.memref_slice %arg4[%mul3A_899] : memref<102400xi32, #tpu.memory_space<hbm>> -> memref<128xi32, #tpu.memory_space<hbm>>
    tpu.wait_dma2 semaphore(%arg20 : memref<!tpu.dma_semaphore, #tpu.memory_space<semaphore_mem>>) src(%dma_wait3A_1480 : memref<128xi32, #tpu.memory_space<hbm>>) dst(%arg11 : memref<128xi32, #tpu.memory_space<vmem>>)
    %dma_start3A_1481 = arith.constant 3 : i32
    %dma_start3A_1482 = arith.constant 0 : i32
    %dma_start3A_1483 = arith.constant 0 : i32
    %dma_start3A_1484 = tpu.memref_slice %arg7[%dma_start3A_1481, %dma_start3A_1482, %dma_start3A_1483] : memref<6x128x128xf32, #tpu.memory_space<vmem>> -> memref<1x128x128xf32, #tpu.memory_space<vmem>>
    %dma_start3A_1485 = tpu.memref_squeeze %dma_start3A_1484 : memref<1x128x128xf32, #tpu.memory_space<vmem>> -> memref<128x128xf32, #tpu.memory_space<vmem>>
    %dma_start3A_1486 = arith.constant 0 : i32
    %dma_start3A_1487 = arith.constant 0 : i32
    %dma_start3A_1488 = tpu.memref_slice %arg30[%dma_start3A_1486, %dma_start3A_1487] : memref<1152x128xf32, #tpu.memory_space<vmem_shared>> -> memref<1152x128xf32, #tpu.memory_space<vmem_shared>>
    tpu.enqueue_indirect_dma source(%dma_start3A_1485 : memref<128x128xf32, #tpu.memory_space<vmem>>) target(%dma_start3A_1488 : memref<1152x128xf32, #tpu.memory_space<vmem_shared>>) offsets(%arg11 : memref<128xi32, #tpu.memory_space<vmem>>) semaphore(%arg26 : memref<!tpu.dma_semaphore, #tpu.memory_space<semaphore_mem>>) {add = true}
    %dma_wait3A_1489 = arith.constant 0 : i32
    %dma_wait3A_1490 = tpu.memref_slice %arg3[%dma_wait3A_1489] : memref<100000xi32, #tpu.memory_space<hbm>> -> memref<100000xi32, #tpu.memory_space<hbm>>
    tpu.wait_indirect_dma semaphore(%arg16 : memref<!tpu.dma_semaphore, #tpu.memory_space<semaphore_mem>>) src(%dma_wait3A_1490 : memref<100000xi32, #tpu.memory_space<hbm>>) dst(%arg15 : memref<64xi32, #tpu.memory_space<vmem>>)
    %get3A_1491 = arith.constant 0 : index
    %get3A_1492 = tpu.vector_load %arg15[%get3A_1491] {strides = array<i32>} : memref<64xi32, #tpu.memory_space<vmem>>, vector<16xi32>,
    %get3A_1493 = vector.shape_cast %get3A_1492 : vector<16xi32> to vector<16xi32>
    %lt3A_1494 = arith.cmpi slt, %get3A_1493, %add3A_12 : vector<16xi32>
    %add3A_1495 = arith.constant 1 : i32
    %add3A_1496 = vector.broadcast %add3A_1495 : i32 to vector<16xi32>
    %add3A_1497 = arith.addi %shift_right_arithmetic3A_1389, %add3A_1496 : vector<16xi32>
    %select_n3A_1498 = arith.select %lt3A_1494, %add3A_1497, %select_n3A_1357 : vector<16xi1>, vector<16xi32>
    %select_n3A_1499 = arith.select %lt3A_1494, %select_n3A_1358, %shift_right_arithmetic3A_1389 : vector<16xi1>, vector<16xi32>
    %get3A_1500 = arith.constant 16 : index
    %get3A_1501 = tpu.vector_load %arg15[%get3A_1500] {strides = array<i32>} : memref<64xi32, #tpu.memory_space<vmem>>, vector<16xi32>,
    %get3A_1502 = vector.shape_cast %get3A_1501 : vector<16xi32> to vector<16xi32>
    %lt3A_1503 = arith.cmpi slt, %get3A_1502, %add3A_18 : vector<16xi32>
    %add3A_1504 = arith.constant 1 : i32
    %add3A_1505 = vector.broadcast %add3A_1504 : i32 to vector<16xi32>
    %add3A_1506 = arith.addi %shift_right_arithmetic3A_1393, %add3A_1505 : vector<16xi32>
    %select_n3A_1507 = arith.select %lt3A_1503, %add3A_1506, %select_n3A_1366 : vector<16xi1>, vector<16xi32>
    %select_n3A_1508 = arith.select %lt3A_1503, %select_n3A_1367, %shift_right_arithmetic3A_1393 : vector<16xi1>, vector<16xi32>
    %get3A_1509 = arith.constant 32 : index
    %get3A_1510 = tpu.vector_load %arg15[%get3A_1509] {strides = array<i32>} : memref<64xi32, #tpu.memory_space<vmem>>, vector<16xi32>,
    %get3A_1511 = vector.shape_cast %get3A_1510 : vector<16xi32> to vector<16xi32>
    %lt3A_1512 = arith.cmpi slt, %get3A_1511, %add3A_15 : vector<16xi32>
    %add3A_1513 = arith.constant 1 : i32
    %add3A_1514 = vector.broadcast %add3A_1513 : i32 to vector<16xi32>
    %add3A_1515 = arith.addi %shift_right_arithmetic3A_1397, %add3A_1514 : vector<16xi32>
    %select_n3A_1516 = arith.select %lt3A_1512, %add3A_1515, %select_n3A_1375 : vector<16xi1>, vector<16xi32>
    %select_n3A_1517 = arith.select %lt3A_1512, %select_n3A_1376, %shift_right_arithmetic3A_1397 : vector<16xi1>, vector<16xi32>
    %get3A_1518 = arith.constant 48 : index
    %get3A_1519 = tpu.vector_load %arg15[%get3A_1518] {strides = array<i32>} : memref<64xi32, #tpu.memory_space<vmem>>, vector<16xi32>,
    %get3A_1520 = vector.shape_cast %get3A_1519 : vector<16xi32> to vector<16xi32>
    %lt3A_1521 = arith.cmpi slt, %get3A_1520, %add3A_21 : vector<16xi32>
    %add3A_1522 = arith.constant 1 : i32
    %add3A_1523 = vector.broadcast %add3A_1522 : i32 to vector<16xi32>
    %add3A_1524 = arith.addi %shift_right_arithmetic3A_1401, %add3A_1523 : vector<16xi32>
    %select_n3A_1525 = arith.select %lt3A_1521, %add3A_1524, %select_n3A_1384 : vector<16xi1>, vector<16xi32>
    %select_n3A_1526 = arith.select %lt3A_1521, %select_n3A_1385, %shift_right_arithmetic3A_1401 : vector<16xi1>, vector<16xi32>
    %add3A_1527 = arith.addi %select_n3A_1498, %select_n3A_1499 : vector<16xi32>
    %shift_right_arithmetic3A_1528 = arith.constant 1 : i32
    %shift_right_arithmetic3A_1529 = vector.broadcast %shift_right_arithmetic3A_1528 : i32 to vector<16xi32>
    %shift_right_arithmetic3A_1530 = arith.shrsi %add3A_1527, %shift_right_arithmetic3A_1529 : vector<16xi32>
    %add3A_1531 = arith.addi %select_n3A_1507, %select_n3A_1508 : vector<16xi32>
    %shift_right_arithmetic3A_1532 = arith.constant 1 : i32
    %shift_right_arithmetic3A_1533 = vector.broadcast %shift_right_arithmetic3A_1532 : i32 to vector<16xi32>
    %shift_right_arithmetic3A_1534 = arith.shrsi %add3A_1531, %shift_right_arithmetic3A_1533 : vector<16xi32>
    %add3A_1535 = arith.addi %select_n3A_1516, %select_n3A_1517 : vector<16xi32>
    %shift_right_arithmetic3A_1536 = arith.constant 1 : i32
    %shift_right_arithmetic3A_1537 = vector.broadcast %shift_right_arithmetic3A_1536 : i32 to vector<16xi32>
    %shift_right_arithmetic3A_1538 = arith.shrsi %add3A_1535, %shift_right_arithmetic3A_1537 : vector<16xi32>
    %add3A_1539 = arith.addi %select_n3A_1525, %select_n3A_1526 : vector<16xi32>
    %shift_right_arithmetic3A_1540 = arith.constant 1 : i32
    %shift_right_arithmetic3A_1541 = vector.broadcast %shift_right_arithmetic3A_1540 : i32 to vector<16xi32>
    %shift_right_arithmetic3A_1542 = arith.shrsi %add3A_1539, %shift_right_arithmetic3A_1541 : vector<16xi32>
    %min3A_1543 = arith.constant 99999 : i32
    %min3A_1544 = vector.broadcast %min3A_1543 : i32 to vector<16xi32>
    %min3A_1545 = arith.minsi %shift_right_arithmetic3A_1530, %min3A_1544 : vector<16xi32>
    %swap3A_1546 = arith.constant 0 : index
    %swap3A_1547 = tpu.vector_load %arg14[%swap3A_1546] {strides = array<i32>} : memref<64xi32, #tpu.memory_space<vmem>>, vector<16xi32>,
    %swap3A_1548 = vector.shape_cast %swap3A_1547 : vector<16xi32> to vector<16xi32>
    %swap3A_1549 = vector.shape_cast %min3A_1545 : vector<16xi32> to vector<16xi32>
    tpu.vector_store %arg14[%swap3A_1546], %swap3A_1549 {strides = array<i32>} : memref<64xi32, #tpu.memory_space<vmem>>, vector<16xi32>,
    %min3A_1550 = arith.constant 99999 : i32
    %min3A_1551 = vector.broadcast %min3A_1550 : i32 to vector<16xi32>
    %min3A_1552 = arith.minsi %shift_right_arithmetic3A_1534, %min3A_1551 : vector<16xi32>
    %swap3A_1553 = arith.constant 16 : index
    %swap3A_1554 = tpu.vector_load %arg14[%swap3A_1553] {strides = array<i32>} : memref<64xi32, #tpu.memory_space<vmem>>, vector<16xi32>,
    %swap3A_1555 = vector.shape_cast %swap3A_1554 : vector<16xi32> to vector<16xi32>
    %swap3A_1556 = vector.shape_cast %min3A_1552 : vector<16xi32> to vector<16xi32>
    tpu.vector_store %arg14[%swap3A_1553], %swap3A_1556 {strides = array<i32>} : memref<64xi32, #tpu.memory_space<vmem>>, vector<16xi32>,
    %min3A_1557 = arith.constant 99999 : i32
    %min3A_1558 = vector.broadcast %min3A_1557 : i32 to vector<16xi32>
    %min3A_1559 = arith.minsi %shift_right_arithmetic3A_1538, %min3A_1558 : vector<16xi32>
    %swap3A_1560 = arith.constant 32 : index
    %swap3A_1561 = tpu.vector_load %arg14[%swap3A_1560] {strides = array<i32>} : memref<64xi32, #tpu.memory_space<vmem>>, vector<16xi32>,
    %swap3A_1562 = vector.shape_cast %swap3A_1561 : vector<16xi32> to vector<16xi32>
    %swap3A_1563 = vector.shape_cast %min3A_1559 : vector<16xi32> to vector<16xi32>
    tpu.vector_store %arg14[%swap3A_1560], %swap3A_1563 {strides = array<i32>} : memref<64xi32, #tpu.memory_space<vmem>>, vector<16xi32>,
    %min3A_1564 = arith.constant 99999 : i32
    %min3A_1565 = vector.broadcast %min3A_1564 : i32 to vector<16xi32>
    %min3A_1566 = arith.minsi %shift_right_arithmetic3A_1542, %min3A_1565 : vector<16xi32>
    %swap3A_1567 = arith.constant 48 : index
    %swap3A_1568 = tpu.vector_load %arg14[%swap3A_1567] {strides = array<i32>} : memref<64xi32, #tpu.memory_space<vmem>>, vector<16xi32>,
    %swap3A_1569 = vector.shape_cast %swap3A_1568 : vector<16xi32> to vector<16xi32>
    %swap3A_1570 = vector.shape_cast %min3A_1566 : vector<16xi32> to vector<16xi32>
    tpu.vector_store %arg14[%swap3A_1567], %swap3A_1570 {strides = array<i32>} : memref<64xi32, #tpu.memory_space<vmem>>, vector<16xi32>,
    %dma_start3A_1571 = arith.constant 0 : i32
    %dma_start3A_1572 = tpu.memref_slice %arg3[%dma_start3A_1571] : memref<100000xi32, #tpu.memory_space<hbm>> -> memref<100000xi32, #tpu.memory_space<hbm>>
    tpu.enqueue_indirect_dma source(%dma_start3A_1572 : memref<100000xi32, #tpu.memory_space<hbm>>) target(%arg15 : memref<64xi32, #tpu.memory_space<vmem>>) offsets(%arg14 : memref<64xi32, #tpu.memory_space<vmem>>) semaphore(%arg16 : memref<!tpu.dma_semaphore, #tpu.memory_space<semaphore_mem>>)
    %dma_wait3A_1573 = arith.constant 2 : i32
    %dma_wait3A_1574 = arith.constant 0 : i32
    %dma_wait3A_1575 = arith.constant 0 : i32
    %dma_wait3A_1576 = tpu.memref_slice %arg7[%dma_wait3A_1573, %dma_wait3A_1574, %dma_wait3A_1575] : memref<6x128x128xf32, #tpu.memory_space<vmem>> -> memref<1x128x128xf32, #tpu.memory_space<vmem>>
    %dma_wait3A_1577 = tpu.memref_squeeze %dma_wait3A_1576 : memref<1x128x128xf32, #tpu.memory_space<vmem>> -> memref<128x128xf32, #tpu.memory_space<vmem>>
    %dma_wait3A_1578 = arith.constant 0 : i32
    %dma_wait3A_1579 = arith.constant 0 : i32
    %dma_wait3A_1580 = tpu.memref_slice %arg30[%dma_wait3A_1578, %dma_wait3A_1579] : memref<1152x128xf32, #tpu.memory_space<vmem_shared>> -> memref<1152x128xf32, #tpu.memory_space<vmem_shared>>
    tpu.wait_indirect_dma semaphore(%arg25 : memref<!tpu.dma_semaphore, #tpu.memory_space<semaphore_mem>>) src(%dma_wait3A_1577 : memref<128x128xf32, #tpu.memory_space<vmem>>) dst(%dma_wait3A_1580 : memref<1152x128xf32, #tpu.memory_space<vmem_shared>>)
    %mul3A_1581 = arith.constant 25 : i32
    %mul3A_1582 = arith.muli %add3A, %mul3A_1581 : i32
    %add3A_1583 = arith.constant 14 : i32
    %add3A_1584 = arith.addi %mul3A_1582, %add3A_1583 : i32
    %mul3A_1585 = arith.constant 128 : i32
    %mul3A_1586 = arith.muli %add3A_1584, %mul3A_1585 : i32
    %min3A_1587 = arith.constant 99872 : i32
    %min3A_1588 = arith.minsi %mul3A_1586, %min3A_1587 : i32
    %multiple_of3A_1589 = tpu.assume_multiple %min3A_1588, 8 : i32
    %dma_start3A_1590 = arith.constant 2 : i32
    %dma_start3A_1591 = arith.constant 0 : i32
    %dma_start3A_1592 = arith.constant 0 : i32
    %dma_start3A_1593 = tpu.memref_slice %arg7[%dma_start3A_1590, %dma_start3A_1591, %dma_start3A_1592] : memref<6x128x128xf32, #tpu.memory_space<vmem>> -> memref<1x128x128xf32, #tpu.memory_space<vmem>>
    %dma_start3A_1594 = tpu.memref_squeeze %dma_start3A_1593 : memref<1x128x128xf32, #tpu.memory_space<vmem>> -> memref<128x128xf32, #tpu.memory_space<vmem>>
    %dma_start3A_1595 = arith.constant 0 : i32
    %dma_start3A_1596 = tpu.memref_slice %arg2[%multiple_of3A_1589, %dma_start3A_1595] : memref<100000x128xf32, #tpu.memory_space<hbm>> -> memref<128x128xf32, #tpu.memory_space<hbm>>
    %dma_start3A_1597 = arith.constant 0 : i32
    %dma_start3A_1598 = arith.constant 0 : i32
    %dma_start3A_1599 = tpu.memref_slice %arg7[%dma_start3A_1590, %dma_start3A_1597, %dma_start3A_1598] : memref<6x128x128xf32, #tpu.memory_space<vmem>> -> memref<1x128x128xf32, #tpu.memory_space<vmem>>
    %dma_start3A_1600 = tpu.memref_squeeze %dma_start3A_1599 : memref<1x128x128xf32, #tpu.memory_space<vmem>> -> memref<128x128xf32, #tpu.memory_space<vmem>>
    %dma_start3A_1601 = arith.constant 0 : i32
    %dma_start3A_1602 = tpu.memref_slice %arg2[%multiple_of3A_1589, %dma_start3A_1601] : memref<100000x128xf32, #tpu.memory_space<hbm>> -> memref<128x128xf32, #tpu.memory_space<hbm>>
    tpu.enqueue_dma source(%dma_start3A_1602 : memref<128x128xf32, #tpu.memory_space<hbm>>) target(%dma_start3A_1600 : memref<128x128xf32, #tpu.memory_space<vmem>>) target_semaphore(%arg19 : memref<!tpu.dma_semaphore, #tpu.memory_space<semaphore_mem>>)
    %mul3A_1603 = arith.constant 128 : i32
    %mul3A_1604 = arith.muli %add3A_1584, %mul3A_1603 : i32
    %dma_start3A_1605 = tpu.memref_slice %arg4[%mul3A_1604] : memref<102400xi32, #tpu.memory_space<hbm>> -> memref<128xi32, #tpu.memory_space<hbm>>
    %dma_start3A_1606 = tpu.memref_slice %arg4[%mul3A_1604] : memref<102400xi32, #tpu.memory_space<hbm>> -> memref<128xi32, #tpu.memory_space<hbm>>
    tpu.enqueue_dma source(%dma_start3A_1606 : memref<128xi32, #tpu.memory_space<hbm>>) target(%arg10 : memref<128xi32, #tpu.memory_space<vmem>>) target_semaphore(%arg19 : memref<!tpu.dma_semaphore, #tpu.memory_space<semaphore_mem>>)
    %dma_wait3A_1607 = arith.constant 4 : i32
    %dma_wait3A_1608 = arith.constant 0 : i32
    %dma_wait3A_1609 = arith.constant 0 : i32
    %dma_wait3A_1610 = tpu.memref_slice %arg7[%dma_wait3A_1607, %dma_wait3A_1608, %dma_wait3A_1609] : memref<6x128x128xf32, #tpu.memory_space<vmem>> -> memref<1x128x128xf32, #tpu.memory_space<vmem>>
    %dma_wait3A_1611 = tpu.memref_squeeze %dma_wait3A_1610 : memref<1x128x128xf32, #tpu.memory_space<vmem>> -> memref<128x128xf32, #tpu.memory_space<vmem>>
    %dma_wait3A_1612 = arith.constant 0 : i32
    %dma_wait3A_1613 = tpu.memref_slice %arg2[%multiple_of3A_1025, %dma_wait3A_1612] : memref<100000x128xf32, #tpu.memory_space<hbm>> -> memref<128x128xf32, #tpu.memory_space<hbm>>
    %dma_wait3A_1614 = arith.constant 0 : i32
    %dma_wait3A_1615 = arith.constant 0 : i32
    %dma_wait3A_1616 = tpu.memref_slice %arg7[%dma_wait3A_1607, %dma_wait3A_1614, %dma_wait3A_1615] : memref<6x128x128xf32, #tpu.memory_space<vmem>> -> memref<1x128x128xf32, #tpu.memory_space<vmem>>
    %dma_wait3A_1617 = tpu.memref_squeeze %dma_wait3A_1616 : memref<1x128x128xf32, #tpu.memory_space<vmem>> -> memref<128x128xf32, #tpu.memory_space<vmem>>
    %dma_wait3A_1618 = arith.constant 0 : i32
    %dma_wait3A_1619 = tpu.memref_slice %arg2[%multiple_of3A_1025, %dma_wait3A_1618] : memref<100000x128xf32, #tpu.memory_space<hbm>> -> memref<128x128xf32, #tpu.memory_space<hbm>>
    tpu.wait_dma2 semaphore(%arg21 : memref<!tpu.dma_semaphore, #tpu.memory_space<semaphore_mem>>) src(%dma_wait3A_1619 : memref<128x128xf32, #tpu.memory_space<hbm>>) dst(%dma_wait3A_1617 : memref<128x128xf32, #tpu.memory_space<vmem>>)
    %dma_wait3A_1620 = tpu.memref_slice %arg4[%mul3A_1040] : memref<102400xi32, #tpu.memory_space<hbm>> -> memref<128xi32, #tpu.memory_space<hbm>>
    %dma_wait3A_1621 = tpu.memref_slice %arg4[%mul3A_1040] : memref<102400xi32, #tpu.memory_space<hbm>> -> memref<128xi32, #tpu.memory_space<hbm>>
    tpu.wait_dma2 semaphore(%arg21 : memref<!tpu.dma_semaphore, #tpu.memory_space<semaphore_mem>>) src(%dma_wait3A_1621 : memref<128xi32, #tpu.memory_space<hbm>>) dst(%arg12 : memref<128xi32, #tpu.memory_space<vmem>>)
    %dma_start3A_1622 = arith.constant 4 : i32
    %dma_start3A_1623 = arith.constant 0 : i32
    %dma_start3A_1624 = arith.constant 0 : i32
    %dma_start3A_1625 = tpu.memref_slice %arg7[%dma_start3A_1622, %dma_start3A_1623, %dma_start3A_1624] : memref<6x128x128xf32, #tpu.memory_space<vmem>> -> memref<1x128x128xf32, #tpu.memory_space<vmem>>
    %dma_start3A_1626 = tpu.memref_squeeze %dma_start3A_1625 : memref<1x128x128xf32, #tpu.memory_space<vmem>> -> memref<128x128xf32, #tpu.memory_space<vmem>>
    %dma_start3A_1627 = arith.constant 0 : i32
    %dma_start3A_1628 = arith.constant 0 : i32
    %dma_start3A_1629 = tpu.memref_slice %arg30[%dma_start3A_1627, %dma_start3A_1628] : memref<1152x128xf32, #tpu.memory_space<vmem_shared>> -> memref<1152x128xf32, #tpu.memory_space<vmem_shared>>
    tpu.enqueue_indirect_dma source(%dma_start3A_1626 : memref<128x128xf32, #tpu.memory_space<vmem>>) target(%dma_start3A_1629 : memref<1152x128xf32, #tpu.memory_space<vmem_shared>>) offsets(%arg12 : memref<128xi32, #tpu.memory_space<vmem>>) semaphore(%arg27 : memref<!tpu.dma_semaphore, #tpu.memory_space<semaphore_mem>>) {add = true}
    %dma_wait3A_1630 = arith.constant 0 : i32
    %dma_wait3A_1631 = tpu.memref_slice %arg3[%dma_wait3A_1630] : memref<100000xi32, #tpu.memory_space<hbm>> -> memref<100000xi32, #tpu.memory_space<hbm>>
    tpu.wait_indirect_dma semaphore(%arg16 : memref<!tpu.dma_semaphore, #tpu.memory_space<semaphore_mem>>) src(%dma_wait3A_1631 : memref<100000xi32, #tpu.memory_space<hbm>>) dst(%arg15 : memref<64xi32, #tpu.memory_space<vmem>>)
    %get3A_1632 = arith.constant 0 : index
    %get3A_1633 = tpu.vector_load %arg15[%get3A_1632] {strides = array<i32>} : memref<64xi32, #tpu.memory_space<vmem>>, vector<16xi32>,
    %get3A_1634 = vector.shape_cast %get3A_1633 : vector<16xi32> to vector<16xi32>
    %lt3A_1635 = arith.cmpi slt, %get3A_1634, %add3A_12 : vector<16xi32>
    %add3A_1636 = arith.constant 1 : i32
    %add3A_1637 = vector.broadcast %add3A_1636 : i32 to vector<16xi32>
    %add3A_1638 = arith.addi %shift_right_arithmetic3A_1530, %add3A_1637 : vector<16xi32>
    %select_n3A_1639 = arith.select %lt3A_1635, %add3A_1638, %select_n3A_1498 : vector<16xi1>, vector<16xi32>
    %select_n3A_1640 = arith.select %lt3A_1635, %select_n3A_1499, %shift_right_arithmetic3A_1530 : vector<16xi1>, vector<16xi32>
    %get3A_1641 = arith.constant 16 : index
    %get3A_1642 = tpu.vector_load %arg15[%get3A_1641] {strides = array<i32>} : memref<64xi32, #tpu.memory_space<vmem>>, vector<16xi32>,
    %get3A_1643 = vector.shape_cast %get3A_1642 : vector<16xi32> to vector<16xi32>
    %lt3A_1644 = arith.cmpi slt, %get3A_1643, %add3A_18 : vector<16xi32>
    %add3A_1645 = arith.constant 1 : i32
    %add3A_1646 = vector.broadcast %add3A_1645 : i32 to vector<16xi32>
    %add3A_1647 = arith.addi %shift_right_arithmetic3A_1534, %add3A_1646 : vector<16xi32>
    %select_n3A_1648 = arith.select %lt3A_1644, %add3A_1647, %select_n3A_1507 : vector<16xi1>, vector<16xi32>
    %select_n3A_1649 = arith.select %lt3A_1644, %select_n3A_1508, %shift_right_arithmetic3A_1534 : vector<16xi1>, vector<16xi32>
    %get3A_1650 = arith.constant 32 : index
    %get3A_1651 = tpu.vector_load %arg15[%get3A_1650] {strides = array<i32>} : memref<64xi32, #tpu.memory_space<vmem>>, vector<16xi32>,
    %get3A_1652 = vector.shape_cast %get3A_1651 : vector<16xi32> to vector<16xi32>
    %lt3A_1653 = arith.cmpi slt, %get3A_1652, %add3A_15 : vector<16xi32>
    %add3A_1654 = arith.constant 1 : i32
    %add3A_1655 = vector.broadcast %add3A_1654 : i32 to vector<16xi32>
    %add3A_1656 = arith.addi %shift_right_arithmetic3A_1538, %add3A_1655 : vector<16xi32>
    %select_n3A_1657 = arith.select %lt3A_1653, %add3A_1656, %select_n3A_1516 : vector<16xi1>, vector<16xi32>
    %select_n3A_1658 = arith.select %lt3A_1653, %select_n3A_1517, %shift_right_arithmetic3A_1538 : vector<16xi1>, vector<16xi32>
    %get3A_1659 = arith.constant 48 : index
    %get3A_1660 = tpu.vector_load %arg15[%get3A_1659] {strides = array<i32>} : memref<64xi32, #tpu.memory_space<vmem>>, vector<16xi32>,
    %get3A_1661 = vector.shape_cast %get3A_1660 : vector<16xi32> to vector<16xi32>
    %lt3A_1662 = arith.cmpi slt, %get3A_1661, %add3A_21 : vector<16xi32>
    %add3A_1663 = arith.constant 1 : i32
    %add3A_1664 = vector.broadcast %add3A_1663 : i32 to vector<16xi32>
    %add3A_1665 = arith.addi %shift_right_arithmetic3A_1542, %add3A_1664 : vector<16xi32>
    %select_n3A_1666 = arith.select %lt3A_1662, %add3A_1665, %select_n3A_1525 : vector<16xi1>, vector<16xi32>
    %select_n3A_1667 = arith.select %lt3A_1662, %select_n3A_1526, %shift_right_arithmetic3A_1542 : vector<16xi1>, vector<16xi32>
    %add3A_1668 = arith.addi %select_n3A_1639, %select_n3A_1640 : vector<16xi32>
    %shift_right_arithmetic3A_1669 = arith.constant 1 : i32
    %shift_right_arithmetic3A_1670 = vector.broadcast %shift_right_arithmetic3A_1669 : i32 to vector<16xi32>
    %shift_right_arithmetic3A_1671 = arith.shrsi %add3A_1668, %shift_right_arithmetic3A_1670 : vector<16xi32>
    %add3A_1672 = arith.addi %select_n3A_1648, %select_n3A_1649 : vector<16xi32>
    %shift_right_arithmetic3A_1673 = arith.constant 1 : i32
    %shift_right_arithmetic3A_1674 = vector.broadcast %shift_right_arithmetic3A_1673 : i32 to vector<16xi32>
    %shift_right_arithmetic3A_1675 = arith.shrsi %add3A_1672, %shift_right_arithmetic3A_1674 : vector<16xi32>
    %add3A_1676 = arith.addi %select_n3A_1657, %select_n3A_1658 : vector<16xi32>
    %shift_right_arithmetic3A_1677 = arith.constant 1 : i32
    %shift_right_arithmetic3A_1678 = vector.broadcast %shift_right_arithmetic3A_1677 : i32 to vector<16xi32>
    %shift_right_arithmetic3A_1679 = arith.shrsi %add3A_1676, %shift_right_arithmetic3A_1678 : vector<16xi32>
    %add3A_1680 = arith.addi %select_n3A_1666, %select_n3A_1667 : vector<16xi32>
    %shift_right_arithmetic3A_1681 = arith.constant 1 : i32
    %shift_right_arithmetic3A_1682 = vector.broadcast %shift_right_arithmetic3A_1681 : i32 to vector<16xi32>
    %shift_right_arithmetic3A_1683 = arith.shrsi %add3A_1680, %shift_right_arithmetic3A_1682 : vector<16xi32>
    %min3A_1684 = arith.constant 99999 : i32
    %min3A_1685 = vector.broadcast %min3A_1684 : i32 to vector<16xi32>
    %min3A_1686 = arith.minsi %shift_right_arithmetic3A_1671, %min3A_1685 : vector<16xi32>
    %swap3A_1687 = arith.constant 0 : index
    %swap3A_1688 = tpu.vector_load %arg14[%swap3A_1687] {strides = array<i32>} : memref<64xi32, #tpu.memory_space<vmem>>, vector<16xi32>,
    %swap3A_1689 = vector.shape_cast %swap3A_1688 : vector<16xi32> to vector<16xi32>
    %swap3A_1690 = vector.shape_cast %min3A_1686 : vector<16xi32> to vector<16xi32>
    tpu.vector_store %arg14[%swap3A_1687], %swap3A_1690 {strides = array<i32>} : memref<64xi32, #tpu.memory_space<vmem>>, vector<16xi32>,
    %min3A_1691 = arith.constant 99999 : i32
    %min3A_1692 = vector.broadcast %min3A_1691 : i32 to vector<16xi32>
    %min3A_1693 = arith.minsi %shift_right_arithmetic3A_1675, %min3A_1692 : vector<16xi32>
    %swap3A_1694 = arith.constant 16 : index
    %swap3A_1695 = tpu.vector_load %arg14[%swap3A_1694] {strides = array<i32>} : memref<64xi32, #tpu.memory_space<vmem>>, vector<16xi32>,
    %swap3A_1696 = vector.shape_cast %swap3A_1695 : vector<16xi32> to vector<16xi32>
    %swap3A_1697 = vector.shape_cast %min3A_1693 : vector<16xi32> to vector<16xi32>
    tpu.vector_store %arg14[%swap3A_1694], %swap3A_1697 {strides = array<i32>} : memref<64xi32, #tpu.memory_space<vmem>>, vector<16xi32>,
    %min3A_1698 = arith.constant 99999 : i32
    %min3A_1699 = vector.broadcast %min3A_1698 : i32 to vector<16xi32>
    %min3A_1700 = arith.minsi %shift_right_arithmetic3A_1679, %min3A_1699 : vector<16xi32>
    %swap3A_1701 = arith.constant 32 : index
    %swap3A_1702 = tpu.vector_load %arg14[%swap3A_1701] {strides = array<i32>} : memref<64xi32, #tpu.memory_space<vmem>>, vector<16xi32>,
    %swap3A_1703 = vector.shape_cast %swap3A_1702 : vector<16xi32> to vector<16xi32>
    %swap3A_1704 = vector.shape_cast %min3A_1700 : vector<16xi32> to vector<16xi32>
    tpu.vector_store %arg14[%swap3A_1701], %swap3A_1704 {strides = array<i32>} : memref<64xi32, #tpu.memory_space<vmem>>, vector<16xi32>,
    %min3A_1705 = arith.constant 99999 : i32
    %min3A_1706 = vector.broadcast %min3A_1705 : i32 to vector<16xi32>
    %min3A_1707 = arith.minsi %shift_right_arithmetic3A_1683, %min3A_1706 : vector<16xi32>
    %swap3A_1708 = arith.constant 48 : index
    %swap3A_1709 = tpu.vector_load %arg14[%swap3A_1708] {strides = array<i32>} : memref<64xi32, #tpu.memory_space<vmem>>, vector<16xi32>,
    %swap3A_1710 = vector.shape_cast %swap3A_1709 : vector<16xi32> to vector<16xi32>
    %swap3A_1711 = vector.shape_cast %min3A_1707 : vector<16xi32> to vector<16xi32>
    tpu.vector_store %arg14[%swap3A_1708], %swap3A_1711 {strides = array<i32>} : memref<64xi32, #tpu.memory_space<vmem>>, vector<16xi32>,
    %dma_start3A_1712 = arith.constant 0 : i32
    %dma_start3A_1713 = tpu.memref_slice %arg3[%dma_start3A_1712] : memref<100000xi32, #tpu.memory_space<hbm>> -> memref<100000xi32, #tpu.memory_space<hbm>>
    tpu.enqueue_indirect_dma source(%dma_start3A_1713 : memref<100000xi32, #tpu.memory_space<hbm>>) target(%arg15 : memref<64xi32, #tpu.memory_space<vmem>>) offsets(%arg14 : memref<64xi32, #tpu.memory_space<vmem>>) semaphore(%arg16 : memref<!tpu.dma_semaphore, #tpu.memory_space<semaphore_mem>>)
    %dma_wait3A_1714 = arith.constant 3 : i32
    %dma_wait3A_1715 = arith.constant 0 : i32
    %dma_wait3A_1716 = arith.constant 0 : i32
    %dma_wait3A_1717 = tpu.memref_slice %arg7[%dma_wait3A_1714, %dma_wait3A_1715, %dma_wait3A_1716] : memref<6x128x128xf32, #tpu.memory_space<vmem>> -> memref<1x128x128xf32, #tpu.memory_space<vmem>>
    %dma_wait3A_1718 = tpu.memref_squeeze %dma_wait3A_1717 : memref<1x128x128xf32, #tpu.memory_space<vmem>> -> memref<128x128xf32, #tpu.memory_space<vmem>>
    %dma_wait3A_1719 = arith.constant 0 : i32
    %dma_wait3A_1720 = arith.constant 0 : i32
    %dma_wait3A_1721 = tpu.memref_slice %arg30[%dma_wait3A_1719, %dma_wait3A_1720] : memref<1152x128xf32, #tpu.memory_space<vmem_shared>> -> memref<1152x128xf32, #tpu.memory_space<vmem_shared>>
    tpu.wait_indirect_dma semaphore(%arg26 : memref<!tpu.dma_semaphore, #tpu.memory_space<semaphore_mem>>) src(%dma_wait3A_1718 : memref<128x128xf32, #tpu.memory_space<vmem>>) dst(%dma_wait3A_1721 : memref<1152x128xf32, #tpu.memory_space<vmem_shared>>)
    %mul3A_1722 = arith.constant 25 : i32
    %mul3A_1723 = arith.muli %add3A, %mul3A_1722 : i32
    %add3A_1724 = arith.constant 15 : i32
    %add3A_1725 = arith.addi %mul3A_1723, %add3A_1724 : i32
    %mul3A_1726 = arith.constant 128 : i32
    %mul3A_1727 = arith.muli %add3A_1725, %mul3A_1726 : i32
    %min3A_1728 = arith.constant 99872 : i32
    %min3A_1729 = arith.minsi %mul3A_1727, %min3A_1728 : i32
    %multiple_of3A_1730 = tpu.assume_multiple %min3A_1729, 8 : i32
    %dma_start3A_1731 = arith.constant 3 : i32
    %dma_start3A_1732 = arith.constant 0 : i32
    %dma_start3A_1733 = arith.constant 0 : i32
    %dma_start3A_1734 = tpu.memref_slice %arg7[%dma_start3A_1731, %dma_start3A_1732, %dma_start3A_1733] : memref<6x128x128xf32, #tpu.memory_space<vmem>> -> memref<1x128x128xf32, #tpu.memory_space<vmem>>
    %dma_start3A_1735 = tpu.memref_squeeze %dma_start3A_1734 : memref<1x128x128xf32, #tpu.memory_space<vmem>> -> memref<128x128xf32, #tpu.memory_space<vmem>>
    %dma_start3A_1736 = arith.constant 0 : i32
    %dma_start3A_1737 = tpu.memref_slice %arg2[%multiple_of3A_1730, %dma_start3A_1736] : memref<100000x128xf32, #tpu.memory_space<hbm>> -> memref<128x128xf32, #tpu.memory_space<hbm>>
    %dma_start3A_1738 = arith.constant 0 : i32
    %dma_start3A_1739 = arith.constant 0 : i32
    %dma_start3A_1740 = tpu.memref_slice %arg7[%dma_start3A_1731, %dma_start3A_1738, %dma_start3A_1739] : memref<6x128x128xf32, #tpu.memory_space<vmem>> -> memref<1x128x128xf32, #tpu.memory_space<vmem>>
    %dma_start3A_1741 = tpu.memref_squeeze %dma_start3A_1740 : memref<1x128x128xf32, #tpu.memory_space<vmem>> -> memref<128x128xf32, #tpu.memory_space<vmem>>
    %dma_start3A_1742 = arith.constant 0 : i32
    %dma_start3A_1743 = tpu.memref_slice %arg2[%multiple_of3A_1730, %dma_start3A_1742] : memref<100000x128xf32, #tpu.memory_space<hbm>> -> memref<128x128xf32, #tpu.memory_space<hbm>>
    tpu.enqueue_dma source(%dma_start3A_1743 : memref<128x128xf32, #tpu.memory_space<hbm>>) target(%dma_start3A_1741 : memref<128x128xf32, #tpu.memory_space<vmem>>) target_semaphore(%arg20 : memref<!tpu.dma_semaphore, #tpu.memory_space<semaphore_mem>>)
    %mul3A_1744 = arith.constant 128 : i32
    %mul3A_1745 = arith.muli %add3A_1725, %mul3A_1744 : i32
    %dma_start3A_1746 = tpu.memref_slice %arg4[%mul3A_1745] : memref<102400xi32, #tpu.memory_space<hbm>> -> memref<128xi32, #tpu.memory_space<hbm>>
    %dma_start3A_1747 = tpu.memref_slice %arg4[%mul3A_1745] : memref<102400xi32, #tpu.memory_space<hbm>> -> memref<128xi32, #tpu.memory_space<hbm>>
    tpu.enqueue_dma source(%dma_start3A_1747 : memref<128xi32, #tpu.memory_space<hbm>>) target(%arg11 : memref<128xi32, #tpu.memory_space<vmem>>) target_semaphore(%arg20 : memref<!tpu.dma_semaphore, #tpu.memory_space<semaphore_mem>>)
    %dma_wait3A_1748 = arith.constant 5 : i32
    %dma_wait3A_1749 = arith.constant 0 : i32
    %dma_wait3A_1750 = arith.constant 0 : i32
    %dma_wait3A_1751 = tpu.memref_slice %arg7[%dma_wait3A_1748, %dma_wait3A_1749, %dma_wait3A_1750] : memref<6x128x128xf32, #tpu.memory_space<vmem>> -> memref<1x128x128xf32, #tpu.memory_space<vmem>>
    %dma_wait3A_1752 = tpu.memref_squeeze %dma_wait3A_1751 : memref<1x128x128xf32, #tpu.memory_space<vmem>> -> memref<128x128xf32, #tpu.memory_space<vmem>>
    %dma_wait3A_1753 = arith.constant 0 : i32
    %dma_wait3A_1754 = tpu.memref_slice %arg2[%multiple_of3A_1166, %dma_wait3A_1753] : memref<100000x128xf32, #tpu.memory_space<hbm>> -> memref<128x128xf32, #tpu.memory_space<hbm>>
    %dma_wait3A_1755 = arith.constant 0 : i32
    %dma_wait3A_1756 = arith.constant 0 : i32
    %dma_wait3A_1757 = tpu.memref_slice %arg7[%dma_wait3A_1748, %dma_wait3A_1755, %dma_wait3A_1756] : memref<6x128x128xf32, #tpu.memory_space<vmem>> -> memref<1x128x128xf32, #tpu.memory_space<vmem>>
    %dma_wait3A_1758 = tpu.memref_squeeze %dma_wait3A_1757 : memref<1x128x128xf32, #tpu.memory_space<vmem>> -> memref<128x128xf32, #tpu.memory_space<vmem>>
    %dma_wait3A_1759 = arith.constant 0 : i32
    %dma_wait3A_1760 = tpu.memref_slice %arg2[%multiple_of3A_1166, %dma_wait3A_1759] : memref<100000x128xf32, #tpu.memory_space<hbm>> -> memref<128x128xf32, #tpu.memory_space<hbm>>
    tpu.wait_dma2 semaphore(%arg22 : memref<!tpu.dma_semaphore, #tpu.memory_space<semaphore_mem>>) src(%dma_wait3A_1760 : memref<128x128xf32, #tpu.memory_space<hbm>>) dst(%dma_wait3A_1758 : memref<128x128xf32, #tpu.memory_space<vmem>>)
    %dma_wait3A_1761 = tpu.memref_slice %arg4[%mul3A_1181] : memref<102400xi32, #tpu.memory_space<hbm>> -> memref<128xi32, #tpu.memory_space<hbm>>
    %dma_wait3A_1762 = tpu.memref_slice %arg4[%mul3A_1181] : memref<102400xi32, #tpu.memory_space<hbm>> -> memref<128xi32, #tpu.memory_space<hbm>>
    tpu.wait_dma2 semaphore(%arg22 : memref<!tpu.dma_semaphore, #tpu.memory_space<semaphore_mem>>) src(%dma_wait3A_1762 : memref<128xi32, #tpu.memory_space<hbm>>) dst(%arg13 : memref<128xi32, #tpu.memory_space<vmem>>)
    %dma_start3A_1763 = arith.constant 5 : i32
    %dma_start3A_1764 = arith.constant 0 : i32
    %dma_start3A_1765 = arith.constant 0 : i32
    %dma_start3A_1766 = tpu.memref_slice %arg7[%dma_start3A_1763, %dma_start3A_1764, %dma_start3A_1765] : memref<6x128x128xf32, #tpu.memory_space<vmem>> -> memref<1x128x128xf32, #tpu.memory_space<vmem>>
    %dma_start3A_1767 = tpu.memref_squeeze %dma_start3A_1766 : memref<1x128x128xf32, #tpu.memory_space<vmem>> -> memref<128x128xf32, #tpu.memory_space<vmem>>
    %dma_start3A_1768 = arith.constant 0 : i32
    %dma_start3A_1769 = arith.constant 0 : i32
    %dma_start3A_1770 = tpu.memref_slice %arg30[%dma_start3A_1768, %dma_start3A_1769] : memref<1152x128xf32, #tpu.memory_space<vmem_shared>> -> memref<1152x128xf32, #tpu.memory_space<vmem_shared>>
    tpu.enqueue_indirect_dma source(%dma_start3A_1767 : memref<128x128xf32, #tpu.memory_space<vmem>>) target(%dma_start3A_1770 : memref<1152x128xf32, #tpu.memory_space<vmem_shared>>) offsets(%arg13 : memref<128xi32, #tpu.memory_space<vmem>>) semaphore(%arg28 : memref<!tpu.dma_semaphore, #tpu.memory_space<semaphore_mem>>) {add = true}
    %dma_wait3A_1771 = arith.constant 0 : i32
    %dma_wait3A_1772 = tpu.memref_slice %arg3[%dma_wait3A_1771] : memref<100000xi32, #tpu.memory_space<hbm>> -> memref<100000xi32, #tpu.memory_space<hbm>>
    tpu.wait_indirect_dma semaphore(%arg16 : memref<!tpu.dma_semaphore, #tpu.memory_space<semaphore_mem>>) src(%dma_wait3A_1772 : memref<100000xi32, #tpu.memory_space<hbm>>) dst(%arg15 : memref<64xi32, #tpu.memory_space<vmem>>)
    %get3A_1773 = arith.constant 0 : index
    %get3A_1774 = tpu.vector_load %arg15[%get3A_1773] {strides = array<i32>} : memref<64xi32, #tpu.memory_space<vmem>>, vector<16xi32>,
    %get3A_1775 = vector.shape_cast %get3A_1774 : vector<16xi32> to vector<16xi32>
    %lt3A_1776 = arith.cmpi slt, %get3A_1775, %add3A_12 : vector<16xi32>
    %add3A_1777 = arith.constant 1 : i32
    %add3A_1778 = vector.broadcast %add3A_1777 : i32 to vector<16xi32>
    %add3A_1779 = arith.addi %shift_right_arithmetic3A_1671, %add3A_1778 : vector<16xi32>
    %select_n3A_1780 = arith.select %lt3A_1776, %add3A_1779, %select_n3A_1639 : vector<16xi1>, vector<16xi32>
    %select_n3A_1781 = arith.select %lt3A_1776, %select_n3A_1640, %shift_right_arithmetic3A_1671 : vector<16xi1>, vector<16xi32>
    %get3A_1782 = arith.constant 16 : index
    %get3A_1783 = tpu.vector_load %arg15[%get3A_1782] {strides = array<i32>} : memref<64xi32, #tpu.memory_space<vmem>>, vector<16xi32>,
    %get3A_1784 = vector.shape_cast %get3A_1783 : vector<16xi32> to vector<16xi32>
    %lt3A_1785 = arith.cmpi slt, %get3A_1784, %add3A_18 : vector<16xi32>
    %add3A_1786 = arith.constant 1 : i32
    %add3A_1787 = vector.broadcast %add3A_1786 : i32 to vector<16xi32>
    %add3A_1788 = arith.addi %shift_right_arithmetic3A_1675, %add3A_1787 : vector<16xi32>
    %select_n3A_1789 = arith.select %lt3A_1785, %add3A_1788, %select_n3A_1648 : vector<16xi1>, vector<16xi32>
    %select_n3A_1790 = arith.select %lt3A_1785, %select_n3A_1649, %shift_right_arithmetic3A_1675 : vector<16xi1>, vector<16xi32>
    %get3A_1791 = arith.constant 32 : index
    %get3A_1792 = tpu.vector_load %arg15[%get3A_1791] {strides = array<i32>} : memref<64xi32, #tpu.memory_space<vmem>>, vector<16xi32>,
    %get3A_1793 = vector.shape_cast %get3A_1792 : vector<16xi32> to vector<16xi32>
    %lt3A_1794 = arith.cmpi slt, %get3A_1793, %add3A_15 : vector<16xi32>
    %add3A_1795 = arith.constant 1 : i32
    %add3A_1796 = vector.broadcast %add3A_1795 : i32 to vector<16xi32>
    %add3A_1797 = arith.addi %shift_right_arithmetic3A_1679, %add3A_1796 : vector<16xi32>
    %select_n3A_1798 = arith.select %lt3A_1794, %add3A_1797, %select_n3A_1657 : vector<16xi1>, vector<16xi32>
    %select_n3A_1799 = arith.select %lt3A_1794, %select_n3A_1658, %shift_right_arithmetic3A_1679 : vector<16xi1>, vector<16xi32>
    %get3A_1800 = arith.constant 48 : index
    %get3A_1801 = tpu.vector_load %arg15[%get3A_1800] {strides = array<i32>} : memref<64xi32, #tpu.memory_space<vmem>>, vector<16xi32>,
    %get3A_1802 = vector.shape_cast %get3A_1801 : vector<16xi32> to vector<16xi32>
    %lt3A_1803 = arith.cmpi slt, %get3A_1802, %add3A_21 : vector<16xi32>
    %add3A_1804 = arith.constant 1 : i32
    %add3A_1805 = vector.broadcast %add3A_1804 : i32 to vector<16xi32>
    %add3A_1806 = arith.addi %shift_right_arithmetic3A_1683, %add3A_1805 : vector<16xi32>
    %select_n3A_1807 = arith.select %lt3A_1803, %add3A_1806, %select_n3A_1666 : vector<16xi1>, vector<16xi32>
    %select_n3A_1808 = arith.select %lt3A_1803, %select_n3A_1667, %shift_right_arithmetic3A_1683 : vector<16xi1>, vector<16xi32>
    %add3A_1809 = arith.addi %select_n3A_1780, %select_n3A_1781 : vector<16xi32>
    %shift_right_arithmetic3A_1810 = arith.constant 1 : i32
    %shift_right_arithmetic3A_1811 = vector.broadcast %shift_right_arithmetic3A_1810 : i32 to vector<16xi32>
    %shift_right_arithmetic3A_1812 = arith.shrsi %add3A_1809, %shift_right_arithmetic3A_1811 : vector<16xi32>
    %add3A_1813 = arith.addi %select_n3A_1789, %select_n3A_1790 : vector<16xi32>
    %shift_right_arithmetic3A_1814 = arith.constant 1 : i32
    %shift_right_arithmetic3A_1815 = vector.broadcast %shift_right_arithmetic3A_1814 : i32 to vector<16xi32>
    %shift_right_arithmetic3A_1816 = arith.shrsi %add3A_1813, %shift_right_arithmetic3A_1815 : vector<16xi32>
    %add3A_1817 = arith.addi %select_n3A_1798, %select_n3A_1799 : vector<16xi32>
    %shift_right_arithmetic3A_1818 = arith.constant 1 : i32
    %shift_right_arithmetic3A_1819 = vector.broadcast %shift_right_arithmetic3A_1818 : i32 to vector<16xi32>
    %shift_right_arithmetic3A_1820 = arith.shrsi %add3A_1817, %shift_right_arithmetic3A_1819 : vector<16xi32>
    %add3A_1821 = arith.addi %select_n3A_1807, %select_n3A_1808 : vector<16xi32>
    %shift_right_arithmetic3A_1822 = arith.constant 1 : i32
    %shift_right_arithmetic3A_1823 = vector.broadcast %shift_right_arithmetic3A_1822 : i32 to vector<16xi32>
    %shift_right_arithmetic3A_1824 = arith.shrsi %add3A_1821, %shift_right_arithmetic3A_1823 : vector<16xi32>
    %min3A_1825 = arith.constant 99999 : i32
    %min3A_1826 = vector.broadcast %min3A_1825 : i32 to vector<16xi32>
    %min3A_1827 = arith.minsi %shift_right_arithmetic3A_1812, %min3A_1826 : vector<16xi32>
    %swap3A_1828 = arith.constant 0 : index
    %swap3A_1829 = tpu.vector_load %arg14[%swap3A_1828] {strides = array<i32>} : memref<64xi32, #tpu.memory_space<vmem>>, vector<16xi32>,
    %swap3A_1830 = vector.shape_cast %swap3A_1829 : vector<16xi32> to vector<16xi32>
    %swap3A_1831 = vector.shape_cast %min3A_1827 : vector<16xi32> to vector<16xi32>
    tpu.vector_store %arg14[%swap3A_1828], %swap3A_1831 {strides = array<i32>} : memref<64xi32, #tpu.memory_space<vmem>>, vector<16xi32>,
    %min3A_1832 = arith.constant 99999 : i32
    %min3A_1833 = vector.broadcast %min3A_1832 : i32 to vector<16xi32>
    %min3A_1834 = arith.minsi %shift_right_arithmetic3A_1816, %min3A_1833 : vector<16xi32>
    %swap3A_1835 = arith.constant 16 : index
    %swap3A_1836 = tpu.vector_load %arg14[%swap3A_1835] {strides = array<i32>} : memref<64xi32, #tpu.memory_space<vmem>>, vector<16xi32>,
    %swap3A_1837 = vector.shape_cast %swap3A_1836 : vector<16xi32> to vector<16xi32>
    %swap3A_1838 = vector.shape_cast %min3A_1834 : vector<16xi32> to vector<16xi32>
    tpu.vector_store %arg14[%swap3A_1835], %swap3A_1838 {strides = array<i32>} : memref<64xi32, #tpu.memory_space<vmem>>, vector<16xi32>,
    %min3A_1839 = arith.constant 99999 : i32
    %min3A_1840 = vector.broadcast %min3A_1839 : i32 to vector<16xi32>
    %min3A_1841 = arith.minsi %shift_right_arithmetic3A_1820, %min3A_1840 : vector<16xi32>
    %swap3A_1842 = arith.constant 32 : index
    %swap3A_1843 = tpu.vector_load %arg14[%swap3A_1842] {strides = array<i32>} : memref<64xi32, #tpu.memory_space<vmem>>, vector<16xi32>,
    %swap3A_1844 = vector.shape_cast %swap3A_1843 : vector<16xi32> to vector<16xi32>
    %swap3A_1845 = vector.shape_cast %min3A_1841 : vector<16xi32> to vector<16xi32>
    tpu.vector_store %arg14[%swap3A_1842], %swap3A_1845 {strides = array<i32>} : memref<64xi32, #tpu.memory_space<vmem>>, vector<16xi32>,
    %min3A_1846 = arith.constant 99999 : i32
    %min3A_1847 = vector.broadcast %min3A_1846 : i32 to vector<16xi32>
    %min3A_1848 = arith.minsi %shift_right_arithmetic3A_1824, %min3A_1847 : vector<16xi32>
    %swap3A_1849 = arith.constant 48 : index
    %swap3A_1850 = tpu.vector_load %arg14[%swap3A_1849] {strides = array<i32>} : memref<64xi32, #tpu.memory_space<vmem>>, vector<16xi32>,
    %swap3A_1851 = vector.shape_cast %swap3A_1850 : vector<16xi32> to vector<16xi32>
    %swap3A_1852 = vector.shape_cast %min3A_1848 : vector<16xi32> to vector<16xi32>
    tpu.vector_store %arg14[%swap3A_1849], %swap3A_1852 {strides = array<i32>} : memref<64xi32, #tpu.memory_space<vmem>>, vector<16xi32>,
    %dma_start3A_1853 = arith.constant 0 : i32
    %dma_start3A_1854 = tpu.memref_slice %arg3[%dma_start3A_1853] : memref<100000xi32, #tpu.memory_space<hbm>> -> memref<100000xi32, #tpu.memory_space<hbm>>
    tpu.enqueue_indirect_dma source(%dma_start3A_1854 : memref<100000xi32, #tpu.memory_space<hbm>>) target(%arg15 : memref<64xi32, #tpu.memory_space<vmem>>) offsets(%arg14 : memref<64xi32, #tpu.memory_space<vmem>>) semaphore(%arg16 : memref<!tpu.dma_semaphore, #tpu.memory_space<semaphore_mem>>)
    %dma_wait3A_1855 = arith.constant 4 : i32
    %dma_wait3A_1856 = arith.constant 0 : i32
    %dma_wait3A_1857 = arith.constant 0 : i32
    %dma_wait3A_1858 = tpu.memref_slice %arg7[%dma_wait3A_1855, %dma_wait3A_1856, %dma_wait3A_1857] : memref<6x128x128xf32, #tpu.memory_space<vmem>> -> memref<1x128x128xf32, #tpu.memory_space<vmem>>
    %dma_wait3A_1859 = tpu.memref_squeeze %dma_wait3A_1858 : memref<1x128x128xf32, #tpu.memory_space<vmem>> -> memref<128x128xf32, #tpu.memory_space<vmem>>
    %dma_wait3A_1860 = arith.constant 0 : i32
    %dma_wait3A_1861 = arith.constant 0 : i32
    %dma_wait3A_1862 = tpu.memref_slice %arg30[%dma_wait3A_1860, %dma_wait3A_1861] : memref<1152x128xf32, #tpu.memory_space<vmem_shared>> -> memref<1152x128xf32, #tpu.memory_space<vmem_shared>>
    tpu.wait_indirect_dma semaphore(%arg27 : memref<!tpu.dma_semaphore, #tpu.memory_space<semaphore_mem>>) src(%dma_wait3A_1859 : memref<128x128xf32, #tpu.memory_space<vmem>>) dst(%dma_wait3A_1862 : memref<1152x128xf32, #tpu.memory_space<vmem_shared>>)
    %mul3A_1863 = arith.constant 25 : i32
    %mul3A_1864 = arith.muli %add3A, %mul3A_1863 : i32
    %add3A_1865 = arith.constant 16 : i32
    %add3A_1866 = arith.addi %mul3A_1864, %add3A_1865 : i32
    %mul3A_1867 = arith.constant 128 : i32
    %mul3A_1868 = arith.muli %add3A_1866, %mul3A_1867 : i32
    %min3A_1869 = arith.constant 99872 : i32
    %min3A_1870 = arith.minsi %mul3A_1868, %min3A_1869 : i32
    %multiple_of3A_1871 = tpu.assume_multiple %min3A_1870, 8 : i32
    %dma_start3A_1872 = arith.constant 4 : i32
    %dma_start3A_1873 = arith.constant 0 : i32
    %dma_start3A_1874 = arith.constant 0 : i32
    %dma_start3A_1875 = tpu.memref_slice %arg7[%dma_start3A_1872, %dma_start3A_1873, %dma_start3A_1874] : memref<6x128x128xf32, #tpu.memory_space<vmem>> -> memref<1x128x128xf32, #tpu.memory_space<vmem>>
    %dma_start3A_1876 = tpu.memref_squeeze %dma_start3A_1875 : memref<1x128x128xf32, #tpu.memory_space<vmem>> -> memref<128x128xf32, #tpu.memory_space<vmem>>
    %dma_start3A_1877 = arith.constant 0 : i32
    %dma_start3A_1878 = tpu.memref_slice %arg2[%multiple_of3A_1871, %dma_start3A_1877] : memref<100000x128xf32, #tpu.memory_space<hbm>> -> memref<128x128xf32, #tpu.memory_space<hbm>>
    %dma_start3A_1879 = arith.constant 0 : i32
    %dma_start3A_1880 = arith.constant 0 : i32
    %dma_start3A_1881 = tpu.memref_slice %arg7[%dma_start3A_1872, %dma_start3A_1879, %dma_start3A_1880] : memref<6x128x128xf32, #tpu.memory_space<vmem>> -> memref<1x128x128xf32, #tpu.memory_space<vmem>>
    %dma_start3A_1882 = tpu.memref_squeeze %dma_start3A_1881 : memref<1x128x128xf32, #tpu.memory_space<vmem>> -> memref<128x128xf32, #tpu.memory_space<vmem>>
    %dma_start3A_1883 = arith.constant 0 : i32
    %dma_start3A_1884 = tpu.memref_slice %arg2[%multiple_of3A_1871, %dma_start3A_1883] : memref<100000x128xf32, #tpu.memory_space<hbm>> -> memref<128x128xf32, #tpu.memory_space<hbm>>
    tpu.enqueue_dma source(%dma_start3A_1884 : memref<128x128xf32, #tpu.memory_space<hbm>>) target(%dma_start3A_1882 : memref<128x128xf32, #tpu.memory_space<vmem>>) target_semaphore(%arg21 : memref<!tpu.dma_semaphore, #tpu.memory_space<semaphore_mem>>)
    %mul3A_1885 = arith.constant 128 : i32
    %mul3A_1886 = arith.muli %add3A_1866, %mul3A_1885 : i32
    %dma_start3A_1887 = tpu.memref_slice %arg4[%mul3A_1886] : memref<102400xi32, #tpu.memory_space<hbm>> -> memref<128xi32, #tpu.memory_space<hbm>>
    %dma_start3A_1888 = tpu.memref_slice %arg4[%mul3A_1886] : memref<102400xi32, #tpu.memory_space<hbm>> -> memref<128xi32, #tpu.memory_space<hbm>>
    tpu.enqueue_dma source(%dma_start3A_1888 : memref<128xi32, #tpu.memory_space<hbm>>) target(%arg12 : memref<128xi32, #tpu.memory_space<vmem>>) target_semaphore(%arg21 : memref<!tpu.dma_semaphore, #tpu.memory_space<semaphore_mem>>)
    %dma_wait3A_1889 = arith.constant 0 : i32
    %dma_wait3A_1890 = arith.constant 0 : i32
    %dma_wait3A_1891 = arith.constant 0 : i32
    %dma_wait3A_1892 = tpu.memref_slice %arg7[%dma_wait3A_1889, %dma_wait3A_1890, %dma_wait3A_1891] : memref<6x128x128xf32, #tpu.memory_space<vmem>> -> memref<1x128x128xf32, #tpu.memory_space<vmem>>
    %dma_wait3A_1893 = tpu.memref_squeeze %dma_wait3A_1892 : memref<1x128x128xf32, #tpu.memory_space<vmem>> -> memref<128x128xf32, #tpu.memory_space<vmem>>
    %dma_wait3A_1894 = arith.constant 0 : i32
    %dma_wait3A_1895 = tpu.memref_slice %arg2[%multiple_of3A_1307, %dma_wait3A_1894] : memref<100000x128xf32, #tpu.memory_space<hbm>> -> memref<128x128xf32, #tpu.memory_space<hbm>>
    %dma_wait3A_1896 = arith.constant 0 : i32
    %dma_wait3A_1897 = arith.constant 0 : i32
    %dma_wait3A_1898 = tpu.memref_slice %arg7[%dma_wait3A_1889, %dma_wait3A_1896, %dma_wait3A_1897] : memref<6x128x128xf32, #tpu.memory_space<vmem>> -> memref<1x128x128xf32, #tpu.memory_space<vmem>>
    %dma_wait3A_1899 = tpu.memref_squeeze %dma_wait3A_1898 : memref<1x128x128xf32, #tpu.memory_space<vmem>> -> memref<128x128xf32, #tpu.memory_space<vmem>>
    %dma_wait3A_1900 = arith.constant 0 : i32
    %dma_wait3A_1901 = tpu.memref_slice %arg2[%multiple_of3A_1307, %dma_wait3A_1900] : memref<100000x128xf32, #tpu.memory_space<hbm>> -> memref<128x128xf32, #tpu.memory_space<hbm>>
    tpu.wait_dma2 semaphore(%arg17 : memref<!tpu.dma_semaphore, #tpu.memory_space<semaphore_mem>>) src(%dma_wait3A_1901 : memref<128x128xf32, #tpu.memory_space<hbm>>) dst(%dma_wait3A_1899 : memref<128x128xf32, #tpu.memory_space<vmem>>)
    %dma_wait3A_1902 = tpu.memref_slice %arg4[%mul3A_1322] : memref<102400xi32, #tpu.memory_space<hbm>> -> memref<128xi32, #tpu.memory_space<hbm>>
    %dma_wait3A_1903 = tpu.memref_slice %arg4[%mul3A_1322] : memref<102400xi32, #tpu.memory_space<hbm>> -> memref<128xi32, #tpu.memory_space<hbm>>
    tpu.wait_dma2 semaphore(%arg17 : memref<!tpu.dma_semaphore, #tpu.memory_space<semaphore_mem>>) src(%dma_wait3A_1903 : memref<128xi32, #tpu.memory_space<hbm>>) dst(%arg8 : memref<128xi32, #tpu.memory_space<vmem>>)
    %dma_start3A_1904 = arith.constant 0 : i32
    %dma_start3A_1905 = arith.constant 0 : i32
    %dma_start3A_1906 = arith.constant 0 : i32
    %dma_start3A_1907 = tpu.memref_slice %arg7[%dma_start3A_1904, %dma_start3A_1905, %dma_start3A_1906] : memref<6x128x128xf32, #tpu.memory_space<vmem>> -> memref<1x128x128xf32, #tpu.memory_space<vmem>>
    %dma_start3A_1908 = tpu.memref_squeeze %dma_start3A_1907 : memref<1x128x128xf32, #tpu.memory_space<vmem>> -> memref<128x128xf32, #tpu.memory_space<vmem>>
    %dma_start3A_1909 = arith.constant 0 : i32
    %dma_start3A_1910 = arith.constant 0 : i32
    %dma_start3A_1911 = tpu.memref_slice %arg30[%dma_start3A_1909, %dma_start3A_1910] : memref<1152x128xf32, #tpu.memory_space<vmem_shared>> -> memref<1152x128xf32, #tpu.memory_space<vmem_shared>>
    tpu.enqueue_indirect_dma source(%dma_start3A_1908 : memref<128x128xf32, #tpu.memory_space<vmem>>) target(%dma_start3A_1911 : memref<1152x128xf32, #tpu.memory_space<vmem_shared>>) offsets(%arg8 : memref<128xi32, #tpu.memory_space<vmem>>) semaphore(%arg23 : memref<!tpu.dma_semaphore, #tpu.memory_space<semaphore_mem>>) {add = true}
    %dma_wait3A_1912 = arith.constant 0 : i32
    %dma_wait3A_1913 = tpu.memref_slice %arg3[%dma_wait3A_1912] : memref<100000xi32, #tpu.memory_space<hbm>> -> memref<100000xi32, #tpu.memory_space<hbm>>
    tpu.wait_indirect_dma semaphore(%arg16 : memref<!tpu.dma_semaphore, #tpu.memory_space<semaphore_mem>>) src(%dma_wait3A_1913 : memref<100000xi32, #tpu.memory_space<hbm>>) dst(%arg15 : memref<64xi32, #tpu.memory_space<vmem>>)
    %get3A_1914 = arith.constant 0 : index
    %get3A_1915 = tpu.vector_load %arg15[%get3A_1914] {strides = array<i32>} : memref<64xi32, #tpu.memory_space<vmem>>, vector<16xi32>,
    %get3A_1916 = vector.shape_cast %get3A_1915 : vector<16xi32> to vector<16xi32>
    %lt3A_1917 = arith.cmpi slt, %get3A_1916, %add3A_12 : vector<16xi32>
    %add3A_1918 = arith.constant 1 : i32
    %add3A_1919 = vector.broadcast %add3A_1918 : i32 to vector<16xi32>
    %add3A_1920 = arith.addi %shift_right_arithmetic3A_1812, %add3A_1919 : vector<16xi32>
    %select_n3A_1921 = arith.select %lt3A_1917, %add3A_1920, %select_n3A_1780 : vector<16xi1>, vector<16xi32>
    %select_n3A_1922 = arith.select %lt3A_1917, %select_n3A_1781, %shift_right_arithmetic3A_1812 : vector<16xi1>, vector<16xi32>
    %get3A_1923 = arith.constant 16 : index
    %get3A_1924 = tpu.vector_load %arg15[%get3A_1923] {strides = array<i32>} : memref<64xi32, #tpu.memory_space<vmem>>, vector<16xi32>,
    %get3A_1925 = vector.shape_cast %get3A_1924 : vector<16xi32> to vector<16xi32>
    %lt3A_1926 = arith.cmpi slt, %get3A_1925, %add3A_18 : vector<16xi32>
    %add3A_1927 = arith.constant 1 : i32
    %add3A_1928 = vector.broadcast %add3A_1927 : i32 to vector<16xi32>
    %add3A_1929 = arith.addi %shift_right_arithmetic3A_1816, %add3A_1928 : vector<16xi32>
    %select_n3A_1930 = arith.select %lt3A_1926, %add3A_1929, %select_n3A_1789 : vector<16xi1>, vector<16xi32>
    %select_n3A_1931 = arith.select %lt3A_1926, %select_n3A_1790, %shift_right_arithmetic3A_1816 : vector<16xi1>, vector<16xi32>
    %get3A_1932 = arith.constant 32 : index
    %get3A_1933 = tpu.vector_load %arg15[%get3A_1932] {strides = array<i32>} : memref<64xi32, #tpu.memory_space<vmem>>, vector<16xi32>,
    %get3A_1934 = vector.shape_cast %get3A_1933 : vector<16xi32> to vector<16xi32>
    %lt3A_1935 = arith.cmpi slt, %get3A_1934, %add3A_15 : vector<16xi32>
    %add3A_1936 = arith.constant 1 : i32
    %add3A_1937 = vector.broadcast %add3A_1936 : i32 to vector<16xi32>
    %add3A_1938 = arith.addi %shift_right_arithmetic3A_1820, %add3A_1937 : vector<16xi32>
    %select_n3A_1939 = arith.select %lt3A_1935, %add3A_1938, %select_n3A_1798 : vector<16xi1>, vector<16xi32>
    %select_n3A_1940 = arith.select %lt3A_1935, %select_n3A_1799, %shift_right_arithmetic3A_1820 : vector<16xi1>, vector<16xi32>
    %get3A_1941 = arith.constant 48 : index
    %get3A_1942 = tpu.vector_load %arg15[%get3A_1941] {strides = array<i32>} : memref<64xi32, #tpu.memory_space<vmem>>, vector<16xi32>,
    %get3A_1943 = vector.shape_cast %get3A_1942 : vector<16xi32> to vector<16xi32>
    %lt3A_1944 = arith.cmpi slt, %get3A_1943, %add3A_21 : vector<16xi32>
    %add3A_1945 = arith.constant 1 : i32
    %add3A_1946 = vector.broadcast %add3A_1945 : i32 to vector<16xi32>
    %add3A_1947 = arith.addi %shift_right_arithmetic3A_1824, %add3A_1946 : vector<16xi32>
    %select_n3A_1948 = arith.select %lt3A_1944, %add3A_1947, %select_n3A_1807 : vector<16xi1>, vector<16xi32>
    %select_n3A_1949 = arith.select %lt3A_1944, %select_n3A_1808, %shift_right_arithmetic3A_1824 : vector<16xi1>, vector<16xi32>
    %add3A_1950 = arith.addi %select_n3A_1921, %select_n3A_1922 : vector<16xi32>
    %shift_right_arithmetic3A_1951 = arith.constant 1 : i32
    %shift_right_arithmetic3A_1952 = vector.broadcast %shift_right_arithmetic3A_1951 : i32 to vector<16xi32>
    %shift_right_arithmetic3A_1953 = arith.shrsi %add3A_1950, %shift_right_arithmetic3A_1952 : vector<16xi32>
    %add3A_1954 = arith.addi %select_n3A_1930, %select_n3A_1931 : vector<16xi32>
    %shift_right_arithmetic3A_1955 = arith.constant 1 : i32
    %shift_right_arithmetic3A_1956 = vector.broadcast %shift_right_arithmetic3A_1955 : i32 to vector<16xi32>
    %shift_right_arithmetic3A_1957 = arith.shrsi %add3A_1954, %shift_right_arithmetic3A_1956 : vector<16xi32>
    %add3A_1958 = arith.addi %select_n3A_1939, %select_n3A_1940 : vector<16xi32>
    %shift_right_arithmetic3A_1959 = arith.constant 1 : i32
    %shift_right_arithmetic3A_1960 = vector.broadcast %shift_right_arithmetic3A_1959 : i32 to vector<16xi32>
    %shift_right_arithmetic3A_1961 = arith.shrsi %add3A_1958, %shift_right_arithmetic3A_1960 : vector<16xi32>
    %add3A_1962 = arith.addi %select_n3A_1948, %select_n3A_1949 : vector<16xi32>
    %shift_right_arithmetic3A_1963 = arith.constant 1 : i32
    %shift_right_arithmetic3A_1964 = vector.broadcast %shift_right_arithmetic3A_1963 : i32 to vector<16xi32>
    %shift_right_arithmetic3A_1965 = arith.shrsi %add3A_1962, %shift_right_arithmetic3A_1964 : vector<16xi32>
    %min3A_1966 = arith.constant 99999 : i32
    %min3A_1967 = vector.broadcast %min3A_1966 : i32 to vector<16xi32>
    %min3A_1968 = arith.minsi %shift_right_arithmetic3A_1953, %min3A_1967 : vector<16xi32>
    %swap3A_1969 = arith.constant 0 : index
    %swap3A_1970 = tpu.vector_load %arg14[%swap3A_1969] {strides = array<i32>} : memref<64xi32, #tpu.memory_space<vmem>>, vector<16xi32>,
    %swap3A_1971 = vector.shape_cast %swap3A_1970 : vector<16xi32> to vector<16xi32>
    %swap3A_1972 = vector.shape_cast %min3A_1968 : vector<16xi32> to vector<16xi32>
    tpu.vector_store %arg14[%swap3A_1969], %swap3A_1972 {strides = array<i32>} : memref<64xi32, #tpu.memory_space<vmem>>, vector<16xi32>,
    %min3A_1973 = arith.constant 99999 : i32
    %min3A_1974 = vector.broadcast %min3A_1973 : i32 to vector<16xi32>
    %min3A_1975 = arith.minsi %shift_right_arithmetic3A_1957, %min3A_1974 : vector<16xi32>
    %swap3A_1976 = arith.constant 16 : index
    %swap3A_1977 = tpu.vector_load %arg14[%swap3A_1976] {strides = array<i32>} : memref<64xi32, #tpu.memory_space<vmem>>, vector<16xi32>,
    %swap3A_1978 = vector.shape_cast %swap3A_1977 : vector<16xi32> to vector<16xi32>
    %swap3A_1979 = vector.shape_cast %min3A_1975 : vector<16xi32> to vector<16xi32>
    tpu.vector_store %arg14[%swap3A_1976], %swap3A_1979 {strides = array<i32>} : memref<64xi32, #tpu.memory_space<vmem>>, vector<16xi32>,
    %min3A_1980 = arith.constant 99999 : i32
    %min3A_1981 = vector.broadcast %min3A_1980 : i32 to vector<16xi32>
    %min3A_1982 = arith.minsi %shift_right_arithmetic3A_1961, %min3A_1981 : vector<16xi32>
    %swap3A_1983 = arith.constant 32 : index
    %swap3A_1984 = tpu.vector_load %arg14[%swap3A_1983] {strides = array<i32>} : memref<64xi32, #tpu.memory_space<vmem>>, vector<16xi32>,
    %swap3A_1985 = vector.shape_cast %swap3A_1984 : vector<16xi32> to vector<16xi32>
    %swap3A_1986 = vector.shape_cast %min3A_1982 : vector<16xi32> to vector<16xi32>
    tpu.vector_store %arg14[%swap3A_1983], %swap3A_1986 {strides = array<i32>} : memref<64xi32, #tpu.memory_space<vmem>>, vector<16xi32>,
    %min3A_1987 = arith.constant 99999 : i32
    %min3A_1988 = vector.broadcast %min3A_1987 : i32 to vector<16xi32>
    %min3A_1989 = arith.minsi %shift_right_arithmetic3A_1965, %min3A_1988 : vector<16xi32>
    %swap3A_1990 = arith.constant 48 : index
    %swap3A_1991 = tpu.vector_load %arg14[%swap3A_1990] {strides = array<i32>} : memref<64xi32, #tpu.memory_space<vmem>>, vector<16xi32>,
    %swap3A_1992 = vector.shape_cast %swap3A_1991 : vector<16xi32> to vector<16xi32>
    %swap3A_1993 = vector.shape_cast %min3A_1989 : vector<16xi32> to vector<16xi32>
    tpu.vector_store %arg14[%swap3A_1990], %swap3A_1993 {strides = array<i32>} : memref<64xi32, #tpu.memory_space<vmem>>, vector<16xi32>,
    %dma_start3A_1994 = arith.constant 0 : i32
    %dma_start3A_1995 = tpu.memref_slice %arg3[%dma_start3A_1994] : memref<100000xi32, #tpu.memory_space<hbm>> -> memref<100000xi32, #tpu.memory_space<hbm>>
    tpu.enqueue_indirect_dma source(%dma_start3A_1995 : memref<100000xi32, #tpu.memory_space<hbm>>) target(%arg15 : memref<64xi32, #tpu.memory_space<vmem>>) offsets(%arg14 : memref<64xi32, #tpu.memory_space<vmem>>) semaphore(%arg16 : memref<!tpu.dma_semaphore, #tpu.memory_space<semaphore_mem>>)
    %dma_wait3A_1996 = arith.constant 5 : i32
    %dma_wait3A_1997 = arith.constant 0 : i32
    %dma_wait3A_1998 = arith.constant 0 : i32
    %dma_wait3A_1999 = tpu.memref_slice %arg7[%dma_wait3A_1996, %dma_wait3A_1997, %dma_wait3A_1998] : memref<6x128x128xf32, #tpu.memory_space<vmem>> -> memref<1x128x128xf32, #tpu.memory_space<vmem>>
    %dma_wait3A_2000 = tpu.memref_squeeze %dma_wait3A_1999 : memref<1x128x128xf32, #tpu.memory_space<vmem>> -> memref<128x128xf32, #tpu.memory_space<vmem>>
    %dma_wait3A_2001 = arith.constant 0 : i32
    %dma_wait3A_2002 = arith.constant 0 : i32
    %dma_wait3A_2003 = tpu.memref_slice %arg30[%dma_wait3A_2001, %dma_wait3A_2002] : memref<1152x128xf32, #tpu.memory_space<vmem_shared>> -> memref<1152x128xf32, #tpu.memory_space<vmem_shared>>
    tpu.wait_indirect_dma semaphore(%arg28 : memref<!tpu.dma_semaphore, #tpu.memory_space<semaphore_mem>>) src(%dma_wait3A_2000 : memref<128x128xf32, #tpu.memory_space<vmem>>) dst(%dma_wait3A_2003 : memref<1152x128xf32, #tpu.memory_space<vmem_shared>>)
    %mul3A_2004 = arith.constant 25 : i32
    %mul3A_2005 = arith.muli %add3A, %mul3A_2004 : i32
    %add3A_2006 = arith.constant 17 : i32
    %add3A_2007 = arith.addi %mul3A_2005, %add3A_2006 : i32
    %mul3A_2008 = arith.constant 128 : i32
    %mul3A_2009 = arith.muli %add3A_2007, %mul3A_2008 : i32
    %min3A_2010 = arith.constant 99872 : i32
    %min3A_2011 = arith.minsi %mul3A_2009, %min3A_2010 : i32
    %multiple_of3A_2012 = tpu.assume_multiple %min3A_2011, 8 : i32
    %dma_start3A_2013 = arith.constant 5 : i32
    %dma_start3A_2014 = arith.constant 0 : i32
    %dma_start3A_2015 = arith.constant 0 : i32
    %dma_start3A_2016 = tpu.memref_slice %arg7[%dma_start3A_2013, %dma_start3A_2014, %dma_start3A_2015] : memref<6x128x128xf32, #tpu.memory_space<vmem>> -> memref<1x128x128xf32, #tpu.memory_space<vmem>>
    %dma_start3A_2017 = tpu.memref_squeeze %dma_start3A_2016 : memref<1x128x128xf32, #tpu.memory_space<vmem>> -> memref<128x128xf32, #tpu.memory_space<vmem>>
    %dma_start3A_2018 = arith.constant 0 : i32
    %dma_start3A_2019 = tpu.memref_slice %arg2[%multiple_of3A_2012, %dma_start3A_2018] : memref<100000x128xf32, #tpu.memory_space<hbm>> -> memref<128x128xf32, #tpu.memory_space<hbm>>
    %dma_start3A_2020 = arith.constant 0 : i32
    %dma_start3A_2021 = arith.constant 0 : i32
    %dma_start3A_2022 = tpu.memref_slice %arg7[%dma_start3A_2013, %dma_start3A_2020, %dma_start3A_2021] : memref<6x128x128xf32, #tpu.memory_space<vmem>> -> memref<1x128x128xf32, #tpu.memory_space<vmem>>
    %dma_start3A_2023 = tpu.memref_squeeze %dma_start3A_2022 : memref<1x128x128xf32, #tpu.memory_space<vmem>> -> memref<128x128xf32, #tpu.memory_space<vmem>>
    %dma_start3A_2024 = arith.constant 0 : i32
    %dma_start3A_2025 = tpu.memref_slice %arg2[%multiple_of3A_2012, %dma_start3A_2024] : memref<100000x128xf32, #tpu.memory_space<hbm>> -> memref<128x128xf32, #tpu.memory_space<hbm>>
    tpu.enqueue_dma source(%dma_start3A_2025 : memref<128x128xf32, #tpu.memory_space<hbm>>) target(%dma_start3A_2023 : memref<128x128xf32, #tpu.memory_space<vmem>>) target_semaphore(%arg22 : memref<!tpu.dma_semaphore, #tpu.memory_space<semaphore_mem>>)
    %mul3A_2026 = arith.constant 128 : i32
    %mul3A_2027 = arith.muli %add3A_2007, %mul3A_2026 : i32
    %dma_start3A_2028 = tpu.memref_slice %arg4[%mul3A_2027] : memref<102400xi32, #tpu.memory_space<hbm>> -> memref<128xi32, #tpu.memory_space<hbm>>
    %dma_start3A_2029 = tpu.memref_slice %arg4[%mul3A_2027] : memref<102400xi32, #tpu.memory_space<hbm>> -> memref<128xi32, #tpu.memory_space<hbm>>
    tpu.enqueue_dma source(%dma_start3A_2029 : memref<128xi32, #tpu.memory_space<hbm>>) target(%arg13 : memref<128xi32, #tpu.memory_space<vmem>>) target_semaphore(%arg22 : memref<!tpu.dma_semaphore, #tpu.memory_space<semaphore_mem>>)
    %dma_wait3A_2030 = arith.constant 1 : i32
    %dma_wait3A_2031 = arith.constant 0 : i32
    %dma_wait3A_2032 = arith.constant 0 : i32
    %dma_wait3A_2033 = tpu.memref_slice %arg7[%dma_wait3A_2030, %dma_wait3A_2031, %dma_wait3A_2032] : memref<6x128x128xf32, #tpu.memory_space<vmem>> -> memref<1x128x128xf32, #tpu.memory_space<vmem>>
    %dma_wait3A_2034 = tpu.memref_squeeze %dma_wait3A_2033 : memref<1x128x128xf32, #tpu.memory_space<vmem>> -> memref<128x128xf32, #tpu.memory_space<vmem>>
    %dma_wait3A_2035 = arith.constant 0 : i32
    %dma_wait3A_2036 = tpu.memref_slice %arg2[%multiple_of3A_1448, %dma_wait3A_2035] : memref<100000x128xf32, #tpu.memory_space<hbm>> -> memref<128x128xf32, #tpu.memory_space<hbm>>
    %dma_wait3A_2037 = arith.constant 0 : i32
    %dma_wait3A_2038 = arith.constant 0 : i32
    %dma_wait3A_2039 = tpu.memref_slice %arg7[%dma_wait3A_2030, %dma_wait3A_2037, %dma_wait3A_2038] : memref<6x128x128xf32, #tpu.memory_space<vmem>> -> memref<1x128x128xf32, #tpu.memory_space<vmem>>
    %dma_wait3A_2040 = tpu.memref_squeeze %dma_wait3A_2039 : memref<1x128x128xf32, #tpu.memory_space<vmem>> -> memref<128x128xf32, #tpu.memory_space<vmem>>
    %dma_wait3A_2041 = arith.constant 0 : i32
    %dma_wait3A_2042 = tpu.memref_slice %arg2[%multiple_of3A_1448, %dma_wait3A_2041] : memref<100000x128xf32, #tpu.memory_space<hbm>> -> memref<128x128xf32, #tpu.memory_space<hbm>>
    tpu.wait_dma2 semaphore(%arg18 : memref<!tpu.dma_semaphore, #tpu.memory_space<semaphore_mem>>) src(%dma_wait3A_2042 : memref<128x128xf32, #tpu.memory_space<hbm>>) dst(%dma_wait3A_2040 : memref<128x128xf32, #tpu.memory_space<vmem>>)
    %dma_wait3A_2043 = tpu.memref_slice %arg4[%mul3A_1463] : memref<102400xi32, #tpu.memory_space<hbm>> -> memref<128xi32, #tpu.memory_space<hbm>>
    %dma_wait3A_2044 = tpu.memref_slice %arg4[%mul3A_1463] : memref<102400xi32, #tpu.memory_space<hbm>> -> memref<128xi32, #tpu.memory_space<hbm>>
    tpu.wait_dma2 semaphore(%arg18 : memref<!tpu.dma_semaphore, #tpu.memory_space<semaphore_mem>>) src(%dma_wait3A_2044 : memref<128xi32, #tpu.memory_space<hbm>>) dst(%arg9 : memref<128xi32, #tpu.memory_space<vmem>>)
    %dma_start3A_2045 = arith.constant 1 : i32
    %dma_start3A_2046 = arith.constant 0 : i32
    %dma_start3A_2047 = arith.constant 0 : i32
    %dma_start3A_2048 = tpu.memref_slice %arg7[%dma_start3A_2045, %dma_start3A_2046, %dma_start3A_2047] : memref<6x128x128xf32, #tpu.memory_space<vmem>> -> memref<1x128x128xf32, #tpu.memory_space<vmem>>
    %dma_start3A_2049 = tpu.memref_squeeze %dma_start3A_2048 : memref<1x128x128xf32, #tpu.memory_space<vmem>> -> memref<128x128xf32, #tpu.memory_space<vmem>>
    %dma_start3A_2050 = arith.constant 0 : i32
    %dma_start3A_2051 = arith.constant 0 : i32
    %dma_start3A_2052 = tpu.memref_slice %arg30[%dma_start3A_2050, %dma_start3A_2051] : memref<1152x128xf32, #tpu.memory_space<vmem_shared>> -> memref<1152x128xf32, #tpu.memory_space<vmem_shared>>
    tpu.enqueue_indirect_dma source(%dma_start3A_2049 : memref<128x128xf32, #tpu.memory_space<vmem>>) target(%dma_start3A_2052 : memref<1152x128xf32, #tpu.memory_space<vmem_shared>>) offsets(%arg9 : memref<128xi32, #tpu.memory_space<vmem>>) semaphore(%arg24 : memref<!tpu.dma_semaphore, #tpu.memory_space<semaphore_mem>>) {add = true}
    %dma_wait3A_2053 = arith.constant 0 : i32
    %dma_wait3A_2054 = tpu.memref_slice %arg3[%dma_wait3A_2053] : memref<100000xi32, #tpu.memory_space<hbm>> -> memref<100000xi32, #tpu.memory_space<hbm>>
    tpu.wait_indirect_dma semaphore(%arg16 : memref<!tpu.dma_semaphore, #tpu.memory_space<semaphore_mem>>) src(%dma_wait3A_2054 : memref<100000xi32, #tpu.memory_space<hbm>>) dst(%arg15 : memref<64xi32, #tpu.memory_space<vmem>>)
    %get3A_2055 = arith.constant 0 : index
    %get3A_2056 = tpu.vector_load %arg15[%get3A_2055] {strides = array<i32>} : memref<64xi32, #tpu.memory_space<vmem>>, vector<16xi32>,
    %get3A_2057 = vector.shape_cast %get3A_2056 : vector<16xi32> to vector<16xi32>
    %lt3A_2058 = arith.cmpi slt, %get3A_2057, %add3A_12 : vector<16xi32>
    %add3A_2059 = arith.constant 1 : i32
    %add3A_2060 = vector.broadcast %add3A_2059 : i32 to vector<16xi32>
    %add3A_2061 = arith.addi %shift_right_arithmetic3A_1953, %add3A_2060 : vector<16xi32>
    %select_n3A_2062 = arith.select %lt3A_2058, %add3A_2061, %select_n3A_1921 : vector<16xi1>, vector<16xi32>
    %select_n3A_2063 = arith.select %lt3A_2058, %select_n3A_1922, %shift_right_arithmetic3A_1953 : vector<16xi1>, vector<16xi32>
    %get3A_2064 = arith.constant 16 : index
    %get3A_2065 = tpu.vector_load %arg15[%get3A_2064] {strides = array<i32>} : memref<64xi32, #tpu.memory_space<vmem>>, vector<16xi32>,
    %get3A_2066 = vector.shape_cast %get3A_2065 : vector<16xi32> to vector<16xi32>
    %lt3A_2067 = arith.cmpi slt, %get3A_2066, %add3A_18 : vector<16xi32>
    %add3A_2068 = arith.constant 1 : i32
    %add3A_2069 = vector.broadcast %add3A_2068 : i32 to vector<16xi32>
    %add3A_2070 = arith.addi %shift_right_arithmetic3A_1957, %add3A_2069 : vector<16xi32>
    %select_n3A_2071 = arith.select %lt3A_2067, %add3A_2070, %select_n3A_1930 : vector<16xi1>, vector<16xi32>
    %select_n3A_2072 = arith.select %lt3A_2067, %select_n3A_1931, %shift_right_arithmetic3A_1957 : vector<16xi1>, vector<16xi32>
    %get3A_2073 = arith.constant 32 : index
    %get3A_2074 = tpu.vector_load %arg15[%get3A_2073] {strides = array<i32>} : memref<64xi32, #tpu.memory_space<vmem>>, vector<16xi32>,
    %get3A_2075 = vector.shape_cast %get3A_2074 : vector<16xi32> to vector<16xi32>
    %lt3A_2076 = arith.cmpi slt, %get3A_2075, %add3A_15 : vector<16xi32>
    %add3A_2077 = arith.constant 1 : i32
    %add3A_2078 = vector.broadcast %add3A_2077 : i32 to vector<16xi32>
    %add3A_2079 = arith.addi %shift_right_arithmetic3A_1961, %add3A_2078 : vector<16xi32>
    %select_n3A_2080 = arith.select %lt3A_2076, %add3A_2079, %select_n3A_1939 : vector<16xi1>, vector<16xi32>
    %select_n3A_2081 = arith.select %lt3A_2076, %select_n3A_1940, %shift_right_arithmetic3A_1961 : vector<16xi1>, vector<16xi32>
    %get3A_2082 = arith.constant 48 : index
    %get3A_2083 = tpu.vector_load %arg15[%get3A_2082] {strides = array<i32>} : memref<64xi32, #tpu.memory_space<vmem>>, vector<16xi32>,
    %get3A_2084 = vector.shape_cast %get3A_2083 : vector<16xi32> to vector<16xi32>
    %lt3A_2085 = arith.cmpi slt, %get3A_2084, %add3A_21 : vector<16xi32>
    %add3A_2086 = arith.constant 1 : i32
    %add3A_2087 = vector.broadcast %add3A_2086 : i32 to vector<16xi32>
    %add3A_2088 = arith.addi %shift_right_arithmetic3A_1965, %add3A_2087 : vector<16xi32>
    %select_n3A_2089 = arith.select %lt3A_2085, %add3A_2088, %select_n3A_1948 : vector<16xi1>, vector<16xi32>
    %select_n3A_2090 = arith.select %lt3A_2085, %select_n3A_1949, %shift_right_arithmetic3A_1965 : vector<16xi1>, vector<16xi32>
    %add3A_2091 = arith.addi %select_n3A_2062, %select_n3A_2063 : vector<16xi32>
    %shift_right_arithmetic3A_2092 = arith.constant 1 : i32
    %shift_right_arithmetic3A_2093 = vector.broadcast %shift_right_arithmetic3A_2092 : i32 to vector<16xi32>
    %shift_right_arithmetic3A_2094 = arith.shrsi %add3A_2091, %shift_right_arithmetic3A_2093 : vector<16xi32>
    %add3A_2095 = arith.addi %select_n3A_2071, %select_n3A_2072 : vector<16xi32>
    %shift_right_arithmetic3A_2096 = arith.constant 1 : i32
    %shift_right_arithmetic3A_2097 = vector.broadcast %shift_right_arithmetic3A_2096 : i32 to vector<16xi32>
    %shift_right_arithmetic3A_2098 = arith.shrsi %add3A_2095, %shift_right_arithmetic3A_2097 : vector<16xi32>
    %add3A_2099 = arith.addi %select_n3A_2080, %select_n3A_2081 : vector<16xi32>
    %shift_right_arithmetic3A_2100 = arith.constant 1 : i32
    %shift_right_arithmetic3A_2101 = vector.broadcast %shift_right_arithmetic3A_2100 : i32 to vector<16xi32>
    %shift_right_arithmetic3A_2102 = arith.shrsi %add3A_2099, %shift_right_arithmetic3A_2101 : vector<16xi32>
    %add3A_2103 = arith.addi %select_n3A_2089, %select_n3A_2090 : vector<16xi32>
    %shift_right_arithmetic3A_2104 = arith.constant 1 : i32
    %shift_right_arithmetic3A_2105 = vector.broadcast %shift_right_arithmetic3A_2104 : i32 to vector<16xi32>
    %shift_right_arithmetic3A_2106 = arith.shrsi %add3A_2103, %shift_right_arithmetic3A_2105 : vector<16xi32>
    %min3A_2107 = arith.constant 99999 : i32
    %min3A_2108 = vector.broadcast %min3A_2107 : i32 to vector<16xi32>
    %min3A_2109 = arith.minsi %shift_right_arithmetic3A_2094, %min3A_2108 : vector<16xi32>
    %swap3A_2110 = arith.constant 0 : index
    %swap3A_2111 = tpu.vector_load %arg14[%swap3A_2110] {strides = array<i32>} : memref<64xi32, #tpu.memory_space<vmem>>, vector<16xi32>,
    %swap3A_2112 = vector.shape_cast %swap3A_2111 : vector<16xi32> to vector<16xi32>
    %swap3A_2113 = vector.shape_cast %min3A_2109 : vector<16xi32> to vector<16xi32>
    tpu.vector_store %arg14[%swap3A_2110], %swap3A_2113 {strides = array<i32>} : memref<64xi32, #tpu.memory_space<vmem>>, vector<16xi32>,
    %min3A_2114 = arith.constant 99999 : i32
    %min3A_2115 = vector.broadcast %min3A_2114 : i32 to vector<16xi32>
    %min3A_2116 = arith.minsi %shift_right_arithmetic3A_2098, %min3A_2115 : vector<16xi32>
    %swap3A_2117 = arith.constant 16 : index
    %swap3A_2118 = tpu.vector_load %arg14[%swap3A_2117] {strides = array<i32>} : memref<64xi32, #tpu.memory_space<vmem>>, vector<16xi32>,
    %swap3A_2119 = vector.shape_cast %swap3A_2118 : vector<16xi32> to vector<16xi32>
    %swap3A_2120 = vector.shape_cast %min3A_2116 : vector<16xi32> to vector<16xi32>
    tpu.vector_store %arg14[%swap3A_2117], %swap3A_2120 {strides = array<i32>} : memref<64xi32, #tpu.memory_space<vmem>>, vector<16xi32>,
    %min3A_2121 = arith.constant 99999 : i32
    %min3A_2122 = vector.broadcast %min3A_2121 : i32 to vector<16xi32>
    %min3A_2123 = arith.minsi %shift_right_arithmetic3A_2102, %min3A_2122 : vector<16xi32>
    %swap3A_2124 = arith.constant 32 : index
    %swap3A_2125 = tpu.vector_load %arg14[%swap3A_2124] {strides = array<i32>} : memref<64xi32, #tpu.memory_space<vmem>>, vector<16xi32>,
    %swap3A_2126 = vector.shape_cast %swap3A_2125 : vector<16xi32> to vector<16xi32>
    %swap3A_2127 = vector.shape_cast %min3A_2123 : vector<16xi32> to vector<16xi32>
    tpu.vector_store %arg14[%swap3A_2124], %swap3A_2127 {strides = array<i32>} : memref<64xi32, #tpu.memory_space<vmem>>, vector<16xi32>,
    %min3A_2128 = arith.constant 99999 : i32
    %min3A_2129 = vector.broadcast %min3A_2128 : i32 to vector<16xi32>
    %min3A_2130 = arith.minsi %shift_right_arithmetic3A_2106, %min3A_2129 : vector<16xi32>
    %swap3A_2131 = arith.constant 48 : index
    %swap3A_2132 = tpu.vector_load %arg14[%swap3A_2131] {strides = array<i32>} : memref<64xi32, #tpu.memory_space<vmem>>, vector<16xi32>,
    %swap3A_2133 = vector.shape_cast %swap3A_2132 : vector<16xi32> to vector<16xi32>
    %swap3A_2134 = vector.shape_cast %min3A_2130 : vector<16xi32> to vector<16xi32>
    tpu.vector_store %arg14[%swap3A_2131], %swap3A_2134 {strides = array<i32>} : memref<64xi32, #tpu.memory_space<vmem>>, vector<16xi32>,
    %dma_start3A_2135 = arith.constant 0 : i32
    %dma_start3A_2136 = tpu.memref_slice %arg3[%dma_start3A_2135] : memref<100000xi32, #tpu.memory_space<hbm>> -> memref<100000xi32, #tpu.memory_space<hbm>>
    tpu.enqueue_indirect_dma source(%dma_start3A_2136 : memref<100000xi32, #tpu.memory_space<hbm>>) target(%arg15 : memref<64xi32, #tpu.memory_space<vmem>>) offsets(%arg14 : memref<64xi32, #tpu.memory_space<vmem>>) semaphore(%arg16 : memref<!tpu.dma_semaphore, #tpu.memory_space<semaphore_mem>>)
    %dma_wait3A_2137 = arith.constant 0 : i32
    %dma_wait3A_2138 = arith.constant 0 : i32
    %dma_wait3A_2139 = arith.constant 0 : i32
    %dma_wait3A_2140 = tpu.memref_slice %arg7[%dma_wait3A_2137, %dma_wait3A_2138, %dma_wait3A_2139] : memref<6x128x128xf32, #tpu.memory_space<vmem>> -> memref<1x128x128xf32, #tpu.memory_space<vmem>>
    %dma_wait3A_2141 = tpu.memref_squeeze %dma_wait3A_2140 : memref<1x128x128xf32, #tpu.memory_space<vmem>> -> memref<128x128xf32, #tpu.memory_space<vmem>>
    %dma_wait3A_2142 = arith.constant 0 : i32
    %dma_wait3A_2143 = arith.constant 0 : i32
    %dma_wait3A_2144 = tpu.memref_slice %arg30[%dma_wait3A_2142, %dma_wait3A_2143] : memref<1152x128xf32, #tpu.memory_space<vmem_shared>> -> memref<1152x128xf32, #tpu.memory_space<vmem_shared>>
    tpu.wait_indirect_dma semaphore(%arg23 : memref<!tpu.dma_semaphore, #tpu.memory_space<semaphore_mem>>) src(%dma_wait3A_2141 : memref<128x128xf32, #tpu.memory_space<vmem>>) dst(%dma_wait3A_2144 : memref<1152x128xf32, #tpu.memory_space<vmem_shared>>)
    %mul3A_2145 = arith.constant 25 : i32
    %mul3A_2146 = arith.muli %add3A, %mul3A_2145 : i32
    %add3A_2147 = arith.constant 18 : i32
    %add3A_2148 = arith.addi %mul3A_2146, %add3A_2147 : i32
    %mul3A_2149 = arith.constant 128 : i32
    %mul3A_2150 = arith.muli %add3A_2148, %mul3A_2149 : i32
    %min3A_2151 = arith.constant 99872 : i32
    %min3A_2152 = arith.minsi %mul3A_2150, %min3A_2151 : i32
    %multiple_of3A_2153 = tpu.assume_multiple %min3A_2152, 8 : i32
    %dma_start3A_2154 = arith.constant 0 : i32
    %dma_start3A_2155 = arith.constant 0 : i32
    %dma_start3A_2156 = arith.constant 0 : i32
    %dma_start3A_2157 = tpu.memref_slice %arg7[%dma_start3A_2154, %dma_start3A_2155, %dma_start3A_2156] : memref<6x128x128xf32, #tpu.memory_space<vmem>> -> memref<1x128x128xf32, #tpu.memory_space<vmem>>
    %dma_start3A_2158 = tpu.memref_squeeze %dma_start3A_2157 : memref<1x128x128xf32, #tpu.memory_space<vmem>> -> memref<128x128xf32, #tpu.memory_space<vmem>>
    %dma_start3A_2159 = arith.constant 0 : i32
    %dma_start3A_2160 = tpu.memref_slice %arg2[%multiple_of3A_2153, %dma_start3A_2159] : memref<100000x128xf32, #tpu.memory_space<hbm>> -> memref<128x128xf32, #tpu.memory_space<hbm>>
    %dma_start3A_2161 = arith.constant 0 : i32
    %dma_start3A_2162 = arith.constant 0 : i32
    %dma_start3A_2163 = tpu.memref_slice %arg7[%dma_start3A_2154, %dma_start3A_2161, %dma_start3A_2162] : memref<6x128x128xf32, #tpu.memory_space<vmem>> -> memref<1x128x128xf32, #tpu.memory_space<vmem>>
    %dma_start3A_2164 = tpu.memref_squeeze %dma_start3A_2163 : memref<1x128x128xf32, #tpu.memory_space<vmem>> -> memref<128x128xf32, #tpu.memory_space<vmem>>
    %dma_start3A_2165 = arith.constant 0 : i32
    %dma_start3A_2166 = tpu.memref_slice %arg2[%multiple_of3A_2153, %dma_start3A_2165] : memref<100000x128xf32, #tpu.memory_space<hbm>> -> memref<128x128xf32, #tpu.memory_space<hbm>>
    tpu.enqueue_dma source(%dma_start3A_2166 : memref<128x128xf32, #tpu.memory_space<hbm>>) target(%dma_start3A_2164 : memref<128x128xf32, #tpu.memory_space<vmem>>) target_semaphore(%arg17 : memref<!tpu.dma_semaphore, #tpu.memory_space<semaphore_mem>>)
    %mul3A_2167 = arith.constant 128 : i32
    %mul3A_2168 = arith.muli %add3A_2148, %mul3A_2167 : i32
    %dma_start3A_2169 = tpu.memref_slice %arg4[%mul3A_2168] : memref<102400xi32, #tpu.memory_space<hbm>> -> memref<128xi32, #tpu.memory_space<hbm>>
    %dma_start3A_2170 = tpu.memref_slice %arg4[%mul3A_2168] : memref<102400xi32, #tpu.memory_space<hbm>> -> memref<128xi32, #tpu.memory_space<hbm>>
    tpu.enqueue_dma source(%dma_start3A_2170 : memref<128xi32, #tpu.memory_space<hbm>>) target(%arg8 : memref<128xi32, #tpu.memory_space<vmem>>) target_semaphore(%arg17 : memref<!tpu.dma_semaphore, #tpu.memory_space<semaphore_mem>>)
    %dma_wait3A_2171 = arith.constant 2 : i32
    %dma_wait3A_2172 = arith.constant 0 : i32
    %dma_wait3A_2173 = arith.constant 0 : i32
    %dma_wait3A_2174 = tpu.memref_slice %arg7[%dma_wait3A_2171, %dma_wait3A_2172, %dma_wait3A_2173] : memref<6x128x128xf32, #tpu.memory_space<vmem>> -> memref<1x128x128xf32, #tpu.memory_space<vmem>>
    %dma_wait3A_2175 = tpu.memref_squeeze %dma_wait3A_2174 : memref<1x128x128xf32, #tpu.memory_space<vmem>> -> memref<128x128xf32, #tpu.memory_space<vmem>>
    %dma_wait3A_2176 = arith.constant 0 : i32
    %dma_wait3A_2177 = tpu.memref_slice %arg2[%multiple_of3A_1589, %dma_wait3A_2176] : memref<100000x128xf32, #tpu.memory_space<hbm>> -> memref<128x128xf32, #tpu.memory_space<hbm>>
    %dma_wait3A_2178 = arith.constant 0 : i32
    %dma_wait3A_2179 = arith.constant 0 : i32
    %dma_wait3A_2180 = tpu.memref_slice %arg7[%dma_wait3A_2171, %dma_wait3A_2178, %dma_wait3A_2179] : memref<6x128x128xf32, #tpu.memory_space<vmem>> -> memref<1x128x128xf32, #tpu.memory_space<vmem>>
    %dma_wait3A_2181 = tpu.memref_squeeze %dma_wait3A_2180 : memref<1x128x128xf32, #tpu.memory_space<vmem>> -> memref<128x128xf32, #tpu.memory_space<vmem>>
    %dma_wait3A_2182 = arith.constant 0 : i32
    %dma_wait3A_2183 = tpu.memref_slice %arg2[%multiple_of3A_1589, %dma_wait3A_2182] : memref<100000x128xf32, #tpu.memory_space<hbm>> -> memref<128x128xf32, #tpu.memory_space<hbm>>
    tpu.wait_dma2 semaphore(%arg19 : memref<!tpu.dma_semaphore, #tpu.memory_space<semaphore_mem>>) src(%dma_wait3A_2183 : memref<128x128xf32, #tpu.memory_space<hbm>>) dst(%dma_wait3A_2181 : memref<128x128xf32, #tpu.memory_space<vmem>>)
    %dma_wait3A_2184 = tpu.memref_slice %arg4[%mul3A_1604] : memref<102400xi32, #tpu.memory_space<hbm>> -> memref<128xi32, #tpu.memory_space<hbm>>
    %dma_wait3A_2185 = tpu.memref_slice %arg4[%mul3A_1604] : memref<102400xi32, #tpu.memory_space<hbm>> -> memref<128xi32, #tpu.memory_space<hbm>>
    tpu.wait_dma2 semaphore(%arg19 : memref<!tpu.dma_semaphore, #tpu.memory_space<semaphore_mem>>) src(%dma_wait3A_2185 : memref<128xi32, #tpu.memory_space<hbm>>) dst(%arg10 : memref<128xi32, #tpu.memory_space<vmem>>)
    %dma_start3A_2186 = arith.constant 2 : i32
    %dma_start3A_2187 = arith.constant 0 : i32
    %dma_start3A_2188 = arith.constant 0 : i32
    %dma_start3A_2189 = tpu.memref_slice %arg7[%dma_start3A_2186, %dma_start3A_2187, %dma_start3A_2188] : memref<6x128x128xf32, #tpu.memory_space<vmem>> -> memref<1x128x128xf32, #tpu.memory_space<vmem>>
    %dma_start3A_2190 = tpu.memref_squeeze %dma_start3A_2189 : memref<1x128x128xf32, #tpu.memory_space<vmem>> -> memref<128x128xf32, #tpu.memory_space<vmem>>
    %dma_start3A_2191 = arith.constant 0 : i32
    %dma_start3A_2192 = arith.constant 0 : i32
    %dma_start3A_2193 = tpu.memref_slice %arg30[%dma_start3A_2191, %dma_start3A_2192] : memref<1152x128xf32, #tpu.memory_space<vmem_shared>> -> memref<1152x128xf32, #tpu.memory_space<vmem_shared>>
    tpu.enqueue_indirect_dma source(%dma_start3A_2190 : memref<128x128xf32, #tpu.memory_space<vmem>>) target(%dma_start3A_2193 : memref<1152x128xf32, #tpu.memory_space<vmem_shared>>) offsets(%arg10 : memref<128xi32, #tpu.memory_space<vmem>>) semaphore(%arg25 : memref<!tpu.dma_semaphore, #tpu.memory_space<semaphore_mem>>) {add = true}
    %dma_wait3A_2194 = arith.constant 0 : i32
    %dma_wait3A_2195 = tpu.memref_slice %arg3[%dma_wait3A_2194] : memref<100000xi32, #tpu.memory_space<hbm>> -> memref<100000xi32, #tpu.memory_space<hbm>>
    tpu.wait_indirect_dma semaphore(%arg16 : memref<!tpu.dma_semaphore, #tpu.memory_space<semaphore_mem>>) src(%dma_wait3A_2195 : memref<100000xi32, #tpu.memory_space<hbm>>) dst(%arg15 : memref<64xi32, #tpu.memory_space<vmem>>)
    %get3A_2196 = arith.constant 0 : index
    %get3A_2197 = tpu.vector_load %arg15[%get3A_2196] {strides = array<i32>} : memref<64xi32, #tpu.memory_space<vmem>>, vector<16xi32>,
    %get3A_2198 = vector.shape_cast %get3A_2197 : vector<16xi32> to vector<16xi32>
    %lt3A_2199 = arith.cmpi slt, %get3A_2198, %add3A_12 : vector<16xi32>
    %add3A_2200 = arith.constant 1 : i32
    %add3A_2201 = vector.broadcast %add3A_2200 : i32 to vector<16xi32>
    %add3A_2202 = arith.addi %shift_right_arithmetic3A_2094, %add3A_2201 : vector<16xi32>
    %select_n3A_2203 = arith.select %lt3A_2199, %add3A_2202, %select_n3A_2062 : vector<16xi1>, vector<16xi32>
    %select_n3A_2204 = arith.select %lt3A_2199, %select_n3A_2063, %shift_right_arithmetic3A_2094 : vector<16xi1>, vector<16xi32>
    %get3A_2205 = arith.constant 16 : index
    %get3A_2206 = tpu.vector_load %arg15[%get3A_2205] {strides = array<i32>} : memref<64xi32, #tpu.memory_space<vmem>>, vector<16xi32>,
    %get3A_2207 = vector.shape_cast %get3A_2206 : vector<16xi32> to vector<16xi32>
    %lt3A_2208 = arith.cmpi slt, %get3A_2207, %add3A_18 : vector<16xi32>
    %add3A_2209 = arith.constant 1 : i32
    %add3A_2210 = vector.broadcast %add3A_2209 : i32 to vector<16xi32>
    %add3A_2211 = arith.addi %shift_right_arithmetic3A_2098, %add3A_2210 : vector<16xi32>
    %select_n3A_2212 = arith.select %lt3A_2208, %add3A_2211, %select_n3A_2071 : vector<16xi1>, vector<16xi32>
    %select_n3A_2213 = arith.select %lt3A_2208, %select_n3A_2072, %shift_right_arithmetic3A_2098 : vector<16xi1>, vector<16xi32>
    %get3A_2214 = arith.constant 32 : index
    %get3A_2215 = tpu.vector_load %arg15[%get3A_2214] {strides = array<i32>} : memref<64xi32, #tpu.memory_space<vmem>>, vector<16xi32>,
    %get3A_2216 = vector.shape_cast %get3A_2215 : vector<16xi32> to vector<16xi32>
    %lt3A_2217 = arith.cmpi slt, %get3A_2216, %add3A_15 : vector<16xi32>
    %add3A_2218 = arith.constant 1 : i32
    %add3A_2219 = vector.broadcast %add3A_2218 : i32 to vector<16xi32>
    %add3A_2220 = arith.addi %shift_right_arithmetic3A_2102, %add3A_2219 : vector<16xi32>
    %select_n3A_2221 = arith.select %lt3A_2217, %add3A_2220, %select_n3A_2080 : vector<16xi1>, vector<16xi32>
    %select_n3A_2222 = arith.select %lt3A_2217, %select_n3A_2081, %shift_right_arithmetic3A_2102 : vector<16xi1>, vector<16xi32>
    %get3A_2223 = arith.constant 48 : index
    %get3A_2224 = tpu.vector_load %arg15[%get3A_2223] {strides = array<i32>} : memref<64xi32, #tpu.memory_space<vmem>>, vector<16xi32>,
    %get3A_2225 = vector.shape_cast %get3A_2224 : vector<16xi32> to vector<16xi32>
    %lt3A_2226 = arith.cmpi slt, %get3A_2225, %add3A_21 : vector<16xi32>
    %add3A_2227 = arith.constant 1 : i32
    %add3A_2228 = vector.broadcast %add3A_2227 : i32 to vector<16xi32>
    %add3A_2229 = arith.addi %shift_right_arithmetic3A_2106, %add3A_2228 : vector<16xi32>
    %select_n3A_2230 = arith.select %lt3A_2226, %add3A_2229, %select_n3A_2089 : vector<16xi1>, vector<16xi32>
    %select_n3A_2231 = arith.select %lt3A_2226, %select_n3A_2090, %shift_right_arithmetic3A_2106 : vector<16xi1>, vector<16xi32>
    %add3A_2232 = arith.addi %select_n3A_2203, %select_n3A_2204 : vector<16xi32>
    %shift_right_arithmetic3A_2233 = arith.constant 1 : i32
    %shift_right_arithmetic3A_2234 = vector.broadcast %shift_right_arithmetic3A_2233 : i32 to vector<16xi32>
    %shift_right_arithmetic3A_2235 = arith.shrsi %add3A_2232, %shift_right_arithmetic3A_2234 : vector<16xi32>
    %add3A_2236 = arith.addi %select_n3A_2212, %select_n3A_2213 : vector<16xi32>
    %shift_right_arithmetic3A_2237 = arith.constant 1 : i32
    %shift_right_arithmetic3A_2238 = vector.broadcast %shift_right_arithmetic3A_2237 : i32 to vector<16xi32>
    %shift_right_arithmetic3A_2239 = arith.shrsi %add3A_2236, %shift_right_arithmetic3A_2238 : vector<16xi32>
    %add3A_2240 = arith.addi %select_n3A_2221, %select_n3A_2222 : vector<16xi32>
    %shift_right_arithmetic3A_2241 = arith.constant 1 : i32
    %shift_right_arithmetic3A_2242 = vector.broadcast %shift_right_arithmetic3A_2241 : i32 to vector<16xi32>
    %shift_right_arithmetic3A_2243 = arith.shrsi %add3A_2240, %shift_right_arithmetic3A_2242 : vector<16xi32>
    %add3A_2244 = arith.addi %select_n3A_2230, %select_n3A_2231 : vector<16xi32>
    %shift_right_arithmetic3A_2245 = arith.constant 1 : i32
    %shift_right_arithmetic3A_2246 = vector.broadcast %shift_right_arithmetic3A_2245 : i32 to vector<16xi32>
    %shift_right_arithmetic3A_2247 = arith.shrsi %add3A_2244, %shift_right_arithmetic3A_2246 : vector<16xi32>
    %min3A_2248 = arith.constant 99999 : i32
    %min3A_2249 = vector.broadcast %min3A_2248 : i32 to vector<16xi32>
    %min3A_2250 = arith.minsi %shift_right_arithmetic3A_2235, %min3A_2249 : vector<16xi32>
    %swap3A_2251 = arith.constant 0 : index
    %swap3A_2252 = tpu.vector_load %arg14[%swap3A_2251] {strides = array<i32>} : memref<64xi32, #tpu.memory_space<vmem>>, vector<16xi32>,
    %swap3A_2253 = vector.shape_cast %swap3A_2252 : vector<16xi32> to vector<16xi32>
    %swap3A_2254 = vector.shape_cast %min3A_2250 : vector<16xi32> to vector<16xi32>
    tpu.vector_store %arg14[%swap3A_2251], %swap3A_2254 {strides = array<i32>} : memref<64xi32, #tpu.memory_space<vmem>>, vector<16xi32>,
    %min3A_2255 = arith.constant 99999 : i32
    %min3A_2256 = vector.broadcast %min3A_2255 : i32 to vector<16xi32>
    %min3A_2257 = arith.minsi %shift_right_arithmetic3A_2239, %min3A_2256 : vector<16xi32>
    %swap3A_2258 = arith.constant 16 : index
    %swap3A_2259 = tpu.vector_load %arg14[%swap3A_2258] {strides = array<i32>} : memref<64xi32, #tpu.memory_space<vmem>>, vector<16xi32>,
    %swap3A_2260 = vector.shape_cast %swap3A_2259 : vector<16xi32> to vector<16xi32>
    %swap3A_2261 = vector.shape_cast %min3A_2257 : vector<16xi32> to vector<16xi32>
    tpu.vector_store %arg14[%swap3A_2258], %swap3A_2261 {strides = array<i32>} : memref<64xi32, #tpu.memory_space<vmem>>, vector<16xi32>,
    %min3A_2262 = arith.constant 99999 : i32
    %min3A_2263 = vector.broadcast %min3A_2262 : i32 to vector<16xi32>
    %min3A_2264 = arith.minsi %shift_right_arithmetic3A_2243, %min3A_2263 : vector<16xi32>
    %swap3A_2265 = arith.constant 32 : index
    %swap3A_2266 = tpu.vector_load %arg14[%swap3A_2265] {strides = array<i32>} : memref<64xi32, #tpu.memory_space<vmem>>, vector<16xi32>,
    %swap3A_2267 = vector.shape_cast %swap3A_2266 : vector<16xi32> to vector<16xi32>
    %swap3A_2268 = vector.shape_cast %min3A_2264 : vector<16xi32> to vector<16xi32>
    tpu.vector_store %arg14[%swap3A_2265], %swap3A_2268 {strides = array<i32>} : memref<64xi32, #tpu.memory_space<vmem>>, vector<16xi32>,
    %min3A_2269 = arith.constant 99999 : i32
    %min3A_2270 = vector.broadcast %min3A_2269 : i32 to vector<16xi32>
    %min3A_2271 = arith.minsi %shift_right_arithmetic3A_2247, %min3A_2270 : vector<16xi32>
    %swap3A_2272 = arith.constant 48 : index
    %swap3A_2273 = tpu.vector_load %arg14[%swap3A_2272] {strides = array<i32>} : memref<64xi32, #tpu.memory_space<vmem>>, vector<16xi32>,
    %swap3A_2274 = vector.shape_cast %swap3A_2273 : vector<16xi32> to vector<16xi32>
    %swap3A_2275 = vector.shape_cast %min3A_2271 : vector<16xi32> to vector<16xi32>
    tpu.vector_store %arg14[%swap3A_2272], %swap3A_2275 {strides = array<i32>} : memref<64xi32, #tpu.memory_space<vmem>>, vector<16xi32>,
    %dma_start3A_2276 = arith.constant 0 : i32
    %dma_start3A_2277 = tpu.memref_slice %arg3[%dma_start3A_2276] : memref<100000xi32, #tpu.memory_space<hbm>> -> memref<100000xi32, #tpu.memory_space<hbm>>
    tpu.enqueue_indirect_dma source(%dma_start3A_2277 : memref<100000xi32, #tpu.memory_space<hbm>>) target(%arg15 : memref<64xi32, #tpu.memory_space<vmem>>) offsets(%arg14 : memref<64xi32, #tpu.memory_space<vmem>>) semaphore(%arg16 : memref<!tpu.dma_semaphore, #tpu.memory_space<semaphore_mem>>)
    %dma_wait3A_2278 = arith.constant 1 : i32
    %dma_wait3A_2279 = arith.constant 0 : i32
    %dma_wait3A_2280 = arith.constant 0 : i32
    %dma_wait3A_2281 = tpu.memref_slice %arg7[%dma_wait3A_2278, %dma_wait3A_2279, %dma_wait3A_2280] : memref<6x128x128xf32, #tpu.memory_space<vmem>> -> memref<1x128x128xf32, #tpu.memory_space<vmem>>
    %dma_wait3A_2282 = tpu.memref_squeeze %dma_wait3A_2281 : memref<1x128x128xf32, #tpu.memory_space<vmem>> -> memref<128x128xf32, #tpu.memory_space<vmem>>
    %dma_wait3A_2283 = arith.constant 0 : i32
    %dma_wait3A_2284 = arith.constant 0 : i32
    %dma_wait3A_2285 = tpu.memref_slice %arg30[%dma_wait3A_2283, %dma_wait3A_2284] : memref<1152x128xf32, #tpu.memory_space<vmem_shared>> -> memref<1152x128xf32, #tpu.memory_space<vmem_shared>>
    tpu.wait_indirect_dma semaphore(%arg24 : memref<!tpu.dma_semaphore, #tpu.memory_space<semaphore_mem>>) src(%dma_wait3A_2282 : memref<128x128xf32, #tpu.memory_space<vmem>>) dst(%dma_wait3A_2285 : memref<1152x128xf32, #tpu.memory_space<vmem_shared>>)
    %mul3A_2286 = arith.constant 25 : i32
    %mul3A_2287 = arith.muli %add3A, %mul3A_2286 : i32
    %add3A_2288 = arith.constant 19 : i32
    %add3A_2289 = arith.addi %mul3A_2287, %add3A_2288 : i32
    %mul3A_2290 = arith.constant 128 : i32
    %mul3A_2291 = arith.muli %add3A_2289, %mul3A_2290 : i32
    %min3A_2292 = arith.constant 99872 : i32
    %min3A_2293 = arith.minsi %mul3A_2291, %min3A_2292 : i32
    %multiple_of3A_2294 = tpu.assume_multiple %min3A_2293, 8 : i32
    %dma_start3A_2295 = arith.constant 1 : i32
    %dma_start3A_2296 = arith.constant 0 : i32
    %dma_start3A_2297 = arith.constant 0 : i32
    %dma_start3A_2298 = tpu.memref_slice %arg7[%dma_start3A_2295, %dma_start3A_2296, %dma_start3A_2297] : memref<6x128x128xf32, #tpu.memory_space<vmem>> -> memref<1x128x128xf32, #tpu.memory_space<vmem>>
    %dma_start3A_2299 = tpu.memref_squeeze %dma_start3A_2298 : memref<1x128x128xf32, #tpu.memory_space<vmem>> -> memref<128x128xf32, #tpu.memory_space<vmem>>
    %dma_start3A_2300 = arith.constant 0 : i32
    %dma_start3A_2301 = tpu.memref_slice %arg2[%multiple_of3A_2294, %dma_start3A_2300] : memref<100000x128xf32, #tpu.memory_space<hbm>> -> memref<128x128xf32, #tpu.memory_space<hbm>>
    %dma_start3A_2302 = arith.constant 0 : i32
    %dma_start3A_2303 = arith.constant 0 : i32
    %dma_start3A_2304 = tpu.memref_slice %arg7[%dma_start3A_2295, %dma_start3A_2302, %dma_start3A_2303] : memref<6x128x128xf32, #tpu.memory_space<vmem>> -> memref<1x128x128xf32, #tpu.memory_space<vmem>>
    %dma_start3A_2305 = tpu.memref_squeeze %dma_start3A_2304 : memref<1x128x128xf32, #tpu.memory_space<vmem>> -> memref<128x128xf32, #tpu.memory_space<vmem>>
    %dma_start3A_2306 = arith.constant 0 : i32
    %dma_start3A_2307 = tpu.memref_slice %arg2[%multiple_of3A_2294, %dma_start3A_2306] : memref<100000x128xf32, #tpu.memory_space<hbm>> -> memref<128x128xf32, #tpu.memory_space<hbm>>
    tpu.enqueue_dma source(%dma_start3A_2307 : memref<128x128xf32, #tpu.memory_space<hbm>>) target(%dma_start3A_2305 : memref<128x128xf32, #tpu.memory_space<vmem>>) target_semaphore(%arg18 : memref<!tpu.dma_semaphore, #tpu.memory_space<semaphore_mem>>)
    %mul3A_2308 = arith.constant 128 : i32
    %mul3A_2309 = arith.muli %add3A_2289, %mul3A_2308 : i32
    %dma_start3A_2310 = tpu.memref_slice %arg4[%mul3A_2309] : memref<102400xi32, #tpu.memory_space<hbm>> -> memref<128xi32, #tpu.memory_space<hbm>>
    %dma_start3A_2311 = tpu.memref_slice %arg4[%mul3A_2309] : memref<102400xi32, #tpu.memory_space<hbm>> -> memref<128xi32, #tpu.memory_space<hbm>>
    tpu.enqueue_dma source(%dma_start3A_2311 : memref<128xi32, #tpu.memory_space<hbm>>) target(%arg9 : memref<128xi32, #tpu.memory_space<vmem>>) target_semaphore(%arg18 : memref<!tpu.dma_semaphore, #tpu.memory_space<semaphore_mem>>)
    %dma_wait3A_2312 = arith.constant 3 : i32
    %dma_wait3A_2313 = arith.constant 0 : i32
    %dma_wait3A_2314 = arith.constant 0 : i32
    %dma_wait3A_2315 = tpu.memref_slice %arg7[%dma_wait3A_2312, %dma_wait3A_2313, %dma_wait3A_2314] : memref<6x128x128xf32, #tpu.memory_space<vmem>> -> memref<1x128x128xf32, #tpu.memory_space<vmem>>
    %dma_wait3A_2316 = tpu.memref_squeeze %dma_wait3A_2315 : memref<1x128x128xf32, #tpu.memory_space<vmem>> -> memref<128x128xf32, #tpu.memory_space<vmem>>
    %dma_wait3A_2317 = arith.constant 0 : i32
    %dma_wait3A_2318 = tpu.memref_slice %arg2[%multiple_of3A_1730, %dma_wait3A_2317] : memref<100000x128xf32, #tpu.memory_space<hbm>> -> memref<128x128xf32, #tpu.memory_space<hbm>>
    %dma_wait3A_2319 = arith.constant 0 : i32
    %dma_wait3A_2320 = arith.constant 0 : i32
    %dma_wait3A_2321 = tpu.memref_slice %arg7[%dma_wait3A_2312, %dma_wait3A_2319, %dma_wait3A_2320] : memref<6x128x128xf32, #tpu.memory_space<vmem>> -> memref<1x128x128xf32, #tpu.memory_space<vmem>>
    %dma_wait3A_2322 = tpu.memref_squeeze %dma_wait3A_2321 : memref<1x128x128xf32, #tpu.memory_space<vmem>> -> memref<128x128xf32, #tpu.memory_space<vmem>>
    %dma_wait3A_2323 = arith.constant 0 : i32
    %dma_wait3A_2324 = tpu.memref_slice %arg2[%multiple_of3A_1730, %dma_wait3A_2323] : memref<100000x128xf32, #tpu.memory_space<hbm>> -> memref<128x128xf32, #tpu.memory_space<hbm>>
    tpu.wait_dma2 semaphore(%arg20 : memref<!tpu.dma_semaphore, #tpu.memory_space<semaphore_mem>>) src(%dma_wait3A_2324 : memref<128x128xf32, #tpu.memory_space<hbm>>) dst(%dma_wait3A_2322 : memref<128x128xf32, #tpu.memory_space<vmem>>)
    %dma_wait3A_2325 = tpu.memref_slice %arg4[%mul3A_1745] : memref<102400xi32, #tpu.memory_space<hbm>> -> memref<128xi32, #tpu.memory_space<hbm>>
    %dma_wait3A_2326 = tpu.memref_slice %arg4[%mul3A_1745] : memref<102400xi32, #tpu.memory_space<hbm>> -> memref<128xi32, #tpu.memory_space<hbm>>
    tpu.wait_dma2 semaphore(%arg20 : memref<!tpu.dma_semaphore, #tpu.memory_space<semaphore_mem>>) src(%dma_wait3A_2326 : memref<128xi32, #tpu.memory_space<hbm>>) dst(%arg11 : memref<128xi32, #tpu.memory_space<vmem>>)
    %dma_start3A_2327 = arith.constant 3 : i32
    %dma_start3A_2328 = arith.constant 0 : i32
    %dma_start3A_2329 = arith.constant 0 : i32
    %dma_start3A_2330 = tpu.memref_slice %arg7[%dma_start3A_2327, %dma_start3A_2328, %dma_start3A_2329] : memref<6x128x128xf32, #tpu.memory_space<vmem>> -> memref<1x128x128xf32, #tpu.memory_space<vmem>>
    %dma_start3A_2331 = tpu.memref_squeeze %dma_start3A_2330 : memref<1x128x128xf32, #tpu.memory_space<vmem>> -> memref<128x128xf32, #tpu.memory_space<vmem>>
    %dma_start3A_2332 = arith.constant 0 : i32
    %dma_start3A_2333 = arith.constant 0 : i32
    %dma_start3A_2334 = tpu.memref_slice %arg30[%dma_start3A_2332, %dma_start3A_2333] : memref<1152x128xf32, #tpu.memory_space<vmem_shared>> -> memref<1152x128xf32, #tpu.memory_space<vmem_shared>>
    tpu.enqueue_indirect_dma source(%dma_start3A_2331 : memref<128x128xf32, #tpu.memory_space<vmem>>) target(%dma_start3A_2334 : memref<1152x128xf32, #tpu.memory_space<vmem_shared>>) offsets(%arg11 : memref<128xi32, #tpu.memory_space<vmem>>) semaphore(%arg26 : memref<!tpu.dma_semaphore, #tpu.memory_space<semaphore_mem>>) {add = true}
    %dma_wait3A_2335 = arith.constant 0 : i32
    %dma_wait3A_2336 = tpu.memref_slice %arg3[%dma_wait3A_2335] : memref<100000xi32, #tpu.memory_space<hbm>> -> memref<100000xi32, #tpu.memory_space<hbm>>
    tpu.wait_indirect_dma semaphore(%arg16 : memref<!tpu.dma_semaphore, #tpu.memory_space<semaphore_mem>>) src(%dma_wait3A_2336 : memref<100000xi32, #tpu.memory_space<hbm>>) dst(%arg15 : memref<64xi32, #tpu.memory_space<vmem>>)
    %get3A_2337 = arith.constant 0 : index
    %get3A_2338 = tpu.vector_load %arg15[%get3A_2337] {strides = array<i32>} : memref<64xi32, #tpu.memory_space<vmem>>, vector<16xi32>,
    %get3A_2339 = vector.shape_cast %get3A_2338 : vector<16xi32> to vector<16xi32>
    %lt3A_2340 = arith.cmpi slt, %get3A_2339, %add3A_12 : vector<16xi32>
    %add3A_2341 = arith.constant 1 : i32
    %add3A_2342 = vector.broadcast %add3A_2341 : i32 to vector<16xi32>
    %add3A_2343 = arith.addi %shift_right_arithmetic3A_2235, %add3A_2342 : vector<16xi32>
    %select_n3A_2344 = arith.select %lt3A_2340, %add3A_2343, %select_n3A_2203 : vector<16xi1>, vector<16xi32>
    %select_n3A_2345 = arith.select %lt3A_2340, %select_n3A_2204, %shift_right_arithmetic3A_2235 : vector<16xi1>, vector<16xi32>
    %get3A_2346 = arith.constant 16 : index
    %get3A_2347 = tpu.vector_load %arg15[%get3A_2346] {strides = array<i32>} : memref<64xi32, #tpu.memory_space<vmem>>, vector<16xi32>,
    %get3A_2348 = vector.shape_cast %get3A_2347 : vector<16xi32> to vector<16xi32>
    %lt3A_2349 = arith.cmpi slt, %get3A_2348, %add3A_18 : vector<16xi32>
    %add3A_2350 = arith.constant 1 : i32
    %add3A_2351 = vector.broadcast %add3A_2350 : i32 to vector<16xi32>
    %add3A_2352 = arith.addi %shift_right_arithmetic3A_2239, %add3A_2351 : vector<16xi32>
    %select_n3A_2353 = arith.select %lt3A_2349, %add3A_2352, %select_n3A_2212 : vector<16xi1>, vector<16xi32>
    %select_n3A_2354 = arith.select %lt3A_2349, %select_n3A_2213, %shift_right_arithmetic3A_2239 : vector<16xi1>, vector<16xi32>
    %get3A_2355 = arith.constant 32 : index
    %get3A_2356 = tpu.vector_load %arg15[%get3A_2355] {strides = array<i32>} : memref<64xi32, #tpu.memory_space<vmem>>, vector<16xi32>,
    %get3A_2357 = vector.shape_cast %get3A_2356 : vector<16xi32> to vector<16xi32>
    %lt3A_2358 = arith.cmpi slt, %get3A_2357, %add3A_15 : vector<16xi32>
    %add3A_2359 = arith.constant 1 : i32
    %add3A_2360 = vector.broadcast %add3A_2359 : i32 to vector<16xi32>
    %add3A_2361 = arith.addi %shift_right_arithmetic3A_2243, %add3A_2360 : vector<16xi32>
    %select_n3A_2362 = arith.select %lt3A_2358, %add3A_2361, %select_n3A_2221 : vector<16xi1>, vector<16xi32>
    %select_n3A_2363 = arith.select %lt3A_2358, %select_n3A_2222, %shift_right_arithmetic3A_2243 : vector<16xi1>, vector<16xi32>
    %get3A_2364 = arith.constant 48 : index
    %get3A_2365 = tpu.vector_load %arg15[%get3A_2364] {strides = array<i32>} : memref<64xi32, #tpu.memory_space<vmem>>, vector<16xi32>,
    %get3A_2366 = vector.shape_cast %get3A_2365 : vector<16xi32> to vector<16xi32>
    %lt3A_2367 = arith.cmpi slt, %get3A_2366, %add3A_21 : vector<16xi32>
    %add3A_2368 = arith.constant 1 : i32
    %add3A_2369 = vector.broadcast %add3A_2368 : i32 to vector<16xi32>
    %add3A_2370 = arith.addi %shift_right_arithmetic3A_2247, %add3A_2369 : vector<16xi32>
    %select_n3A_2371 = arith.select %lt3A_2367, %add3A_2370, %select_n3A_2230 : vector<16xi1>, vector<16xi32>
    %select_n3A_2372 = arith.select %lt3A_2367, %select_n3A_2231, %shift_right_arithmetic3A_2247 : vector<16xi1>, vector<16xi32>
    %add3A_2373 = arith.addi %select_n3A_2344, %select_n3A_2345 : vector<16xi32>
    %shift_right_arithmetic3A_2374 = arith.constant 1 : i32
    %shift_right_arithmetic3A_2375 = vector.broadcast %shift_right_arithmetic3A_2374 : i32 to vector<16xi32>
    %shift_right_arithmetic3A_2376 = arith.shrsi %add3A_2373, %shift_right_arithmetic3A_2375 : vector<16xi32>
    %add3A_2377 = arith.addi %select_n3A_2353, %select_n3A_2354 : vector<16xi32>
    %shift_right_arithmetic3A_2378 = arith.constant 1 : i32
    %shift_right_arithmetic3A_2379 = vector.broadcast %shift_right_arithmetic3A_2378 : i32 to vector<16xi32>
    %shift_right_arithmetic3A_2380 = arith.shrsi %add3A_2377, %shift_right_arithmetic3A_2379 : vector<16xi32>
    %add3A_2381 = arith.addi %select_n3A_2362, %select_n3A_2363 : vector<16xi32>
    %shift_right_arithmetic3A_2382 = arith.constant 1 : i32
    %shift_right_arithmetic3A_2383 = vector.broadcast %shift_right_arithmetic3A_2382 : i32 to vector<16xi32>
    %shift_right_arithmetic3A_2384 = arith.shrsi %add3A_2381, %shift_right_arithmetic3A_2383 : vector<16xi32>
    %add3A_2385 = arith.addi %select_n3A_2371, %select_n3A_2372 : vector<16xi32>
    %shift_right_arithmetic3A_2386 = arith.constant 1 : i32
    %shift_right_arithmetic3A_2387 = vector.broadcast %shift_right_arithmetic3A_2386 : i32 to vector<16xi32>
    %shift_right_arithmetic3A_2388 = arith.shrsi %add3A_2385, %shift_right_arithmetic3A_2387 : vector<16xi32>
    %min3A_2389 = arith.constant 99999 : i32
    %min3A_2390 = vector.broadcast %min3A_2389 : i32 to vector<16xi32>
    %min3A_2391 = arith.minsi %shift_right_arithmetic3A_2376, %min3A_2390 : vector<16xi32>
    %swap3A_2392 = arith.constant 0 : index
    %swap3A_2393 = tpu.vector_load %arg14[%swap3A_2392] {strides = array<i32>} : memref<64xi32, #tpu.memory_space<vmem>>, vector<16xi32>,
    %swap3A_2394 = vector.shape_cast %swap3A_2393 : vector<16xi32> to vector<16xi32>
    %swap3A_2395 = vector.shape_cast %min3A_2391 : vector<16xi32> to vector<16xi32>
    tpu.vector_store %arg14[%swap3A_2392], %swap3A_2395 {strides = array<i32>} : memref<64xi32, #tpu.memory_space<vmem>>, vector<16xi32>,
    %min3A_2396 = arith.constant 99999 : i32
    %min3A_2397 = vector.broadcast %min3A_2396 : i32 to vector<16xi32>
    %min3A_2398 = arith.minsi %shift_right_arithmetic3A_2380, %min3A_2397 : vector<16xi32>
    %swap3A_2399 = arith.constant 16 : index
    %swap3A_2400 = tpu.vector_load %arg14[%swap3A_2399] {strides = array<i32>} : memref<64xi32, #tpu.memory_space<vmem>>, vector<16xi32>,
    %swap3A_2401 = vector.shape_cast %swap3A_2400 : vector<16xi32> to vector<16xi32>
    %swap3A_2402 = vector.shape_cast %min3A_2398 : vector<16xi32> to vector<16xi32>
    tpu.vector_store %arg14[%swap3A_2399], %swap3A_2402 {strides = array<i32>} : memref<64xi32, #tpu.memory_space<vmem>>, vector<16xi32>,
    %min3A_2403 = arith.constant 99999 : i32
    %min3A_2404 = vector.broadcast %min3A_2403 : i32 to vector<16xi32>
    %min3A_2405 = arith.minsi %shift_right_arithmetic3A_2384, %min3A_2404 : vector<16xi32>
    %swap3A_2406 = arith.constant 32 : index
    %swap3A_2407 = tpu.vector_load %arg14[%swap3A_2406] {strides = array<i32>} : memref<64xi32, #tpu.memory_space<vmem>>, vector<16xi32>,
    %swap3A_2408 = vector.shape_cast %swap3A_2407 : vector<16xi32> to vector<16xi32>
    %swap3A_2409 = vector.shape_cast %min3A_2405 : vector<16xi32> to vector<16xi32>
    tpu.vector_store %arg14[%swap3A_2406], %swap3A_2409 {strides = array<i32>} : memref<64xi32, #tpu.memory_space<vmem>>, vector<16xi32>,
    %min3A_2410 = arith.constant 99999 : i32
    %min3A_2411 = vector.broadcast %min3A_2410 : i32 to vector<16xi32>
    %min3A_2412 = arith.minsi %shift_right_arithmetic3A_2388, %min3A_2411 : vector<16xi32>
    %swap3A_2413 = arith.constant 48 : index
    %swap3A_2414 = tpu.vector_load %arg14[%swap3A_2413] {strides = array<i32>} : memref<64xi32, #tpu.memory_space<vmem>>, vector<16xi32>,
    %swap3A_2415 = vector.shape_cast %swap3A_2414 : vector<16xi32> to vector<16xi32>
    %swap3A_2416 = vector.shape_cast %min3A_2412 : vector<16xi32> to vector<16xi32>
    tpu.vector_store %arg14[%swap3A_2413], %swap3A_2416 {strides = array<i32>} : memref<64xi32, #tpu.memory_space<vmem>>, vector<16xi32>,
    %dma_start3A_2417 = arith.constant 0 : i32
    %dma_start3A_2418 = tpu.memref_slice %arg3[%dma_start3A_2417] : memref<100000xi32, #tpu.memory_space<hbm>> -> memref<100000xi32, #tpu.memory_space<hbm>>
    tpu.enqueue_indirect_dma source(%dma_start3A_2418 : memref<100000xi32, #tpu.memory_space<hbm>>) target(%arg15 : memref<64xi32, #tpu.memory_space<vmem>>) offsets(%arg14 : memref<64xi32, #tpu.memory_space<vmem>>) semaphore(%arg16 : memref<!tpu.dma_semaphore, #tpu.memory_space<semaphore_mem>>)
    %dma_wait3A_2419 = arith.constant 2 : i32
    %dma_wait3A_2420 = arith.constant 0 : i32
    %dma_wait3A_2421 = arith.constant 0 : i32
    %dma_wait3A_2422 = tpu.memref_slice %arg7[%dma_wait3A_2419, %dma_wait3A_2420, %dma_wait3A_2421] : memref<6x128x128xf32, #tpu.memory_space<vmem>> -> memref<1x128x128xf32, #tpu.memory_space<vmem>>
    %dma_wait3A_2423 = tpu.memref_squeeze %dma_wait3A_2422 : memref<1x128x128xf32, #tpu.memory_space<vmem>> -> memref<128x128xf32, #tpu.memory_space<vmem>>
    %dma_wait3A_2424 = arith.constant 0 : i32
    %dma_wait3A_2425 = arith.constant 0 : i32
    %dma_wait3A_2426 = tpu.memref_slice %arg30[%dma_wait3A_2424, %dma_wait3A_2425] : memref<1152x128xf32, #tpu.memory_space<vmem_shared>> -> memref<1152x128xf32, #tpu.memory_space<vmem_shared>>
    tpu.wait_indirect_dma semaphore(%arg25 : memref<!tpu.dma_semaphore, #tpu.memory_space<semaphore_mem>>) src(%dma_wait3A_2423 : memref<128x128xf32, #tpu.memory_space<vmem>>) dst(%dma_wait3A_2426 : memref<1152x128xf32, #tpu.memory_space<vmem_shared>>)
    %mul3A_2427 = arith.constant 25 : i32
    %mul3A_2428 = arith.muli %add3A, %mul3A_2427 : i32
    %add3A_2429 = arith.constant 20 : i32
    %add3A_2430 = arith.addi %mul3A_2428, %add3A_2429 : i32
    %mul3A_2431 = arith.constant 128 : i32
    %mul3A_2432 = arith.muli %add3A_2430, %mul3A_2431 : i32
    %min3A_2433 = arith.constant 99872 : i32
    %min3A_2434 = arith.minsi %mul3A_2432, %min3A_2433 : i32
    %multiple_of3A_2435 = tpu.assume_multiple %min3A_2434, 8 : i32
    %dma_start3A_2436 = arith.constant 2 : i32
    %dma_start3A_2437 = arith.constant 0 : i32
    %dma_start3A_2438 = arith.constant 0 : i32
    %dma_start3A_2439 = tpu.memref_slice %arg7[%dma_start3A_2436, %dma_start3A_2437, %dma_start3A_2438] : memref<6x128x128xf32, #tpu.memory_space<vmem>> -> memref<1x128x128xf32, #tpu.memory_space<vmem>>
    %dma_start3A_2440 = tpu.memref_squeeze %dma_start3A_2439 : memref<1x128x128xf32, #tpu.memory_space<vmem>> -> memref<128x128xf32, #tpu.memory_space<vmem>>
    %dma_start3A_2441 = arith.constant 0 : i32
    %dma_start3A_2442 = tpu.memref_slice %arg2[%multiple_of3A_2435, %dma_start3A_2441] : memref<100000x128xf32, #tpu.memory_space<hbm>> -> memref<128x128xf32, #tpu.memory_space<hbm>>
    %dma_start3A_2443 = arith.constant 0 : i32
    %dma_start3A_2444 = arith.constant 0 : i32
    %dma_start3A_2445 = tpu.memref_slice %arg7[%dma_start3A_2436, %dma_start3A_2443, %dma_start3A_2444] : memref<6x128x128xf32, #tpu.memory_space<vmem>> -> memref<1x128x128xf32, #tpu.memory_space<vmem>>
    %dma_start3A_2446 = tpu.memref_squeeze %dma_start3A_2445 : memref<1x128x128xf32, #tpu.memory_space<vmem>> -> memref<128x128xf32, #tpu.memory_space<vmem>>
    %dma_start3A_2447 = arith.constant 0 : i32
    %dma_start3A_2448 = tpu.memref_slice %arg2[%multiple_of3A_2435, %dma_start3A_2447] : memref<100000x128xf32, #tpu.memory_space<hbm>> -> memref<128x128xf32, #tpu.memory_space<hbm>>
    tpu.enqueue_dma source(%dma_start3A_2448 : memref<128x128xf32, #tpu.memory_space<hbm>>) target(%dma_start3A_2446 : memref<128x128xf32, #tpu.memory_space<vmem>>) target_semaphore(%arg19 : memref<!tpu.dma_semaphore, #tpu.memory_space<semaphore_mem>>)
    %mul3A_2449 = arith.constant 128 : i32
    %mul3A_2450 = arith.muli %add3A_2430, %mul3A_2449 : i32
    %dma_start3A_2451 = tpu.memref_slice %arg4[%mul3A_2450] : memref<102400xi32, #tpu.memory_space<hbm>> -> memref<128xi32, #tpu.memory_space<hbm>>
    %dma_start3A_2452 = tpu.memref_slice %arg4[%mul3A_2450] : memref<102400xi32, #tpu.memory_space<hbm>> -> memref<128xi32, #tpu.memory_space<hbm>>
    tpu.enqueue_dma source(%dma_start3A_2452 : memref<128xi32, #tpu.memory_space<hbm>>) target(%arg10 : memref<128xi32, #tpu.memory_space<vmem>>) target_semaphore(%arg19 : memref<!tpu.dma_semaphore, #tpu.memory_space<semaphore_mem>>)
    %dma_wait3A_2453 = arith.constant 4 : i32
    %dma_wait3A_2454 = arith.constant 0 : i32
    %dma_wait3A_2455 = arith.constant 0 : i32
    %dma_wait3A_2456 = tpu.memref_slice %arg7[%dma_wait3A_2453, %dma_wait3A_2454, %dma_wait3A_2455] : memref<6x128x128xf32, #tpu.memory_space<vmem>> -> memref<1x128x128xf32, #tpu.memory_space<vmem>>
    %dma_wait3A_2457 = tpu.memref_squeeze %dma_wait3A_2456 : memref<1x128x128xf32, #tpu.memory_space<vmem>> -> memref<128x128xf32, #tpu.memory_space<vmem>>
    %dma_wait3A_2458 = arith.constant 0 : i32
    %dma_wait3A_2459 = tpu.memref_slice %arg2[%multiple_of3A_1871, %dma_wait3A_2458] : memref<100000x128xf32, #tpu.memory_space<hbm>> -> memref<128x128xf32, #tpu.memory_space<hbm>>
    %dma_wait3A_2460 = arith.constant 0 : i32
    %dma_wait3A_2461 = arith.constant 0 : i32
    %dma_wait3A_2462 = tpu.memref_slice %arg7[%dma_wait3A_2453, %dma_wait3A_2460, %dma_wait3A_2461] : memref<6x128x128xf32, #tpu.memory_space<vmem>> -> memref<1x128x128xf32, #tpu.memory_space<vmem>>
    %dma_wait3A_2463 = tpu.memref_squeeze %dma_wait3A_2462 : memref<1x128x128xf32, #tpu.memory_space<vmem>> -> memref<128x128xf32, #tpu.memory_space<vmem>>
    %dma_wait3A_2464 = arith.constant 0 : i32
    %dma_wait3A_2465 = tpu.memref_slice %arg2[%multiple_of3A_1871, %dma_wait3A_2464] : memref<100000x128xf32, #tpu.memory_space<hbm>> -> memref<128x128xf32, #tpu.memory_space<hbm>>
    tpu.wait_dma2 semaphore(%arg21 : memref<!tpu.dma_semaphore, #tpu.memory_space<semaphore_mem>>) src(%dma_wait3A_2465 : memref<128x128xf32, #tpu.memory_space<hbm>>) dst(%dma_wait3A_2463 : memref<128x128xf32, #tpu.memory_space<vmem>>)
    %dma_wait3A_2466 = tpu.memref_slice %arg4[%mul3A_1886] : memref<102400xi32, #tpu.memory_space<hbm>> -> memref<128xi32, #tpu.memory_space<hbm>>
    %dma_wait3A_2467 = tpu.memref_slice %arg4[%mul3A_1886] : memref<102400xi32, #tpu.memory_space<hbm>> -> memref<128xi32, #tpu.memory_space<hbm>>
    tpu.wait_dma2 semaphore(%arg21 : memref<!tpu.dma_semaphore, #tpu.memory_space<semaphore_mem>>) src(%dma_wait3A_2467 : memref<128xi32, #tpu.memory_space<hbm>>) dst(%arg12 : memref<128xi32, #tpu.memory_space<vmem>>)
    %dma_start3A_2468 = arith.constant 4 : i32
    %dma_start3A_2469 = arith.constant 0 : i32
    %dma_start3A_2470 = arith.constant 0 : i32
    %dma_start3A_2471 = tpu.memref_slice %arg7[%dma_start3A_2468, %dma_start3A_2469, %dma_start3A_2470] : memref<6x128x128xf32, #tpu.memory_space<vmem>> -> memref<1x128x128xf32, #tpu.memory_space<vmem>>
    %dma_start3A_2472 = tpu.memref_squeeze %dma_start3A_2471 : memref<1x128x128xf32, #tpu.memory_space<vmem>> -> memref<128x128xf32, #tpu.memory_space<vmem>>
    %dma_start3A_2473 = arith.constant 0 : i32
    %dma_start3A_2474 = arith.constant 0 : i32
    %dma_start3A_2475 = tpu.memref_slice %arg30[%dma_start3A_2473, %dma_start3A_2474] : memref<1152x128xf32, #tpu.memory_space<vmem_shared>> -> memref<1152x128xf32, #tpu.memory_space<vmem_shared>>
    tpu.enqueue_indirect_dma source(%dma_start3A_2472 : memref<128x128xf32, #tpu.memory_space<vmem>>) target(%dma_start3A_2475 : memref<1152x128xf32, #tpu.memory_space<vmem_shared>>) offsets(%arg12 : memref<128xi32, #tpu.memory_space<vmem>>) semaphore(%arg27 : memref<!tpu.dma_semaphore, #tpu.memory_space<semaphore_mem>>) {add = true}
    %dma_wait3A_2476 = arith.constant 0 : i32
    %dma_wait3A_2477 = tpu.memref_slice %arg3[%dma_wait3A_2476] : memref<100000xi32, #tpu.memory_space<hbm>> -> memref<100000xi32, #tpu.memory_space<hbm>>
    tpu.wait_indirect_dma semaphore(%arg16 : memref<!tpu.dma_semaphore, #tpu.memory_space<semaphore_mem>>) src(%dma_wait3A_2477 : memref<100000xi32, #tpu.memory_space<hbm>>) dst(%arg15 : memref<64xi32, #tpu.memory_space<vmem>>)
    %get3A_2478 = arith.constant 0 : index
    %get3A_2479 = tpu.vector_load %arg15[%get3A_2478] {strides = array<i32>} : memref<64xi32, #tpu.memory_space<vmem>>, vector<16xi32>,
    %get3A_2480 = vector.shape_cast %get3A_2479 : vector<16xi32> to vector<16xi32>
    %lt3A_2481 = arith.cmpi slt, %get3A_2480, %add3A_12 : vector<16xi32>
    %add3A_2482 = arith.constant 1 : i32
    %add3A_2483 = vector.broadcast %add3A_2482 : i32 to vector<16xi32>
    %add3A_2484 = arith.addi %shift_right_arithmetic3A_2376, %add3A_2483 : vector<16xi32>
    %select_n3A_2485 = arith.select %lt3A_2481, %add3A_2484, %select_n3A_2344 : vector<16xi1>, vector<16xi32>
    %select_n3A_2486 = arith.select %lt3A_2481, %select_n3A_2345, %shift_right_arithmetic3A_2376 : vector<16xi1>, vector<16xi32>
    %get3A_2487 = arith.constant 16 : index
    %get3A_2488 = tpu.vector_load %arg15[%get3A_2487] {strides = array<i32>} : memref<64xi32, #tpu.memory_space<vmem>>, vector<16xi32>,
    %get3A_2489 = vector.shape_cast %get3A_2488 : vector<16xi32> to vector<16xi32>
    %lt3A_2490 = arith.cmpi slt, %get3A_2489, %add3A_18 : vector<16xi32>
    %add3A_2491 = arith.constant 1 : i32
    %add3A_2492 = vector.broadcast %add3A_2491 : i32 to vector<16xi32>
    %add3A_2493 = arith.addi %shift_right_arithmetic3A_2380, %add3A_2492 : vector<16xi32>
    %select_n3A_2494 = arith.select %lt3A_2490, %add3A_2493, %select_n3A_2353 : vector<16xi1>, vector<16xi32>
    %select_n3A_2495 = arith.select %lt3A_2490, %select_n3A_2354, %shift_right_arithmetic3A_2380 : vector<16xi1>, vector<16xi32>
    %get3A_2496 = arith.constant 32 : index
    %get3A_2497 = tpu.vector_load %arg15[%get3A_2496] {strides = array<i32>} : memref<64xi32, #tpu.memory_space<vmem>>, vector<16xi32>,
    %get3A_2498 = vector.shape_cast %get3A_2497 : vector<16xi32> to vector<16xi32>
    %lt3A_2499 = arith.cmpi slt, %get3A_2498, %add3A_15 : vector<16xi32>
    %add3A_2500 = arith.constant 1 : i32
    %add3A_2501 = vector.broadcast %add3A_2500 : i32 to vector<16xi32>
    %add3A_2502 = arith.addi %shift_right_arithmetic3A_2384, %add3A_2501 : vector<16xi32>
    %select_n3A_2503 = arith.select %lt3A_2499, %add3A_2502, %select_n3A_2362 : vector<16xi1>, vector<16xi32>
    %select_n3A_2504 = arith.select %lt3A_2499, %select_n3A_2363, %shift_right_arithmetic3A_2384 : vector<16xi1>, vector<16xi32>
    %get3A_2505 = arith.constant 48 : index
    %get3A_2506 = tpu.vector_load %arg15[%get3A_2505] {strides = array<i32>} : memref<64xi32, #tpu.memory_space<vmem>>, vector<16xi32>,
    %get3A_2507 = vector.shape_cast %get3A_2506 : vector<16xi32> to vector<16xi32>
    %lt3A_2508 = arith.cmpi slt, %get3A_2507, %add3A_21 : vector<16xi32>
    %add3A_2509 = arith.constant 1 : i32
    %add3A_2510 = vector.broadcast %add3A_2509 : i32 to vector<16xi32>
    %add3A_2511 = arith.addi %shift_right_arithmetic3A_2388, %add3A_2510 : vector<16xi32>
    %select_n3A_2512 = arith.select %lt3A_2508, %add3A_2511, %select_n3A_2371 : vector<16xi1>, vector<16xi32>
    %select_n3A_2513 = arith.select %lt3A_2508, %select_n3A_2372, %shift_right_arithmetic3A_2388 : vector<16xi1>, vector<16xi32>
    %dma_wait3A_2514 = arith.constant 3 : i32
    %dma_wait3A_2515 = arith.constant 0 : i32
    %dma_wait3A_2516 = arith.constant 0 : i32
    %dma_wait3A_2517 = tpu.memref_slice %arg7[%dma_wait3A_2514, %dma_wait3A_2515, %dma_wait3A_2516] : memref<6x128x128xf32, #tpu.memory_space<vmem>> -> memref<1x128x128xf32, #tpu.memory_space<vmem>>
    %dma_wait3A_2518 = tpu.memref_squeeze %dma_wait3A_2517 : memref<1x128x128xf32, #tpu.memory_space<vmem>> -> memref<128x128xf32, #tpu.memory_space<vmem>>
    %dma_wait3A_2519 = arith.constant 0 : i32
    %dma_wait3A_2520 = arith.constant 0 : i32
    %dma_wait3A_2521 = tpu.memref_slice %arg30[%dma_wait3A_2519, %dma_wait3A_2520] : memref<1152x128xf32, #tpu.memory_space<vmem_shared>> -> memref<1152x128xf32, #tpu.memory_space<vmem_shared>>
    tpu.wait_indirect_dma semaphore(%arg26 : memref<!tpu.dma_semaphore, #tpu.memory_space<semaphore_mem>>) src(%dma_wait3A_2518 : memref<128x128xf32, #tpu.memory_space<vmem>>) dst(%dma_wait3A_2521 : memref<1152x128xf32, #tpu.memory_space<vmem_shared>>)
    %mul3A_2522 = arith.constant 25 : i32
    %mul3A_2523 = arith.muli %add3A, %mul3A_2522 : i32
    %add3A_2524 = arith.constant 21 : i32
    %add3A_2525 = arith.addi %mul3A_2523, %add3A_2524 : i32
    %mul3A_2526 = arith.constant 128 : i32
    %mul3A_2527 = arith.muli %add3A_2525, %mul3A_2526 : i32
    %min3A_2528 = arith.constant 99872 : i32
    %min3A_2529 = arith.minsi %mul3A_2527, %min3A_2528 : i32
    %multiple_of3A_2530 = tpu.assume_multiple %min3A_2529, 8 : i32
    %dma_start3A_2531 = arith.constant 3 : i32
    %dma_start3A_2532 = arith.constant 0 : i32
    %dma_start3A_2533 = arith.constant 0 : i32
    %dma_start3A_2534 = tpu.memref_slice %arg7[%dma_start3A_2531, %dma_start3A_2532, %dma_start3A_2533] : memref<6x128x128xf32, #tpu.memory_space<vmem>> -> memref<1x128x128xf32, #tpu.memory_space<vmem>>
    %dma_start3A_2535 = tpu.memref_squeeze %dma_start3A_2534 : memref<1x128x128xf32, #tpu.memory_space<vmem>> -> memref<128x128xf32, #tpu.memory_space<vmem>>
    %dma_start3A_2536 = arith.constant 0 : i32
    %dma_start3A_2537 = tpu.memref_slice %arg2[%multiple_of3A_2530, %dma_start3A_2536] : memref<100000x128xf32, #tpu.memory_space<hbm>> -> memref<128x128xf32, #tpu.memory_space<hbm>>
    %dma_start3A_2538 = arith.constant 0 : i32
    %dma_start3A_2539 = arith.constant 0 : i32
    %dma_start3A_2540 = tpu.memref_slice %arg7[%dma_start3A_2531, %dma_start3A_2538, %dma_start3A_2539] : memref<6x128x128xf32, #tpu.memory_space<vmem>> -> memref<1x128x128xf32, #tpu.memory_space<vmem>>
    %dma_start3A_2541 = tpu.memref_squeeze %dma_start3A_2540 : memref<1x128x128xf32, #tpu.memory_space<vmem>> -> memref<128x128xf32, #tpu.memory_space<vmem>>
    %dma_start3A_2542 = arith.constant 0 : i32
    %dma_start3A_2543 = tpu.memref_slice %arg2[%multiple_of3A_2530, %dma_start3A_2542] : memref<100000x128xf32, #tpu.memory_space<hbm>> -> memref<128x128xf32, #tpu.memory_space<hbm>>
    tpu.enqueue_dma source(%dma_start3A_2543 : memref<128x128xf32, #tpu.memory_space<hbm>>) target(%dma_start3A_2541 : memref<128x128xf32, #tpu.memory_space<vmem>>) target_semaphore(%arg20 : memref<!tpu.dma_semaphore, #tpu.memory_space<semaphore_mem>>)
    %mul3A_2544 = arith.constant 128 : i32
    %mul3A_2545 = arith.muli %add3A_2525, %mul3A_2544 : i32
    %dma_start3A_2546 = tpu.memref_slice %arg4[%mul3A_2545] : memref<102400xi32, #tpu.memory_space<hbm>> -> memref<128xi32, #tpu.memory_space<hbm>>
    %dma_start3A_2547 = tpu.memref_slice %arg4[%mul3A_2545] : memref<102400xi32, #tpu.memory_space<hbm>> -> memref<128xi32, #tpu.memory_space<hbm>>
    tpu.enqueue_dma source(%dma_start3A_2547 : memref<128xi32, #tpu.memory_space<hbm>>) target(%arg11 : memref<128xi32, #tpu.memory_space<vmem>>) target_semaphore(%arg20 : memref<!tpu.dma_semaphore, #tpu.memory_space<semaphore_mem>>)
    %dma_wait3A_2548 = arith.constant 5 : i32
    %dma_wait3A_2549 = arith.constant 0 : i32
    %dma_wait3A_2550 = arith.constant 0 : i32
    %dma_wait3A_2551 = tpu.memref_slice %arg7[%dma_wait3A_2548, %dma_wait3A_2549, %dma_wait3A_2550] : memref<6x128x128xf32, #tpu.memory_space<vmem>> -> memref<1x128x128xf32, #tpu.memory_space<vmem>>
    %dma_wait3A_2552 = tpu.memref_squeeze %dma_wait3A_2551 : memref<1x128x128xf32, #tpu.memory_space<vmem>> -> memref<128x128xf32, #tpu.memory_space<vmem>>
    %dma_wait3A_2553 = arith.constant 0 : i32
    %dma_wait3A_2554 = tpu.memref_slice %arg2[%multiple_of3A_2012, %dma_wait3A_2553] : memref<100000x128xf32, #tpu.memory_space<hbm>> -> memref<128x128xf32, #tpu.memory_space<hbm>>
    %dma_wait3A_2555 = arith.constant 0 : i32
    %dma_wait3A_2556 = arith.constant 0 : i32
    %dma_wait3A_2557 = tpu.memref_slice %arg7[%dma_wait3A_2548, %dma_wait3A_2555, %dma_wait3A_2556] : memref<6x128x128xf32, #tpu.memory_space<vmem>> -> memref<1x128x128xf32, #tpu.memory_space<vmem>>
    %dma_wait3A_2558 = tpu.memref_squeeze %dma_wait3A_2557 : memref<1x128x128xf32, #tpu.memory_space<vmem>> -> memref<128x128xf32, #tpu.memory_space<vmem>>
    %dma_wait3A_2559 = arith.constant 0 : i32
    %dma_wait3A_2560 = tpu.memref_slice %arg2[%multiple_of3A_2012, %dma_wait3A_2559] : memref<100000x128xf32, #tpu.memory_space<hbm>> -> memref<128x128xf32, #tpu.memory_space<hbm>>
    tpu.wait_dma2 semaphore(%arg22 : memref<!tpu.dma_semaphore, #tpu.memory_space<semaphore_mem>>) src(%dma_wait3A_2560 : memref<128x128xf32, #tpu.memory_space<hbm>>) dst(%dma_wait3A_2558 : memref<128x128xf32, #tpu.memory_space<vmem>>)
    %dma_wait3A_2561 = tpu.memref_slice %arg4[%mul3A_2027] : memref<102400xi32, #tpu.memory_space<hbm>> -> memref<128xi32, #tpu.memory_space<hbm>>
    %dma_wait3A_2562 = tpu.memref_slice %arg4[%mul3A_2027] : memref<102400xi32, #tpu.memory_space<hbm>> -> memref<128xi32, #tpu.memory_space<hbm>>
    tpu.wait_dma2 semaphore(%arg22 : memref<!tpu.dma_semaphore, #tpu.memory_space<semaphore_mem>>) src(%dma_wait3A_2562 : memref<128xi32, #tpu.memory_space<hbm>>) dst(%arg13 : memref<128xi32, #tpu.memory_space<vmem>>)
    %dma_start3A_2563 = arith.constant 5 : i32
    %dma_start3A_2564 = arith.constant 0 : i32
    %dma_start3A_2565 = arith.constant 0 : i32
    %dma_start3A_2566 = tpu.memref_slice %arg7[%dma_start3A_2563, %dma_start3A_2564, %dma_start3A_2565] : memref<6x128x128xf32, #tpu.memory_space<vmem>> -> memref<1x128x128xf32, #tpu.memory_space<vmem>>
    %dma_start3A_2567 = tpu.memref_squeeze %dma_start3A_2566 : memref<1x128x128xf32, #tpu.memory_space<vmem>> -> memref<128x128xf32, #tpu.memory_space<vmem>>
    %dma_start3A_2568 = arith.constant 0 : i32
    %dma_start3A_2569 = arith.constant 0 : i32
    %dma_start3A_2570 = tpu.memref_slice %arg30[%dma_start3A_2568, %dma_start3A_2569] : memref<1152x128xf32, #tpu.memory_space<vmem_shared>> -> memref<1152x128xf32, #tpu.memory_space<vmem_shared>>
    tpu.enqueue_indirect_dma source(%dma_start3A_2567 : memref<128x128xf32, #tpu.memory_space<vmem>>) target(%dma_start3A_2570 : memref<1152x128xf32, #tpu.memory_space<vmem_shared>>) offsets(%arg13 : memref<128xi32, #tpu.memory_space<vmem>>) semaphore(%arg28 : memref<!tpu.dma_semaphore, #tpu.memory_space<semaphore_mem>>) {add = true}
    %dma_wait3A_2571 = arith.constant 4 : i32
    %dma_wait3A_2572 = arith.constant 0 : i32
    %dma_wait3A_2573 = arith.constant 0 : i32
    %dma_wait3A_2574 = tpu.memref_slice %arg7[%dma_wait3A_2571, %dma_wait3A_2572, %dma_wait3A_2573] : memref<6x128x128xf32, #tpu.memory_space<vmem>> -> memref<1x128x128xf32, #tpu.memory_space<vmem>>
    %dma_wait3A_2575 = tpu.memref_squeeze %dma_wait3A_2574 : memref<1x128x128xf32, #tpu.memory_space<vmem>> -> memref<128x128xf32, #tpu.memory_space<vmem>>
    %dma_wait3A_2576 = arith.constant 0 : i32
    %dma_wait3A_2577 = arith.constant 0 : i32
    %dma_wait3A_2578 = tpu.memref_slice %arg30[%dma_wait3A_2576, %dma_wait3A_2577] : memref<1152x128xf32, #tpu.memory_space<vmem_shared>> -> memref<1152x128xf32, #tpu.memory_space<vmem_shared>>
    tpu.wait_indirect_dma semaphore(%arg27 : memref<!tpu.dma_semaphore, #tpu.memory_space<semaphore_mem>>) src(%dma_wait3A_2575 : memref<128x128xf32, #tpu.memory_space<vmem>>) dst(%dma_wait3A_2578 : memref<1152x128xf32, #tpu.memory_space<vmem_shared>>)
    %mul3A_2579 = arith.constant 25 : i32
    %mul3A_2580 = arith.muli %add3A, %mul3A_2579 : i32
    %add3A_2581 = arith.constant 22 : i32
    %add3A_2582 = arith.addi %mul3A_2580, %add3A_2581 : i32
    %mul3A_2583 = arith.constant 128 : i32
    %mul3A_2584 = arith.muli %add3A_2582, %mul3A_2583 : i32
    %min3A_2585 = arith.constant 99872 : i32
    %min3A_2586 = arith.minsi %mul3A_2584, %min3A_2585 : i32
    %multiple_of3A_2587 = tpu.assume_multiple %min3A_2586, 8 : i32
    %dma_start3A_2588 = arith.constant 4 : i32
    %dma_start3A_2589 = arith.constant 0 : i32
    %dma_start3A_2590 = arith.constant 0 : i32
    %dma_start3A_2591 = tpu.memref_slice %arg7[%dma_start3A_2588, %dma_start3A_2589, %dma_start3A_2590] : memref<6x128x128xf32, #tpu.memory_space<vmem>> -> memref<1x128x128xf32, #tpu.memory_space<vmem>>
    %dma_start3A_2592 = tpu.memref_squeeze %dma_start3A_2591 : memref<1x128x128xf32, #tpu.memory_space<vmem>> -> memref<128x128xf32, #tpu.memory_space<vmem>>
    %dma_start3A_2593 = arith.constant 0 : i32
    %dma_start3A_2594 = tpu.memref_slice %arg2[%multiple_of3A_2587, %dma_start3A_2593] : memref<100000x128xf32, #tpu.memory_space<hbm>> -> memref<128x128xf32, #tpu.memory_space<hbm>>
    %dma_start3A_2595 = arith.constant 0 : i32
    %dma_start3A_2596 = arith.constant 0 : i32
    %dma_start3A_2597 = tpu.memref_slice %arg7[%dma_start3A_2588, %dma_start3A_2595, %dma_start3A_2596] : memref<6x128x128xf32, #tpu.memory_space<vmem>> -> memref<1x128x128xf32, #tpu.memory_space<vmem>>
    %dma_start3A_2598 = tpu.memref_squeeze %dma_start3A_2597 : memref<1x128x128xf32, #tpu.memory_space<vmem>> -> memref<128x128xf32, #tpu.memory_space<vmem>>
    %dma_start3A_2599 = arith.constant 0 : i32
    %dma_start3A_2600 = tpu.memref_slice %arg2[%multiple_of3A_2587, %dma_start3A_2599] : memref<100000x128xf32, #tpu.memory_space<hbm>> -> memref<128x128xf32, #tpu.memory_space<hbm>>
    tpu.enqueue_dma source(%dma_start3A_2600 : memref<128x128xf32, #tpu.memory_space<hbm>>) target(%dma_start3A_2598 : memref<128x128xf32, #tpu.memory_space<vmem>>) target_semaphore(%arg21 : memref<!tpu.dma_semaphore, #tpu.memory_space<semaphore_mem>>)
    %mul3A_2601 = arith.constant 128 : i32
    %mul3A_2602 = arith.muli %add3A_2582, %mul3A_2601 : i32
    %dma_start3A_2603 = tpu.memref_slice %arg4[%mul3A_2602] : memref<102400xi32, #tpu.memory_space<hbm>> -> memref<128xi32, #tpu.memory_space<hbm>>
    %dma_start3A_2604 = tpu.memref_slice %arg4[%mul3A_2602] : memref<102400xi32, #tpu.memory_space<hbm>> -> memref<128xi32, #tpu.memory_space<hbm>>
    tpu.enqueue_dma source(%dma_start3A_2604 : memref<128xi32, #tpu.memory_space<hbm>>) target(%arg12 : memref<128xi32, #tpu.memory_space<vmem>>) target_semaphore(%arg21 : memref<!tpu.dma_semaphore, #tpu.memory_space<semaphore_mem>>)
    %dma_wait3A_2605 = arith.constant 0 : i32
    %dma_wait3A_2606 = arith.constant 0 : i32
    %dma_wait3A_2607 = arith.constant 0 : i32
    %dma_wait3A_2608 = tpu.memref_slice %arg7[%dma_wait3A_2605, %dma_wait3A_2606, %dma_wait3A_2607] : memref<6x128x128xf32, #tpu.memory_space<vmem>> -> memref<1x128x128xf32, #tpu.memory_space<vmem>>
    %dma_wait3A_2609 = tpu.memref_squeeze %dma_wait3A_2608 : memref<1x128x128xf32, #tpu.memory_space<vmem>> -> memref<128x128xf32, #tpu.memory_space<vmem>>
    %dma_wait3A_2610 = arith.constant 0 : i32
    %dma_wait3A_2611 = tpu.memref_slice %arg2[%multiple_of3A_2153, %dma_wait3A_2610] : memref<100000x128xf32, #tpu.memory_space<hbm>> -> memref<128x128xf32, #tpu.memory_space<hbm>>
    %dma_wait3A_2612 = arith.constant 0 : i32
    %dma_wait3A_2613 = arith.constant 0 : i32
    %dma_wait3A_2614 = tpu.memref_slice %arg7[%dma_wait3A_2605, %dma_wait3A_2612, %dma_wait3A_2613] : memref<6x128x128xf32, #tpu.memory_space<vmem>> -> memref<1x128x128xf32, #tpu.memory_space<vmem>>
    %dma_wait3A_2615 = tpu.memref_squeeze %dma_wait3A_2614 : memref<1x128x128xf32, #tpu.memory_space<vmem>> -> memref<128x128xf32, #tpu.memory_space<vmem>>
    %dma_wait3A_2616 = arith.constant 0 : i32
    %dma_wait3A_2617 = tpu.memref_slice %arg2[%multiple_of3A_2153, %dma_wait3A_2616] : memref<100000x128xf32, #tpu.memory_space<hbm>> -> memref<128x128xf32, #tpu.memory_space<hbm>>
    tpu.wait_dma2 semaphore(%arg17 : memref<!tpu.dma_semaphore, #tpu.memory_space<semaphore_mem>>) src(%dma_wait3A_2617 : memref<128x128xf32, #tpu.memory_space<hbm>>) dst(%dma_wait3A_2615 : memref<128x128xf32, #tpu.memory_space<vmem>>)
    %dma_wait3A_2618 = tpu.memref_slice %arg4[%mul3A_2168] : memref<102400xi32, #tpu.memory_space<hbm>> -> memref<128xi32, #tpu.memory_space<hbm>>
    %dma_wait3A_2619 = tpu.memref_slice %arg4[%mul3A_2168] : memref<102400xi32, #tpu.memory_space<hbm>> -> memref<128xi32, #tpu.memory_space<hbm>>
    tpu.wait_dma2 semaphore(%arg17 : memref<!tpu.dma_semaphore, #tpu.memory_space<semaphore_mem>>) src(%dma_wait3A_2619 : memref<128xi32, #tpu.memory_space<hbm>>) dst(%arg8 : memref<128xi32, #tpu.memory_space<vmem>>)
    %dma_start3A_2620 = arith.constant 0 : i32
    %dma_start3A_2621 = arith.constant 0 : i32
    %dma_start3A_2622 = arith.constant 0 : i32
    %dma_start3A_2623 = tpu.memref_slice %arg7[%dma_start3A_2620, %dma_start3A_2621, %dma_start3A_2622] : memref<6x128x128xf32, #tpu.memory_space<vmem>> -> memref<1x128x128xf32, #tpu.memory_space<vmem>>
    %dma_start3A_2624 = tpu.memref_squeeze %dma_start3A_2623 : memref<1x128x128xf32, #tpu.memory_space<vmem>> -> memref<128x128xf32, #tpu.memory_space<vmem>>
    %dma_start3A_2625 = arith.constant 0 : i32
    %dma_start3A_2626 = arith.constant 0 : i32
    %dma_start3A_2627 = tpu.memref_slice %arg30[%dma_start3A_2625, %dma_start3A_2626] : memref<1152x128xf32, #tpu.memory_space<vmem_shared>> -> memref<1152x128xf32, #tpu.memory_space<vmem_shared>>
    tpu.enqueue_indirect_dma source(%dma_start3A_2624 : memref<128x128xf32, #tpu.memory_space<vmem>>) target(%dma_start3A_2627 : memref<1152x128xf32, #tpu.memory_space<vmem_shared>>) offsets(%arg8 : memref<128xi32, #tpu.memory_space<vmem>>) semaphore(%arg23 : memref<!tpu.dma_semaphore, #tpu.memory_space<semaphore_mem>>) {add = true}
    %dma_wait3A_2628 = arith.constant 5 : i32
    %dma_wait3A_2629 = arith.constant 0 : i32
    %dma_wait3A_2630 = arith.constant 0 : i32
    %dma_wait3A_2631 = tpu.memref_slice %arg7[%dma_wait3A_2628, %dma_wait3A_2629, %dma_wait3A_2630] : memref<6x128x128xf32, #tpu.memory_space<vmem>> -> memref<1x128x128xf32, #tpu.memory_space<vmem>>
    %dma_wait3A_2632 = tpu.memref_squeeze %dma_wait3A_2631 : memref<1x128x128xf32, #tpu.memory_space<vmem>> -> memref<128x128xf32, #tpu.memory_space<vmem>>
    %dma_wait3A_2633 = arith.constant 0 : i32
    %dma_wait3A_2634 = arith.constant 0 : i32
    %dma_wait3A_2635 = tpu.memref_slice %arg30[%dma_wait3A_2633, %dma_wait3A_2634] : memref<1152x128xf32, #tpu.memory_space<vmem_shared>> -> memref<1152x128xf32, #tpu.memory_space<vmem_shared>>
    tpu.wait_indirect_dma semaphore(%arg28 : memref<!tpu.dma_semaphore, #tpu.memory_space<semaphore_mem>>) src(%dma_wait3A_2632 : memref<128x128xf32, #tpu.memory_space<vmem>>) dst(%dma_wait3A_2635 : memref<1152x128xf32, #tpu.memory_space<vmem_shared>>)
    %mul3A_2636 = arith.constant 25 : i32
    %mul3A_2637 = arith.muli %add3A, %mul3A_2636 : i32
    %add3A_2638 = arith.constant 23 : i32
    %add3A_2639 = arith.addi %mul3A_2637, %add3A_2638 : i32
    %mul3A_2640 = arith.constant 128 : i32
    %mul3A_2641 = arith.muli %add3A_2639, %mul3A_2640 : i32
    %min3A_2642 = arith.constant 99872 : i32
    %min3A_2643 = arith.minsi %mul3A_2641, %min3A_2642 : i32
    %multiple_of3A_2644 = tpu.assume_multiple %min3A_2643, 8 : i32
    %dma_start3A_2645 = arith.constant 5 : i32
    %dma_start3A_2646 = arith.constant 0 : i32
    %dma_start3A_2647 = arith.constant 0 : i32
    %dma_start3A_2648 = tpu.memref_slice %arg7[%dma_start3A_2645, %dma_start3A_2646, %dma_start3A_2647] : memref<6x128x128xf32, #tpu.memory_space<vmem>> -> memref<1x128x128xf32, #tpu.memory_space<vmem>>
    %dma_start3A_2649 = tpu.memref_squeeze %dma_start3A_2648 : memref<1x128x128xf32, #tpu.memory_space<vmem>> -> memref<128x128xf32, #tpu.memory_space<vmem>>
    %dma_start3A_2650 = arith.constant 0 : i32
    %dma_start3A_2651 = tpu.memref_slice %arg2[%multiple_of3A_2644, %dma_start3A_2650] : memref<100000x128xf32, #tpu.memory_space<hbm>> -> memref<128x128xf32, #tpu.memory_space<hbm>>
    %dma_start3A_2652 = arith.constant 0 : i32
    %dma_start3A_2653 = arith.constant 0 : i32
    %dma_start3A_2654 = tpu.memref_slice %arg7[%dma_start3A_2645, %dma_start3A_2652, %dma_start3A_2653] : memref<6x128x128xf32, #tpu.memory_space<vmem>> -> memref<1x128x128xf32, #tpu.memory_space<vmem>>
    %dma_start3A_2655 = tpu.memref_squeeze %dma_start3A_2654 : memref<1x128x128xf32, #tpu.memory_space<vmem>> -> memref<128x128xf32, #tpu.memory_space<vmem>>
    %dma_start3A_2656 = arith.constant 0 : i32
    %dma_start3A_2657 = tpu.memref_slice %arg2[%multiple_of3A_2644, %dma_start3A_2656] : memref<100000x128xf32, #tpu.memory_space<hbm>> -> memref<128x128xf32, #tpu.memory_space<hbm>>
    tpu.enqueue_dma source(%dma_start3A_2657 : memref<128x128xf32, #tpu.memory_space<hbm>>) target(%dma_start3A_2655 : memref<128x128xf32, #tpu.memory_space<vmem>>) target_semaphore(%arg22 : memref<!tpu.dma_semaphore, #tpu.memory_space<semaphore_mem>>)
    %mul3A_2658 = arith.constant 128 : i32
    %mul3A_2659 = arith.muli %add3A_2639, %mul3A_2658 : i32
    %dma_start3A_2660 = tpu.memref_slice %arg4[%mul3A_2659] : memref<102400xi32, #tpu.memory_space<hbm>> -> memref<128xi32, #tpu.memory_space<hbm>>
    %dma_start3A_2661 = tpu.memref_slice %arg4[%mul3A_2659] : memref<102400xi32, #tpu.memory_space<hbm>> -> memref<128xi32, #tpu.memory_space<hbm>>
    tpu.enqueue_dma source(%dma_start3A_2661 : memref<128xi32, #tpu.memory_space<hbm>>) target(%arg13 : memref<128xi32, #tpu.memory_space<vmem>>) target_semaphore(%arg22 : memref<!tpu.dma_semaphore, #tpu.memory_space<semaphore_mem>>)
    %dma_wait3A_2662 = arith.constant 1 : i32
    %dma_wait3A_2663 = arith.constant 0 : i32
    %dma_wait3A_2664 = arith.constant 0 : i32
    %dma_wait3A_2665 = tpu.memref_slice %arg7[%dma_wait3A_2662, %dma_wait3A_2663, %dma_wait3A_2664] : memref<6x128x128xf32, #tpu.memory_space<vmem>> -> memref<1x128x128xf32, #tpu.memory_space<vmem>>
    %dma_wait3A_2666 = tpu.memref_squeeze %dma_wait3A_2665 : memref<1x128x128xf32, #tpu.memory_space<vmem>> -> memref<128x128xf32, #tpu.memory_space<vmem>>
    %dma_wait3A_2667 = arith.constant 0 : i32
    %dma_wait3A_2668 = tpu.memref_slice %arg2[%multiple_of3A_2294, %dma_wait3A_2667] : memref<100000x128xf32, #tpu.memory_space<hbm>> -> memref<128x128xf32, #tpu.memory_space<hbm>>
    %dma_wait3A_2669 = arith.constant 0 : i32
    %dma_wait3A_2670 = arith.constant 0 : i32
    %dma_wait3A_2671 = tpu.memref_slice %arg7[%dma_wait3A_2662, %dma_wait3A_2669, %dma_wait3A_2670] : memref<6x128x128xf32, #tpu.memory_space<vmem>> -> memref<1x128x128xf32, #tpu.memory_space<vmem>>
    %dma_wait3A_2672 = tpu.memref_squeeze %dma_wait3A_2671 : memref<1x128x128xf32, #tpu.memory_space<vmem>> -> memref<128x128xf32, #tpu.memory_space<vmem>>
    %dma_wait3A_2673 = arith.constant 0 : i32
    %dma_wait3A_2674 = tpu.memref_slice %arg2[%multiple_of3A_2294, %dma_wait3A_2673] : memref<100000x128xf32, #tpu.memory_space<hbm>> -> memref<128x128xf32, #tpu.memory_space<hbm>>
    tpu.wait_dma2 semaphore(%arg18 : memref<!tpu.dma_semaphore, #tpu.memory_space<semaphore_mem>>) src(%dma_wait3A_2674 : memref<128x128xf32, #tpu.memory_space<hbm>>) dst(%dma_wait3A_2672 : memref<128x128xf32, #tpu.memory_space<vmem>>)
    %dma_wait3A_2675 = tpu.memref_slice %arg4[%mul3A_2309] : memref<102400xi32, #tpu.memory_space<hbm>> -> memref<128xi32, #tpu.memory_space<hbm>>
    %dma_wait3A_2676 = tpu.memref_slice %arg4[%mul3A_2309] : memref<102400xi32, #tpu.memory_space<hbm>> -> memref<128xi32, #tpu.memory_space<hbm>>
    tpu.wait_dma2 semaphore(%arg18 : memref<!tpu.dma_semaphore, #tpu.memory_space<semaphore_mem>>) src(%dma_wait3A_2676 : memref<128xi32, #tpu.memory_space<hbm>>) dst(%arg9 : memref<128xi32, #tpu.memory_space<vmem>>)
    %dma_start3A_2677 = arith.constant 1 : i32
    %dma_start3A_2678 = arith.constant 0 : i32
    %dma_start3A_2679 = arith.constant 0 : i32
    %dma_start3A_2680 = tpu.memref_slice %arg7[%dma_start3A_2677, %dma_start3A_2678, %dma_start3A_2679] : memref<6x128x128xf32, #tpu.memory_space<vmem>> -> memref<1x128x128xf32, #tpu.memory_space<vmem>>
    %dma_start3A_2681 = tpu.memref_squeeze %dma_start3A_2680 : memref<1x128x128xf32, #tpu.memory_space<vmem>> -> memref<128x128xf32, #tpu.memory_space<vmem>>
    %dma_start3A_2682 = arith.constant 0 : i32
    %dma_start3A_2683 = arith.constant 0 : i32
    %dma_start3A_2684 = tpu.memref_slice %arg30[%dma_start3A_2682, %dma_start3A_2683] : memref<1152x128xf32, #tpu.memory_space<vmem_shared>> -> memref<1152x128xf32, #tpu.memory_space<vmem_shared>>
    tpu.enqueue_indirect_dma source(%dma_start3A_2681 : memref<128x128xf32, #tpu.memory_space<vmem>>) target(%dma_start3A_2684 : memref<1152x128xf32, #tpu.memory_space<vmem_shared>>) offsets(%arg9 : memref<128xi32, #tpu.memory_space<vmem>>) semaphore(%arg24 : memref<!tpu.dma_semaphore, #tpu.memory_space<semaphore_mem>>) {add = true}
    %dma_wait3A_2685 = arith.constant 0 : i32
    %dma_wait3A_2686 = arith.constant 0 : i32
    %dma_wait3A_2687 = arith.constant 0 : i32
    %dma_wait3A_2688 = tpu.memref_slice %arg7[%dma_wait3A_2685, %dma_wait3A_2686, %dma_wait3A_2687] : memref<6x128x128xf32, #tpu.memory_space<vmem>> -> memref<1x128x128xf32, #tpu.memory_space<vmem>>
    %dma_wait3A_2689 = tpu.memref_squeeze %dma_wait3A_2688 : memref<1x128x128xf32, #tpu.memory_space<vmem>> -> memref<128x128xf32, #tpu.memory_space<vmem>>
    %dma_wait3A_2690 = arith.constant 0 : i32
    %dma_wait3A_2691 = arith.constant 0 : i32
    %dma_wait3A_2692 = tpu.memref_slice %arg30[%dma_wait3A_2690, %dma_wait3A_2691] : memref<1152x128xf32, #tpu.memory_space<vmem_shared>> -> memref<1152x128xf32, #tpu.memory_space<vmem_shared>>
    tpu.wait_indirect_dma semaphore(%arg23 : memref<!tpu.dma_semaphore, #tpu.memory_space<semaphore_mem>>) src(%dma_wait3A_2689 : memref<128x128xf32, #tpu.memory_space<vmem>>) dst(%dma_wait3A_2692 : memref<1152x128xf32, #tpu.memory_space<vmem_shared>>)
    %mul3A_2693 = arith.constant 25 : i32
    %mul3A_2694 = arith.muli %add3A, %mul3A_2693 : i32
    %add3A_2695 = arith.constant 24 : i32
    %add3A_2696 = arith.addi %mul3A_2694, %add3A_2695 : i32
    %mul3A_2697 = arith.constant 128 : i32
    %mul3A_2698 = arith.muli %add3A_2696, %mul3A_2697 : i32
    %min3A_2699 = arith.constant 99872 : i32
    %min3A_2700 = arith.minsi %mul3A_2698, %min3A_2699 : i32
    %multiple_of3A_2701 = tpu.assume_multiple %min3A_2700, 8 : i32
    %dma_start3A_2702 = arith.constant 0 : i32
    %dma_start3A_2703 = arith.constant 0 : i32
    %dma_start3A_2704 = arith.constant 0 : i32
    %dma_start3A_2705 = tpu.memref_slice %arg7[%dma_start3A_2702, %dma_start3A_2703, %dma_start3A_2704] : memref<6x128x128xf32, #tpu.memory_space<vmem>> -> memref<1x128x128xf32, #tpu.memory_space<vmem>>
    %dma_start3A_2706 = tpu.memref_squeeze %dma_start3A_2705 : memref<1x128x128xf32, #tpu.memory_space<vmem>> -> memref<128x128xf32, #tpu.memory_space<vmem>>
    %dma_start3A_2707 = arith.constant 0 : i32
    %dma_start3A_2708 = tpu.memref_slice %arg2[%multiple_of3A_2701, %dma_start3A_2707] : memref<100000x128xf32, #tpu.memory_space<hbm>> -> memref<128x128xf32, #tpu.memory_space<hbm>>
    %dma_start3A_2709 = arith.constant 0 : i32
    %dma_start3A_2710 = arith.constant 0 : i32
    %dma_start3A_2711 = tpu.memref_slice %arg7[%dma_start3A_2702, %dma_start3A_2709, %dma_start3A_2710] : memref<6x128x128xf32, #tpu.memory_space<vmem>> -> memref<1x128x128xf32, #tpu.memory_space<vmem>>
    %dma_start3A_2712 = tpu.memref_squeeze %dma_start3A_2711 : memref<1x128x128xf32, #tpu.memory_space<vmem>> -> memref<128x128xf32, #tpu.memory_space<vmem>>
    %dma_start3A_2713 = arith.constant 0 : i32
    %dma_start3A_2714 = tpu.memref_slice %arg2[%multiple_of3A_2701, %dma_start3A_2713] : memref<100000x128xf32, #tpu.memory_space<hbm>> -> memref<128x128xf32, #tpu.memory_space<hbm>>
    tpu.enqueue_dma source(%dma_start3A_2714 : memref<128x128xf32, #tpu.memory_space<hbm>>) target(%dma_start3A_2712 : memref<128x128xf32, #tpu.memory_space<vmem>>) target_semaphore(%arg17 : memref<!tpu.dma_semaphore, #tpu.memory_space<semaphore_mem>>)
    %mul3A_2715 = arith.constant 128 : i32
    %mul3A_2716 = arith.muli %add3A_2696, %mul3A_2715 : i32
    %dma_start3A_2717 = tpu.memref_slice %arg4[%mul3A_2716] : memref<102400xi32, #tpu.memory_space<hbm>> -> memref<128xi32, #tpu.memory_space<hbm>>
    %dma_start3A_2718 = tpu.memref_slice %arg4[%mul3A_2716] : memref<102400xi32, #tpu.memory_space<hbm>> -> memref<128xi32, #tpu.memory_space<hbm>>
    tpu.enqueue_dma source(%dma_start3A_2718 : memref<128xi32, #tpu.memory_space<hbm>>) target(%arg8 : memref<128xi32, #tpu.memory_space<vmem>>) target_semaphore(%arg17 : memref<!tpu.dma_semaphore, #tpu.memory_space<semaphore_mem>>)
    %dma_wait3A_2719 = arith.constant 2 : i32
    %dma_wait3A_2720 = arith.constant 0 : i32
    %dma_wait3A_2721 = arith.constant 0 : i32
    %dma_wait3A_2722 = tpu.memref_slice %arg7[%dma_wait3A_2719, %dma_wait3A_2720, %dma_wait3A_2721] : memref<6x128x128xf32, #tpu.memory_space<vmem>> -> memref<1x128x128xf32, #tpu.memory_space<vmem>>
    %dma_wait3A_2723 = tpu.memref_squeeze %dma_wait3A_2722 : memref<1x128x128xf32, #tpu.memory_space<vmem>> -> memref<128x128xf32, #tpu.memory_space<vmem>>
    %dma_wait3A_2724 = arith.constant 0 : i32
    %dma_wait3A_2725 = tpu.memref_slice %arg2[%multiple_of3A_2435, %dma_wait3A_2724] : memref<100000x128xf32, #tpu.memory_space<hbm>> -> memref<128x128xf32, #tpu.memory_space<hbm>>
    %dma_wait3A_2726 = arith.constant 0 : i32
    %dma_wait3A_2727 = arith.constant 0 : i32
    %dma_wait3A_2728 = tpu.memref_slice %arg7[%dma_wait3A_2719, %dma_wait3A_2726, %dma_wait3A_2727] : memref<6x128x128xf32, #tpu.memory_space<vmem>> -> memref<1x128x128xf32, #tpu.memory_space<vmem>>
    %dma_wait3A_2729 = tpu.memref_squeeze %dma_wait3A_2728 : memref<1x128x128xf32, #tpu.memory_space<vmem>> -> memref<128x128xf32, #tpu.memory_space<vmem>>
    %dma_wait3A_2730 = arith.constant 0 : i32
    %dma_wait3A_2731 = tpu.memref_slice %arg2[%multiple_of3A_2435, %dma_wait3A_2730] : memref<100000x128xf32, #tpu.memory_space<hbm>> -> memref<128x128xf32, #tpu.memory_space<hbm>>
    tpu.wait_dma2 semaphore(%arg19 : memref<!tpu.dma_semaphore, #tpu.memory_space<semaphore_mem>>) src(%dma_wait3A_2731 : memref<128x128xf32, #tpu.memory_space<hbm>>) dst(%dma_wait3A_2729 : memref<128x128xf32, #tpu.memory_space<vmem>>)
    %dma_wait3A_2732 = tpu.memref_slice %arg4[%mul3A_2450] : memref<102400xi32, #tpu.memory_space<hbm>> -> memref<128xi32, #tpu.memory_space<hbm>>
    %dma_wait3A_2733 = tpu.memref_slice %arg4[%mul3A_2450] : memref<102400xi32, #tpu.memory_space<hbm>> -> memref<128xi32, #tpu.memory_space<hbm>>
    tpu.wait_dma2 semaphore(%arg19 : memref<!tpu.dma_semaphore, #tpu.memory_space<semaphore_mem>>) src(%dma_wait3A_2733 : memref<128xi32, #tpu.memory_space<hbm>>) dst(%arg10 : memref<128xi32, #tpu.memory_space<vmem>>)
    %dma_start3A_2734 = arith.constant 2 : i32
    %dma_start3A_2735 = arith.constant 0 : i32
    %dma_start3A_2736 = arith.constant 0 : i32
    %dma_start3A_2737 = tpu.memref_slice %arg7[%dma_start3A_2734, %dma_start3A_2735, %dma_start3A_2736] : memref<6x128x128xf32, #tpu.memory_space<vmem>> -> memref<1x128x128xf32, #tpu.memory_space<vmem>>
    %dma_start3A_2738 = tpu.memref_squeeze %dma_start3A_2737 : memref<1x128x128xf32, #tpu.memory_space<vmem>> -> memref<128x128xf32, #tpu.memory_space<vmem>>
    %dma_start3A_2739 = arith.constant 0 : i32
    %dma_start3A_2740 = arith.constant 0 : i32
    %dma_start3A_2741 = tpu.memref_slice %arg30[%dma_start3A_2739, %dma_start3A_2740] : memref<1152x128xf32, #tpu.memory_space<vmem_shared>> -> memref<1152x128xf32, #tpu.memory_space<vmem_shared>>
    tpu.enqueue_indirect_dma source(%dma_start3A_2738 : memref<128x128xf32, #tpu.memory_space<vmem>>) target(%dma_start3A_2741 : memref<1152x128xf32, #tpu.memory_space<vmem_shared>>) offsets(%arg10 : memref<128xi32, #tpu.memory_space<vmem>>) semaphore(%arg25 : memref<!tpu.dma_semaphore, #tpu.memory_space<semaphore_mem>>) {add = true}
    %dma_wait3A_2742 = arith.constant 1 : i32
    %dma_wait3A_2743 = arith.constant 0 : i32
    %dma_wait3A_2744 = arith.constant 0 : i32
    %dma_wait3A_2745 = tpu.memref_slice %arg7[%dma_wait3A_2742, %dma_wait3A_2743, %dma_wait3A_2744] : memref<6x128x128xf32, #tpu.memory_space<vmem>> -> memref<1x128x128xf32, #tpu.memory_space<vmem>>
    %dma_wait3A_2746 = tpu.memref_squeeze %dma_wait3A_2745 : memref<1x128x128xf32, #tpu.memory_space<vmem>> -> memref<128x128xf32, #tpu.memory_space<vmem>>
    %dma_wait3A_2747 = arith.constant 0 : i32
    %dma_wait3A_2748 = arith.constant 0 : i32
    %dma_wait3A_2749 = tpu.memref_slice %arg30[%dma_wait3A_2747, %dma_wait3A_2748] : memref<1152x128xf32, #tpu.memory_space<vmem_shared>> -> memref<1152x128xf32, #tpu.memory_space<vmem_shared>>
    tpu.wait_indirect_dma semaphore(%arg24 : memref<!tpu.dma_semaphore, #tpu.memory_space<semaphore_mem>>) src(%dma_wait3A_2746 : memref<128x128xf32, #tpu.memory_space<vmem>>) dst(%dma_wait3A_2749 : memref<1152x128xf32, #tpu.memory_space<vmem_shared>>)
    %dma_wait3A_2750 = arith.constant 3 : i32
    %dma_wait3A_2751 = arith.constant 0 : i32
    %dma_wait3A_2752 = arith.constant 0 : i32
    %dma_wait3A_2753 = tpu.memref_slice %arg7[%dma_wait3A_2750, %dma_wait3A_2751, %dma_wait3A_2752] : memref<6x128x128xf32, #tpu.memory_space<vmem>> -> memref<1x128x128xf32, #tpu.memory_space<vmem>>
    %dma_wait3A_2754 = tpu.memref_squeeze %dma_wait3A_2753 : memref<1x128x128xf32, #tpu.memory_space<vmem>> -> memref<128x128xf32, #tpu.memory_space<vmem>>
    %dma_wait3A_2755 = arith.constant 0 : i32
    %dma_wait3A_2756 = tpu.memref_slice %arg2[%multiple_of3A_2530, %dma_wait3A_2755] : memref<100000x128xf32, #tpu.memory_space<hbm>> -> memref<128x128xf32, #tpu.memory_space<hbm>>
    %dma_wait3A_2757 = arith.constant 0 : i32
    %dma_wait3A_2758 = arith.constant 0 : i32
    %dma_wait3A_2759 = tpu.memref_slice %arg7[%dma_wait3A_2750, %dma_wait3A_2757, %dma_wait3A_2758] : memref<6x128x128xf32, #tpu.memory_space<vmem>> -> memref<1x128x128xf32, #tpu.memory_space<vmem>>
    %dma_wait3A_2760 = tpu.memref_squeeze %dma_wait3A_2759 : memref<1x128x128xf32, #tpu.memory_space<vmem>> -> memref<128x128xf32, #tpu.memory_space<vmem>>
    %dma_wait3A_2761 = arith.constant 0 : i32
    %dma_wait3A_2762 = tpu.memref_slice %arg2[%multiple_of3A_2530, %dma_wait3A_2761] : memref<100000x128xf32, #tpu.memory_space<hbm>> -> memref<128x128xf32, #tpu.memory_space<hbm>>
    tpu.wait_dma2 semaphore(%arg20 : memref<!tpu.dma_semaphore, #tpu.memory_space<semaphore_mem>>) src(%dma_wait3A_2762 : memref<128x128xf32, #tpu.memory_space<hbm>>) dst(%dma_wait3A_2760 : memref<128x128xf32, #tpu.memory_space<vmem>>)
    %dma_wait3A_2763 = tpu.memref_slice %arg4[%mul3A_2545] : memref<102400xi32, #tpu.memory_space<hbm>> -> memref<128xi32, #tpu.memory_space<hbm>>
    %dma_wait3A_2764 = tpu.memref_slice %arg4[%mul3A_2545] : memref<102400xi32, #tpu.memory_space<hbm>> -> memref<128xi32, #tpu.memory_space<hbm>>
    tpu.wait_dma2 semaphore(%arg20 : memref<!tpu.dma_semaphore, #tpu.memory_space<semaphore_mem>>) src(%dma_wait3A_2764 : memref<128xi32, #tpu.memory_space<hbm>>) dst(%arg11 : memref<128xi32, #tpu.memory_space<vmem>>)
    %dma_start3A_2765 = arith.constant 3 : i32
    %dma_start3A_2766 = arith.constant 0 : i32
    %dma_start3A_2767 = arith.constant 0 : i32
    %dma_start3A_2768 = tpu.memref_slice %arg7[%dma_start3A_2765, %dma_start3A_2766, %dma_start3A_2767] : memref<6x128x128xf32, #tpu.memory_space<vmem>> -> memref<1x128x128xf32, #tpu.memory_space<vmem>>
    %dma_start3A_2769 = tpu.memref_squeeze %dma_start3A_2768 : memref<1x128x128xf32, #tpu.memory_space<vmem>> -> memref<128x128xf32, #tpu.memory_space<vmem>>
    %dma_start3A_2770 = arith.constant 0 : i32
    %dma_start3A_2771 = arith.constant 0 : i32
    %dma_start3A_2772 = tpu.memref_slice %arg30[%dma_start3A_2770, %dma_start3A_2771] : memref<1152x128xf32, #tpu.memory_space<vmem_shared>> -> memref<1152x128xf32, #tpu.memory_space<vmem_shared>>
    tpu.enqueue_indirect_dma source(%dma_start3A_2769 : memref<128x128xf32, #tpu.memory_space<vmem>>) target(%dma_start3A_2772 : memref<1152x128xf32, #tpu.memory_space<vmem_shared>>) offsets(%arg11 : memref<128xi32, #tpu.memory_space<vmem>>) semaphore(%arg26 : memref<!tpu.dma_semaphore, #tpu.memory_space<semaphore_mem>>) {add = true}
    %dma_wait3A_2773 = arith.constant 2 : i32
    %dma_wait3A_2774 = arith.constant 0 : i32
    %dma_wait3A_2775 = arith.constant 0 : i32
    %dma_wait3A_2776 = tpu.memref_slice %arg7[%dma_wait3A_2773, %dma_wait3A_2774, %dma_wait3A_2775] : memref<6x128x128xf32, #tpu.memory_space<vmem>> -> memref<1x128x128xf32, #tpu.memory_space<vmem>>
    %dma_wait3A_2777 = tpu.memref_squeeze %dma_wait3A_2776 : memref<1x128x128xf32, #tpu.memory_space<vmem>> -> memref<128x128xf32, #tpu.memory_space<vmem>>
    %dma_wait3A_2778 = arith.constant 0 : i32
    %dma_wait3A_2779 = arith.constant 0 : i32
    %dma_wait3A_2780 = tpu.memref_slice %arg30[%dma_wait3A_2778, %dma_wait3A_2779] : memref<1152x128xf32, #tpu.memory_space<vmem_shared>> -> memref<1152x128xf32, #tpu.memory_space<vmem_shared>>
    tpu.wait_indirect_dma semaphore(%arg25 : memref<!tpu.dma_semaphore, #tpu.memory_space<semaphore_mem>>) src(%dma_wait3A_2777 : memref<128x128xf32, #tpu.memory_space<vmem>>) dst(%dma_wait3A_2780 : memref<1152x128xf32, #tpu.memory_space<vmem_shared>>)
    %dma_wait3A_2781 = arith.constant 4 : i32
    %dma_wait3A_2782 = arith.constant 0 : i32
    %dma_wait3A_2783 = arith.constant 0 : i32
    %dma_wait3A_2784 = tpu.memref_slice %arg7[%dma_wait3A_2781, %dma_wait3A_2782, %dma_wait3A_2783] : memref<6x128x128xf32, #tpu.memory_space<vmem>> -> memref<1x128x128xf32, #tpu.memory_space<vmem>>
    %dma_wait3A_2785 = tpu.memref_squeeze %dma_wait3A_2784 : memref<1x128x128xf32, #tpu.memory_space<vmem>> -> memref<128x128xf32, #tpu.memory_space<vmem>>
    %dma_wait3A_2786 = arith.constant 0 : i32
    %dma_wait3A_2787 = tpu.memref_slice %arg2[%multiple_of3A_2587, %dma_wait3A_2786] : memref<100000x128xf32, #tpu.memory_space<hbm>> -> memref<128x128xf32, #tpu.memory_space<hbm>>
    %dma_wait3A_2788 = arith.constant 0 : i32
    %dma_wait3A_2789 = arith.constant 0 : i32
    %dma_wait3A_2790 = tpu.memref_slice %arg7[%dma_wait3A_2781, %dma_wait3A_2788, %dma_wait3A_2789] : memref<6x128x128xf32, #tpu.memory_space<vmem>> -> memref<1x128x128xf32, #tpu.memory_space<vmem>>
    %dma_wait3A_2791 = tpu.memref_squeeze %dma_wait3A_2790 : memref<1x128x128xf32, #tpu.memory_space<vmem>> -> memref<128x128xf32, #tpu.memory_space<vmem>>
    %dma_wait3A_2792 = arith.constant 0 : i32
    %dma_wait3A_2793 = tpu.memref_slice %arg2[%multiple_of3A_2587, %dma_wait3A_2792] : memref<100000x128xf32, #tpu.memory_space<hbm>> -> memref<128x128xf32, #tpu.memory_space<hbm>>
    tpu.wait_dma2 semaphore(%arg21 : memref<!tpu.dma_semaphore, #tpu.memory_space<semaphore_mem>>) src(%dma_wait3A_2793 : memref<128x128xf32, #tpu.memory_space<hbm>>) dst(%dma_wait3A_2791 : memref<128x128xf32, #tpu.memory_space<vmem>>)
    %dma_wait3A_2794 = tpu.memref_slice %arg4[%mul3A_2602] : memref<102400xi32, #tpu.memory_space<hbm>> -> memref<128xi32, #tpu.memory_space<hbm>>
    %dma_wait3A_2795 = tpu.memref_slice %arg4[%mul3A_2602] : memref<102400xi32, #tpu.memory_space<hbm>> -> memref<128xi32, #tpu.memory_space<hbm>>
    tpu.wait_dma2 semaphore(%arg21 : memref<!tpu.dma_semaphore, #tpu.memory_space<semaphore_mem>>) src(%dma_wait3A_2795 : memref<128xi32, #tpu.memory_space<hbm>>) dst(%arg12 : memref<128xi32, #tpu.memory_space<vmem>>)
    %dma_start3A_2796 = arith.constant 4 : i32
    %dma_start3A_2797 = arith.constant 0 : i32
    %dma_start3A_2798 = arith.constant 0 : i32
    %dma_start3A_2799 = tpu.memref_slice %arg7[%dma_start3A_2796, %dma_start3A_2797, %dma_start3A_2798] : memref<6x128x128xf32, #tpu.memory_space<vmem>> -> memref<1x128x128xf32, #tpu.memory_space<vmem>>
    %dma_start3A_2800 = tpu.memref_squeeze %dma_start3A_2799 : memref<1x128x128xf32, #tpu.memory_space<vmem>> -> memref<128x128xf32, #tpu.memory_space<vmem>>
    %dma_start3A_2801 = arith.constant 0 : i32
    %dma_start3A_2802 = arith.constant 0 : i32
    %dma_start3A_2803 = tpu.memref_slice %arg30[%dma_start3A_2801, %dma_start3A_2802] : memref<1152x128xf32, #tpu.memory_space<vmem_shared>> -> memref<1152x128xf32, #tpu.memory_space<vmem_shared>>
    tpu.enqueue_indirect_dma source(%dma_start3A_2800 : memref<128x128xf32, #tpu.memory_space<vmem>>) target(%dma_start3A_2803 : memref<1152x128xf32, #tpu.memory_space<vmem_shared>>) offsets(%arg12 : memref<128xi32, #tpu.memory_space<vmem>>) semaphore(%arg27 : memref<!tpu.dma_semaphore, #tpu.memory_space<semaphore_mem>>) {add = true}
    %dma_wait3A_2804 = arith.constant 3 : i32
    %dma_wait3A_2805 = arith.constant 0 : i32
    %dma_wait3A_2806 = arith.constant 0 : i32
    %dma_wait3A_2807 = tpu.memref_slice %arg7[%dma_wait3A_2804, %dma_wait3A_2805, %dma_wait3A_2806] : memref<6x128x128xf32, #tpu.memory_space<vmem>> -> memref<1x128x128xf32, #tpu.memory_space<vmem>>
    %dma_wait3A_2808 = tpu.memref_squeeze %dma_wait3A_2807 : memref<1x128x128xf32, #tpu.memory_space<vmem>> -> memref<128x128xf32, #tpu.memory_space<vmem>>
    %dma_wait3A_2809 = arith.constant 0 : i32
    %dma_wait3A_2810 = arith.constant 0 : i32
    %dma_wait3A_2811 = tpu.memref_slice %arg30[%dma_wait3A_2809, %dma_wait3A_2810] : memref<1152x128xf32, #tpu.memory_space<vmem_shared>> -> memref<1152x128xf32, #tpu.memory_space<vmem_shared>>
    tpu.wait_indirect_dma semaphore(%arg26 : memref<!tpu.dma_semaphore, #tpu.memory_space<semaphore_mem>>) src(%dma_wait3A_2808 : memref<128x128xf32, #tpu.memory_space<vmem>>) dst(%dma_wait3A_2811 : memref<1152x128xf32, #tpu.memory_space<vmem_shared>>)
    %dma_wait3A_2812 = arith.constant 5 : i32
    %dma_wait3A_2813 = arith.constant 0 : i32
    %dma_wait3A_2814 = arith.constant 0 : i32
    %dma_wait3A_2815 = tpu.memref_slice %arg7[%dma_wait3A_2812, %dma_wait3A_2813, %dma_wait3A_2814] : memref<6x128x128xf32, #tpu.memory_space<vmem>> -> memref<1x128x128xf32, #tpu.memory_space<vmem>>
    %dma_wait3A_2816 = tpu.memref_squeeze %dma_wait3A_2815 : memref<1x128x128xf32, #tpu.memory_space<vmem>> -> memref<128x128xf32, #tpu.memory_space<vmem>>
    %dma_wait3A_2817 = arith.constant 0 : i32
    %dma_wait3A_2818 = tpu.memref_slice %arg2[%multiple_of3A_2644, %dma_wait3A_2817] : memref<100000x128xf32, #tpu.memory_space<hbm>> -> memref<128x128xf32, #tpu.memory_space<hbm>>
    %dma_wait3A_2819 = arith.constant 0 : i32
    %dma_wait3A_2820 = arith.constant 0 : i32
    %dma_wait3A_2821 = tpu.memref_slice %arg7[%dma_wait3A_2812, %dma_wait3A_2819, %dma_wait3A_2820] : memref<6x128x128xf32, #tpu.memory_space<vmem>> -> memref<1x128x128xf32, #tpu.memory_space<vmem>>
    %dma_wait3A_2822 = tpu.memref_squeeze %dma_wait3A_2821 : memref<1x128x128xf32, #tpu.memory_space<vmem>> -> memref<128x128xf32, #tpu.memory_space<vmem>>
    %dma_wait3A_2823 = arith.constant 0 : i32
    %dma_wait3A_2824 = tpu.memref_slice %arg2[%multiple_of3A_2644, %dma_wait3A_2823] : memref<100000x128xf32, #tpu.memory_space<hbm>> -> memref<128x128xf32, #tpu.memory_space<hbm>>
    tpu.wait_dma2 semaphore(%arg22 : memref<!tpu.dma_semaphore, #tpu.memory_space<semaphore_mem>>) src(%dma_wait3A_2824 : memref<128x128xf32, #tpu.memory_space<hbm>>) dst(%dma_wait3A_2822 : memref<128x128xf32, #tpu.memory_space<vmem>>)
    %dma_wait3A_2825 = tpu.memref_slice %arg4[%mul3A_2659] : memref<102400xi32, #tpu.memory_space<hbm>> -> memref<128xi32, #tpu.memory_space<hbm>>
    %dma_wait3A_2826 = tpu.memref_slice %arg4[%mul3A_2659] : memref<102400xi32, #tpu.memory_space<hbm>> -> memref<128xi32, #tpu.memory_space<hbm>>
    tpu.wait_dma2 semaphore(%arg22 : memref<!tpu.dma_semaphore, #tpu.memory_space<semaphore_mem>>) src(%dma_wait3A_2826 : memref<128xi32, #tpu.memory_space<hbm>>) dst(%arg13 : memref<128xi32, #tpu.memory_space<vmem>>)
    %dma_start3A_2827 = arith.constant 5 : i32
    %dma_start3A_2828 = arith.constant 0 : i32
    %dma_start3A_2829 = arith.constant 0 : i32
    %dma_start3A_2830 = tpu.memref_slice %arg7[%dma_start3A_2827, %dma_start3A_2828, %dma_start3A_2829] : memref<6x128x128xf32, #tpu.memory_space<vmem>> -> memref<1x128x128xf32, #tpu.memory_space<vmem>>
    %dma_start3A_2831 = tpu.memref_squeeze %dma_start3A_2830 : memref<1x128x128xf32, #tpu.memory_space<vmem>> -> memref<128x128xf32, #tpu.memory_space<vmem>>
    %dma_start3A_2832 = arith.constant 0 : i32
    %dma_start3A_2833 = arith.constant 0 : i32
    %dma_start3A_2834 = tpu.memref_slice %arg30[%dma_start3A_2832, %dma_start3A_2833] : memref<1152x128xf32, #tpu.memory_space<vmem_shared>> -> memref<1152x128xf32, #tpu.memory_space<vmem_shared>>
    tpu.enqueue_indirect_dma source(%dma_start3A_2831 : memref<128x128xf32, #tpu.memory_space<vmem>>) target(%dma_start3A_2834 : memref<1152x128xf32, #tpu.memory_space<vmem_shared>>) offsets(%arg13 : memref<128xi32, #tpu.memory_space<vmem>>) semaphore(%arg28 : memref<!tpu.dma_semaphore, #tpu.memory_space<semaphore_mem>>) {add = true}
    %dma_wait3A_2835 = arith.constant 4 : i32
    %dma_wait3A_2836 = arith.constant 0 : i32
    %dma_wait3A_2837 = arith.constant 0 : i32
    %dma_wait3A_2838 = tpu.memref_slice %arg7[%dma_wait3A_2835, %dma_wait3A_2836, %dma_wait3A_2837] : memref<6x128x128xf32, #tpu.memory_space<vmem>> -> memref<1x128x128xf32, #tpu.memory_space<vmem>>
    %dma_wait3A_2839 = tpu.memref_squeeze %dma_wait3A_2838 : memref<1x128x128xf32, #tpu.memory_space<vmem>> -> memref<128x128xf32, #tpu.memory_space<vmem>>
    %dma_wait3A_2840 = arith.constant 0 : i32
    %dma_wait3A_2841 = arith.constant 0 : i32
    %dma_wait3A_2842 = tpu.memref_slice %arg30[%dma_wait3A_2840, %dma_wait3A_2841] : memref<1152x128xf32, #tpu.memory_space<vmem_shared>> -> memref<1152x128xf32, #tpu.memory_space<vmem_shared>>
    tpu.wait_indirect_dma semaphore(%arg27 : memref<!tpu.dma_semaphore, #tpu.memory_space<semaphore_mem>>) src(%dma_wait3A_2839 : memref<128x128xf32, #tpu.memory_space<vmem>>) dst(%dma_wait3A_2842 : memref<1152x128xf32, #tpu.memory_space<vmem_shared>>)
    %dma_wait3A_2843 = arith.constant 0 : i32
    %dma_wait3A_2844 = arith.constant 0 : i32
    %dma_wait3A_2845 = arith.constant 0 : i32
    %dma_wait3A_2846 = tpu.memref_slice %arg7[%dma_wait3A_2843, %dma_wait3A_2844, %dma_wait3A_2845] : memref<6x128x128xf32, #tpu.memory_space<vmem>> -> memref<1x128x128xf32, #tpu.memory_space<vmem>>
    %dma_wait3A_2847 = tpu.memref_squeeze %dma_wait3A_2846 : memref<1x128x128xf32, #tpu.memory_space<vmem>> -> memref<128x128xf32, #tpu.memory_space<vmem>>
    %dma_wait3A_2848 = arith.constant 0 : i32
    %dma_wait3A_2849 = tpu.memref_slice %arg2[%multiple_of3A_2701, %dma_wait3A_2848] : memref<100000x128xf32, #tpu.memory_space<hbm>> -> memref<128x128xf32, #tpu.memory_space<hbm>>
    %dma_wait3A_2850 = arith.constant 0 : i32
    %dma_wait3A_2851 = arith.constant 0 : i32
    %dma_wait3A_2852 = tpu.memref_slice %arg7[%dma_wait3A_2843, %dma_wait3A_2850, %dma_wait3A_2851] : memref<6x128x128xf32, #tpu.memory_space<vmem>> -> memref<1x128x128xf32, #tpu.memory_space<vmem>>
    %dma_wait3A_2853 = tpu.memref_squeeze %dma_wait3A_2852 : memref<1x128x128xf32, #tpu.memory_space<vmem>> -> memref<128x128xf32, #tpu.memory_space<vmem>>
    %dma_wait3A_2854 = arith.constant 0 : i32
    %dma_wait3A_2855 = tpu.memref_slice %arg2[%multiple_of3A_2701, %dma_wait3A_2854] : memref<100000x128xf32, #tpu.memory_space<hbm>> -> memref<128x128xf32, #tpu.memory_space<hbm>>
    tpu.wait_dma2 semaphore(%arg17 : memref<!tpu.dma_semaphore, #tpu.memory_space<semaphore_mem>>) src(%dma_wait3A_2855 : memref<128x128xf32, #tpu.memory_space<hbm>>) dst(%dma_wait3A_2853 : memref<128x128xf32, #tpu.memory_space<vmem>>)
    %dma_wait3A_2856 = tpu.memref_slice %arg4[%mul3A_2716] : memref<102400xi32, #tpu.memory_space<hbm>> -> memref<128xi32, #tpu.memory_space<hbm>>
    %dma_wait3A_2857 = tpu.memref_slice %arg4[%mul3A_2716] : memref<102400xi32, #tpu.memory_space<hbm>> -> memref<128xi32, #tpu.memory_space<hbm>>
    tpu.wait_dma2 semaphore(%arg17 : memref<!tpu.dma_semaphore, #tpu.memory_space<semaphore_mem>>) src(%dma_wait3A_2857 : memref<128xi32, #tpu.memory_space<hbm>>) dst(%arg8 : memref<128xi32, #tpu.memory_space<vmem>>)
    %dma_start3A_2858 = arith.constant 0 : i32
    %dma_start3A_2859 = arith.constant 0 : i32
    %dma_start3A_2860 = arith.constant 0 : i32
    %dma_start3A_2861 = tpu.memref_slice %arg7[%dma_start3A_2858, %dma_start3A_2859, %dma_start3A_2860] : memref<6x128x128xf32, #tpu.memory_space<vmem>> -> memref<1x128x128xf32, #tpu.memory_space<vmem>>
    %dma_start3A_2862 = tpu.memref_squeeze %dma_start3A_2861 : memref<1x128x128xf32, #tpu.memory_space<vmem>> -> memref<128x128xf32, #tpu.memory_space<vmem>>
    %dma_start3A_2863 = arith.constant 0 : i32
    %dma_start3A_2864 = arith.constant 0 : i32
    %dma_start3A_2865 = tpu.memref_slice %arg30[%dma_start3A_2863, %dma_start3A_2864] : memref<1152x128xf32, #tpu.memory_space<vmem_shared>> -> memref<1152x128xf32, #tpu.memory_space<vmem_shared>>
    tpu.enqueue_indirect_dma source(%dma_start3A_2862 : memref<128x128xf32, #tpu.memory_space<vmem>>) target(%dma_start3A_2865 : memref<1152x128xf32, #tpu.memory_space<vmem_shared>>) offsets(%arg8 : memref<128xi32, #tpu.memory_space<vmem>>) semaphore(%arg23 : memref<!tpu.dma_semaphore, #tpu.memory_space<semaphore_mem>>) {add = true}
    %dma_wait3A_2866 = arith.constant 5 : i32
    %dma_wait3A_2867 = arith.constant 0 : i32
    %dma_wait3A_2868 = arith.constant 0 : i32
    %dma_wait3A_2869 = tpu.memref_slice %arg7[%dma_wait3A_2866, %dma_wait3A_2867, %dma_wait3A_2868] : memref<6x128x128xf32, #tpu.memory_space<vmem>> -> memref<1x128x128xf32, #tpu.memory_space<vmem>>
    %dma_wait3A_2870 = tpu.memref_squeeze %dma_wait3A_2869 : memref<1x128x128xf32, #tpu.memory_space<vmem>> -> memref<128x128xf32, #tpu.memory_space<vmem>>
    %dma_wait3A_2871 = arith.constant 0 : i32
    %dma_wait3A_2872 = arith.constant 0 : i32
    %dma_wait3A_2873 = tpu.memref_slice %arg30[%dma_wait3A_2871, %dma_wait3A_2872] : memref<1152x128xf32, #tpu.memory_space<vmem_shared>> -> memref<1152x128xf32, #tpu.memory_space<vmem_shared>>
    tpu.wait_indirect_dma semaphore(%arg28 : memref<!tpu.dma_semaphore, #tpu.memory_space<semaphore_mem>>) src(%dma_wait3A_2870 : memref<128x128xf32, #tpu.memory_space<vmem>>) dst(%dma_wait3A_2873 : memref<1152x128xf32, #tpu.memory_space<vmem_shared>>)
    %dma_wait3A_2874 = arith.constant 0 : i32
    %dma_wait3A_2875 = arith.constant 0 : i32
    %dma_wait3A_2876 = arith.constant 0 : i32
    %dma_wait3A_2877 = tpu.memref_slice %arg7[%dma_wait3A_2874, %dma_wait3A_2875, %dma_wait3A_2876] : memref<6x128x128xf32, #tpu.memory_space<vmem>> -> memref<1x128x128xf32, #tpu.memory_space<vmem>>
    %dma_wait3A_2878 = tpu.memref_squeeze %dma_wait3A_2877 : memref<1x128x128xf32, #tpu.memory_space<vmem>> -> memref<128x128xf32, #tpu.memory_space<vmem>>
    %dma_wait3A_2879 = arith.constant 0 : i32
    %dma_wait3A_2880 = arith.constant 0 : i32
    %dma_wait3A_2881 = tpu.memref_slice %arg30[%dma_wait3A_2879, %dma_wait3A_2880] : memref<1152x128xf32, #tpu.memory_space<vmem_shared>> -> memref<1152x128xf32, #tpu.memory_space<vmem_shared>>
    tpu.wait_indirect_dma semaphore(%arg23 : memref<!tpu.dma_semaphore, #tpu.memory_space<semaphore_mem>>) src(%dma_wait3A_2878 : memref<128x128xf32, #tpu.memory_space<vmem>>) dst(%dma_wait3A_2881 : memref<1152x128xf32, #tpu.memory_space<vmem_shared>>)
    %min3A_2882 = arith.constant 100000 : i32
    %min3A_2883 = vector.broadcast %min3A_2882 : i32 to vector<16xi32>
    %min3A_2884 = arith.minsi %select_n3A_2485, %min3A_2883 : vector<16xi32>
    %min3A_2885 = arith.constant 100000 : i32
    %min3A_2886 = vector.broadcast %min3A_2885 : i32 to vector<16xi32>
    %min3A_2887 = arith.minsi %select_n3A_2494, %min3A_2886 : vector<16xi32>
    %min3A_2888 = arith.constant 100000 : i32
    %min3A_2889 = vector.broadcast %min3A_2888 : i32 to vector<16xi32>
    %min3A_2890 = arith.minsi %select_n3A_2503, %min3A_2889 : vector<16xi32>
    %min3A_2891 = arith.constant 100000 : i32
    %min3A_2892 = vector.broadcast %min3A_2891 : i32 to vector<16xi32>
    %min3A_2893 = arith.minsi %select_n3A_2512, %min3A_2892 : vector<16xi32>
    %sub3A = arith.subi %min3A_2887, %min3A_2884 : vector<16xi32>
    %convert_element_type3A = arith.sitofp %sub3A : vector<16xi32> to vector<16xf32>
    %swap3A_2894 = arith.constant 0 : index
    %swap3A_2895 = tpu.vector_load %arg29[%swap3A_2894] {strides = array<i32>} : memref<32xf32, #tpu.memory_space<vmem>>, vector<16xf32>,
    %swap3A_2896 = vector.shape_cast %swap3A_2895 : vector<16xf32> to vector<16xf32>
    %swap3A_2897 = vector.shape_cast %convert_element_type3A : vector<16xf32> to vector<16xf32>
    tpu.vector_store %arg29[%swap3A_2894], %swap3A_2897 {strides = array<i32>} : memref<32xf32, #tpu.memory_space<vmem>>, vector<16xf32>,
    %sub3A_2898 = arith.subi %min3A_2893, %min3A_2890 : vector<16xi32>
    %convert_element_type3A_2899 = arith.sitofp %sub3A_2898 : vector<16xi32> to vector<16xf32>
    %swap3A_2900 = arith.constant 16 : index
    %swap3A_2901 = tpu.vector_load %arg29[%swap3A_2900] {strides = array<i32>} : memref<32xf32, #tpu.memory_space<vmem>>, vector<16xf32>,
    %swap3A_2902 = vector.shape_cast %swap3A_2901 : vector<16xf32> to vector<16xf32>
    %swap3A_2903 = vector.shape_cast %convert_element_type3A_2899 : vector<16xf32> to vector<16xf32>
    tpu.vector_store %arg29[%swap3A_2900], %swap3A_2903 {strides = array<i32>} : memref<32xf32, #tpu.memory_space<vmem>>, vector<16xf32>,
    "tpu.region"() ({
      %run_scoped3A_2909 = tpu.sem_alloc : memref<!tpu.dma_semaphore, #tpu.memory_space<semaphore_mem>>
      %dma_start3A_2910 = tpu.memref_slice %arg6[%mul3A_10] : memref<1024xf32, #tpu.memory_space<hbm>> -> memref<32xf32, #tpu.memory_space<hbm>>
      %dma_start3A_2911 = tpu.memref_slice %arg6[%mul3A_10] : memref<1024xf32, #tpu.memory_space<hbm>> -> memref<32xf32, #tpu.memory_space<hbm>>
      tpu.enqueue_dma source(%arg29 : memref<32xf32, #tpu.memory_space<vmem>>) target(%dma_start3A_2911 : memref<32xf32, #tpu.memory_space<hbm>>) target_semaphore(%run_scoped3A_2909 : memref<!tpu.dma_semaphore, #tpu.memory_space<semaphore_mem>>)
      %dma_wait3A_2912 = tpu.memref_slice %arg6[%mul3A_10] : memref<1024xf32, #tpu.memory_space<hbm>> -> memref<32xf32, #tpu.memory_space<hbm>>
      %dma_wait3A_2913 = tpu.memref_slice %arg6[%mul3A_10] : memref<1024xf32, #tpu.memory_space<hbm>> -> memref<32xf32, #tpu.memory_space<hbm>>
      tpu.wait_dma2 semaphore(%run_scoped3A_2909 : memref<!tpu.dma_semaphore, #tpu.memory_space<semaphore_mem>>) src(%arg29 : memref<32xf32, #tpu.memory_space<vmem>>) dst(%dma_wait3A_2913 : memref<32xf32, #tpu.memory_space<hbm>>)
      tpu.yield
    }) : () -> ()
    %barrier3A_2904 = arith.constant 0 : index
    tpu.barrier barrier_id(%barrier3A_2904)
    %mul3A_2905 = arith.constant 64 : i32
    %mul3A_2906 = arith.muli %arg1, %mul3A_2905 : i32
    %mul3A_2907 = arith.constant 64 : i32
    %mul3A_2908 = arith.muli %arg1, %mul3A_2907 : i32
    "tpu.region"() ({
      %run_scoped3A_2909 = tpu.sem_alloc : memref<!tpu.dma_semaphore, #tpu.memory_space<semaphore_mem>>
      %dma_start3A_2910 = arith.constant 0 : i32
      %dma_start3A_2911 = tpu.memref_slice %arg5[%arg0, %mul3A_2908, %dma_start3A_2910] : memref<2x1024x128xf32, #tpu.memory_space<hbm>> -> memref<1x64x128xf32, #tpu.memory_space<hbm>>
      %dma_start3A_2912 = tpu.memref_squeeze %dma_start3A_2911 : memref<1x64x128xf32, #tpu.memory_space<hbm>> -> memref<64x128xf32, #tpu.memory_space<hbm>>
      %dma_start3A_2913 = arith.constant 0 : i32
      %dma_start3A_2914 = tpu.memref_slice %arg30[%mul3A_2906, %dma_start3A_2913] : memref<1152x128xf32, #tpu.memory_space<vmem_shared>> -> memref<64x128xf32, #tpu.memory_space<vmem_shared>>
      tpu.enqueue_dma source(%dma_start3A_2914 : memref<64x128xf32, #tpu.memory_space<vmem_shared>>) target(%dma_start3A_2912 : memref<64x128xf32, #tpu.memory_space<hbm>>) target_semaphore(%run_scoped3A_2909 : memref<!tpu.dma_semaphore, #tpu.memory_space<semaphore_mem>>)
      %dma_wait3A_2915 = arith.constant 0 : i32
      %dma_wait3A_2916 = tpu.memref_slice %arg5[%arg0, %mul3A_2908, %dma_wait3A_2915] : memref<2x1024x128xf32, #tpu.memory_space<hbm>> -> memref<1x64x128xf32, #tpu.memory_space<hbm>>
      %dma_wait3A_2917 = tpu.memref_squeeze %dma_wait3A_2916 : memref<1x64x128xf32, #tpu.memory_space<hbm>> -> memref<64x128xf32, #tpu.memory_space<hbm>>
      %dma_wait3A_2918 = arith.constant 0 : i32
      %dma_wait3A_2919 = tpu.memref_slice %arg30[%mul3A_2906, %dma_wait3A_2918] : memref<1152x128xf32, #tpu.memory_space<vmem_shared>> -> memref<64x128xf32, #tpu.memory_space<vmem_shared>>
      tpu.wait_dma2 semaphore(%run_scoped3A_2909 : memref<!tpu.dma_semaphore, #tpu.memory_space<semaphore_mem>>) src(%dma_wait3A_2919 : memref<64x128xf32, #tpu.memory_space<vmem_shared>>) dst(%dma_wait3A_2917 : memref<64x128xf32, #tpu.memory_space<hbm>>)
      tpu.yield
    }) : () -> ()
    return
  }
}

module attributes {stable_mosaic.version = 14 : i64} {
  func.func @_finalize_body(%arg0: memref<2x1024x128xf32, #tpu.memory_space<vmem>>, %arg1: memref<1024x1xf32, #tpu.memory_space<vmem>>, %arg2: memref<16x128xf32, #tpu.memory_space<vmem>>, %arg3: memref<1x16xf32, #tpu.memory_space<vmem>>, %arg4: memref<1024x16xf32, #tpu.memory_space<vmem>>) attributes {dimension_semantics = [], scalar_prefetch = 0 : i64, scratch_operands = 0 : i64, tpu.core_type = #tpu.core_type<tc>} {
    %get3A = arith.constant 0 : index
    %get3A_0 = arith.constant 0 : index
    %get3A_1 = arith.constant 0 : index
    %get3A_2 = vector.load %arg0[%get3A, %get3A_0, %get3A_1] : memref<2x1024x128xf32, #tpu.memory_space<vmem>>, vector<1x1024x128xf32>
    %get3A_3 = vector.shape_cast %get3A_2 : vector<1x1024x128xf32> to vector<1024x128xf32>
    %get3A_4 = arith.constant 1 : index
    %get3A_5 = arith.constant 0 : index
    %get3A_6 = arith.constant 0 : index
    %get3A_7 = vector.load %arg0[%get3A_4, %get3A_5, %get3A_6] : memref<2x1024x128xf32, #tpu.memory_space<vmem>>, vector<1x1024x128xf32>
    %get3A_8 = vector.shape_cast %get3A_7 : vector<1x1024x128xf32> to vector<1024x128xf32>
    %add3A = arith.addf %get3A_3, %get3A_8 : vector<1024x128xf32>
    %get3A_9 = arith.constant 0 : index
    %get3A_10 = arith.constant 0 : index
    %get3A_11 = vector.load %arg1[%get3A_9, %get3A_10] : memref<1024x1xf32, #tpu.memory_space<vmem>>, vector<1024x1xf32>
    %get3A_12 = arith.constant 0 : index
    %get3A_13 = arith.constant 0 : index
    %get3A_14 = vector.load %arg2[%get3A_12, %get3A_13] : memref<16x128xf32, #tpu.memory_space<vmem>>, vector<16x128xf32>
    %dot_general3A = arith.constant dense<0.000000e+00> : vector<1024x16xf32>
    %dot_general3A_15 = tpu.matmul %add3A, %get3A_14, %dot_general3A {dimension_numbers = #tpu.dot_dimension_numbers<[1], [1], [0], [0], [0, 0, 1, 0], [], []>, transpose_lhs_hint = false} : vector<1024x128xf32>, vector<16x128xf32>, vector<1024x16xf32> -> vector<1024x16xf32>
    %max3A = arith.constant 1.000000e+00 : f32
    %max3A_16 = vector.broadcast %max3A : f32 to vector<1024x1xf32>
    %max3A_17 = arith.maximumf %get3A_11, %max3A_16 : vector<1024x1xf32>
    %div3A = vector.broadcast %max3A_17 : vector<1024x1xf32> to vector<1024x16xf32>
    %div3A_18 = arith.divf %dot_general3A_15, %div3A : vector<1024x16xf32>
    %get3A_19 = arith.constant 0 : index
    %get3A_20 = arith.constant 0 : index
    %get3A_21 = vector.load %arg3[%get3A_19, %get3A_20] : memref<1x16xf32, #tpu.memory_space<vmem>>, vector<1x16xf32>
    %add3A_22 = vector.broadcast %get3A_21 : vector<1x16xf32> to vector<1024x16xf32>
    %add3A_23 = arith.addf %div3A_18, %add3A_22 : vector<1024x16xf32>
    %gt3A = arith.constant 0.000000e+00 : f32
    %gt3A_24 = vector.broadcast %gt3A : f32 to vector<1024x1xf32>
    %gt3A_25 = arith.cmpf ogt, %get3A_11, %gt3A_24 : vector<1024x1xf32>
    %jit3A = arith.constant 0.000000e+00 : f32
    %broadcast_in_dim3A = vector.shape_cast %gt3A_25 : vector<1024x1xi1> to vector<1024x1xi1>
    %broadcast_in_dim3A_26 = vector.broadcast %broadcast_in_dim3A : vector<1024x1xi1> to vector<1024x16xi1>
    %broadcast_in_dim3A_27 = vector.broadcast %jit3A : f32 to vector<1024x16xf32>
    %select_n3A = arith.select %broadcast_in_dim3A_26, %add3A_23, %broadcast_in_dim3A_27 : vector<1024x16xi1>, vector<1024x16xf32>
    %reduce_max3A = arith.constant dense<0xFF800000> : vector<1024xf32>
    %reduce_max3A_28 = vector.multi_reduction <maximumf>, %select_n3A, %reduce_max3A [1] : vector<1024x16xf32> to vector<1024xf32>
    %broadcast_in_dim3A_29 = vector.shape_cast %reduce_max3A_28 : vector<1024xf32> to vector<1024x1xf32>
    %sub3A = vector.broadcast %broadcast_in_dim3A_29 : vector<1024x1xf32> to vector<1024x16xf32>
    %sub3A_30 = arith.subf %select_n3A, %sub3A : vector<1024x16xf32>
    %exp3A = math.exp %sub3A_30 : vector<1024x16xf32>
    %reduce_sum3A = arith.constant dense<0.000000e+00> : vector<1024xf32>
    %reduce_sum3A_31 = vector.multi_reduction <add>, %exp3A, %reduce_sum3A [1] : vector<1024x16xf32> to vector<1024xf32>
    %broadcast_in_dim3A_32 = vector.shape_cast %reduce_sum3A_31 : vector<1024xf32> to vector<1024x1xf32>
    %log3A = math.log %broadcast_in_dim3A_32 : vector<1024x1xf32>
    %sub3A_33 = vector.broadcast %log3A : vector<1024x1xf32> to vector<1024x16xf32>
    %sub3A_34 = arith.subf %sub3A_30, %sub3A_33 : vector<1024x16xf32>
    %swap3A = arith.constant 0 : index
    %swap3A_35 = arith.constant 0 : index
    %swap3A_36 = vector.load %arg4[%swap3A, %swap3A_35] : memref<1024x16xf32, #tpu.memory_space<vmem>>, vector<1024x16xf32>
    tpu.vector_store %arg4[%swap3A, %swap3A_35], %sub3A_34 {strides = array<i32>} : memref<1024x16xf32, #tpu.memory_space<vmem>>, vector<1024x16xf32>,
    return
  }
}

</mosaic_0001>

<sc_bundles>
// kernel: kernel.4.cloned.1.call-start
scs
__scs_entry_jumppad:
0x0: {  	(pc) =	sbr.rel $0x88, $3  }
0x1: {  	(tag) =	ssettag $0x0;
	lr =	simm.s32 $0x1  }
0x2: {  	[smem:$0x3F9D] =	sst lr;
	_ =	strace $0xD0000000  }
0x3: {  	_ = 	snop  }
0x4: {  	_ = 	snop  }
0x5: {  	_ = 	snop  }
0x6: {  	_ = 	snop  }
0x7: {  	_ = 	snop  }
__scs_overlays_trampoline_lowered:
0x8: {  	[smem:$0x3FAC] =	sst s0  }
0x9: {  	[smem:$0x3FAD] =	sst s1  }
0xa: {  	[smem:$0x3FAE] =	sst s2  }
0xb: {  	[smem:$0x3FAF] =	sst s3  }
0xc: {  	[smem:$0x3FB0] =	sst s4  }
0xd: {  	[smem:$0x3FB1] =	sst s5  }
0xe: {  	[smem:$0x3FB2] =	sst s6  }
0xf: {  	[smem:$0x3FB3] =	sst s7  }
0x10: {  	[smem:$0x3FB4] =	sst s8  }
0x11: {  	[smem:$0x3FB5] =	sst s9;
	s0 =	simm.s32 @!p0 $0x0  }
0x12: {  	s1 =	sld [smem:$0x3F9B];
	s0 =	simm.s32 @p0 $0x1  }
0x13: {  	[smem:$0x3FB6] =	sst s0;
	s0 =	simm.s32 @!p1 $0x0  }
0x14: {  	s2 =	sld [smem:$0x3F9A];
	s0 =	simm.s32 @p1 $0x1  }
0x15: {  	[smem:$0x3FB7] =	sst s0;
	s0 =	simm.s32 @!p2 $0x0  }
0x16: {  	s3 =	sld [smem:$0x3FDB];
	s0 =	simm.s32 @p2 $0x1  }
0x17: {  	s4 =	simm.s32 $0x1BF5;
	[smem:$0x3FB9] =	sst s0  }
0x18: {  	s0 =	sld [smem:$0x3F9C];
	_ =	swait.ge [sflag:s4], $0x0  }
0x19: {  	s7 =	sld [smem:$0x3F9D]  }
0x1a: {  	s8 =	sadd.s32 $0xFFFFE003, lr  }
0x1b: {  	s9 =	sadd.s32 $0xFFFFFEF7, lr;
	s5 =	simm.s32 $0xFFFFFFFF;
	p2 =	slt.u32 s8, $0xFFFFF086  }
0x1c: {  	p1 =	slt.u32 s9, $0xF7A;
	s5 =	simm.s32 @!p2 $0x0  }
0x1d: {  	s5 =	simm.s32 @p1 $0x1;
	p0 =	seq.s32 s7, s2  }
0x1e: {  	s7 =	smul.u32 @!p0 $0xF7A, s2;
	p2 =	seq.s32 @!p0 s5, $0x0  }
0x1f: {  	s9 =	smul.u32 $0xF7A, s1;
	s8 =	simm.s32 @!p0 $0x1BF5;
	p2 =	por !p2, p0  }
0x20: {  	[sflag:s8] =	ssyncset.s32 @!p0 $0xFFFFF086;
	s6 =	sadd.s32 @!p0 s3, s7;
	s7 =	simm.s32 @!p0 $0x108  }
0x21: {  	s3 =	sadd.s32 s3, s9;
	s6 =	sadd.s32 @!p0 $0x88, s6;
	s7 =	simm.s32 @p2 $0x1082  }
0x22: {  	[simem:s7], [sflag:s8] =	dma.local @!p0 [hbm:s6], $0xF7A  }
0x23: {  	s9 =	sor.u32 $0xD0000000, s2;
	s6 =	simm.s32 $0x108;
	_ =	swait.ge @!p0 [sflag:s8], $0x0  }
0x24: {  	s3 =	sadd.s32 $0x88, s3;
	s6 =	simm.s32 @!p1 $0x1082;
	[sflag:s4] =	ssyncset.s32 $0xFFFFF086  }
0x25: {  	[simem:s6], [sflag:s4] =	dma.local [hbm:s3], $0xF7A  }
0x26: {  	[smem:$0x3F9D] =	sst s1;
	(tag) =	ssettag s2;
	_ =	strace s9  }
0x27: {  	s1 =	sld [smem:$0x3FAD]  }
0x28: {  	s2 =	sld [smem:$0x3FAE]  }
0x29: {  	s4 =	sld [smem:$0x3FB0]  }
0x2a: {  	p0 =	seq.s32 s5, $0x0;
	s5 =	sld [smem:$0x3FB1]  }
0x2b: {  	s6 =	sld [smem:$0x3FB2]  }
0x2c: {  	s7 =	sld [smem:$0x3FB3]  }
0x2d: {  	s3 =	simm.s32 $0x108;
	s8 =	sld [smem:$0x3FB4]  }
0x2e: {  	s3 =	simm.s32 @!p0 $0x1082;
	s9 =	sld [smem:$0x3FB5]  }
0x2f: {  	lr =	sadd.s32 s0, s3;
	s0 =	sld [smem:$0x3FAC]  }
0x30: {  	s3 =	sld [smem:$0x3FAF]  }
0x31: {  	[smem:$0x3FB8] =	sst s10  }
0x32: {  	s10 =	sld [smem:$0x3FB6];
	_ =	sdelay $0x3  }
0x33: {  	p0 =	seq.s32 s10, $0x1;
	s10 =	sld [smem:$0x3FB8];
	_ =	sdelay $0x3  }
0x34: {  	[smem:$0x3FB8] =	sst s10  }
0x35: {  	s10 =	sld [smem:$0x3FB7];
	_ =	sdelay $0x3  }
0x36: {  	p1 =	seq.s32 s10, $0x1;
	s10 =	sld [smem:$0x3FB8];
	_ =	sdelay $0x3  }
0x37: {  	[smem:$0x3FB8] =	sst s10  }
0x38: {  	s10 =	sld [smem:$0x3FB9]  }
0x39: {  	_ = 	snop;
	(pc) =	sbr.ind lr, $3  }
0x3a: {  	_ = 	snop  }
0x3b: {  	_ = 	snop  }
0x3c: {  	p2 =	seq.s32 s10, $0x1;
	s10 =	sld [smem:$0x3FB8]  }
0x3d: {  	_ =	shalt  }
0x3e: {  	_ =	shalt  }
0x3f: {  	_ =	shalt  }
0x40: {  	_ =	shalt  }
0x41: {  	_ =	shalt  }
0x42: {  	_ =	shalt  }
0x43: {  	_ =	shalt  }
0x44: {  	_ =	shalt  }
0x45: {  	_ =	shalt  }
0x46: {  	_ =	shalt  }
0x47: {  	_ =	shalt  }
0x48: {  	_ =	shalt  }
0x49: {  	_ =	shalt  }
0x4a: {  	_ =	shalt  }
0x4b: {  	_ =	shalt  }
0x4c: {  	_ =	shalt  }
0x4d: {  	_ =	shalt  }
0x4e: {  	_ =	shalt  }
0x4f: {  	_ =	shalt  }
0x50: {  	_ =	shalt  }
0x51: {  	_ =	shalt  }
0x52: {  	_ =	shalt  }
0x53: {  	_ =	shalt  }
0x54: {  	_ =	shalt  }
0x55: {  	_ =	shalt  }
0x56: {  	_ =	shalt  }
0x57: {  	_ =	shalt  }
0x58: {  	_ =	shalt  }
0x59: {  	_ =	shalt  }
0x5a: {  	_ =	shalt  }
0x5b: {  	_ =	shalt  }
0x5c: {  	_ =	shalt  }
0x5d: {  	_ =	shalt  }
0x5e: {  	_ =	shalt  }
0x5f: {  	_ =	shalt  }
0x60: {  	_ =	shalt  }
0x61: {  	_ =	shalt  }
0x62: {  	_ =	shalt  }
0x63: {  	_ =	shalt  }
0x64: {  	_ =	shalt  }
0x65: {  	_ =	shalt  }
0x66: {  	_ =	shalt  }
0x67: {  	_ =	shalt  }
0x68: {  	_ =	shalt  }
0x69: {  	_ =	shalt  }
0x6a: {  	_ =	shalt  }
0x6b: {  	_ =	shalt  }
0x6c: {  	_ =	shalt  }
0x6d: {  	_ =	shalt  }
0x6e: {  	_ =	shalt  }
0x6f: {  	_ =	shalt  }
0x70: {  	_ =	shalt  }
0x71: {  	_ =	shalt  }
0x72: {  	_ =	shalt  }
0x73: {  	_ =	shalt  }
0x74: {  	_ =	shalt  }
0x75: {  	_ =	shalt  }
0x76: {  	_ =	shalt  }
0x77: {  	_ =	shalt  }
0x78: {  	_ =	shalt  }
0x79: {  	_ =	shalt  }
0x7a: {  	_ =	shalt  }
0x7b: {  	_ =	shalt  }
0x7c: {  	_ =	shalt  }
0x7d: {  	_ =	shalt  }
0x7e: {  	_ =	shalt  }
0x7f: {  	_ =	shalt  }
0x80: {  	_ =	shalt  }
0x81: {  	_ =	shalt  }
0x82: {  	_ =	shalt  }
0x83: {  	_ =	shalt  }
0x84: {  	_ =	shalt  }
0x85: {  	_ =	shalt  }
0x86: {  	_ =	shalt  }
0x87: {  	_ =	shalt  }
.Lfunc_end0:
.L_simem_size_0:
called_computation_lowered:
.L_overlay_start_0:
0x88: {  	s2 =	sld [smem:$0x3FD9]  }
0x89: {  	s3 =	sld [smem:$0x3FFE];
	_ =	sdelay $0x1  }
0x8a: {  	s1 =	srdreg.scid  }
0x8b: {  	s0 =	sand.u32 $0x1, s1  }
0x8c: {  	s17 =	sshll.u32 s0, $0xA;
	s2 =	sadd.s32 s3, s2  }
0x8d: {  	s2 =	sadd.s32 s2, s17  }
0x8e: {  	[smem:$0x3FC4] =	sst s2  }
0x8f: {  	_ = 	snop  }
0x90: {  	s2 =	sld [smem:$0x3FC9]  }
0x91: {  	s18 =	sld [smem:$0x3FC6]  }
0x92: {  	s4 =	sld [smem:$0x3FD0];
	(tm) =	ssettm $0x1  }
0x93: {  	s5 =	sld [smem:$0x3FFB];
	_ =	sdelay $0x3  }
0x94: {  	_ =	strace s5  }
0x95: {  	s5 =	sld [smem:$0x3FFC];
	_ =	sdelay $0x3  }
0x96: {  	_ =	strace s5  }
0x97: {  	s5 =	sld [smem:$0x3FFD];
	_ =	sdelay $0x3  }
0x98: {  	_ =	strace s5  }
0x99: {  	_ =	strace $0x8FFFFFFF  }
0x9a: {  	s19 =	sld [smem:$0x3FDB];
	_ =	sdelay $0x1  }
0x9b: {  	s6 =	simm.s32 $_scs_section_size  }
0x9c: {  	s7 =	simm.s32 $_size__tile_overlayer_lowered;
	s8 =	simm.s32 $_tile_overlayer_lowered  }
0x9d: {  	s22 =	simm.s32 $0x1BFF;
	s21 =	sshll.u32 s8, $0x1;
	s5 =	sadd.s32 s6, s19  }
0x9e: {  	s9 =	simm.s32 $0x0;
	s20 =	sshll.u32 s7, $0x1;
	s7 =	sadd.s32 s21, s5  }
0x9f: {  	[timem:s9], [sflag:s22] =	dma.local [hbm:s7], s20  }
0xa0: {  	_ =	swait.ge [sflag:s22], s20  }
0xa1: {  	s6 =	ssub.s32 $0x0, s20;
	[sflag:s22] =	ssyncset.done $0x0  }
0xa2: {  	[sflag:s22] =	ssyncadd.s32 s6;
	_ =	sdelay $0x1  }
0xa3: {  	s23 =	simm.s32 $0x1B8B  }
0xa4: {  	_ =	swait.ge [sflag:s23], $0x1  }
0xa5: {  	[sflag:s23] =	ssyncset.done $0x0  }
0xa6: {  	s25 =	simm.s32 $0x1B8E;
	s24 =	sld [smem:$0x3FFE];
	[sflag:s23] =	ssyncadd.s32 $0xFFFFFFFF  }
0xa7: {  	s26 =	simm.s32 $execute0_lowered;
	[smem:$0x3FD2] =	sst s25  }
0xa8: {  	s7 =	sshll.u32 s26, $0x1;
	_ =	strace $0x80000046;
	[dreg:$0x1] =	wrdreg $0xFFFFFFFF  }
0xa9: {  	s28 =	simm.s32 $_size_execute0_lowered;
	s5 =	sadd.s32 s5, s7;
	[dreg:$0x0] =	wrdreg $0x0  }
0xaa: {  	s7 =	sshll.u32 s28, $0x1;
	[dreg:$0x2] =	wrdreg s5  }
0xab: {  	[dreg:$0x3] =	wrdreg s7  }
0xac: {  	[dreg:$0x4] =	wrdreg $0xC0  }
0xad: {  	_ =	task [dreg:s9], $0x5FFFF  }
0xae: {  	[dreg:$0x1] =	wrdreg $0xFFFFFFFF  }
0xaf: {  	[dreg:$0x0] =	wrdreg $0x60  }
0xb0: {  	[dreg:$0x2] =	wrdreg s2  }
0xb1: {  	[dreg:$0x3] =	wrdreg s18  }
0xb2: {  	[dreg:$0x4] =	wrdreg s24  }
0xb3: {  	[dreg:$0x5] =	wrdreg s4  }
0xb4: {  	[dreg:$0x6] =	wrdreg $0x184800  }
0xb5: {  	[dreg:$0x7] =	wrdreg $0x9  }
0xb6: {  	_ =	task.clear_ibuf [dreg:s9], $0x8FFFF;
	_ =	strace $0x90000046  }
0xb7: {  	s29 =	simm.s32 $0x9;
	_ =	strace $0x80000048  }
0xb8: {  	_ =	swait.ge [sflag:s29], $0x1  }
0xb9: {  	[sflag:s29] =	ssyncadd.s32 $0xFFFFFFFF  }
0xba: {  	_ =	strace $0x90000048  }
0xbb: {  	_ =	sfence  }
0xbc: {  	s30 =	sld [smem:$0x0];
	_ =	sdelay $0x2  }
0xbd: {  	s31 =	sshll.u32 s1, $0xD;
	s1 =	sshrl.u32 s1, $0x2  }
0xbe: {  	s3 =	sand.u32 $0x4000, s31;
	s1 =	sadd.s32 s1, s30  }
0xbf: {  	s0 =	sor.u32 s3, s0;
	s1 =	sshll.u32 s1, $0x11  }
0xc0: {  	s0 =	sor.u32 s1, s0  }
0xc1: {  	s0 =	sadd.s32 $0x8F2B, s0  }
0xc2: {  	[sflag:s0] =	ssyncadd.remote.s32 $0x1  }
0xc3: {  	_ =	sfence.sel $0xFFFF  }
0xc4: {  	[dreg:$0x0] =	wrdreg $0xFFFFFFFF;
	(pc) =	sbr.abs _section_cstart, $3  }
0xc5: {  	[dreg:$0x1] =	wrdreg $0xFFFFFFFF  }
0xc6: {  	_ =	task.clear_ibuf [dreg:s9], $0x2FFFF;
	_ =	strace $0x9FFFFFFF  }
0xc7: {  	(tm) =	ssettm $0x7FFFFFFF  }
tec
execute0_lowered:
.L_overlay_start_1:
0x0: {  	(tag) =	ssettag $0x1  }
0x1: {  	s0 =	srdreg.scid  }
0x2: {  	s4 =	sand.u32 $0x1, s0  }
0x3: {  	s1 =	stileid.u32;
	s0 =	sshll.u32 s4, $0x4  }
0x4: {  	s2 =	sor.u32 s1, s0  }
0x5: {  	[smem:$0x7F8] =	sst s4;
	s4 =	ssub.s32 $0x2, s4;
	s3 =	smul.u32 $0xC80, s2  }
0x6: {  	s5 =	sshrl.u32 s4, $0x1;
	s6 =	smul.u32 $0xC800, s2  }
0x7: {  	s7 =	rddreg [dreg:$0x0];
	s8 =	ssub.s32 s4, s5  }
0x8: {  	[smem:$0x7FB] =	sst s8;
	s9 =	sadd.s32 s7, s6;
	s4 =	sadd.s32 $0x80, s3  }
0x9: {  	s5 =	sadd.s32 $0x100, s3;
	s6 =	sadd.s32 $0x180, s3;
	s29 =	sadd.s32 $0xB80, s3  }
0xa: {  	[dreg:$0x6] =	wrdreg s9;
	s8 =	sshll.u32 s4, $0x4;
	s11 =	sshll.u32 s5, $0x4  }
0xb: {  	s9 =	sshll.u32 s6, $0x4;
	s4 =	sshrl.u32 s4, $0x3;
	s10 =	sadd.s32 s7, s8  }
0xc: {  	s12 =	sadd.s32 s7, s11;
	s13 =	sadd.s32 s7, s9;
	[dreg:$0x7] =	wrdreg s10  }
0xd: {  	s8 =	sadd.s32 $0x200, s3;
	s9 =	sadd.s32 $0x280, s3;
	[dreg:$0x8] =	wrdreg s12  }
0xe: {  	[dreg:$0x9] =	wrdreg s13;
	s11 =	sshll.u32 s8, $0x4;
	s10 =	sadd.s32 $0x300, s3  }
0xf: {  	s15 =	sshll.u32 s9, $0x4;
	s14 =	sadd.s32 s7, s11;
	s12 =	smin.u32 s10, $0x18620  }
0x10: {  	s16 =	sadd.s32 s7, s15;
	s11 =	sadd.s32 $0x380, s3;
	[dreg:$0xa] =	wrdreg s14  }
0x11: {  	[dreg:$0xb] =	wrdreg s16;
	s12 =	sshll.u32 s12, $0x4;
	s13 =	smin.u32 s11, $0x18620  }
0x12: {  	s17 =	sadd.s32 s7, s12;
	s12 =	sadd.s32 $0x400, s3;
	s14 =	sshll.u32 s13, $0x4  }
0x13: {  	s13 =	sadd.s32 $0x480, s3;
	[dreg:$0xc] =	wrdreg s17;
	s15 =	smin.u32 s12, $0x18620  }
0x14: {  	s18 =	sadd.s32 s7, s14;
	s20 =	smin.u32 s13, $0x18620;
	s14 =	sadd.s32 $0x500, s3  }
0x15: {  	[dreg:$0xd] =	wrdreg s18;
	s19 =	sshll.u32 s15, $0x4;
	s15 =	sshll.u32 s20, $0x4  }
0x16: {  	s16 =	smin.u32 s14, $0x18620;
	s21 =	sadd.s32 s7, s19;
	s22 =	sadd.s32 s7, s15  }
0x17: {  	s15 =	sadd.s32 $0x580, s3;
	s17 =	sshll.u32 s16, $0x4;
	[dreg:$0xe] =	wrdreg s21  }
0x18: {  	s16 =	sadd.s32 $0x600, s3;
	[dreg:$0xf] =	wrdreg s22;
	s18 =	smin.u32 s15, $0x18620  }
0x19: {  	s23 =	sadd.s32 s7, s17;
	s25 =	smin.u32 s16, $0x18620;
	s17 =	sadd.s32 $0x680, s3  }
0x1a: {  	[dreg:$0x10] =	wrdreg s23;
	s24 =	sshll.u32 s18, $0x4;
	s18 =	sshll.u32 s25, $0x4  }
0x1b: {  	s19 =	smin.u32 s17, $0x18620;
	s26 =	sadd.s32 s7, s24;
	s30 =	sadd.s32 s7, s18  }
0x1c: {  	s18 =	sadd.s32 $0x700, s3;
	s20 =	sshll.u32 s19, $0x4;
	[dreg:$0x11] =	wrdreg s26  }
0x1d: {  	s19 =	sadd.s32 $0x780, s3;
	[dreg:$0x12] =	wrdreg s30;
	s21 =	smin.u32 s18, $0x18620  }
0x1e: {  	s31 =	sadd.s32 s7, s20;
	s1 =	smin.u32 s19, $0x18620;
	s0 =	sshll.u32 s21, $0x4  }
0x1f: {  	[dreg:$0x13] =	wrdreg s31;
	s21 =	sshll.u32 s1, $0x4;
	s20 =	sadd.s32 s7, s0  }
0x20: {  	s22 =	sadd.s32 s7, s21;
	s21 =	sadd.s32 $0x880, s3;
	[dreg:$0x14] =	wrdreg s20  }
0x21: {  	s0 =	stileid.u32;
	s20 =	sadd.s32 $0x800, s3;
	[dreg:$0x15] =	wrdreg s22  }
0x22: {  	s24 =	smin.u32 s21, $0x18620;
	s0 =	sshll.u32 s0, $0xA;
	s22 =	smin.u32 s20, $0x18620  }
0x23: {  	s24 =	sshll.u32 s24, $0x4;
	s23 =	sshll.u32 s22, $0x4;
	s22 =	sadd.s32 $0x900, s3  }
0x24: {  	s26 =	sadd.s32 s7, s24;
	s23 =	sadd.s32 s7, s23;
	s25 =	smin.u32 s22, $0x18620  }
0x25: {  	[dreg:$0x16] =	wrdreg s23;
	s24 =	sshll.u32 s25, $0x4;
	s23 =	sadd.s32 $0x980, s3  }
0x26: {  	[dreg:$0x17] =	wrdreg s26;
	s30 =	sadd.s32 s7, s24;
	s25 =	smin.u32 s23, $0x18620  }
0x27: {  	s24 =	sadd.s32 $0xA00, s3;
	[dreg:$0x18] =	wrdreg s30;
	s26 =	sshll.u32 s25, $0x4  }
0x28: {  	s28 =	smin.u32 s24, $0x18620;
	s25 =	sadd.s32 $0xA80, s3;
	s31 =	sadd.s32 s7, s26  }
0x29: {  	s1 =	sshll.u32 s28, $0x4;
	s28 =	smin.u32 s25, $0x18620;
	[dreg:$0x19] =	wrdreg s31  }
0x2a: {  	s26 =	sadd.s32 s7, s1;
	s30 =	sshll.u32 s28, $0x4;
	s28 =	sadd.s32 $0xB00, s3  }
0x2b: {  	[dreg:$0x1a] =	wrdreg s26;
	s31 =	sadd.s32 s7, s30;
	s1 =	smin.u32 s28, $0x18620  }
0x2c: {  	s30 =	smin.u32 s29, $0x18620;
	[dreg:$0x1b] =	wrdreg s31;
	s26 =	sshll.u32 s1, $0x4  }
0x2d: {  	s31 =	sadd.s32 $0xC00, s3;
	s3 =	sshrl.u32 s3, $0x3;
	s26 =	sadd.s32 s7, s26  }
0x2e: {  	s1 =	smin.u32 s31, $0x18620;
	[dreg:$0x1c] =	wrdreg s26;
	s26 =	sshll.u32 s30, $0x4  }
0x2f: {  	s30 =	sshll.u32 s1, $0x4;
	s1 =	rddreg [dreg:$0x2];
	s26 =	sadd.s32 s7, s26  }
0x30: {  	s7 =	sadd.s32 s7, s30;
	s0 =	sadd.s32 s0, s1;
	s1 =	sadd.s32 $0xE00, s1  }
0x31: {  	s30 =	sshrl.u32 s6, $0x3;
	s6 =	sshrl.u32 s8, $0x3;
	s8 =	sshrl.u32 s10, $0x3  }
0x32: {  	s10 =	sshrl.u32 s11, $0x3;
	s11 =	sshrl.u32 s12, $0x3;
	[dreg:$0x1d] =	wrdreg s26  }
0x33: {  	s12 =	sshrl.u32 s13, $0x3;
	[dreg:$0x1e] =	wrdreg s7;
	s26 =	simm.s32 $0x0  }
0x34: {  	s13 =	sadd.s32 s1, s12;
	s12 =	sshrl.u32 s23, $0x3;
	s23 =	sld [smem:$0x7F8]  }
0x35: {  	s14 =	sshrl.u32 s14, $0x3;
	s3 =	sadd.s32 s1, s3;
	[smem:$0x7FF] =	sst s26  }
0x36: {  	s7 =	sshrl.u32 s5, $0x3;
	s5 =	sadd.s32 s1, s30;
	[dreg:$0x1f] =	wrdreg s3  }
0x37: {  	s15 =	sshrl.u32 s15, $0x3;
	s16 =	sshrl.u32 s16, $0x3;
	[smem:$0x7E1] =	sst s5  }
0x38: {  	s30 =	sadd.s32 s1, s16;
	s16 =	sshrl.u32 s28, $0x3;
	[smem:$0x7E7] =	sst s13  }
0x39: {  	s28 =	simm.s32 $0x7;
	s3 =	sadd.s32 s1, s4;
	[smem:$0x7EA] =	sst s30  }
0x3a: {  	s4 =	sshrl.u32 s17, $0x3;
	s5 =	sshrl.u32 s18, $0x3;
	s13 =	sshrl.u32 s24, $0x3  }
0x3b: {  	s17 =	sshrl.u32 s29, $0x3;
	[smem:$0x7DF] =	sst s3;
	s3 =	sadd.s32 s1, s7  }
0x3c: {  	s7 =	sshrl.u32 s9, $0x3;
	s9 =	sadd.s32 s1, s8;
	[smem:$0x7E0] =	sst s3  }
0x3d: {  	s18 =	sshrl.u32 s31, $0x3;
	s29 =	simm.s32 $0xB;
	[smem:$0x7E4] =	sst s9  }
0x3e: {  	s3 =	sadd.s32 s1, s6;
	s6 =	sshrl.u32 s19, $0x3;
	s19 =	rddreg [dreg:$0x3]  }
0x3f: {  	s8 =	sshrl.u32 s20, $0x3;
	[smem:$0x7E2] =	sst s3;
	s3 =	sadd.s32 s1, s7  }
0x40: {  	s20 =	stileid.u32;
	s7 =	sadd.s32 s1, s6;
	[smem:$0x7E3] =	sst s3  }
0x41: {  	s9 =	sshrl.u32 s21, $0x3;
	s3 =	sadd.s32 s1, s10;
	[smem:$0x7ED] =	sst s7  }
0x42: {  	s10 =	sshrl.u32 s22, $0x3;
	[smem:$0x7E5] =	sst s3;
	s3 =	sadd.s32 s1, s11  }
0x43: {  	s21 =	smul.u32 $0x9000, s20;
	s11 =	sadd.s32 s1, s10;
	[smem:$0x7E6] =	sst s3  }
0x44: {  	s6 =	simm.s32 $0x40;
	s3 =	sadd.s32 s1, s14;
	[smem:$0x7F0] =	sst s11  }
0x45: {  	s14 =	sshrl.u32 s25, $0x3;
	[smem:$0x7E8] =	sst s3;
	s3 =	sadd.s32 s1, s15  }
0x46: {  	s22 =	sshll.u32 s2, $0x2;
	s15 =	sadd.s32 s1, s14;
	[smem:$0x7E9] =	sst s3  }
0x47: {  	s24 =	sshrl.u32 s21, $0x2;
	s3 =	sadd.s32 s1, s4;
	[smem:$0x7F3] =	sst s15  }
0x48: {  	s2 =	sshll.u32 s2, $0x5;
	[smem:$0x7EB] =	sst s3;
	s3 =	sadd.s32 s1, s5  }
0x49: {  	s7 =	simm.s32 $0x18300;
	[smem:$0x7EC] =	sst s3;
	s3 =	sadd.s32 s1, s8  }
0x4a: {  	s21 =	simm.s32 $0x8;
	[smem:$0x7EE] =	sst s3;
	s3 =	sadd.s32 s1, s9  }
0x4b: {  	s25 =	sshll.u32 s20, $0xD;
	[smem:$0x7EF] =	sst s3;
	s3 =	sadd.s32 s1, s12  }
0x4c: {  	s11 =	simm.s32 $0x2;
	[smem:$0x7F1] =	sst s3;
	s3 =	sadd.s32 s1, s13  }
0x4d: {  	s20 =	simm.s32 $0x5;
	[smem:$0x7F2] =	sst s3;
	s3 =	sadd.s32 s1, s16  }
0x4e: {  	s8 =	simm.s32 $0x18380;
	[smem:$0x7F4] =	sst s3;
	s3 =	sadd.s32 s1, s17  }
0x4f: {  	s12 =	simm.s32 $0x80;
	s1 =	sadd.s32 s1, s18;
	[smem:$0x7F5] =	sst s3  }
0x50: {  	s13 =	simm.s32 $0x1;
	[smem:$0x7F6] =	sst s1;
	s1 =	sadd.s32 s19, s22  }
0x51: {  	s16 =	simm.s32 $0x3;
	s18 =	simm.s32 $0x4;
	[smem:$0x7F7] =	sst s1  }
0x52: {  	s1 =	sshll.u32 s23, $0xE;
	s23 =	rddreg [dreg:$0x4];
	_ =	strace $0x80000047  }
0x53: {  	s0 =	sadd.s32 s1, s0;
	s1 =	sadd.s32 s24, s23;
	s31 =	sld [smem:$0x7FB]  }
0x54: {  	v2 =	vlaneseq.u32;
	v5 =	vimm.s32 $0xC350;
	v6 =	vimm.s32 $0x0;
	s30 =	sadd.s32 s25, s23;
	[smem:$0x7F9] =	sst s1;
	s0 =	sadd.s32 $0x4000, s0  }
0x55: {  	v7 =	vimm.s32 $0x61A8;
	v1 =	vor.u32 $0x10, v2;
	v3 =	vadd.s32 $0x1, v2;
	s22 =	simm.s32 $0x9;
	[smem:$0x7FA] =	sst s0;
	s0 =	sshrl.u32 s30, $0x3  }
0x56: {  	v4 =	vadd.s32 $0x11, v2;
	v0 =	vor.u32 s2, v2;
	v1 =	vor.u32 s2, v1;
	s24 =	simm.s32 $0x6;
	[smem:$0x7FD] =	sst s0;
	s1 =	smax.u32 s31, $0x1  }
0x57: {  	v2 =	vor.u32 s2, v3;
	v3 =	vadd.s32 s2, v4;
	v4 =	vimm.f32 $0.0e+00;
	s25 =	simm.s32 $0xA;
	s0 =	simm.s32 $0x0;
	[smem:$0x7FC] =	sst s1  }
.LBB2_1:
0x58: {  	[smem:$0x7DE] =	sst s0;
	s2 =	simm.s32 $0x0;
	s3 =	simm.s32 $0x200  }
.LBB2_2:
0x59: {  	p0 =	sne.s32 s3, $0x8E00;
	[tilespmem:s2+$0x70] =	vst v4  }
0x5a: {  	[tilespmem:s2+$0x0] =	vst v4  }
0x5b: {  	[tilespmem:s2+$0x10] =	vst v4  }
.Ltmp0:
0x5c: {  	[tilespmem:s2+$0x20] =	vst v4;
	(pc) =	sbr.rel @p0 .LBB2_2-.Ltmp0, $4  }
0x5d: {  	[tilespmem:s2+$0x30] =	vst v4  }
0x5e: {  	[tilespmem:s2+$0x40] =	vst v4  }
0x5f: {  	[tilespmem:s2+$0x50] =	vst v4  }
0x60: {  	[tilespmem:s2+$0x60] =	vst v4;
	s2 =	sshra.s32 s3, $0x2;
	s3 =	sadd.s32 $0x200, s3  }
0x61: {  	[tilespmem:s2+$0x70] =	vst v4  }
0x62: {  	[tilespmem:s2+$0x0] =	vst v4  }
0x63: {  	[tilespmem:s2+$0x10] =	vst v4  }
0x64: {  	[tilespmem:s2+$0x20] =	vst v4  }
0x65: {  	[tilespmem:s2+$0x30] =	vst v4  }
0x66: {  	[tilespmem:s2+$0x40] =	vst v4;
	s3 =	sld [smem:$0x7F9]  }
0x67: {  	[tilespmem:s2+$0x50] =	vst v4  }
0x68: {  	[tilespmem:s2+$0x60] =	vst v4;
	s4 =	simm.s32 $0xE  }
0x69: {  	[spmem:s3] =	stream.linear.scatter [tilespmem:s26], [sflag:$0xE], $0x2400, $0x38;
	[tilespmem:$0x1A880] =	vst v63  }
0x6a: {  	_ =	swait.ge [sflag:s4], $0x2400  }
0x6b: {  	[sflag:s4] =	ssyncset.done $0x0  }
0x6c: {  	[sflag:s4] =	ssyncadd.s32 $0xFFFFDC00  }
0x6d: {  	[bflag:$0x0] =	sbarrier.arrive $0xFFFF  }
0x6e: {  	s5 =	rddreg [dreg:$0x6]  }
0x6f: {  	s9 =	rddreg [dreg:$0x1f]  }
0x70: {  	[tilespmem:s26], [sflag:$0x2] =	stream.linear.gather [hbm4b:s5+s26], $0x4000, $0x38;
	[tilespmem:$0x1A880] =	vst v63  }
0x71: {  	s0 =	simm.s32 $0x18000;
	s10 =	rddreg [dreg:$0x7]  }
0x72: {  	[tilespmem:s0], [sflag:$0x2] =	stream.linear.gather [hbm4b:s9+s26], $0x80, $0x38;
	[tilespmem:$0x1A880] =	vst v63  }
0x73: {  	s4 =	simm.s32 $0x4000;
	s14 =	sld [smem:$0x7DF]  }
0x74: {  	[tilespmem:s4], [sflag:$0x3] =	stream.linear.gather [hbm4b:s10+s26], $0x4000, $0x38;
	[tilespmem:$0x1A880] =	vst v63  }
0x75: {  	s15 =	rddreg [dreg:$0x8];
	s5 =	simm.s32 $0x18080  }
0x76: {  	[tilespmem:s5], [sflag:$0x3] =	stream.linear.gather [hbm4b:s14+s26], $0x80, $0x38;
	[tilespmem:$0x1A880] =	vst v63  }
0x77: {  	s17 =	sld [smem:$0x7E0];
	s9 =	simm.s32 $0x8000  }
0x78: {  	[tilespmem:s9], [sflag:$0x4] =	stream.linear.gather [hbm4b:s15+s26], $0x4000, $0x38;
	[tilespmem:$0x1A880] =	vst v63  }
0x79: {  	s30 =	simm.s32 $0x18100;
	s31 =	rddreg [dreg:$0x9]  }
0x7a: {  	[tilespmem:s30], [sflag:$0x4] =	stream.linear.gather [hbm4b:s17+s26], $0x80, $0x38;
	[tilespmem:$0x1A880] =	vst v63  }
0x7b: {  	s1 =	sld [smem:$0x7E1];
	s0 =	simm.s32 $0xC000  }
0x7c: {  	[tilespmem:s0], [sflag:$0x5] =	stream.linear.gather [hbm4b:s31+s26], $0x4000, $0x38;
	[tilespmem:$0x1A880] =	vst v63  }
0x7d: {  	s3 =	simm.s32 $0x18180  }
0x7e: {  	[tilespmem:s3], [sflag:$0x5] =	stream.linear.gather [hbm4b:s1+s26], $0x80, $0x38;
	[tilespmem:$0x1A880] =	vst v63  }
0x7f: {  	[tilespmem:$0x18300] =	vst v5  }
0x80: {  	[tilespmem:$0x18310] =	vst v5  }
0x81: {  	s10 =	rddreg [dreg:$0xa];
	[tilespmem:$0x18320] =	vst v5  }
0x82: {  	s17 =	rddreg [dreg:$0x1];
	[tilespmem:$0x18330] =	vst v5  }
0x83: {  	[tilespmem:s8], [sflag:$0x1] =	stream.indirect.gather [hbm4b:s17+s6], $0x1, s7, s6, $0xb8;
	[tilespmem:$0x1A880] =	vst v63  }
0x84: {  	s14 =	simm.s32 $0x10000;
	s15 =	sld [smem:$0x7E2]  }
0x85: {  	[tilespmem:s14], [sflag:$0x6] =	stream.linear.gather [hbm4b:s10+s26], $0x4000, $0x38;
	[tilespmem:$0x1A880] =	vst v63  }
0x86: {  	s30 =	simm.s32 $0x18200  }
0x87: {  	[tilespmem:s30], [sflag:$0x6] =	stream.linear.gather [hbm4b:s15+s26], $0x80, $0x38;
	[tilespmem:$0x1A880] =	vst v63  }
0x88: {  	_ =	swait.ge [sflag:s11], $0x4000  }
0x89: {  	[sflag:s11] =	ssyncset.done $0x0  }
0x8a: {  	[sflag:s11] =	ssyncadd.s32 $0xFFFFC000  }
0x8b: {  	_ =	swait.ge [sflag:s11], $0x80  }
0x8c: {  	[sflag:s11] =	ssyncset.done $0x0  }
0x8d: {  	s19 =	simm.s32 $0x18000;
	[sflag:s11] =	ssyncadd.s32 $0xFFFFFF80  }
0x8e: {  	[spmem:s23] =	stream.indirect.scatter.add.f32 [tilespmem:s26], [sflag:$0x8], $0x80, s19, s12, $0xb8;
	[tilespmem:$0x1A880] =	vst v63  }
0x8f: {  	_ =	swait.ge [sflag:s13], $0x40  }
0x90: {  	[sflag:s13] =	ssyncset.done $0x0  }
0x91: {  	[sflag:s13] =	ssyncadd.s32 $0xFFFFFFC0  }
0x92: {  	v8 =	vld [tilespmem:$0x18380]  }
0x93: {  	v9 =	vld [tilespmem:$0x18390]  }
0x94: {  	v10 =	vld [tilespmem:$0x183A0]  }
0x95: {  	v11 =	vld [tilespmem:$0x183B0];
	_ =	sdelay $0x1  }
0x96: {  	vm0 =	vlt.s32 v8, v0  }
0x97: {  	vm1 =	vlt.s32 v9, v2;
	v8 =	vsel vm0, $0x124F8, v7  }
0x98: {  	vm2 =	vlt.s32 v10, v1;
	v9 =	vsel vm1, $0x124F8, v7;
	[tilespmem:$0x18300] =	vst v8  }
0x99: {  	vm3 =	vlt.s32 v11, v3;
	v10 =	vsel vm2, $0x124F8, v7;
	[tilespmem:$0x18310] =	vst v9  }
0x9a: {  	v11 =	vsel vm3, $0x124F8, v7;
	[tilespmem:$0x18320] =	vst v10  }
0x9b: {  	s31 =	rddreg [dreg:$0xb];
	[tilespmem:$0x18330] =	vst v11  }
0x9c: {  	[tilespmem:s8], [sflag:$0x1] =	stream.indirect.gather [hbm4b:s17+s6], $0x1, s7, s6, $0xb8;
	[tilespmem:$0x1A880] =	vst v63  }
0x9d: {  	s0 =	simm.s32 $0x14000;
	s1 =	sld [smem:$0x7E3]  }
0x9e: {  	[tilespmem:s0], [sflag:$0x7] =	stream.linear.gather [hbm4b:s31+s26], $0x4000, $0x38;
	[tilespmem:$0x1A880] =	vst v63  }
0x9f: {  	s3 =	simm.s32 $0x18280  }
0xa0: {  	[tilespmem:s3], [sflag:$0x7] =	stream.linear.gather [hbm4b:s1+s26], $0x80, $0x38;
	[tilespmem:$0x1A880] =	vst v63  }
0xa1: {  	_ =	swait.ge [sflag:s16], $0x4000  }
0xa2: {  	[sflag:s16] =	ssyncset.done $0x0  }
0xa3: {  	[sflag:s16] =	ssyncadd.s32 $0xFFFFC000  }
0xa4: {  	_ =	swait.ge [sflag:s16], $0x80  }
0xa5: {  	[sflag:s16] =	ssyncset.done $0x0  }
0xa6: {  	s4 =	simm.s32 $0x4000;
	s5 =	simm.s32 $0x18080;
	[sflag:s16] =	ssyncadd.s32 $0xFFFFFF80  }
0xa7: {  	[spmem:s23] =	stream.indirect.scatter.add.f32 [tilespmem:s4], [sflag:$0x9], $0x80, s5, s12, $0xb8;
	[tilespmem:$0x1A880] =	vst v63  }
0xa8: {  	_ =	swait.ge [sflag:s13], $0x40  }
0xa9: {  	[sflag:s13] =	ssyncset.done $0x0  }
0xaa: {  	[sflag:s13] =	ssyncadd.s32 $0xFFFFFFC0  }
0xab: {  	v12 =	vld [tilespmem:$0x18380]  }
0xac: {  	v13 =	vld [tilespmem:$0x18390]  }
0xad: {  	v15 =	vld [tilespmem:$0x183A0]  }
0xae: {  	v14 =	vsel vm0, $0xC351, v6;
	v22 =	vld [tilespmem:$0x183B0]  }
0xaf: {  	v16 =	vsel vm0, $0x186A0, v5;
	v17 =	vsel vm1, $0xC351, v6;
	v18 =	vsel vm1, $0x186A0, v5  }
0xb0: {  	v19 =	vsel vm2, $0xC351, v6;
	v20 =	vsel vm2, $0x186A0, v5;
	v21 =	vsel vm3, $0xC351, v6  }
0xb1: {  	v23 =	vsel vm3, $0x186A0, v5;
	v38 =	vor.u32 $0x1, v8;
	v39 =	vor.u32 $0x1, v9  }
0xb2: {  	v40 =	vor.u32 $0x1, v10;
	v41 =	vor.u32 $0x1, v11;
	vm12 =	vlt.s32 v12, v0  }
0xb3: {  	vm13 =	vlt.s32 v13, v2;
	vm14 =	vlt.s32 v15, v1;
	vm15 =	vlt.s32 v22, v3  }
0xb4: {  	v12 =	vsel vm12, v38, v14;
	v8 =	vsel vm12, v16, v8;
	v13 =	vsel vm13, v39, v17  }
0xb5: {  	v9 =	vsel vm13, v18, v9;
	v14 =	vsel vm14, v40, v19;
	v10 =	vsel vm14, v20, v10  }
0xb6: {  	v15 =	vsel vm15, v41, v21;
	v11 =	vsel vm15, v23, v11;
	v16 =	vadd.s32 $0xFFFFFFFF, v8  }
0xb7: {  	v18 =	vadd.s32 $0xFFFFFFFF, v9;
	v44 =	vadd.s32 $0xFFFFFFFF, v10;
	v46 =	vadd.s32 $0xFFFFFFFF, v11  }
0xb8: {  	v42 =	vxor.u32 v16, v12;
	v16 =	vor.u32 v16, v12;
	v43 =	vxor.u32 v18, v13  }
0xb9: {  	v18 =	vor.u32 v18, v13;
	v45 =	vxor.u32 v44, v14;
	v17 =	vshrl.u32 v42, $0x1  }
0xba: {  	v19 =	vor.u32 v44, v14;
	v16 =	vsub.s32 v16, v17;
	v17 =	vshrl.u32 v43, $0x1  }
0xbb: {  	v21 =	vxor.u32 v46, v15;
	v17 =	vsub.s32 v18, v17;
	v18 =	vshrl.u32 v45, $0x1;
	[tilespmem:$0x18300] =	vst v16  }
0xbc: {  	v47 =	vor.u32 v46, v15;
	v48 =	vshrl.u32 v21, $0x1;
	v18 =	vsub.s32 v19, v18;
	[tilespmem:$0x18310] =	vst v17  }
0xbd: {  	v19 =	vsub.s32 v47, v48;
	[tilespmem:$0x18320] =	vst v18  }
0xbe: {  	[tilespmem:$0x18330] =	vst v19  }
0xbf: {  	[tilespmem:s8], [sflag:$0x1] =	stream.indirect.gather [hbm4b:s17+s6], $0x1, s7, s6, $0xb8;
	[tilespmem:$0x1A880] =	vst v63  }
0xc0: {  	_ =	swait.ge [sflag:s21], $0x4000  }
0xc1: {  	[sflag:s21] =	ssyncset.done $0x0;
	s14 =	rddreg [dreg:$0xc]  }
0xc2: {  	s15 =	sld [smem:$0x7E4];
	[sflag:s21] =	ssyncadd.s32 $0xFFFFC000  }
0xc3: {  	[tilespmem:s26], [sflag:$0x2] =	stream.linear.gather [hbm4b:s14+s26], $0x4000, $0x38;
	[tilespmem:$0x1A880] =	vst v63  }
0xc4: {  	_ = 	snop  }
0xc5: {  	[tilespmem:s19], [sflag:$0x2] =	stream.linear.gather [hbm4b:s15+s26], $0x80, $0x38;
	[tilespmem:$0x1A880] =	vst v63  }
0xc6: {  	_ =	swait.ge [sflag:s18], $0x4000  }
0xc7: {  	[sflag:s18] =	ssyncset.done $0x0  }
0xc8: {  	[sflag:s18] =	ssyncadd.s32 $0xFFFFC000  }
0xc9: {  	_ =	swait.ge [sflag:s18], $0x80  }
0xca: {  	[sflag:s18] =	ssyncset.done $0x0  }
0xcb: {  	s31 =	simm.s32 $0x18100;
	s14 =	simm.s32 $0x8000;
	[sflag:s18] =	ssyncadd.s32 $0xFFFFFF80  }
0xcc: {  	[spmem:s23] =	stream.indirect.scatter.add.f32 [tilespmem:s14], [sflag:$0xA], $0x80, s31, s12, $0xb8;
	[tilespmem:$0x1A880] =	vst v63  }
0xcd: {  	_ =	swait.ge [sflag:s13], $0x40  }
0xce: {  	[sflag:s13] =	ssyncset.done $0x0  }
0xcf: {  	[sflag:s13] =	ssyncadd.s32 $0xFFFFFFC0  }
0xd0: {  	v49 =	vld [tilespmem:$0x18380]  }
0xd1: {  	v50 =	vld [tilespmem:$0x18390]  }
0xd2: {  	v51 =	vld [tilespmem:$0x183A0]  }
0xd3: {  	v52 =	vld [tilespmem:$0x183B0];
	_ =	sdelay $0x1  }
0xd4: {  	v53 =	vor.u32 $0x1, v16  }
0xd5: {  	v54 =	vor.u32 $0x1, v17;
	v55 =	vor.u32 $0x1, v18;
	v56 =	vor.u32 $0x1, v19  }
0xd6: {  	vm4 =	vlt.s32 v49, v0;
	vm5 =	vlt.s32 v50, v2;
	vm6 =	vlt.s32 v51, v1  }
0xd7: {  	vm7 =	vlt.s32 v52, v3;
	v12 =	vsel vm4, v53, v12;
	v8 =	vsel vm4, v8, v16  }
0xd8: {  	v13 =	vsel vm5, v54, v13;
	v9 =	vsel vm5, v9, v17;
	v14 =	vsel vm6, v55, v14  }
0xd9: {  	v10 =	vsel vm6, v10, v18;
	v15 =	vsel vm7, v56, v15;
	v11 =	vsel vm7, v11, v19  }
0xda: {  	v57 =	vand.u32 v8, v12;
	v58 =	vxor.u32 v8, v12;
	v59 =	vxor.u32 v9, v13  }
0xdb: {  	v60 =	vand.u32 v9, v13;
	v62 =	vxor.u32 v10, v14;
	v17 =	vshrl.u32 v58, $0x1  }
0xdc: {  	v24 =	vxor.u32 v11, v15;
	v18 =	vshrl.u32 v59, $0x1;
	v16 =	vadd.s32 v17, v57  }
0xdd: {  	v25 =	vand.u32 v11, v15;
	v20 =	vshrl.u32 v24, $0x1;
	v61 =	vadd.s32 v18, v60;
	[tilespmem:$0x18300] =	vst v16  }
0xde: {  	v63 =	vand.u32 v10, v14;
	v18 =	vshrl.u32 v62, $0x1;
	v19 =	vadd.s32 v20, v25;
	[tilespmem:$0x18310] =	vst v61  }
0xdf: {  	v18 =	vadd.s32 v18, v63;
	[tilespmem:$0x18330] =	vst v19  }
0xe0: {  	[tilespmem:$0x18320] =	vst v18  }
0xe1: {  	[tilespmem:s8], [sflag:$0x1] =	stream.indirect.gather [hbm4b:s17+s6], $0x1, s7, s6, $0xb8;
	[tilespmem:$0x1A880] =	vst v63  }
0xe2: {  	_ =	swait.ge [sflag:s22], $0x4000  }
0xe3: {  	[sflag:s22] =	ssyncset.done $0x0;
	s30 =	rddreg [dreg:$0xd]  }
0xe4: {  	s10 =	simm.s32 $0x4000;
	s0 =	sld [smem:$0x7E5];
	[sflag:s22] =	ssyncadd.s32 $0xFFFFC000  }
0xe5: {  	[tilespmem:s10], [sflag:$0x3] =	stream.linear.gather [hbm4b:s30+s26], $0x4000, $0x38;
	[tilespmem:$0x1A880] =	vst v63  }
0xe6: {  	s9 =	simm.s32 $0x18080  }
0xe7: {  	[tilespmem:s9], [sflag:$0x3] =	stream.linear.gather [hbm4b:s0+s26], $0x80, $0x38;
	[tilespmem:$0x1A880] =	vst v63  }
0xe8: {  	_ =	swait.ge [sflag:s20], $0x4000  }
0xe9: {  	[sflag:s20] =	ssyncset.done $0x0  }
0xea: {  	[sflag:s20] =	ssyncadd.s32 $0xFFFFC000  }
0xeb: {  	_ =	swait.ge [sflag:s20], $0x80  }
0xec: {  	[sflag:s20] =	ssyncset.done $0x0  }
0xed: {  	s15 =	simm.s32 $0x18180;
	s30 =	simm.s32 $0xC000;
	[sflag:s20] =	ssyncadd.s32 $0xFFFFFF80  }
0xee: {  	[spmem:s23] =	stream.indirect.scatter.add.f32 [tilespmem:s30], [sflag:$0xB], $0x80, s15, s12, $0xb8;
	[tilespmem:$0x1A880] =	vst v63  }
0xef: {  	_ =	swait.ge [sflag:s13], $0x40  }
0xf0: {  	[sflag:s13] =	ssyncset.done $0x0  }
0xf1: {  	[sflag:s13] =	ssyncadd.s32 $0xFFFFFFC0  }
0xf2: {  	v26 =	vld [tilespmem:$0x18380]  }
0xf3: {  	v27 =	vld [tilespmem:$0x18390]  }
0xf4: {  	v28 =	vld [tilespmem:$0x183A0]  }
0xf5: {  	v30 =	vld [tilespmem:$0x183B0];
	_ =	sdelay $0x2  }
0xf6: {  	v29 =	vadd.s32 $0x1, v16;
	v31 =	vadd.s32 $0x1, v61;
	v33 =	vadd.s32 $0x1, v19  }
0xf7: {  	v32 =	vadd.s32 $0x1, v18;
	vm8 =	vlt.s32 v26, v0;
	vm9 =	vlt.s32 v27, v2  }
0xf8: {  	vm10 =	vlt.s32 v28, v1;
	vm11 =	vlt.s32 v30, v3;
	v12 =	vsel vm8, v29, v12  }
0xf9: {  	v8 =	vsel vm8, v8, v16;
	v13 =	vsel vm9, v31, v13;
	v9 =	vsel vm9, v9, v61  }
0xfa: {  	v14 =	vsel vm10, v32, v14;
	v10 =	vsel vm10, v10, v18;
	v34 =	vadd.s32 v8, v12  }
0xfb: {  	v15 =	vsel vm11, v33, v15;
	v36 =	vadd.s32 v9, v13;
	v35 =	vshrl.u32 v34, $0x1  }
0xfc: {  	v11 =	vsel vm11, v11, v19;
	v18 =	vadd.s32 v10, v14;
	v17 =	vshrl.u32 v36, $0x1;
	[tilespmem:$0x18300] =	vst v35  }
0xfd: {  	v19 =	vadd.s32 v11, v15;
	v18 =	vshrl.u32 v18, $0x1;
	[tilespmem:$0x18310] =	vst v17  }
0xfe: {  	v19 =	vshrl.u32 v19, $0x1;
	[tilespmem:$0x18320] =	vst v18  }
0xff: {  	[tilespmem:$0x18330] =	vst v19  }
0x100: {  	[tilespmem:s8], [sflag:$0x1] =	stream.indirect.gather [hbm4b:s17+s6], $0x1, s7, s6, $0xb8;
	[tilespmem:$0x1A880] =	vst v63  }
0x101: {  	_ =	swait.ge [sflag:s25], $0x4000  }
0x102: {  	[sflag:s25] =	ssyncset.done $0x0;
	s1 =	rddreg [dreg:$0xe]  }
0x103: {  	s3 =	sld [smem:$0x7E6];
	[sflag:s25] =	ssyncadd.s32 $0xFFFFC000  }
0x104: {  	[tilespmem:s14], [sflag:$0x4] =	stream.linear.gather [hbm4b:s1+s26], $0x4000, $0x38;
	[tilespmem:$0x1A880] =	vst v63  }
0x105: {  	_ = 	snop  }
0x106: {  	[tilespmem:s31], [sflag:$0x4] =	stream.linear.gather [hbm4b:s3+s26], $0x80, $0x38;
	[tilespmem:$0x1A880] =	vst v63  }
0x107: {  	_ =	swait.ge [sflag:s24], $0x4000  }
0x108: {  	[sflag:s24] =	ssyncset.done $0x0  }
0x109: {  	[sflag:s24] =	ssyncadd.s32 $0xFFFFC000  }
0x10a: {  	_ =	swait.ge [sflag:s24], $0x80  }
0x10b: {  	[sflag:s24] =	ssyncset.done $0x0  }
0x10c: {  	s4 =	simm.s32 $0x18200;
	s1 =	simm.s32 $0x10000;
	[sflag:s24] =	ssyncadd.s32 $0xFFFFFF80  }
0x10d: {  	[spmem:s23] =	stream.indirect.scatter.add.f32 [tilespmem:s1], [sflag:$0xC], $0x80, s4, s12, $0xb8;
	[tilespmem:$0x1A880] =	vst v63  }
0x10e: {  	_ =	swait.ge [sflag:s13], $0x40  }
0x10f: {  	[sflag:s13] =	ssyncset.done $0x0  }
0x110: {  	[sflag:s13] =	ssyncadd.s32 $0xFFFFFFC0  }
0x111: {  	v37 =	vld [tilespmem:$0x18380]  }
0x112: {  	v38 =	vld [tilespmem:$0x18390]  }
0x113: {  	v39 =	vld [tilespmem:$0x183A0]  }
0x114: {  	v41 =	vld [tilespmem:$0x183B0];
	_ =	sdelay $0x2  }
0x115: {  	v40 =	vadd.s32 $0x1, v35;
	v42 =	vadd.s32 $0x1, v17;
	v43 =	vadd.s32 $0x1, v18  }
0x116: {  	v44 =	vadd.s32 $0x1, v19;
	vm12 =	vlt.s32 v37, v0;
	vm13 =	vlt.s32 v38, v2  }
0x117: {  	vm14 =	vlt.s32 v39, v1;
	vm15 =	vlt.s32 v41, v3;
	v12 =	vsel vm12, v40, v12  }
0x118: {  	v8 =	vsel vm12, v8, v35;
	v13 =	vsel vm13, v42, v13;
	v9 =	vsel vm13, v9, v17  }
0x119: {  	v14 =	vsel vm14, v43, v14;
	v10 =	vsel vm14, v10, v18;
	v45 =	vadd.s32 v8, v12  }
0x11a: {  	v15 =	vsel vm15, v44, v15;
	v47 =	vadd.s32 v9, v13;
	v46 =	vshrl.u32 v45, $0x1  }
0x11b: {  	v11 =	vsel vm15, v11, v19;
	v18 =	vadd.s32 v10, v14;
	v17 =	vshrl.u32 v47, $0x1;
	[tilespmem:$0x18300] =	vst v46  }
0x11c: {  	v19 =	vadd.s32 v11, v15;
	v18 =	vshrl.u32 v18, $0x1;
	[tilespmem:$0x18310] =	vst v17  }
0x11d: {  	v19 =	vshrl.u32 v19, $0x1;
	[tilespmem:$0x18320] =	vst v18  }
0x11e: {  	[tilespmem:$0x18330] =	vst v19  }
0x11f: {  	[tilespmem:s8], [sflag:$0x1] =	stream.indirect.gather [hbm4b:s17+s6], $0x1, s7, s6, $0xb8;
	[tilespmem:$0x1A880] =	vst v63  }
0x120: {  	_ =	swait.ge [sflag:s29], $0x4000  }
0x121: {  	[sflag:s29] =	ssyncset.done $0x0;
	s5 =	rddreg [dreg:$0xf]  }
0x122: {  	s10 =	sld [smem:$0x7E7];
	[sflag:s29] =	ssyncadd.s32 $0xFFFFC000  }
0x123: {  	[tilespmem:s30], [sflag:$0x5] =	stream.linear.gather [hbm4b:s5+s26], $0x4000, $0x38;
	[tilespmem:$0x1A880] =	vst v63  }
0x124: {  	_ = 	snop  }
0x125: {  	[tilespmem:s15], [sflag:$0x5] =	stream.linear.gather [hbm4b:s10+s26], $0x80, $0x38;
	[tilespmem:$0x1A880] =	vst v63  }
0x126: {  	_ =	swait.ge [sflag:s28], $0x4000  }
0x127: {  	[sflag:s28] =	ssyncset.done $0x0  }
0x128: {  	[sflag:s28] =	ssyncadd.s32 $0xFFFFC000  }
0x129: {  	_ =	swait.ge [sflag:s28], $0x80  }
0x12a: {  	[sflag:s28] =	ssyncset.done $0x0  }
0x12b: {  	s14 =	simm.s32 $0x14000;
	s15 =	simm.s32 $0x18280;
	[sflag:s28] =	ssyncadd.s32 $0xFFFFFF80  }
0x12c: {  	[spmem:s23] =	stream.indirect.scatter.add.f32 [tilespmem:s14], [sflag:$0xD], $0x80, s15, s12, $0xb8;
	[tilespmem:$0x1A880] =	vst v63  }
0x12d: {  	_ =	swait.ge [sflag:s13], $0x40  }
0x12e: {  	[sflag:s13] =	ssyncset.done $0x0  }
0x12f: {  	[sflag:s13] =	ssyncadd.s32 $0xFFFFFFC0  }
0x130: {  	v48 =	vld [tilespmem:$0x18380]  }
0x131: {  	v49 =	vld [tilespmem:$0x18390]  }
0x132: {  	v50 =	vld [tilespmem:$0x183A0]  }
0x133: {  	v52 =	vld [tilespmem:$0x183B0];
	_ =	sdelay $0x2  }
0x134: {  	v51 =	vadd.s32 $0x1, v46;
	v53 =	vadd.s32 $0x1, v17;
	v54 =	vadd.s32 $0x1, v18  }
0x135: {  	v55 =	vadd.s32 $0x1, v19;
	vm4 =	vlt.s32 v48, v0;
	vm5 =	vlt.s32 v49, v2  }
0x136: {  	vm6 =	vlt.s32 v50, v1;
	vm7 =	vlt.s32 v52, v3;
	v12 =	vsel vm4, v51, v12  }
0x137: {  	v8 =	vsel vm4, v8, v46;
	v13 =	vsel vm5, v53, v13;
	v9 =	vsel vm5, v9, v17  }
0x138: {  	v14 =	vsel vm6, v54, v14;
	v10 =	vsel vm6, v10, v18;
	v56 =	vadd.s32 v8, v12  }
0x139: {  	v15 =	vsel vm7, v55, v15;
	v58 =	vadd.s32 v9, v13;
	v57 =	vshrl.u32 v56, $0x1  }
0x13a: {  	v11 =	vsel vm7, v11, v19;
	v18 =	vadd.s32 v10, v14;
	v17 =	vshrl.u32 v58, $0x1;
	[tilespmem:$0x18300] =	vst v57  }
0x13b: {  	v19 =	vadd.s32 v11, v15;
	v18 =	vshrl.u32 v18, $0x1;
	[tilespmem:$0x18310] =	vst v17  }
0x13c: {  	v19 =	vshrl.u32 v19, $0x1;
	[tilespmem:$0x18320] =	vst v18  }
0x13d: {  	s0 =	simm.s32 $0xC;
	[tilespmem:$0x18330] =	vst v19  }
0x13e: {  	[tilespmem:s8], [sflag:$0x1] =	stream.indirect.gather [hbm4b:s17+s6], $0x1, s7, s6, $0xb8;
	[tilespmem:$0x1A880] =	vst v63  }
0x13f: {  	_ =	swait.ge [sflag:s0], $0x4000  }
0x140: {  	[sflag:s0] =	ssyncset.done $0x0;
	s31 =	rddreg [dreg:$0x10]  }
0x141: {  	s3 =	sld [smem:$0x7E8];
	[sflag:s0] =	ssyncadd.s32 $0xFFFFC000  }
0x142: {  	[tilespmem:s1], [sflag:$0x6] =	stream.linear.gather [hbm4b:s31+s26], $0x4000, $0x38;
	[tilespmem:$0x1A880] =	vst v63  }
0x143: {  	_ = 	snop  }
0x144: {  	[tilespmem:s4], [sflag:$0x6] =	stream.linear.gather [hbm4b:s3+s26], $0x80, $0x38;
	[tilespmem:$0x1A880] =	vst v63  }
0x145: {  	_ =	swait.ge [sflag:s11], $0x4000  }
0x146: {  	[sflag:s11] =	ssyncset.done $0x0  }
0x147: {  	[sflag:s11] =	ssyncadd.s32 $0xFFFFC000  }
0x148: {  	_ =	swait.ge [sflag:s11], $0x80  }
0x149: {  	[sflag:s11] =	ssyncset.done $0x0  }
0x14a: {  	[sflag:s11] =	ssyncadd.s32 $0xFFFFFF80  }
0x14b: {  	[spmem:s23] =	stream.indirect.scatter.add.f32 [tilespmem:s26], [sflag:$0x8], $0x80, s19, s12, $0xb8;
	[tilespmem:$0x1A880] =	vst v63  }
0x14c: {  	_ =	swait.ge [sflag:s13], $0x40  }
0x14d: {  	[sflag:s13] =	ssyncset.done $0x0  }
0x14e: {  	[sflag:s13] =	ssyncadd.s32 $0xFFFFFFC0  }
0x14f: {  	v59 =	vld [tilespmem:$0x18380]  }
0x150: {  	v60 =	vld [tilespmem:$0x18390]  }
0x151: {  	v61 =	vld [tilespmem:$0x183A0]  }
0x152: {  	v63 =	vld [tilespmem:$0x183B0];
	_ =	sdelay $0x2  }
0x153: {  	v62 =	vadd.s32 $0x1, v57;
	v20 =	vadd.s32 $0x1, v17;
	v21 =	vadd.s32 $0x1, v18  }
0x154: {  	v22 =	vadd.s32 $0x1, v19;
	vm8 =	vlt.s32 v59, v0;
	vm9 =	vlt.s32 v60, v2  }
0x155: {  	vm10 =	vlt.s32 v61, v1;
	vm11 =	vlt.s32 v63, v3;
	v12 =	vsel vm8, v62, v12  }
0x156: {  	v8 =	vsel vm8, v8, v57;
	v13 =	vsel vm9, v20, v13;
	v9 =	vsel vm9, v9, v17  }
0x157: {  	v14 =	vsel vm10, v21, v14;
	v10 =	vsel vm10, v10, v18;
	v23 =	vadd.s32 v8, v12  }
0x158: {  	v15 =	vsel vm11, v22, v15;
	v25 =	vadd.s32 v9, v13;
	v24 =	vshrl.u32 v23, $0x1  }
0x159: {  	v11 =	vsel vm11, v11, v19;
	v18 =	vadd.s32 v10, v14;
	v17 =	vshrl.u32 v25, $0x1;
	[tilespmem:$0x18300] =	vst v24  }
0x15a: {  	v19 =	vadd.s32 v11, v15;
	v18 =	vshrl.u32 v18, $0x1;
	[tilespmem:$0x18310] =	vst v17  }
0x15b: {  	v19 =	vshrl.u32 v19, $0x1;
	[tilespmem:$0x18320] =	vst v18  }
0x15c: {  	s1 =	simm.s32 $0xD;
	[tilespmem:$0x18330] =	vst v19  }
0x15d: {  	[tilespmem:s8], [sflag:$0x1] =	stream.indirect.gather [hbm4b:s17+s6], $0x1, s7, s6, $0xb8;
	[tilespmem:$0x1A880] =	vst v63  }
0x15e: {  	_ =	swait.ge [sflag:s1], $0x4000  }
0x15f: {  	[sflag:s1] =	ssyncset.done $0x0;
	s9 =	rddreg [dreg:$0x11]  }
0x160: {  	s10 =	sld [smem:$0x7E9];
	[sflag:s1] =	ssyncadd.s32 $0xFFFFC000  }
0x161: {  	[tilespmem:s14], [sflag:$0x7] =	stream.linear.gather [hbm4b:s9+s26], $0x4000, $0x38;
	[tilespmem:$0x1A880] =	vst v63  }
0x162: {  	_ = 	snop  }
0x163: {  	[tilespmem:s15], [sflag:$0x7] =	stream.linear.gather [hbm4b:s10+s26], $0x80, $0x38;
	[tilespmem:$0x1A880] =	vst v63  }
0x164: {  	_ =	swait.ge [sflag:s16], $0x4000  }
0x165: {  	[sflag:s16] =	ssyncset.done $0x0  }
0x166: {  	[sflag:s16] =	ssyncadd.s32 $0xFFFFC000  }
0x167: {  	_ =	swait.ge [sflag:s16], $0x80  }
0x168: {  	[sflag:s16] =	ssyncset.done $0x0  }
0x169: {  	s14 =	simm.s32 $0x4000;
	s9 =	simm.s32 $0x18080;
	[sflag:s16] =	ssyncadd.s32 $0xFFFFFF80  }
0x16a: {  	[spmem:s23] =	stream.indirect.scatter.add.f32 [tilespmem:s14], [sflag:$0x9], $0x80, s9, s12, $0xb8;
	[tilespmem:$0x1A880] =	vst v63  }
0x16b: {  	_ =	swait.ge [sflag:s13], $0x40  }
0x16c: {  	[sflag:s13] =	ssyncset.done $0x0  }
0x16d: {  	[sflag:s13] =	ssyncadd.s32 $0xFFFFFFC0  }
0x16e: {  	v26 =	vld [tilespmem:$0x18380]  }
0x16f: {  	v27 =	vld [tilespmem:$0x18390]  }
0x170: {  	v28 =	vld [tilespmem:$0x183A0]  }
0x171: {  	v30 =	vld [tilespmem:$0x183B0];
	_ =	sdelay $0x2  }
0x172: {  	v29 =	vadd.s32 $0x1, v24;
	v31 =	vadd.s32 $0x1, v17;
	v32 =	vadd.s32 $0x1, v18  }
0x173: {  	v33 =	vadd.s32 $0x1, v19;
	vm12 =	vlt.s32 v26, v0;
	vm13 =	vlt.s32 v27, v2  }
0x174: {  	vm14 =	vlt.s32 v28, v1;
	vm15 =	vlt.s32 v30, v3;
	v12 =	vsel vm12, v29, v12  }
0x175: {  	v8 =	vsel vm12, v8, v24;
	v13 =	vsel vm13, v31, v13;
	v9 =	vsel vm13, v9, v17  }
0x176: {  	v14 =	vsel vm14, v32, v14;
	v10 =	vsel vm14, v10, v18;
	v34 =	vadd.s32 v8, v12  }
0x177: {  	v15 =	vsel vm15, v33, v15;
	v36 =	vadd.s32 v9, v13;
	v35 =	vshrl.u32 v34, $0x1  }
0x178: {  	v11 =	vsel vm15, v11, v19;
	v18 =	vadd.s32 v10, v14;
	v17 =	vshrl.u32 v36, $0x1;
	[tilespmem:$0x18300] =	vst v35  }
0x179: {  	v19 =	vadd.s32 v11, v15;
	v18 =	vshrl.u32 v18, $0x1;
	[tilespmem:$0x18310] =	vst v17  }
0x17a: {  	v19 =	vshrl.u32 v19, $0x1;
	[tilespmem:$0x18320] =	vst v18  }
0x17b: {  	[tilespmem:$0x18330] =	vst v19  }
0x17c: {  	[tilespmem:s8], [sflag:$0x1] =	stream.indirect.gather [hbm4b:s17+s6], $0x1, s7, s6, $0xb8;
	[tilespmem:$0x1A880] =	vst v63  }
0x17d: {  	_ =	swait.ge [sflag:s21], $0x4000  }
0x17e: {  	[sflag:s21] =	ssyncset.done $0x0;
	s10 =	rddreg [dreg:$0x12]  }
0x17f: {  	s15 =	sld [smem:$0x7EA];
	[sflag:s21] =	ssyncadd.s32 $0xFFFFC000  }
0x180: {  	[tilespmem:s26], [sflag:$0x2] =	stream.linear.gather [hbm4b:s10+s26], $0x4000, $0x38;
	[tilespmem:$0x1A880] =	vst v63  }
0x181: {  	_ = 	snop  }
0x182: {  	[tilespmem:s19], [sflag:$0x2] =	stream.linear.gather [hbm4b:s15+s26], $0x80, $0x38;
	[tilespmem:$0x1A880] =	vst v63  }
0x183: {  	_ =	swait.ge [sflag:s18], $0x4000  }
0x184: {  	[sflag:s18] =	ssyncset.done $0x0  }
0x185: {  	[sflag:s18] =	ssyncadd.s32 $0xFFFFC000  }
0x186: {  	_ =	swait.ge [sflag:s18], $0x80  }
0x187: {  	[sflag:s18] =	ssyncset.done $0x0  }
0x188: {  	s5 =	simm.s32 $0x18100;
	s15 =	simm.s32 $0x8000;
	[sflag:s18] =	ssyncadd.s32 $0xFFFFFF80  }
0x189: {  	[spmem:s23] =	stream.indirect.scatter.add.f32 [tilespmem:s15], [sflag:$0xA], $0x80, s5, s12, $0xb8;
	[tilespmem:$0x1A880] =	vst v63  }
0x18a: {  	_ =	swait.ge [sflag:s13], $0x40  }
0x18b: {  	[sflag:s13] =	ssyncset.done $0x0  }
0x18c: {  	[sflag:s13] =	ssyncadd.s32 $0xFFFFFFC0  }
0x18d: {  	v37 =	vld [tilespmem:$0x18380]  }
0x18e: {  	v38 =	vld [tilespmem:$0x18390]  }
0x18f: {  	v39 =	vld [tilespmem:$0x183A0]  }
0x190: {  	v41 =	vld [tilespmem:$0x183B0];
	_ =	sdelay $0x2  }
0x191: {  	v40 =	vadd.s32 $0x1, v35;
	v42 =	vadd.s32 $0x1, v17;
	v43 =	vadd.s32 $0x1, v18  }
0x192: {  	v44 =	vadd.s32 $0x1, v19;
	vm4 =	vlt.s32 v37, v0;
	vm5 =	vlt.s32 v38, v2  }
0x193: {  	vm6 =	vlt.s32 v39, v1;
	vm7 =	vlt.s32 v41, v3;
	v12 =	vsel vm4, v40, v12  }
0x194: {  	v8 =	vsel vm4, v8, v35;
	v13 =	vsel vm5, v42, v13;
	v9 =	vsel vm5, v9, v17  }
0x195: {  	v14 =	vsel vm6, v43, v14;
	v10 =	vsel vm6, v10, v18;
	v45 =	vadd.s32 v8, v12  }
0x196: {  	v15 =	vsel vm7, v44, v15;
	v47 =	vadd.s32 v9, v13;
	v46 =	vshrl.u32 v45, $0x1  }
0x197: {  	v11 =	vsel vm7, v11, v19;
	v18 =	vadd.s32 v10, v14;
	v17 =	vshrl.u32 v47, $0x1;
	[tilespmem:$0x18300] =	vst v46  }
0x198: {  	v19 =	vadd.s32 v11, v15;
	v18 =	vshrl.u32 v18, $0x1;
	[tilespmem:$0x18310] =	vst v17  }
0x199: {  	v19 =	vshrl.u32 v19, $0x1;
	[tilespmem:$0x18320] =	vst v18  }
0x19a: {  	[tilespmem:$0x18330] =	vst v19  }
0x19b: {  	[tilespmem:s8], [sflag:$0x1] =	stream.indirect.gather [hbm4b:s17+s6], $0x1, s7, s6, $0xb8;
	[tilespmem:$0x1A880] =	vst v63  }
0x19c: {  	_ =	swait.ge [sflag:s22], $0x4000  }
0x19d: {  	[sflag:s22] =	ssyncset.done $0x0;
	s31 =	rddreg [dreg:$0x13]  }
0x19e: {  	s4 =	sld [smem:$0x7EB];
	[sflag:s22] =	ssyncadd.s32 $0xFFFFC000  }
0x19f: {  	[tilespmem:s14], [sflag:$0x3] =	stream.linear.gather [hbm4b:s31+s26], $0x4000, $0x38;
	[tilespmem:$0x1A880] =	vst v63  }
0x1a0: {  	_ = 	snop  }
0x1a1: {  	[tilespmem:s9], [sflag:$0x3] =	stream.linear.gather [hbm4b:s4+s26], $0x80, $0x38;
	[tilespmem:$0x1A880] =	vst v63  }
0x1a2: {  	_ =	swait.ge [sflag:s20], $0x4000  }
0x1a3: {  	[sflag:s20] =	ssyncset.done $0x0  }
0x1a4: {  	[sflag:s20] =	ssyncadd.s32 $0xFFFFC000  }
0x1a5: {  	_ =	swait.ge [sflag:s20], $0x80  }
0x1a6: {  	[sflag:s20] =	ssyncset.done $0x0  }
0x1a7: {  	s10 =	simm.s32 $0x18180;
	s4 =	simm.s32 $0xC000;
	[sflag:s20] =	ssyncadd.s32 $0xFFFFFF80  }
0x1a8: {  	[spmem:s23] =	stream.indirect.scatter.add.f32 [tilespmem:s4], [sflag:$0xB], $0x80, s10, s12, $0xb8;
	[tilespmem:$0x1A880] =	vst v63  }
0x1a9: {  	_ =	swait.ge [sflag:s13], $0x40  }
0x1aa: {  	[sflag:s13] =	ssyncset.done $0x0  }
0x1ab: {  	[sflag:s13] =	ssyncadd.s32 $0xFFFFFFC0  }
0x1ac: {  	v48 =	vld [tilespmem:$0x18380]  }
0x1ad: {  	v49 =	vld [tilespmem:$0x18390]  }
0x1ae: {  	v50 =	vld [tilespmem:$0x183A0]  }
0x1af: {  	v52 =	vld [tilespmem:$0x183B0];
	_ =	sdelay $0x2  }
0x1b0: {  	v51 =	vadd.s32 $0x1, v46;
	v53 =	vadd.s32 $0x1, v17;
	v54 =	vadd.s32 $0x1, v18  }
0x1b1: {  	v55 =	vadd.s32 $0x1, v19;
	vm8 =	vlt.s32 v48, v0;
	vm9 =	vlt.s32 v49, v2  }
0x1b2: {  	vm10 =	vlt.s32 v50, v1;
	vm11 =	vlt.s32 v52, v3;
	v12 =	vsel vm8, v51, v12  }
0x1b3: {  	v8 =	vsel vm8, v8, v46;
	v13 =	vsel vm9, v53, v13;
	v9 =	vsel vm9, v9, v17  }
0x1b4: {  	v14 =	vsel vm10, v54, v14;
	v10 =	vsel vm10, v10, v18;
	v56 =	vadd.s32 v8, v12  }
0x1b5: {  	v15 =	vsel vm11, v55, v15;
	v58 =	vadd.s32 v9, v13;
	v57 =	vshrl.u32 v56, $0x1  }
0x1b6: {  	v11 =	vsel vm11, v11, v19;
	v18 =	vadd.s32 v10, v14;
	v17 =	vshrl.u32 v58, $0x1;
	[tilespmem:$0x18300] =	vst v57  }
0x1b7: {  	v19 =	vadd.s32 v11, v15;
	v18 =	vshrl.u32 v18, $0x1;
	[tilespmem:$0x18310] =	vst v17  }
0x1b8: {  	v19 =	vshrl.u32 v19, $0x1;
	[tilespmem:$0x18320] =	vst v18  }
0x1b9: {  	[tilespmem:$0x18330] =	vst v19  }
0x1ba: {  	[tilespmem:s8], [sflag:$0x1] =	stream.indirect.gather [hbm4b:s17+s6], $0x1, s7, s6, $0xb8;
	[tilespmem:$0x1A880] =	vst v63  }
0x1bb: {  	_ =	swait.ge [sflag:s25], $0x4000  }
0x1bc: {  	[sflag:s25] =	ssyncset.done $0x0  }
0x1bd: {  	s9 =	rddreg [dreg:$0x14];
	[sflag:s25] =	ssyncadd.s32 $0xFFFFC000  }
0x1be: {  	[tilespmem:s15], [sflag:$0x4] =	stream.linear.gather [hbm4b:s9+s26], $0x4000, $0x38;
	[tilespmem:$0x1A880] =	vst v63  }
0x1bf: {  	s15 =	sld [smem:$0x7EC];
	_ =	sdelay $0x2  }
0x1c0: {  	[tilespmem:s5], [sflag:$0x4] =	stream.linear.gather [hbm4b:s15+s26], $0x80, $0x38;
	[tilespmem:$0x1A880] =	vst v63  }
0x1c1: {  	_ =	swait.ge [sflag:s24], $0x4000  }
0x1c2: {  	[sflag:s24] =	ssyncset.done $0x0  }
0x1c3: {  	[sflag:s24] =	ssyncadd.s32 $0xFFFFC000  }
0x1c4: {  	_ =	swait.ge [sflag:s24], $0x80  }
0x1c5: {  	[sflag:s24] =	ssyncset.done $0x0  }
0x1c6: {  	s30 =	simm.s32 $0x18200;
	s15 =	simm.s32 $0x10000;
	[sflag:s24] =	ssyncadd.s32 $0xFFFFFF80  }
0x1c7: {  	[spmem:s23] =	stream.indirect.scatter.add.f32 [tilespmem:s15], [sflag:$0xC], $0x80, s30, s12, $0xb8;
	[tilespmem:$0x1A880] =	vst v63  }
0x1c8: {  	_ =	swait.ge [sflag:s13], $0x40  }
0x1c9: {  	[sflag:s13] =	ssyncset.done $0x0  }
0x1ca: {  	[sflag:s13] =	ssyncadd.s32 $0xFFFFFFC0  }
0x1cb: {  	v59 =	vld [tilespmem:$0x18380]  }
0x1cc: {  	v60 =	vld [tilespmem:$0x18390]  }
0x1cd: {  	v61 =	vld [tilespmem:$0x183A0]  }
0x1ce: {  	v63 =	vld [tilespmem:$0x183B0];
	_ =	sdelay $0x2  }
0x1cf: {  	v62 =	vadd.s32 $0x1, v57;
	v24 =	vadd.s32 $0x1, v17;
	v25 =	vadd.s32 $0x1, v18  }
0x1d0: {  	v26 =	vadd.s32 $0x1, v19;
	vm12 =	vlt.s32 v59, v0;
	vm13 =	vlt.s32 v60, v2  }
0x1d1: {  	vm14 =	vlt.s32 v61, v1;
	vm15 =	vlt.s32 v63, v3;
	v12 =	vsel vm12, v62, v12  }
0x1d2: {  	v8 =	vsel vm12, v8, v57;
	v13 =	vsel vm13, v24, v13;
	v9 =	vsel vm13, v9, v17  }
0x1d3: {  	v14 =	vsel vm14, v25, v14;
	v10 =	vsel vm14, v10, v18;
	v27 =	vadd.s32 v8, v12  }
0x1d4: {  	v15 =	vsel vm15, v26, v15;
	v29 =	vadd.s32 v9, v13;
	v28 =	vshrl.u32 v27, $0x1  }
0x1d5: {  	v11 =	vsel vm15, v11, v19;
	v18 =	vadd.s32 v10, v14;
	v17 =	vshrl.u32 v29, $0x1;
	[tilespmem:$0x18300] =	vst v28  }
0x1d6: {  	v19 =	vadd.s32 v11, v15;
	v18 =	vshrl.u32 v18, $0x1;
	[tilespmem:$0x18310] =	vst v17  }
0x1d7: {  	v19 =	vshrl.u32 v19, $0x1;
	[tilespmem:$0x18320] =	vst v18  }
0x1d8: {  	[tilespmem:$0x18330] =	vst v19  }
0x1d9: {  	[tilespmem:s8], [sflag:$0x1] =	stream.indirect.gather [hbm4b:s17+s6], $0x1, s7, s6, $0xb8;
	[tilespmem:$0x1A880] =	vst v63  }
0x1da: {  	_ =	swait.ge [sflag:s29], $0x4000  }
0x1db: {  	[sflag:s29] =	ssyncset.done $0x0  }
0x1dc: {  	s5 =	rddreg [dreg:$0x15];
	[sflag:s29] =	ssyncadd.s32 $0xFFFFC000  }
0x1dd: {  	[tilespmem:s4], [sflag:$0x5] =	stream.linear.gather [hbm4b:s5+s26], $0x4000, $0x38;
	[tilespmem:$0x1A880] =	vst v63  }
0x1de: {  	s4 =	sld [smem:$0x7ED];
	_ =	sdelay $0x2  }
0x1df: {  	[tilespmem:s10], [sflag:$0x5] =	stream.linear.gather [hbm4b:s4+s26], $0x80, $0x38;
	[tilespmem:$0x1A880] =	vst v63  }
0x1e0: {  	_ =	swait.ge [sflag:s28], $0x4000  }
0x1e1: {  	[sflag:s28] =	ssyncset.done $0x0  }
0x1e2: {  	[sflag:s28] =	ssyncadd.s32 $0xFFFFC000  }
0x1e3: {  	_ =	swait.ge [sflag:s28], $0x80  }
0x1e4: {  	[sflag:s28] =	ssyncset.done $0x0  }
0x1e5: {  	s3 =	simm.s32 $0x18280;
	s10 =	simm.s32 $0x14000;
	[sflag:s28] =	ssyncadd.s32 $0xFFFFFF80  }
0x1e6: {  	[spmem:s23] =	stream.indirect.scatter.add.f32 [tilespmem:s10], [sflag:$0xD], $0x80, s3, s12, $0xb8;
	[tilespmem:$0x1A880] =	vst v63  }
0x1e7: {  	_ =	swait.ge [sflag:s13], $0x40  }
0x1e8: {  	[sflag:s13] =	ssyncset.done $0x0  }
0x1e9: {  	[sflag:s13] =	ssyncadd.s32 $0xFFFFFFC0  }
0x1ea: {  	v30 =	vld [tilespmem:$0x18380]  }
0x1eb: {  	v31 =	vld [tilespmem:$0x18390]  }
0x1ec: {  	v32 =	vld [tilespmem:$0x183A0]  }
0x1ed: {  	v34 =	vld [tilespmem:$0x183B0];
	_ =	sdelay $0x2  }
0x1ee: {  	v33 =	vadd.s32 $0x1, v28;
	v35 =	vadd.s32 $0x1, v17;
	v36 =	vadd.s32 $0x1, v18  }
0x1ef: {  	v37 =	vadd.s32 $0x1, v19;
	vm4 =	vlt.s32 v30, v0;
	vm5 =	vlt.s32 v31, v2  }
0x1f0: {  	vm6 =	vlt.s32 v32, v1;
	vm7 =	vlt.s32 v34, v3;
	v12 =	vsel vm4, v33, v12  }
0x1f1: {  	v8 =	vsel vm4, v8, v28;
	v13 =	vsel vm5, v35, v13;
	v9 =	vsel vm5, v9, v17  }
0x1f2: {  	v14 =	vsel vm6, v36, v14;
	v10 =	vsel vm6, v10, v18;
	v38 =	vadd.s32 v8, v12  }
0x1f3: {  	v15 =	vsel vm7, v37, v15;
	v40 =	vadd.s32 v9, v13;
	v39 =	vshrl.u32 v38, $0x1  }
0x1f4: {  	v11 =	vsel vm7, v11, v19;
	v18 =	vadd.s32 v10, v14;
	v17 =	vshrl.u32 v40, $0x1;
	[tilespmem:$0x18300] =	vst v39  }
0x1f5: {  	v19 =	vadd.s32 v11, v15;
	v18 =	vshrl.u32 v18, $0x1;
	[tilespmem:$0x18310] =	vst v17  }
0x1f6: {  	v19 =	vshrl.u32 v19, $0x1;
	[tilespmem:$0x18320] =	vst v18  }
0x1f7: {  	[tilespmem:$0x18330] =	vst v19  }
0x1f8: {  	[tilespmem:s8], [sflag:$0x1] =	stream.indirect.gather [hbm4b:s17+s6], $0x1, s7, s6, $0xb8;
	[tilespmem:$0x1A880] =	vst v63  }
0x1f9: {  	_ =	swait.ge [sflag:s0], $0x4000  }
0x1fa: {  	[sflag:s0] =	ssyncset.done $0x0  }
0x1fb: {  	s2 =	rddreg [dreg:$0x16];
	[sflag:s0] =	ssyncadd.s32 $0xFFFFC000  }
0x1fc: {  	[tilespmem:s15], [sflag:$0x6] =	stream.linear.gather [hbm4b:s2+s26], $0x4000, $0x38;
	[tilespmem:$0x1A880] =	vst v63  }
0x1fd: {  	s15 =	sld [smem:$0x7EE];
	_ =	sdelay $0x2  }
0x1fe: {  	[tilespmem:s30], [sflag:$0x6] =	stream.linear.gather [hbm4b:s15+s26], $0x80, $0x38;
	[tilespmem:$0x1A880] =	vst v63  }
0x1ff: {  	_ =	swait.ge [sflag:s11], $0x4000  }
0x200: {  	[sflag:s11] =	ssyncset.done $0x0  }
0x201: {  	[sflag:s11] =	ssyncadd.s32 $0xFFFFC000  }
0x202: {  	_ =	swait.ge [sflag:s11], $0x80  }
0x203: {  	[sflag:s11] =	ssyncset.done $0x0  }
0x204: {  	[sflag:s11] =	ssyncadd.s32 $0xFFFFFF80  }
0x205: {  	[spmem:s23] =	stream.indirect.scatter.add.f32 [tilespmem:s26], [sflag:$0x8], $0x80, s19, s12, $0xb8;
	[tilespmem:$0x1A880] =	vst v63  }
0x206: {  	_ =	swait.ge [sflag:s13], $0x40  }
0x207: {  	[sflag:s13] =	ssyncset.done $0x0  }
0x208: {  	[sflag:s13] =	ssyncadd.s32 $0xFFFFFFC0  }
0x209: {  	v41 =	vld [tilespmem:$0x18380]  }
0x20a: {  	v42 =	vld [tilespmem:$0x18390]  }
0x20b: {  	v43 =	vld [tilespmem:$0x183A0]  }
0x20c: {  	v45 =	vld [tilespmem:$0x183B0];
	_ =	sdelay $0x2  }
0x20d: {  	v44 =	vadd.s32 $0x1, v39;
	v46 =	vadd.s32 $0x1, v17;
	v47 =	vadd.s32 $0x1, v18  }
0x20e: {  	v48 =	vadd.s32 $0x1, v19;
	vm8 =	vlt.s32 v41, v0;
	vm9 =	vlt.s32 v42, v2  }
0x20f: {  	vm10 =	vlt.s32 v43, v1;
	vm11 =	vlt.s32 v45, v3;
	v12 =	vsel vm8, v44, v12  }
0x210: {  	v8 =	vsel vm8, v8, v39;
	v13 =	vsel vm9, v46, v13;
	v9 =	vsel vm9, v9, v17  }
0x211: {  	v14 =	vsel vm10, v47, v14;
	v10 =	vsel vm10, v10, v18;
	v49 =	vadd.s32 v8, v12  }
0x212: {  	v15 =	vsel vm11, v48, v15;
	v51 =	vadd.s32 v9, v13;
	v50 =	vshrl.u32 v49, $0x1  }
0x213: {  	v11 =	vsel vm11, v11, v19;
	v18 =	vadd.s32 v10, v14;
	v17 =	vshrl.u32 v51, $0x1;
	[tilespmem:$0x18300] =	vst v50  }
0x214: {  	v19 =	vadd.s32 v11, v15;
	v18 =	vshrl.u32 v18, $0x1;
	[tilespmem:$0x18310] =	vst v17  }
0x215: {  	v19 =	vshrl.u32 v19, $0x1;
	[tilespmem:$0x18320] =	vst v18  }
0x216: {  	[tilespmem:$0x18330] =	vst v19  }
0x217: {  	[tilespmem:s8], [sflag:$0x1] =	stream.indirect.gather [hbm4b:s17+s6], $0x1, s7, s6, $0xb8;
	[tilespmem:$0x1A880] =	vst v63  }
0x218: {  	_ =	swait.ge [sflag:s1], $0x4000  }
0x219: {  	[sflag:s1] =	ssyncset.done $0x0  }
0x21a: {  	s30 =	rddreg [dreg:$0x17];
	[sflag:s1] =	ssyncadd.s32 $0xFFFFC000  }
0x21b: {  	[tilespmem:s10], [sflag:$0x7] =	stream.linear.gather [hbm4b:s30+s26], $0x4000, $0x38;
	[tilespmem:$0x1A880] =	vst v63  }
0x21c: {  	s10 =	sld [smem:$0x7EF];
	_ =	sdelay $0x2  }
0x21d: {  	[tilespmem:s3], [sflag:$0x7] =	stream.linear.gather [hbm4b:s10+s26], $0x80, $0x38;
	[tilespmem:$0x1A880] =	vst v63  }
0x21e: {  	_ =	swait.ge [sflag:s16], $0x4000  }
0x21f: {  	[sflag:s16] =	ssyncset.done $0x0  }
0x220: {  	[sflag:s16] =	ssyncadd.s32 $0xFFFFC000  }
0x221: {  	_ =	swait.ge [sflag:s16], $0x80  }
0x222: {  	[sflag:s16] =	ssyncset.done $0x0  }
0x223: {  	s14 =	simm.s32 $0x18080;
	s3 =	simm.s32 $0x4000;
	[sflag:s16] =	ssyncadd.s32 $0xFFFFFF80  }
0x224: {  	[spmem:s23] =	stream.indirect.scatter.add.f32 [tilespmem:s3], [sflag:$0x9], $0x80, s14, s12, $0xb8;
	[tilespmem:$0x1A880] =	vst v63  }
0x225: {  	_ =	swait.ge [sflag:s13], $0x40  }
0x226: {  	[sflag:s13] =	ssyncset.done $0x0  }
0x227: {  	[sflag:s13] =	ssyncadd.s32 $0xFFFFFFC0  }
0x228: {  	v52 =	vld [tilespmem:$0x18380]  }
0x229: {  	v53 =	vld [tilespmem:$0x18390]  }
0x22a: {  	v54 =	vld [tilespmem:$0x183A0]  }
0x22b: {  	v56 =	vld [tilespmem:$0x183B0];
	_ =	sdelay $0x2  }
0x22c: {  	v55 =	vadd.s32 $0x1, v50;
	v57 =	vadd.s32 $0x1, v17;
	v58 =	vadd.s32 $0x1, v18  }
0x22d: {  	v59 =	vadd.s32 $0x1, v19;
	vm12 =	vlt.s32 v52, v0;
	vm13 =	vlt.s32 v53, v2  }
0x22e: {  	vm14 =	vlt.s32 v54, v1;
	vm15 =	vlt.s32 v56, v3;
	v12 =	vsel vm12, v55, v12  }
0x22f: {  	v8 =	vsel vm12, v8, v50;
	v13 =	vsel vm13, v57, v13;
	v9 =	vsel vm13, v9, v17  }
0x230: {  	v14 =	vsel vm14, v58, v14;
	v10 =	vsel vm14, v10, v18;
	v60 =	vadd.s32 v8, v12  }
0x231: {  	v15 =	vsel vm15, v59, v15;
	v62 =	vadd.s32 v9, v13;
	v61 =	vshrl.u32 v60, $0x1  }
0x232: {  	v11 =	vsel vm15, v11, v19;
	v18 =	vadd.s32 v10, v14;
	v17 =	vshrl.u32 v62, $0x1;
	[tilespmem:$0x18300] =	vst v61  }
0x233: {  	v19 =	vadd.s32 v11, v15;
	v18 =	vshrl.u32 v18, $0x1;
	[tilespmem:$0x18310] =	vst v17  }
0x234: {  	v19 =	vshrl.u32 v19, $0x1;
	[tilespmem:$0x18320] =	vst v18  }
0x235: {  	[tilespmem:$0x18330] =	vst v19  }
0x236: {  	[tilespmem:s8], [sflag:$0x1] =	stream.indirect.gather [hbm4b:s17+s6], $0x1, s7, s6, $0xb8;
	[tilespmem:$0x1A880] =	vst v63  }
0x237: {  	_ =	swait.ge [sflag:s21], $0x4000  }
0x238: {  	[sflag:s21] =	ssyncset.done $0x0;
	s15 =	rddreg [dreg:$0x18]  }
0x239: {  	s30 =	sld [smem:$0x7F0];
	[sflag:s21] =	ssyncadd.s32 $0xFFFFC000  }
0x23a: {  	[tilespmem:s26], [sflag:$0x2] =	stream.linear.gather [hbm4b:s15+s26], $0x4000, $0x38;
	[tilespmem:$0x1A880] =	vst v63  }
0x23b: {  	_ = 	snop  }
0x23c: {  	[tilespmem:s19], [sflag:$0x2] =	stream.linear.gather [hbm4b:s30+s26], $0x80, $0x38;
	[tilespmem:$0x1A880] =	vst v63  }
0x23d: {  	_ =	swait.ge [sflag:s18], $0x4000  }
0x23e: {  	[sflag:s18] =	ssyncset.done $0x0  }
0x23f: {  	[sflag:s18] =	ssyncadd.s32 $0xFFFFC000  }
0x240: {  	_ =	swait.ge [sflag:s18], $0x80  }
0x241: {  	[sflag:s18] =	ssyncset.done $0x0  }
0x242: {  	s31 =	simm.s32 $0x8000;
	s9 =	simm.s32 $0x18100;
	[sflag:s18] =	ssyncadd.s32 $0xFFFFFF80  }
0x243: {  	[spmem:s23] =	stream.indirect.scatter.add.f32 [tilespmem:s31], [sflag:$0xA], $0x80, s9, s12, $0xb8;
	[tilespmem:$0x1A880] =	vst v63  }
0x244: {  	_ =	swait.ge [sflag:s13], $0x40  }
0x245: {  	[sflag:s13] =	ssyncset.done $0x0  }
0x246: {  	[sflag:s13] =	ssyncadd.s32 $0xFFFFFFC0  }
0x247: {  	v63 =	vld [tilespmem:$0x18380]  }
0x248: {  	v24 =	vld [tilespmem:$0x18390]  }
0x249: {  	v25 =	vld [tilespmem:$0x183A0]  }
0x24a: {  	v27 =	vld [tilespmem:$0x183B0];
	_ =	sdelay $0x2  }
0x24b: {  	v26 =	vadd.s32 $0x1, v61;
	v28 =	vadd.s32 $0x1, v17;
	v29 =	vadd.s32 $0x1, v18  }
0x24c: {  	v30 =	vadd.s32 $0x1, v19;
	vm4 =	vlt.s32 v63, v0;
	vm5 =	vlt.s32 v24, v2  }
0x24d: {  	vm6 =	vlt.s32 v25, v1;
	vm7 =	vlt.s32 v27, v3;
	v12 =	vsel vm4, v26, v12  }
0x24e: {  	v8 =	vsel vm4, v8, v61;
	v13 =	vsel vm5, v28, v13;
	v9 =	vsel vm5, v9, v17  }
0x24f: {  	v14 =	vsel vm6, v29, v14;
	v10 =	vsel vm6, v10, v18;
	v31 =	vadd.s32 v8, v12  }
0x250: {  	v15 =	vsel vm7, v30, v15;
	v33 =	vadd.s32 v9, v13;
	v32 =	vshrl.u32 v31, $0x1  }
0x251: {  	v34 =	vsel vm7, v11, v19;
	v35 =	vadd.s32 v10, v14;
	v17 =	vshrl.u32 v33, $0x1;
	[tilespmem:$0x18300] =	vst v32  }
0x252: {  	v37 =	vadd.s32 v34, v15;
	v36 =	vshrl.u32 v35, $0x1;
	[tilespmem:$0x18310] =	vst v17  }
0x253: {  	v38 =	vshrl.u32 v37, $0x1;
	[tilespmem:$0x18320] =	vst v36  }
0x254: {  	[tilespmem:$0x18330] =	vst v38  }
0x255: {  	[tilespmem:s8], [sflag:$0x1] =	stream.indirect.gather [hbm4b:s17+s6], $0x1, s7, s6, $0xb8;
	[tilespmem:$0x1A880] =	vst v63  }
0x256: {  	_ =	swait.ge [sflag:s22], $0x4000  }
0x257: {  	[sflag:s22] =	ssyncset.done $0x0;
	s10 =	rddreg [dreg:$0x19]  }
0x258: {  	s15 =	sld [smem:$0x7F1];
	[sflag:s22] =	ssyncadd.s32 $0xFFFFC000  }
0x259: {  	[tilespmem:s3], [sflag:$0x3] =	stream.linear.gather [hbm4b:s10+s26], $0x4000, $0x38;
	[tilespmem:$0x1A880] =	vst v63  }
0x25a: {  	_ = 	snop  }
0x25b: {  	[tilespmem:s14], [sflag:$0x3] =	stream.linear.gather [hbm4b:s15+s26], $0x80, $0x38;
	[tilespmem:$0x1A880] =	vst v63  }
0x25c: {  	_ =	swait.ge [sflag:s20], $0x4000  }
0x25d: {  	[sflag:s20] =	ssyncset.done $0x0  }
0x25e: {  	[sflag:s20] =	ssyncadd.s32 $0xFFFFC000  }
0x25f: {  	_ =	swait.ge [sflag:s20], $0x80  }
0x260: {  	[sflag:s20] =	ssyncset.done $0x0  }
0x261: {  	s5 =	simm.s32 $0xC000;
	s4 =	simm.s32 $0x18180;
	[sflag:s20] =	ssyncadd.s32 $0xFFFFFF80  }
0x262: {  	[spmem:s23] =	stream.indirect.scatter.add.f32 [tilespmem:s5], [sflag:$0xB], $0x80, s4, s12, $0xb8;
	[tilespmem:$0x1A880] =	vst v63  }
0x263: {  	_ =	swait.ge [sflag:s13], $0x40  }
0x264: {  	[sflag:s13] =	ssyncset.done $0x0  }
0x265: {  	[sflag:s13] =	ssyncadd.s32 $0xFFFFFFC0  }
0x266: {  	v39 =	vld [tilespmem:$0x18380]  }
0x267: {  	v40 =	vld [tilespmem:$0x18390]  }
0x268: {  	v41 =	vld [tilespmem:$0x183A0]  }
0x269: {  	v42 =	vld [tilespmem:$0x183B0];
	_ =	sdelay $0x1  }
0x26a: {  	v43 =	vadd.s32 $0x1, v32  }
0x26b: {  	v44 =	vadd.s32 $0x1, v17;
	v47 =	vadd.s32 $0x1, v36;
	v48 =	vadd.s32 $0x1, v38  }
0x26c: {  	vm8 =	vlt.s32 v39, v0;
	vm9 =	vlt.s32 v40, v2;
	vm10 =	vlt.s32 v41, v1  }
0x26d: {  	vm11 =	vlt.s32 v42, v3;
	v11 =	vsel vm8, v43, v12;
	v45 =	vsel vm8, v8, v32  }
0x26e: {  	v8 =	vsel vm9, v44, v13;
	v46 =	vsel vm9, v9, v17;
	v9 =	vsel vm10, v47, v14  }
0x26f: {  	v49 =	vsel vm10, v10, v36;
	v50 =	vsel vm11, v48, v15;
	v12 =	vadd.s32 v45, v11  }
0x270: {  	v51 =	vsel vm11, v34, v38;
	v13 =	vadd.s32 v46, v8;
	v12 =	vshrl.u32 v12, $0x1  }
0x271: {  	v52 =	vadd.s32 v49, v9;
	v13 =	vshrl.u32 v13, $0x1;
	v53 =	vmin.u32 v12, $0x1869F  }
0x272: {  	v14 =	vadd.s32 v51, v50;
	v15 =	vshrl.u32 v52, $0x1;
	v54 =	vmin.u32 v13, $0x1869F;
	[tilespmem:$0x18300] =	vst v53  }
0x273: {  	v14 =	vshrl.u32 v14, $0x1;
	v55 =	vmin.u32 v15, $0x1869F;
	[tilespmem:$0x18310] =	vst v54  }
0x274: {  	v56 =	vmin.u32 v14, $0x1869F;
	[tilespmem:$0x18320] =	vst v55  }
0x275: {  	[tilespmem:$0x18330] =	vst v56  }
0x276: {  	[tilespmem:s8], [sflag:$0x1] =	stream.indirect.gather [hbm4b:s17+s6], $0x1, s7, s6, $0xb8;
	[tilespmem:$0x1A880] =	vst v63  }
0x277: {  	_ =	swait.ge [sflag:s25], $0x4000  }
0x278: {  	[sflag:s25] =	ssyncset.done $0x0;
	s19 =	rddreg [dreg:$0x1a]  }
0x279: {  	s30 =	sld [smem:$0x7F2];
	[sflag:s25] =	ssyncadd.s32 $0xFFFFC000  }
0x27a: {  	[tilespmem:s31], [sflag:$0x4] =	stream.linear.gather [hbm4b:s19+s26], $0x4000, $0x38;
	[tilespmem:$0x1A880] =	vst v63  }
0x27b: {  	_ = 	snop  }
0x27c: {  	[tilespmem:s9], [sflag:$0x4] =	stream.linear.gather [hbm4b:s30+s26], $0x80, $0x38;
	[tilespmem:$0x1A880] =	vst v63  }
0x27d: {  	_ =	swait.ge [sflag:s24], $0x4000  }
0x27e: {  	[sflag:s24] =	ssyncset.done $0x0  }
0x27f: {  	[sflag:s24] =	ssyncadd.s32 $0xFFFFC000  }
0x280: {  	_ =	swait.ge [sflag:s24], $0x80  }
0x281: {  	[sflag:s24] =	ssyncset.done $0x0  }
0x282: {  	s19 =	simm.s32 $0x10000;
	s30 =	simm.s32 $0x18200;
	[sflag:s24] =	ssyncadd.s32 $0xFFFFFF80  }
0x283: {  	[spmem:s23] =	stream.indirect.scatter.add.f32 [tilespmem:s19], [sflag:$0xC], $0x80, s30, s12, $0xb8;
	[tilespmem:$0x1A880] =	vst v63  }
0x284: {  	_ =	swait.ge [sflag:s13], $0x40  }
0x285: {  	[sflag:s13] =	ssyncset.done $0x0  }
0x286: {  	[sflag:s13] =	ssyncadd.s32 $0xFFFFFFC0  }
0x287: {  	v57 =	vld [tilespmem:$0x18380]  }
0x288: {  	v58 =	vld [tilespmem:$0x18390]  }
0x289: {  	v59 =	vld [tilespmem:$0x183A0]  }
0x28a: {  	v60 =	vld [tilespmem:$0x183B0];
	_ =	swait.ge [sflag:s29], $0x4000  }
0x28b: {  	[sflag:s29] =	ssyncset.done $0x0;
	s10 =	rddreg [dreg:$0x1b]  }
0x28c: {  	s15 =	sld [smem:$0x7F3];
	[sflag:s29] =	ssyncadd.s32 $0xFFFFC000  }
0x28d: {  	[tilespmem:s5], [sflag:$0x5] =	stream.linear.gather [hbm4b:s10+s26], $0x4000, $0x38;
	[tilespmem:$0x1A880] =	vst v63  }
0x28e: {  	_ = 	snop  }
0x28f: {  	[tilespmem:s4], [sflag:$0x5] =	stream.linear.gather [hbm4b:s15+s26], $0x80, $0x38;
	[tilespmem:$0x1A880] =	vst v63  }
0x290: {  	_ =	swait.ge [sflag:s28], $0x4000  }
0x291: {  	[sflag:s28] =	ssyncset.done $0x0  }
0x292: {  	[sflag:s28] =	ssyncadd.s32 $0xFFFFC000  }
0x293: {  	_ =	swait.ge [sflag:s28], $0x80  }
0x294: {  	[sflag:s28] =	ssyncset.done $0x0  }
0x295: {  	s10 =	simm.s32 $0x18280;
	s15 =	simm.s32 $0x14000;
	[sflag:s28] =	ssyncadd.s32 $0xFFFFFF80  }
0x296: {  	[spmem:s23] =	stream.indirect.scatter.add.f32 [tilespmem:s15], [sflag:$0xD], $0x80, s10, s12, $0xb8;
	[tilespmem:$0x1A880] =	vst v63  }
0x297: {  	_ =	swait.ge [sflag:s0], $0x4000  }
0x298: {  	[sflag:s0] =	ssyncset.done $0x0  }
0x299: {  	s17 =	rddreg [dreg:$0x1c];
	[sflag:s0] =	ssyncadd.s32 $0xFFFFC000  }
0x29a: {  	[tilespmem:s19], [sflag:$0x6] =	stream.linear.gather [hbm4b:s17+s26], $0x4000, $0x38;
	[tilespmem:$0x1A880] =	vst v63  }
0x29b: {  	s17 =	sld [smem:$0x7F4];
	_ =	sdelay $0x2  }
0x29c: {  	[tilespmem:s30], [sflag:$0x6] =	stream.linear.gather [hbm4b:s17+s26], $0x80, $0x38;
	[tilespmem:$0x1A880] =	vst v63  }
0x29d: {  	_ =	swait.ge [sflag:s11], $0x4000  }
0x29e: {  	[sflag:s11] =	ssyncset.done $0x0  }
0x29f: {  	[sflag:s11] =	ssyncadd.s32 $0xFFFFC000  }
0x2a0: {  	_ =	swait.ge [sflag:s11], $0x80  }
0x2a1: {  	[sflag:s11] =	ssyncset.done $0x0  }
0x2a2: {  	s17 =	simm.s32 $0x18000;
	[sflag:s11] =	ssyncadd.s32 $0xFFFFFF80  }
0x2a3: {  	[spmem:s23] =	stream.indirect.scatter.add.f32 [tilespmem:s26], [sflag:$0x8], $0x80, s17, s12, $0xb8;
	[tilespmem:$0x1A880] =	vst v63  }
0x2a4: {  	_ =	swait.ge [sflag:s1], $0x4000  }
0x2a5: {  	[sflag:s1] =	ssyncset.done $0x0  }
0x2a6: {  	s2 =	rddreg [dreg:$0x1d];
	[sflag:s1] =	ssyncadd.s32 $0xFFFFC000  }
0x2a7: {  	[tilespmem:s15], [sflag:$0x7] =	stream.linear.gather [hbm4b:s2+s26], $0x4000, $0x38;
	[tilespmem:$0x1A880] =	vst v63  }
0x2a8: {  	s2 =	sld [smem:$0x7F5];
	_ =	sdelay $0x2  }
0x2a9: {  	[tilespmem:s10], [sflag:$0x7] =	stream.linear.gather [hbm4b:s2+s26], $0x80, $0x38;
	[tilespmem:$0x1A880] =	vst v63  }
0x2aa: {  	_ =	swait.ge [sflag:s16], $0x4000  }
0x2ab: {  	[sflag:s16] =	ssyncset.done $0x0  }
0x2ac: {  	[sflag:s16] =	ssyncadd.s32 $0xFFFFC000  }
0x2ad: {  	_ =	swait.ge [sflag:s16], $0x80  }
0x2ae: {  	[sflag:s16] =	ssyncset.done $0x0  }
0x2af: {  	s3 =	simm.s32 $0x4000;
	[sflag:s16] =	ssyncadd.s32 $0xFFFFFF80  }
0x2b0: {  	[spmem:s23] =	stream.indirect.scatter.add.f32 [tilespmem:s3], [sflag:$0x9], $0x80, s14, s12, $0xb8;
	[tilespmem:$0x1A880] =	vst v63  }
0x2b1: {  	_ =	swait.ge [sflag:s21], $0x4000  }
0x2b2: {  	[sflag:s21] =	ssyncset.done $0x0;
	s3 =	rddreg [dreg:$0x1e]  }
0x2b3: {  	s14 =	sld [smem:$0x7F6];
	[sflag:s21] =	ssyncadd.s32 $0xFFFFC000  }
0x2b4: {  	[tilespmem:s26], [sflag:$0x2] =	stream.linear.gather [hbm4b:s3+s26], $0x4000, $0x38;
	[tilespmem:$0x1A880] =	vst v63  }
0x2b5: {  	_ = 	snop  }
0x2b6: {  	[tilespmem:s17], [sflag:$0x2] =	stream.linear.gather [hbm4b:s14+s26], $0x80, $0x38;
	[tilespmem:$0x1A880] =	vst v63  }
0x2b7: {  	_ =	swait.ge [sflag:s18], $0x4000  }
0x2b8: {  	[sflag:s18] =	ssyncset.done $0x0  }
0x2b9: {  	[sflag:s18] =	ssyncadd.s32 $0xFFFFC000  }
0x2ba: {  	_ =	swait.ge [sflag:s18], $0x80  }
0x2bb: {  	[sflag:s18] =	ssyncset.done $0x0  }
0x2bc: {  	[sflag:s18] =	ssyncadd.s32 $0xFFFFFF80  }
0x2bd: {  	[spmem:s23] =	stream.indirect.scatter.add.f32 [tilespmem:s31], [sflag:$0xA], $0x80, s9, s12, $0xb8;
	[tilespmem:$0x1A880] =	vst v63  }
0x2be: {  	_ =	swait.ge [sflag:s22], $0x4000  }
0x2bf: {  	[sflag:s22] =	ssyncset.done $0x0  }
0x2c0: {  	[sflag:s22] =	ssyncadd.s32 $0xFFFFC000  }
0x2c1: {  	_ =	swait.ge [sflag:s20], $0x4000  }
0x2c2: {  	[sflag:s20] =	ssyncset.done $0x0  }
0x2c3: {  	[sflag:s20] =	ssyncadd.s32 $0xFFFFC000  }
0x2c4: {  	_ =	swait.ge [sflag:s20], $0x80  }
0x2c5: {  	[sflag:s20] =	ssyncset.done $0x0  }
0x2c6: {  	[sflag:s20] =	ssyncadd.s32 $0xFFFFFF80  }
0x2c7: {  	[spmem:s23] =	stream.indirect.scatter.add.f32 [tilespmem:s5], [sflag:$0xB], $0x80, s4, s12, $0xb8;
	[tilespmem:$0x1A880] =	vst v63  }
0x2c8: {  	_ =	swait.ge [sflag:s25], $0x4000  }
0x2c9: {  	[sflag:s25] =	ssyncset.done $0x0  }
0x2ca: {  	[sflag:s25] =	ssyncadd.s32 $0xFFFFC000  }
0x2cb: {  	_ =	swait.ge [sflag:s24], $0x4000  }
0x2cc: {  	[sflag:s24] =	ssyncset.done $0x0  }
0x2cd: {  	[sflag:s24] =	ssyncadd.s32 $0xFFFFC000  }
0x2ce: {  	_ =	swait.ge [sflag:s24], $0x80  }
0x2cf: {  	[sflag:s24] =	ssyncset.done $0x0  }
0x2d0: {  	s19 =	simm.s32 $0x10000;
	s30 =	simm.s32 $0x18200;
	[sflag:s24] =	ssyncadd.s32 $0xFFFFFF80  }
0x2d1: {  	[spmem:s23] =	stream.indirect.scatter.add.f32 [tilespmem:s19], [sflag:$0xC], $0x80, s30, s12, $0xb8;
	[tilespmem:$0x1A880] =	vst v63  }
0x2d2: {  	_ =	swait.ge [sflag:s29], $0x4000  }
0x2d3: {  	[sflag:s29] =	ssyncset.done $0x0  }
0x2d4: {  	[sflag:s29] =	ssyncadd.s32 $0xFFFFC000  }
0x2d5: {  	_ =	swait.ge [sflag:s28], $0x4000  }
0x2d6: {  	[sflag:s28] =	ssyncset.done $0x0  }
0x2d7: {  	[sflag:s28] =	ssyncadd.s32 $0xFFFFC000  }
0x2d8: {  	_ =	swait.ge [sflag:s28], $0x80  }
0x2d9: {  	[sflag:s28] =	ssyncset.done $0x0  }
0x2da: {  	s15 =	simm.s32 $0x14000;
	s10 =	simm.s32 $0x18280;
	[sflag:s28] =	ssyncadd.s32 $0xFFFFFF80  }
0x2db: {  	[spmem:s23] =	stream.indirect.scatter.add.f32 [tilespmem:s15], [sflag:$0xD], $0x80, s10, s12, $0xb8;
	[tilespmem:$0x1A880] =	vst v63  }
0x2dc: {  	_ =	swait.ge [sflag:s0], $0x4000  }
0x2dd: {  	[sflag:s0] =	ssyncset.done $0x0  }
0x2de: {  	[sflag:s0] =	ssyncadd.s32 $0xFFFFC000  }
0x2df: {  	_ =	swait.ge [sflag:s11], $0x4000  }
0x2e0: {  	[sflag:s11] =	ssyncset.done $0x0  }
0x2e1: {  	[sflag:s11] =	ssyncadd.s32 $0xFFFFC000  }
0x2e2: {  	_ =	swait.ge [sflag:s11], $0x80  }
0x2e3: {  	[sflag:s11] =	ssyncset.done $0x0  }
0x2e4: {  	v12 =	vadd.s32 $0x1, v12;
	v61 =	vadd.s32 $0x1, v13;
	s3 =	simm.s32 $0x18000;
	[sflag:s11] =	ssyncadd.s32 $0xFFFFFF80  }
0x2e5: {  	v62 =	vadd.s32 $0x1, v15;
	v63 =	vadd.s32 $0x1, v14;
	vm12 =	vlt.s32 v57, v0;
	[spmem:s23] =	stream.indirect.scatter.add.f32 [tilespmem:s26], [sflag:$0x8], $0x80, s3, s12, $0xb8;
	[tilespmem:$0x1A880] =	vst v63  }
0x2e6: {  	vm13 =	vlt.s32 v58, v2;
	vm14 =	vlt.s32 v59, v1;
	vm15 =	vlt.s32 v60, v3;
	_ =	swait.ge [sflag:s1], $0x4000  }
0x2e7: {  	v11 =	vsel vm12, v12, v11;
	v8 =	vsel vm13, v61, v8;
	v9 =	vsel vm14, v62, v9;
	[sflag:s1] =	ssyncset.done $0x0  }
0x2e8: {  	v10 =	vsel vm15, v63, v50;
	v11 =	vmin.u32 v11, $0x186A0;
	v8 =	vmin.u32 v8, $0x186A0;
	[sflag:s1] =	ssyncadd.s32 $0xFFFFC000  }
0x2e9: {  	v9 =	vmin.u32 v9, $0x186A0;
	v10 =	vmin.u32 v10, $0x186A0;
	v8 =	vsub.s32 v8, v11;
	_ =	swait.ge [sflag:s21], $0x4000  }
0x2ea: {  	v9 =	vsub.s32 v10, v9;
	v8 =	vcvt.s32.f32 v8;
	[sflag:s21] =	ssyncset.done $0x0  }
0x2eb: {  	v9 =	vcvt.s32.f32 v9;
	s5 =	sld [smem:$0x7F7];
	[sflag:s21] =	ssyncadd.s32 $0xFFFFC000  }
0x2ec: {  	[tilespmem:$0x18400] =	vst v8  }
0x2ed: {  	s9 =	simm.s32 $0x18400;
	s10 =	simm.s32 $0xE;
	[tilespmem:$0x18410] =	vst v9  }
0x2ee: {  	[hbm4b:s5+s26] =	stream.linear.scatter [tilespmem:s9], [sflag:$0xE], $0x20, $0x38;
	[tilespmem:$0x1A880] =	vst v63  }
0x2ef: {  	_ =	swait.ge [sflag:s10], $0x20  }
0x2f0: {  	[sflag:s10] =	ssyncset.done $0x0  }
0x2f1: {  	[sflag:s10] =	ssyncadd.s32 $0xFFFFFFE0  }
0x2f2: {  	[bflag:$0x0] =	sbarrier.arrive $0xFFFF  }
0x2f3: {  	s15 =	sld [smem:$0x7FA]  }
0x2f4: {  	s14 =	stileid.u32;
	s17 =	sld [smem:$0x7FD]  }
0x2f5: {  	s2 =	sshll.u32 s14, $0x6  }
0x2f6: {  	s2 =	sor.u32 $0x1C0E, s2  }
0x2f7: {  	[hbm:s15], [sflag:s2] =	dma.local [spmem:s17], $0x400  }
0x2f8: {  	_ =	swait.ge [sflag:s10], $0x400  }
0x2f9: {  	s19 =	sld [smem:$0x7DE]  }
0x2fa: {  	s31 =	sld [smem:$0x7FC];
	_ =	sdelay $0x1  }
0x2fb: {  	s0 =	sadd.s32 $0x1, s19  }
0x2fc: {  	p0 =	sne.s32 s0, s31  }
.Ltmp1:
0x2fd: {  	_ = 	snop;
	(pc) =	sbr.rel @p0 .LBB2_1-.Ltmp1, $3  }
0x2fe: {  	_ =	sdelay $0x1  }
0x2ff: {  	s30 =	simm.s32 $0xE;
	[sflag:s10] =	ssyncset.done $0x0  }
0x300: {  	[sflag:s30] =	ssyncadd.s32 $0xFFFFFC00  }
0x301: {  	_ =	sfence.sel $0x180000  }
0x302: {  	[bflag:$0x0] =	sbarrier.arrive $0xFFFF  }
0x303: {  	_ =	strace $0x90000047  }
0x304: {  	s0 =	stileid.u32;
	[bflag:$0x2] =	sbarrier.arrive $0xFFFF  }
0x305: {  	p0 =	sne.s32 s0, $0x0;
	s0 =	rddreg [dreg:$0x5]  }
0x306: {  	s0 =	sadd.s32 @!p0 $0x100000, s0  }
0x307: {  	[sflag:s0] =	ssyncadd.tile.s32 @!p0 $0x1;
	_ =	shalt  }
.Lfunc_end2:
_tile_overlayer_lowered:
.L_overlay_start_2:
0x308: {  	(tag) =	ssettag $0x2  }
0x309: {  	s0 =	rddreg [dreg:$0x0];
	s2 =	stileid.u32  }
0x30a: {  	s1 =	rddreg [dreg:$0x1];
	p0 =	sne.s32 s2, $0x0  }
0x30b: {  	s3 =	rddreg [dreg:$0x2];
	[bflag:$0x3] =	sbarrier.arrive $0xFFFF;
	s2 =	simm.s32 @!p0 $0x1C0E  }
0x30c: {  	[timem:s3], [sflag:s2] =	dma.local @!p0 [hbm:s0], s1  }
0x30d: {  	s0 =	simm.s32 @!p0 $0xE  }
0x30e: {  	_ =	swait.ge @!p0 [sflag:s0], s1  }
0x30f: {  	s1 =	ssub.s32 @!p0 $0x0, s1;
	[sflag:s0] =	ssyncset.done @!p0 $0x0  }
0x310: {  	[sflag:s0] =	ssyncadd.s32 @!p0 s1  }
0x311: {  	[bflag:$0x3] =	sbarrier.arrive $0xFFFF  }
0x312: {  	_ =	shalt  }

</sc_bundles>
